<compile_context>
chip_gen: v7x
topology: tpu7x:2x2x1
jax: 0.10.2.dev20260603
libtpu: 0.0.44.dev20260713+nightly
codegen_flags: <defaults>
</compile_context>

<pallas_src>
import jax
import jax.numpy as jnp
from jax import lax
from jax.experimental import pallas as pl
from jax.experimental.pallas import tpu as pltpu
from jax.experimental.pallas import tpu_sc as plsc

B = 16384
NUM = 13
NCAT = 26
VOCAB = 100000
EDIM = 16
HID = 16
NOUT = 1

VP = 100352
NW = 32
ROWS_PER_W = B // NW
CHUNK = 128
CHUNKS = ROWS_PER_W // CHUNK


def _tc_prep_body(numt_ref, w1_ref, b1_ref, w2_ref, b2_ref, base_ref, wtab_ref):
    w = jnp.dot(w1_ref[...], w2_ref[...], preferred_element_type=jnp.float32)
    c = jnp.dot(b1_ref[...], w2_ref[...], preferred_element_type=jnp.float32) + b2_ref[...]
    wn = w[:NUM, 0].reshape(1, NUM)
    base = jnp.dot(wn, numt_ref[...], preferred_element_type=jnp.float32) + c
    base_ref[...] = base[0, :]
    wtab_ref[...] = w[NUM:, 0].reshape(NCAT, EDIM)


def _tc_prep(numt, W1, b1, W2, b2):
    return pl.pallas_call(
        _tc_prep_body,
        out_shape=[
            jax.ShapeDtypeStruct((B,), jnp.float32),
            jax.ShapeDtypeStruct((NCAT, EDIM), jnp.float32),
        ],
    )(numt, W1, b1, W2, b2)


NH = NCAT // 2


def _make_tc_project_body(half):
    def body(t2_ref, wtab_ref, s_ref):
        j = pl.program_id(0) + half * NH
        mat = t2_ref[...].reshape(EDIM, VOCAB)
        w_row = wtab_ref[pl.ds(j, 1), :]
        vals = jnp.dot(w_row, mat, preferred_element_type=jnp.float32)
        pad = jnp.zeros((1, VP - VOCAB), jnp.float32)
        s_ref[...] = jnp.concatenate([vals, pad], axis=1).reshape(VP)

    return body


def _tc_project(t2, wtab, half):
    return pl.pallas_call(
        _make_tc_project_body(half),
        grid=(NH,),
        in_specs=[
            pl.BlockSpec((1, EDIM, VOCAB), lambda j: (j + half * NH, 0, 0)),
            pl.BlockSpec((NCAT, EDIM), lambda j: (0, 0)),
        ],
        out_specs=pl.BlockSpec((VP,), lambda j: (j,)),
        out_shape=jax.ShapeDtypeStruct((NH * VP,), jnp.float32),
    )(t2, wtab)


def _tree_sum(terms):
    ts = list(terms)
    while len(ts) > 1:
        nxt = [ts[i] + ts[i + 1] for i in range(0, len(ts) - 1, 2)]
        if len(ts) % 2:
            nxt.append(ts[-1])
        ts = nxt
    return ts[0]


def _make_sc_body(half):
    def body(s_ref, idx_ref, base_ref, out_ref, idx_v, idx_h, sbuf, bbuf, obuf, gsem):
        wid = lax.axis_index("s") * 2 + lax.axis_index("c")
        row0 = wid * ROWS_PER_W

        pltpu.sync_copy(idx_ref.at[:, pl.ds(row0, ROWS_PER_W)], idx_v)
        pltpu.sync_copy(base_ref.at[pl.ds(row0, ROWS_PER_W)], bbuf)

        def add_body(k, _):
            off = k * 16
            for j in range(NH):
                idx_h[j, pl.ds(off, 16)] = (
                    idx_v[half * NH + j, pl.ds(off, 16)] + j * VP
                )
            return 0

        lax.fori_loop(0, ROWS_PER_W // 16, add_body, 0)

        cps = [
            pltpu.async_copy(
                s_ref.at[idx_h.at[j, pl.ds(c * CHUNK, CHUNK)]],
                sbuf.at[j, pl.ds(c * CHUNK, CHUNK)],
                gsem,
            )
            for j in range(NH)
            for c in range(CHUNKS)
        ]
        for cp in cps:
            cp.wait()

        def blk_body(k, _):
            off = k * 16
            res = _tree_sum([sbuf[j, pl.ds(off, 16)] for j in range(NH)])
            obuf[pl.ds(off, 16)] = res + bbuf[pl.ds(off, 16)]
            return 0

        lax.fori_loop(0, ROWS_PER_W // 16, blk_body, 0)
        pltpu.sync_copy(obuf, out_ref.at[pl.ds(row0, ROWS_PER_W)])

    return body


def _sc_gather(s1, idxT, base, half):
    mesh = plsc.VectorSubcoreMesh(core_axis_name="c", subcore_axis_name="s")
    kfn = pl.kernel(
        _make_sc_body(half),
        out_type=jax.ShapeDtypeStruct((B,), jnp.float32),
        mesh=mesh,
        compiler_params=pltpu.CompilerParams(use_tc_tiling_on_sc=False),
        scratch_types=[
            pltpu.VMEM((NCAT, ROWS_PER_W), jnp.int32),
            pltpu.VMEM((NH, ROWS_PER_W), jnp.int32),
            pltpu.VMEM((NH, ROWS_PER_W), jnp.float32),
            pltpu.VMEM((ROWS_PER_W,), jnp.float32),
            pltpu.VMEM((ROWS_PER_W,), jnp.float32),
            pltpu.SemaphoreType.DMA,
        ],
    )
    return kfn(s1, idxT, base)


@jax.jit
def kernel(numerical, cat_indices, emb_tables, W1, b1, W2, b2):
    base, wtab = _tc_prep(
        jnp.transpose(numerical), W1, b1.reshape(1, HID), W2, b2.reshape(1, NOUT)
    )
    t2 = jnp.transpose(emb_tables, (0, 2, 1))
    idxT = jnp.transpose(cat_indices.astype(jnp.int32))
    s_a = _tc_project(t2, wtab, 0)
    s_b = _tc_project(t2, wtab, 1)
    part = _sc_gather(s_a, idxT, base, 0)
    out = _sc_gather(s_b, idxT, part, 1)
    return out.reshape(B, NOUT)

# --- scband reference (transcript-rebuilt; emitter-appended) ---
"""Pipeline reference for scband-clinical-net-77575699300570 (READ-ONLY COPY).

The authoritative reference and input builder live on the scoring server;
editing this copy changes nothing except your own understanding.
"""

import jax, jax.numpy as jnp
import numpy as np

B = 16384
NUM = 13
NCAT = 26
VOCAB = 100000
EDIM = 16
HID = 16
NOUT = 1
IN_DIM = NUM + NCAT * EDIM  # 13 + 26*16 = 429


def setup_inputs(seed: int = 0) -> dict:
    key = jax.random.key(seed)
    ks = jax.random.split(key, 6)
    numerical = jax.random.normal(ks[0], (B, NUM), dtype=jnp.float32)
    cat_indices = jax.random.randint(ks[1], (B, NCAT), 0, VOCAB)
    # 26 embedding tables stacked into one array [NCAT, VOCAB, EDIM]
    emb_tables = jax.random.normal(ks[2], (NCAT, VOCAB, EDIM), dtype=jnp.float32) * 0.02
    W1 = jax.random.normal(ks[3], (IN_DIM, HID), dtype=jnp.float32) * (1.0 / np.sqrt(IN_DIM))
    b1 = jnp.zeros((HID,), dtype=jnp.float32)
    W2 = jax.random.normal(ks[4], (HID, NOUT), dtype=jnp.float32) * (1.0 / np.sqrt(HID))
    b2 = jnp.zeros((NOUT,), dtype=jnp.float32)
    return {
        "numerical": numerical,
        "cat_indices": cat_indices,
        "emb_tables": emb_tables,
        "W1": W1,
        "b1": b1,
        "W2": W2,
        "b2": b2,
    }


def reference(numerical, cat_indices, emb_tables, W1, b1, W2, b2):
    # per-column embedding lookup (one table per categorical column)
    embs = [jnp.take(emb_tables[j], cat_indices[:, j], axis=0) for j in range(NCAT)]
    # concat numerical features with all embedding outputs along feature dim
    concat_input = jnp.concatenate([numerical] + embs, axis=1)
    # self.net = Sequential(Linear(429, 16), Linear(16, 1))
    h = concat_input @ W1 + b1
    out = h @ W2 + b2
    return out

if __name__ == "__main__":
    import jax
    _d = setup_inputs()
    print(jax.jit(kernel)(*tuple(_d.values())))

</pallas_src>

<mosaic_0001>
#map = affine_map<(d0, d1) -> (0)>
#map1 = affine_map<(d0, d1) -> (0, 0)>
module attributes {stable_mosaic.version = 14 : i64} {
  func.func @body(%arg0: i32, %arg1: i32, %arg2: memref<1304576xf32, #tpu.memory_space<hbm>>, %arg3: memref<26x16384xi32, #tpu.memory_space<hbm>>, %arg4: memref<16384xf32, #tpu.memory_space<hbm>>, %arg5: memref<16384xf32, #tpu.memory_space<hbm>>, %arg6: memref<26x512xi32, #tpu.memory_space<vmem>>, %arg7: memref<13x512xi32, #tpu.memory_space<vmem>>, %arg8: memref<13x512xf32, #tpu.memory_space<vmem>>, %arg9: memref<512xf32, #tpu.memory_space<vmem>>, %arg10: memref<512xf32, #tpu.memory_space<vmem>>, %arg11: memref<!tpu.dma_semaphore, #tpu.memory_space<semaphore_mem>>) attributes {dimension_semantics = [#tpu.dimension_semantics<core_parallel>, #tpu.dimension_semantics<subcore_parallel>], iteration_bounds = array<i64: 2, 16>, scalar_prefetch = 0 : i64, scratch_operands = 6 : i64, tpu.core_type = #tpu.core_type<sc_vector_subcore>, window_params = [{transform_indices = #map}, {transform_indices = #map1}, {transform_indices = #map}, {transform_indices = #map}]} {
    %mul3A = arith.constant 2 : i32
    %mul3A_0 = arith.muli %arg1, %mul3A : i32
    %add3A = arith.addi %mul3A_0, %arg0 : i32
    %mul3A_1 = arith.constant 512 : i32
    %mul3A_2 = arith.muli %add3A, %mul3A_1 : i32
    "tpu.region"() ({
      %run_scoped3A = tpu.sem_alloc : memref<!tpu.dma_semaphore, #tpu.memory_space<semaphore_mem>>
      %dma_start3A_1054 = arith.constant 0 : i32
      %dma_start3A_1055 = tpu.memref_slice %arg3[%dma_start3A_1054, %mul3A_2] : memref<26x16384xi32, #tpu.memory_space<hbm>> -> memref<26x512xi32, #tpu.memory_space<hbm>>
      %dma_start3A_1056 = arith.constant 0 : i32
      %dma_start3A_1057 = tpu.memref_slice %arg3[%dma_start3A_1056, %mul3A_2] : memref<26x16384xi32, #tpu.memory_space<hbm>> -> memref<26x512xi32, #tpu.memory_space<hbm>>
      tpu.enqueue_dma source(%dma_start3A_1057 : memref<26x512xi32, #tpu.memory_space<hbm>>) target(%arg6 : memref<26x512xi32, #tpu.memory_space<vmem>>) target_semaphore(%run_scoped3A : memref<!tpu.dma_semaphore, #tpu.memory_space<semaphore_mem>>)
      %dma_wait3A_1058 = arith.constant 0 : i32
      %dma_wait3A_1059 = tpu.memref_slice %arg3[%dma_wait3A_1058, %mul3A_2] : memref<26x16384xi32, #tpu.memory_space<hbm>> -> memref<26x512xi32, #tpu.memory_space<hbm>>
      %dma_wait3A_1060 = arith.constant 0 : i32
      %dma_wait3A_1061 = tpu.memref_slice %arg3[%dma_wait3A_1060, %mul3A_2] : memref<26x16384xi32, #tpu.memory_space<hbm>> -> memref<26x512xi32, #tpu.memory_space<hbm>>
      tpu.wait_dma2 semaphore(%run_scoped3A : memref<!tpu.dma_semaphore, #tpu.memory_space<semaphore_mem>>) src(%dma_wait3A_1061 : memref<26x512xi32, #tpu.memory_space<hbm>>) dst(%arg6 : memref<26x512xi32, #tpu.memory_space<vmem>>)
      tpu.yield
    }) : () -> ()
    "tpu.region"() ({
      %run_scoped3A = tpu.sem_alloc : memref<!tpu.dma_semaphore, #tpu.memory_space<semaphore_mem>>
      %dma_start3A_1054 = tpu.memref_slice %arg4[%mul3A_2] : memref<16384xf32, #tpu.memory_space<hbm>> -> memref<512xf32, #tpu.memory_space<hbm>>
      %dma_start3A_1055 = tpu.memref_slice %arg4[%mul3A_2] : memref<16384xf32, #tpu.memory_space<hbm>> -> memref<512xf32, #tpu.memory_space<hbm>>
      tpu.enqueue_dma source(%dma_start3A_1055 : memref<512xf32, #tpu.memory_space<hbm>>) target(%arg9 : memref<512xf32, #tpu.memory_space<vmem>>) target_semaphore(%run_scoped3A : memref<!tpu.dma_semaphore, #tpu.memory_space<semaphore_mem>>)
      %dma_wait3A_1056 = tpu.memref_slice %arg4[%mul3A_2] : memref<16384xf32, #tpu.memory_space<hbm>> -> memref<512xf32, #tpu.memory_space<hbm>>
      %dma_wait3A_1057 = tpu.memref_slice %arg4[%mul3A_2] : memref<16384xf32, #tpu.memory_space<hbm>> -> memref<512xf32, #tpu.memory_space<hbm>>
      tpu.wait_dma2 semaphore(%run_scoped3A : memref<!tpu.dma_semaphore, #tpu.memory_space<semaphore_mem>>) src(%dma_wait3A_1057 : memref<512xf32, #tpu.memory_space<hbm>>) dst(%arg9 : memref<512xf32, #tpu.memory_space<vmem>>)
      tpu.yield
    }) : () -> ()
    %scan3A = arith.constant 0 : i32
    %scan3A_3 = arith.constant 0 : i32
    %scan3A_4 = arith.constant 32 : i32
    %scan3A_5 = arith.addi %scan3A_3, %scan3A_4 : i32
    %scan3A_6 = arith.constant 1 : i32
    %scan3A_7 = scf.for %scan3A_1054 = %scan3A_3 to %scan3A_5 step %scan3A_6 iter_args(%scan3A_1055 = %scan3A) -> (i32)  : i32 {
      %mul3A_1056 = arith.constant 16 : i32
      %mul3A_1057 = arith.muli %scan3A_1054, %mul3A_1056 : i32
      %get3A = arith.constant 13 : i32
      %get3A_1058 = arith.index_cast %get3A : i32 to index
      %get3A_1059 = arith.index_cast %mul3A_1057 : i32 to index
      %get3A_1060 = tpu.vector_load %arg6[%get3A_1058, %get3A_1059] {strides = array<i32>} : memref<26x512xi32, #tpu.memory_space<vmem>>, vector<1x16xi32>,
      %get3A_1061 = vector.shape_cast %get3A_1060 : vector<1x16xi32> to vector<16xi32>
      %add3A_1062 = arith.constant 0 : i32
      %add3A_1063 = vector.broadcast %add3A_1062 : i32 to vector<16xi32>
      %add3A_1064 = arith.addi %get3A_1061, %add3A_1063 : vector<16xi32>
      %swap3A = arith.constant 0 : i32
      %swap3A_1065 = arith.index_cast %swap3A : i32 to index
      %swap3A_1066 = arith.index_cast %mul3A_1057 : i32 to index
      %swap3A_1067 = tpu.vector_load %arg7[%swap3A_1065, %swap3A_1066] {strides = array<i32>} : memref<13x512xi32, #tpu.memory_space<vmem>>, vector<1x16xi32>,
      %swap3A_1068 = vector.shape_cast %swap3A_1067 : vector<1x16xi32> to vector<16xi32>
      %swap3A_1069 = vector.shape_cast %add3A_1064 : vector<16xi32> to vector<1x16xi32>
      tpu.vector_store %arg7[%swap3A_1065, %swap3A_1066], %swap3A_1069 {strides = array<i32>} : memref<13x512xi32, #tpu.memory_space<vmem>>, vector<1x16xi32>,
      %get3A_1070 = arith.constant 14 : i32
      %get3A_1071 = arith.index_cast %get3A_1070 : i32 to index
      %get3A_1072 = arith.index_cast %mul3A_1057 : i32 to index
      %get3A_1073 = tpu.vector_load %arg6[%get3A_1071, %get3A_1072] {strides = array<i32>} : memref<26x512xi32, #tpu.memory_space<vmem>>, vector<1x16xi32>,
      %get3A_1074 = vector.shape_cast %get3A_1073 : vector<1x16xi32> to vector<16xi32>
      %add3A_1075 = arith.constant 100352 : i32
      %add3A_1076 = vector.broadcast %add3A_1075 : i32 to vector<16xi32>
      %add3A_1077 = arith.addi %get3A_1074, %add3A_1076 : vector<16xi32>
      %swap3A_1078 = arith.constant 1 : i32
      %swap3A_1079 = arith.index_cast %swap3A_1078 : i32 to index
      %swap3A_1080 = arith.index_cast %mul3A_1057 : i32 to index
      %swap3A_1081 = tpu.vector_load %arg7[%swap3A_1079, %swap3A_1080] {strides = array<i32>} : memref<13x512xi32, #tpu.memory_space<vmem>>, vector<1x16xi32>,
      %swap3A_1082 = vector.shape_cast %swap3A_1081 : vector<1x16xi32> to vector<16xi32>
      %swap3A_1083 = vector.shape_cast %add3A_1077 : vector<16xi32> to vector<1x16xi32>
      tpu.vector_store %arg7[%swap3A_1079, %swap3A_1080], %swap3A_1083 {strides = array<i32>} : memref<13x512xi32, #tpu.memory_space<vmem>>, vector<1x16xi32>,
      %get3A_1084 = arith.constant 15 : i32
      %get3A_1085 = arith.index_cast %get3A_1084 : i32 to index
      %get3A_1086 = arith.index_cast %mul3A_1057 : i32 to index
      %get3A_1087 = tpu.vector_load %arg6[%get3A_1085, %get3A_1086] {strides = array<i32>} : memref<26x512xi32, #tpu.memory_space<vmem>>, vector<1x16xi32>,
      %get3A_1088 = vector.shape_cast %get3A_1087 : vector<1x16xi32> to vector<16xi32>
      %add3A_1089 = arith.constant 200704 : i32
      %add3A_1090 = vector.broadcast %add3A_1089 : i32 to vector<16xi32>
      %add3A_1091 = arith.addi %get3A_1088, %add3A_1090 : vector<16xi32>
      %swap3A_1092 = arith.constant 2 : i32
      %swap3A_1093 = arith.index_cast %swap3A_1092 : i32 to index
      %swap3A_1094 = arith.index_cast %mul3A_1057 : i32 to index
      %swap3A_1095 = tpu.vector_load %arg7[%swap3A_1093, %swap3A_1094] {strides = array<i32>} : memref<13x512xi32, #tpu.memory_space<vmem>>, vector<1x16xi32>,
      %swap3A_1096 = vector.shape_cast %swap3A_1095 : vector<1x16xi32> to vector<16xi32>
      %swap3A_1097 = vector.shape_cast %add3A_1091 : vector<16xi32> to vector<1x16xi32>
      tpu.vector_store %arg7[%swap3A_1093, %swap3A_1094], %swap3A_1097 {strides = array<i32>} : memref<13x512xi32, #tpu.memory_space<vmem>>, vector<1x16xi32>,
      %get3A_1098 = arith.constant 16 : i32
      %get3A_1099 = arith.index_cast %get3A_1098 : i32 to index
      %get3A_1100 = arith.index_cast %mul3A_1057 : i32 to index
      %get3A_1101 = tpu.vector_load %arg6[%get3A_1099, %get3A_1100] {strides = array<i32>} : memref<26x512xi32, #tpu.memory_space<vmem>>, vector<1x16xi32>,
      %get3A_1102 = vector.shape_cast %get3A_1101 : vector<1x16xi32> to vector<16xi32>
      %add3A_1103 = arith.constant 301056 : i32
      %add3A_1104 = vector.broadcast %add3A_1103 : i32 to vector<16xi32>
      %add3A_1105 = arith.addi %get3A_1102, %add3A_1104 : vector<16xi32>
      %swap3A_1106 = arith.constant 3 : i32
      %swap3A_1107 = arith.index_cast %swap3A_1106 : i32 to index
      %swap3A_1108 = arith.index_cast %mul3A_1057 : i32 to index
      %swap3A_1109 = tpu.vector_load %arg7[%swap3A_1107, %swap3A_1108] {strides = array<i32>} : memref<13x512xi32, #tpu.memory_space<vmem>>, vector<1x16xi32>,
      %swap3A_1110 = vector.shape_cast %swap3A_1109 : vector<1x16xi32> to vector<16xi32>
      %swap3A_1111 = vector.shape_cast %add3A_1105 : vector<16xi32> to vector<1x16xi32>
      tpu.vector_store %arg7[%swap3A_1107, %swap3A_1108], %swap3A_1111 {strides = array<i32>} : memref<13x512xi32, #tpu.memory_space<vmem>>, vector<1x16xi32>,
      %get3A_1112 = arith.constant 17 : i32
      %get3A_1113 = arith.index_cast %get3A_1112 : i32 to index
      %get3A_1114 = arith.index_cast %mul3A_1057 : i32 to index
      %get3A_1115 = tpu.vector_load %arg6[%get3A_1113, %get3A_1114] {strides = array<i32>} : memref<26x512xi32, #tpu.memory_space<vmem>>, vector<1x16xi32>,
      %get3A_1116 = vector.shape_cast %get3A_1115 : vector<1x16xi32> to vector<16xi32>
      %add3A_1117 = arith.constant 401408 : i32
      %add3A_1118 = vector.broadcast %add3A_1117 : i32 to vector<16xi32>
      %add3A_1119 = arith.addi %get3A_1116, %add3A_1118 : vector<16xi32>
      %swap3A_1120 = arith.constant 4 : i32
      %swap3A_1121 = arith.index_cast %swap3A_1120 : i32 to index
      %swap3A_1122 = arith.index_cast %mul3A_1057 : i32 to index
      %swap3A_1123 = tpu.vector_load %arg7[%swap3A_1121, %swap3A_1122] {strides = array<i32>} : memref<13x512xi32, #tpu.memory_space<vmem>>, vector<1x16xi32>,
      %swap3A_1124 = vector.shape_cast %swap3A_1123 : vector<1x16xi32> to vector<16xi32>
      %swap3A_1125 = vector.shape_cast %add3A_1119 : vector<16xi32> to vector<1x16xi32>
      tpu.vector_store %arg7[%swap3A_1121, %swap3A_1122], %swap3A_1125 {strides = array<i32>} : memref<13x512xi32, #tpu.memory_space<vmem>>, vector<1x16xi32>,
      %get3A_1126 = arith.constant 18 : i32
      %get3A_1127 = arith.index_cast %get3A_1126 : i32 to index
      %get3A_1128 = arith.index_cast %mul3A_1057 : i32 to index
      %get3A_1129 = tpu.vector_load %arg6[%get3A_1127, %get3A_1128] {strides = array<i32>} : memref<26x512xi32, #tpu.memory_space<vmem>>, vector<1x16xi32>,
      %get3A_1130 = vector.shape_cast %get3A_1129 : vector<1x16xi32> to vector<16xi32>
      %add3A_1131 = arith.constant 501760 : i32
      %add3A_1132 = vector.broadcast %add3A_1131 : i32 to vector<16xi32>
      %add3A_1133 = arith.addi %get3A_1130, %add3A_1132 : vector<16xi32>
      %swap3A_1134 = arith.constant 5 : i32
      %swap3A_1135 = arith.index_cast %swap3A_1134 : i32 to index
      %swap3A_1136 = arith.index_cast %mul3A_1057 : i32 to index
      %swap3A_1137 = tpu.vector_load %arg7[%swap3A_1135, %swap3A_1136] {strides = array<i32>} : memref<13x512xi32, #tpu.memory_space<vmem>>, vector<1x16xi32>,
      %swap3A_1138 = vector.shape_cast %swap3A_1137 : vector<1x16xi32> to vector<16xi32>
      %swap3A_1139 = vector.shape_cast %add3A_1133 : vector<16xi32> to vector<1x16xi32>
      tpu.vector_store %arg7[%swap3A_1135, %swap3A_1136], %swap3A_1139 {strides = array<i32>} : memref<13x512xi32, #tpu.memory_space<vmem>>, vector<1x16xi32>,
      %get3A_1140 = arith.constant 19 : i32
      %get3A_1141 = arith.index_cast %get3A_1140 : i32 to index
      %get3A_1142 = arith.index_cast %mul3A_1057 : i32 to index
      %get3A_1143 = tpu.vector_load %arg6[%get3A_1141, %get3A_1142] {strides = array<i32>} : memref<26x512xi32, #tpu.memory_space<vmem>>, vector<1x16xi32>,
      %get3A_1144 = vector.shape_cast %get3A_1143 : vector<1x16xi32> to vector<16xi32>
      %add3A_1145 = arith.constant 602112 : i32
      %add3A_1146 = vector.broadcast %add3A_1145 : i32 to vector<16xi32>
      %add3A_1147 = arith.addi %get3A_1144, %add3A_1146 : vector<16xi32>
      %swap3A_1148 = arith.constant 6 : i32
      %swap3A_1149 = arith.index_cast %swap3A_1148 : i32 to index
      %swap3A_1150 = arith.index_cast %mul3A_1057 : i32 to index
      %swap3A_1151 = tpu.vector_load %arg7[%swap3A_1149, %swap3A_1150] {strides = array<i32>} : memref<13x512xi32, #tpu.memory_space<vmem>>, vector<1x16xi32>,
      %swap3A_1152 = vector.shape_cast %swap3A_1151 : vector<1x16xi32> to vector<16xi32>
      %swap3A_1153 = vector.shape_cast %add3A_1147 : vector<16xi32> to vector<1x16xi32>
      tpu.vector_store %arg7[%swap3A_1149, %swap3A_1150], %swap3A_1153 {strides = array<i32>} : memref<13x512xi32, #tpu.memory_space<vmem>>, vector<1x16xi32>,
      %get3A_1154 = arith.constant 20 : i32
      %get3A_1155 = arith.index_cast %get3A_1154 : i32 to index
      %get3A_1156 = arith.index_cast %mul3A_1057 : i32 to index
      %get3A_1157 = tpu.vector_load %arg6[%get3A_1155, %get3A_1156] {strides = array<i32>} : memref<26x512xi32, #tpu.memory_space<vmem>>, vector<1x16xi32>,
      %get3A_1158 = vector.shape_cast %get3A_1157 : vector<1x16xi32> to vector<16xi32>
      %add3A_1159 = arith.constant 702464 : i32
      %add3A_1160 = vector.broadcast %add3A_1159 : i32 to vector<16xi32>
      %add3A_1161 = arith.addi %get3A_1158, %add3A_1160 : vector<16xi32>
      %swap3A_1162 = arith.constant 7 : i32
      %swap3A_1163 = arith.index_cast %swap3A_1162 : i32 to index
      %swap3A_1164 = arith.index_cast %mul3A_1057 : i32 to index
      %swap3A_1165 = tpu.vector_load %arg7[%swap3A_1163, %swap3A_1164] {strides = array<i32>} : memref<13x512xi32, #tpu.memory_space<vmem>>, vector<1x16xi32>,
      %swap3A_1166 = vector.shape_cast %swap3A_1165 : vector<1x16xi32> to vector<16xi32>
      %swap3A_1167 = vector.shape_cast %add3A_1161 : vector<16xi32> to vector<1x16xi32>
      tpu.vector_store %arg7[%swap3A_1163, %swap3A_1164], %swap3A_1167 {strides = array<i32>} : memref<13x512xi32, #tpu.memory_space<vmem>>, vector<1x16xi32>,
      %get3A_1168 = arith.constant 21 : i32
      %get3A_1169 = arith.index_cast %get3A_1168 : i32 to index
      %get3A_1170 = arith.index_cast %mul3A_1057 : i32 to index
      %get3A_1171 = tpu.vector_load %arg6[%get3A_1169, %get3A_1170] {strides = array<i32>} : memref<26x512xi32, #tpu.memory_space<vmem>>, vector<1x16xi32>,
      %get3A_1172 = vector.shape_cast %get3A_1171 : vector<1x16xi32> to vector<16xi32>
      %add3A_1173 = arith.constant 802816 : i32
      %add3A_1174 = vector.broadcast %add3A_1173 : i32 to vector<16xi32>
      %add3A_1175 = arith.addi %get3A_1172, %add3A_1174 : vector<16xi32>
      %swap3A_1176 = arith.constant 8 : i32
      %swap3A_1177 = arith.index_cast %swap3A_1176 : i32 to index
      %swap3A_1178 = arith.index_cast %mul3A_1057 : i32 to index
      %swap3A_1179 = tpu.vector_load %arg7[%swap3A_1177, %swap3A_1178] {strides = array<i32>} : memref<13x512xi32, #tpu.memory_space<vmem>>, vector<1x16xi32>,
      %swap3A_1180 = vector.shape_cast %swap3A_1179 : vector<1x16xi32> to vector<16xi32>
      %swap3A_1181 = vector.shape_cast %add3A_1175 : vector<16xi32> to vector<1x16xi32>
      tpu.vector_store %arg7[%swap3A_1177, %swap3A_1178], %swap3A_1181 {strides = array<i32>} : memref<13x512xi32, #tpu.memory_space<vmem>>, vector<1x16xi32>,
      %get3A_1182 = arith.constant 22 : i32
      %get3A_1183 = arith.index_cast %get3A_1182 : i32 to index
      %get3A_1184 = arith.index_cast %mul3A_1057 : i32 to index
      %get3A_1185 = tpu.vector_load %arg6[%get3A_1183, %get3A_1184] {strides = array<i32>} : memref<26x512xi32, #tpu.memory_space<vmem>>, vector<1x16xi32>,
      %get3A_1186 = vector.shape_cast %get3A_1185 : vector<1x16xi32> to vector<16xi32>
      %add3A_1187 = arith.constant 903168 : i32
      %add3A_1188 = vector.broadcast %add3A_1187 : i32 to vector<16xi32>
      %add3A_1189 = arith.addi %get3A_1186, %add3A_1188 : vector<16xi32>
      %swap3A_1190 = arith.constant 9 : i32
      %swap3A_1191 = arith.index_cast %swap3A_1190 : i32 to index
      %swap3A_1192 = arith.index_cast %mul3A_1057 : i32 to index
      %swap3A_1193 = tpu.vector_load %arg7[%swap3A_1191, %swap3A_1192] {strides = array<i32>} : memref<13x512xi32, #tpu.memory_space<vmem>>, vector<1x16xi32>,
      %swap3A_1194 = vector.shape_cast %swap3A_1193 : vector<1x16xi32> to vector<16xi32>
      %swap3A_1195 = vector.shape_cast %add3A_1189 : vector<16xi32> to vector<1x16xi32>
      tpu.vector_store %arg7[%swap3A_1191, %swap3A_1192], %swap3A_1195 {strides = array<i32>} : memref<13x512xi32, #tpu.memory_space<vmem>>, vector<1x16xi32>,
      %get3A_1196 = arith.constant 23 : i32
      %get3A_1197 = arith.index_cast %get3A_1196 : i32 to index
      %get3A_1198 = arith.index_cast %mul3A_1057 : i32 to index
      %get3A_1199 = tpu.vector_load %arg6[%get3A_1197, %get3A_1198] {strides = array<i32>} : memref<26x512xi32, #tpu.memory_space<vmem>>, vector<1x16xi32>,
      %get3A_1200 = vector.shape_cast %get3A_1199 : vector<1x16xi32> to vector<16xi32>
      %add3A_1201 = arith.constant 1003520 : i32
      %add3A_1202 = vector.broadcast %add3A_1201 : i32 to vector<16xi32>
      %add3A_1203 = arith.addi %get3A_1200, %add3A_1202 : vector<16xi32>
      %swap3A_1204 = arith.constant 10 : i32
      %swap3A_1205 = arith.index_cast %swap3A_1204 : i32 to index
      %swap3A_1206 = arith.index_cast %mul3A_1057 : i32 to index
      %swap3A_1207 = tpu.vector_load %arg7[%swap3A_1205, %swap3A_1206] {strides = array<i32>} : memref<13x512xi32, #tpu.memory_space<vmem>>, vector<1x16xi32>,
      %swap3A_1208 = vector.shape_cast %swap3A_1207 : vector<1x16xi32> to vector<16xi32>
      %swap3A_1209 = vector.shape_cast %add3A_1203 : vector<16xi32> to vector<1x16xi32>
      tpu.vector_store %arg7[%swap3A_1205, %swap3A_1206], %swap3A_1209 {strides = array<i32>} : memref<13x512xi32, #tpu.memory_space<vmem>>, vector<1x16xi32>,
      %get3A_1210 = arith.constant 24 : i32
      %get3A_1211 = arith.index_cast %get3A_1210 : i32 to index
      %get3A_1212 = arith.index_cast %mul3A_1057 : i32 to index
      %get3A_1213 = tpu.vector_load %arg6[%get3A_1211, %get3A_1212] {strides = array<i32>} : memref<26x512xi32, #tpu.memory_space<vmem>>, vector<1x16xi32>,
      %get3A_1214 = vector.shape_cast %get3A_1213 : vector<1x16xi32> to vector<16xi32>
      %add3A_1215 = arith.constant 1103872 : i32
      %add3A_1216 = vector.broadcast %add3A_1215 : i32 to vector<16xi32>
      %add3A_1217 = arith.addi %get3A_1214, %add3A_1216 : vector<16xi32>
      %swap3A_1218 = arith.constant 11 : i32
      %swap3A_1219 = arith.index_cast %swap3A_1218 : i32 to index
      %swap3A_1220 = arith.index_cast %mul3A_1057 : i32 to index
      %swap3A_1221 = tpu.vector_load %arg7[%swap3A_1219, %swap3A_1220] {strides = array<i32>} : memref<13x512xi32, #tpu.memory_space<vmem>>, vector<1x16xi32>,
      %swap3A_1222 = vector.shape_cast %swap3A_1221 : vector<1x16xi32> to vector<16xi32>
      %swap3A_1223 = vector.shape_cast %add3A_1217 : vector<16xi32> to vector<1x16xi32>
      tpu.vector_store %arg7[%swap3A_1219, %swap3A_1220], %swap3A_1223 {strides = array<i32>} : memref<13x512xi32, #tpu.memory_space<vmem>>, vector<1x16xi32>,
      %get3A_1224 = arith.constant 25 : i32
      %get3A_1225 = arith.index_cast %get3A_1224 : i32 to index
      %get3A_1226 = arith.index_cast %mul3A_1057 : i32 to index
      %get3A_1227 = tpu.vector_load %arg6[%get3A_1225, %get3A_1226] {strides = array<i32>} : memref<26x512xi32, #tpu.memory_space<vmem>>, vector<1x16xi32>,
      %get3A_1228 = vector.shape_cast %get3A_1227 : vector<1x16xi32> to vector<16xi32>
      %add3A_1229 = arith.constant 1204224 : i32
      %add3A_1230 = vector.broadcast %add3A_1229 : i32 to vector<16xi32>
      %add3A_1231 = arith.addi %get3A_1228, %add3A_1230 : vector<16xi32>
      %swap3A_1232 = arith.constant 12 : i32
      %swap3A_1233 = arith.index_cast %swap3A_1232 : i32 to index
      %swap3A_1234 = arith.index_cast %mul3A_1057 : i32 to index
      %swap3A_1235 = tpu.vector_load %arg7[%swap3A_1233, %swap3A_1234] {strides = array<i32>} : memref<13x512xi32, #tpu.memory_space<vmem>>, vector<1x16xi32>,
      %swap3A_1236 = vector.shape_cast %swap3A_1235 : vector<1x16xi32> to vector<16xi32>
      %swap3A_1237 = vector.shape_cast %add3A_1231 : vector<16xi32> to vector<1x16xi32>
      tpu.vector_store %arg7[%swap3A_1233, %swap3A_1234], %swap3A_1237 {strides = array<i32>} : memref<13x512xi32, #tpu.memory_space<vmem>>, vector<1x16xi32>,
      %scan3A_1238 = arith.constant 0 : i32
      scf.yield %scan3A_1238 : i32
    }
    %scan3A_8 = arith.constant 32 : i32
    %dma_start3A = arith.constant 0 : i32
    %dma_start3A_9 = arith.constant 0 : i32
    %dma_start3A_10 = arith.constant 0 : i32
    %dma_start3A_11 = tpu.memref_slice %arg8[%dma_start3A_9, %dma_start3A_10] : memref<13x512xf32, #tpu.memory_space<vmem>> -> memref<1x128xf32, #tpu.memory_space<vmem>>
    %dma_start3A_12 = tpu.memref_squeeze %dma_start3A_11 : memref<1x128xf32, #tpu.memory_space<vmem>> -> memref<128xf32, #tpu.memory_space<vmem>>
    %dma_start3A_13 = arith.constant 0 : i32
    %dma_start3A_14 = tpu.memref_slice %arg7[%dma_start3A, %dma_start3A_13] : memref<13x512xi32, #tpu.memory_space<vmem>> -> memref<1x128xi32, #tpu.memory_space<vmem>>
    %dma_start3A_15 = tpu.memref_squeeze %dma_start3A_14 : memref<1x128xi32, #tpu.memory_space<vmem>> -> memref<128xi32, #tpu.memory_space<vmem>>
    %dma_start3A_16 = arith.constant 0 : i32
    %dma_start3A_17 = tpu.memref_slice %arg2[%dma_start3A_16] : memref<1304576xf32, #tpu.memory_space<hbm>> -> memref<1304576xf32, #tpu.memory_space<hbm>>
    tpu.enqueue_indirect_dma source(%dma_start3A_17 : memref<1304576xf32, #tpu.memory_space<hbm>>) target(%dma_start3A_12 : memref<128xf32, #tpu.memory_space<vmem>>) offsets(%dma_start3A_15 : memref<128xi32, #tpu.memory_space<vmem>>) semaphore(%arg11 : memref<!tpu.dma_semaphore, #tpu.memory_space<semaphore_mem>>)
    %dma_start3A_18 = arith.constant 0 : i32
    %dma_start3A_19 = arith.constant 0 : i32
    %dma_start3A_20 = arith.constant 128 : i32
    %dma_start3A_21 = tpu.memref_slice %arg8[%dma_start3A_19, %dma_start3A_20] : memref<13x512xf32, #tpu.memory_space<vmem>> -> memref<1x128xf32, #tpu.memory_space<vmem>>
    %dma_start3A_22 = tpu.memref_squeeze %dma_start3A_21 : memref<1x128xf32, #tpu.memory_space<vmem>> -> memref<128xf32, #tpu.memory_space<vmem>>
    %dma_start3A_23 = arith.constant 128 : i32
    %dma_start3A_24 = tpu.memref_slice %arg7[%dma_start3A_18, %dma_start3A_23] : memref<13x512xi32, #tpu.memory_space<vmem>> -> memref<1x128xi32, #tpu.memory_space<vmem>>
    %dma_start3A_25 = tpu.memref_squeeze %dma_start3A_24 : memref<1x128xi32, #tpu.memory_space<vmem>> -> memref<128xi32, #tpu.memory_space<vmem>>
    %dma_start3A_26 = arith.constant 0 : i32
    %dma_start3A_27 = tpu.memref_slice %arg2[%dma_start3A_26] : memref<1304576xf32, #tpu.memory_space<hbm>> -> memref<1304576xf32, #tpu.memory_space<hbm>>
    tpu.enqueue_indirect_dma source(%dma_start3A_27 : memref<1304576xf32, #tpu.memory_space<hbm>>) target(%dma_start3A_22 : memref<128xf32, #tpu.memory_space<vmem>>) offsets(%dma_start3A_25 : memref<128xi32, #tpu.memory_space<vmem>>) semaphore(%arg11 : memref<!tpu.dma_semaphore, #tpu.memory_space<semaphore_mem>>)
    %dma_start3A_28 = arith.constant 0 : i32
    %dma_start3A_29 = arith.constant 0 : i32
    %dma_start3A_30 = arith.constant 256 : i32
    %dma_start3A_31 = tpu.memref_slice %arg8[%dma_start3A_29, %dma_start3A_30] : memref<13x512xf32, #tpu.memory_space<vmem>> -> memref<1x128xf32, #tpu.memory_space<vmem>>
    %dma_start3A_32 = tpu.memref_squeeze %dma_start3A_31 : memref<1x128xf32, #tpu.memory_space<vmem>> -> memref<128xf32, #tpu.memory_space<vmem>>
    %dma_start3A_33 = arith.constant 256 : i32
    %dma_start3A_34 = tpu.memref_slice %arg7[%dma_start3A_28, %dma_start3A_33] : memref<13x512xi32, #tpu.memory_space<vmem>> -> memref<1x128xi32, #tpu.memory_space<vmem>>
    %dma_start3A_35 = tpu.memref_squeeze %dma_start3A_34 : memref<1x128xi32, #tpu.memory_space<vmem>> -> memref<128xi32, #tpu.memory_space<vmem>>
    %dma_start3A_36 = arith.constant 0 : i32
    %dma_start3A_37 = tpu.memref_slice %arg2[%dma_start3A_36] : memref<1304576xf32, #tpu.memory_space<hbm>> -> memref<1304576xf32, #tpu.memory_space<hbm>>
    tpu.enqueue_indirect_dma source(%dma_start3A_37 : memref<1304576xf32, #tpu.memory_space<hbm>>) target(%dma_start3A_32 : memref<128xf32, #tpu.memory_space<vmem>>) offsets(%dma_start3A_35 : memref<128xi32, #tpu.memory_space<vmem>>) semaphore(%arg11 : memref<!tpu.dma_semaphore, #tpu.memory_space<semaphore_mem>>)
    %dma_start3A_38 = arith.constant 0 : i32
    %dma_start3A_39 = arith.constant 0 : i32
    %dma_start3A_40 = arith.constant 384 : i32
    %dma_start3A_41 = tpu.memref_slice %arg8[%dma_start3A_39, %dma_start3A_40] : memref<13x512xf32, #tpu.memory_space<vmem>> -> memref<1x128xf32, #tpu.memory_space<vmem>>
    %dma_start3A_42 = tpu.memref_squeeze %dma_start3A_41 : memref<1x128xf32, #tpu.memory_space<vmem>> -> memref<128xf32, #tpu.memory_space<vmem>>
    %dma_start3A_43 = arith.constant 384 : i32
    %dma_start3A_44 = tpu.memref_slice %arg7[%dma_start3A_38, %dma_start3A_43] : memref<13x512xi32, #tpu.memory_space<vmem>> -> memref<1x128xi32, #tpu.memory_space<vmem>>
    %dma_start3A_45 = tpu.memref_squeeze %dma_start3A_44 : memref<1x128xi32, #tpu.memory_space<vmem>> -> memref<128xi32, #tpu.memory_space<vmem>>
    %dma_start3A_46 = arith.constant 0 : i32
    %dma_start3A_47 = tpu.memref_slice %arg2[%dma_start3A_46] : memref<1304576xf32, #tpu.memory_space<hbm>> -> memref<1304576xf32, #tpu.memory_space<hbm>>
    tpu.enqueue_indirect_dma source(%dma_start3A_47 : memref<1304576xf32, #tpu.memory_space<hbm>>) target(%dma_start3A_42 : memref<128xf32, #tpu.memory_space<vmem>>) offsets(%dma_start3A_45 : memref<128xi32, #tpu.memory_space<vmem>>) semaphore(%arg11 : memref<!tpu.dma_semaphore, #tpu.memory_space<semaphore_mem>>)
    %dma_start3A_48 = arith.constant 1 : i32
    %dma_start3A_49 = arith.constant 1 : i32
    %dma_start3A_50 = arith.constant 0 : i32
    %dma_start3A_51 = tpu.memref_slice %arg8[%dma_start3A_49, %dma_start3A_50] : memref<13x512xf32, #tpu.memory_space<vmem>> -> memref<1x128xf32, #tpu.memory_space<vmem>>
    %dma_start3A_52 = tpu.memref_squeeze %dma_start3A_51 : memref<1x128xf32, #tpu.memory_space<vmem>> -> memref<128xf32, #tpu.memory_space<vmem>>
    %dma_start3A_53 = arith.constant 0 : i32
    %dma_start3A_54 = tpu.memref_slice %arg7[%dma_start3A_48, %dma_start3A_53] : memref<13x512xi32, #tpu.memory_space<vmem>> -> memref<1x128xi32, #tpu.memory_space<vmem>>
    %dma_start3A_55 = tpu.memref_squeeze %dma_start3A_54 : memref<1x128xi32, #tpu.memory_space<vmem>> -> memref<128xi32, #tpu.memory_space<vmem>>
    %dma_start3A_56 = arith.constant 0 : i32
    %dma_start3A_57 = tpu.memref_slice %arg2[%dma_start3A_56] : memref<1304576xf32, #tpu.memory_space<hbm>> -> memref<1304576xf32, #tpu.memory_space<hbm>>
    tpu.enqueue_indirect_dma source(%dma_start3A_57 : memref<1304576xf32, #tpu.memory_space<hbm>>) target(%dma_start3A_52 : memref<128xf32, #tpu.memory_space<vmem>>) offsets(%dma_start3A_55 : memref<128xi32, #tpu.memory_space<vmem>>) semaphore(%arg11 : memref<!tpu.dma_semaphore, #tpu.memory_space<semaphore_mem>>)
    %dma_start3A_58 = arith.constant 1 : i32
    %dma_start3A_59 = arith.constant 1 : i32
    %dma_start3A_60 = arith.constant 128 : i32
    %dma_start3A_61 = tpu.memref_slice %arg8[%dma_start3A_59, %dma_start3A_60] : memref<13x512xf32, #tpu.memory_space<vmem>> -> memref<1x128xf32, #tpu.memory_space<vmem>>
    %dma_start3A_62 = tpu.memref_squeeze %dma_start3A_61 : memref<1x128xf32, #tpu.memory_space<vmem>> -> memref<128xf32, #tpu.memory_space<vmem>>
    %dma_start3A_63 = arith.constant 128 : i32
    %dma_start3A_64 = tpu.memref_slice %arg7[%dma_start3A_58, %dma_start3A_63] : memref<13x512xi32, #tpu.memory_space<vmem>> -> memref<1x128xi32, #tpu.memory_space<vmem>>
    %dma_start3A_65 = tpu.memref_squeeze %dma_start3A_64 : memref<1x128xi32, #tpu.memory_space<vmem>> -> memref<128xi32, #tpu.memory_space<vmem>>
    %dma_start3A_66 = arith.constant 0 : i32
    %dma_start3A_67 = tpu.memref_slice %arg2[%dma_start3A_66] : memref<1304576xf32, #tpu.memory_space<hbm>> -> memref<1304576xf32, #tpu.memory_space<hbm>>
    tpu.enqueue_indirect_dma source(%dma_start3A_67 : memref<1304576xf32, #tpu.memory_space<hbm>>) target(%dma_start3A_62 : memref<128xf32, #tpu.memory_space<vmem>>) offsets(%dma_start3A_65 : memref<128xi32, #tpu.memory_space<vmem>>) semaphore(%arg11 : memref<!tpu.dma_semaphore, #tpu.memory_space<semaphore_mem>>)
    %dma_start3A_68 = arith.constant 1 : i32
    %dma_start3A_69 = arith.constant 1 : i32
    %dma_start3A_70 = arith.constant 256 : i32
    %dma_start3A_71 = tpu.memref_slice %arg8[%dma_start3A_69, %dma_start3A_70] : memref<13x512xf32, #tpu.memory_space<vmem>> -> memref<1x128xf32, #tpu.memory_space<vmem>>
    %dma_start3A_72 = tpu.memref_squeeze %dma_start3A_71 : memref<1x128xf32, #tpu.memory_space<vmem>> -> memref<128xf32, #tpu.memory_space<vmem>>
    %dma_start3A_73 = arith.constant 256 : i32
    %dma_start3A_74 = tpu.memref_slice %arg7[%dma_start3A_68, %dma_start3A_73] : memref<13x512xi32, #tpu.memory_space<vmem>> -> memref<1x128xi32, #tpu.memory_space<vmem>>
    %dma_start3A_75 = tpu.memref_squeeze %dma_start3A_74 : memref<1x128xi32, #tpu.memory_space<vmem>> -> memref<128xi32, #tpu.memory_space<vmem>>
    %dma_start3A_76 = arith.constant 0 : i32
    %dma_start3A_77 = tpu.memref_slice %arg2[%dma_start3A_76] : memref<1304576xf32, #tpu.memory_space<hbm>> -> memref<1304576xf32, #tpu.memory_space<hbm>>
    tpu.enqueue_indirect_dma source(%dma_start3A_77 : memref<1304576xf32, #tpu.memory_space<hbm>>) target(%dma_start3A_72 : memref<128xf32, #tpu.memory_space<vmem>>) offsets(%dma_start3A_75 : memref<128xi32, #tpu.memory_space<vmem>>) semaphore(%arg11 : memref<!tpu.dma_semaphore, #tpu.memory_space<semaphore_mem>>)
    %dma_start3A_78 = arith.constant 1 : i32
    %dma_start3A_79 = arith.constant 1 : i32
    %dma_start3A_80 = arith.constant 384 : i32
    %dma_start3A_81 = tpu.memref_slice %arg8[%dma_start3A_79, %dma_start3A_80] : memref<13x512xf32, #tpu.memory_space<vmem>> -> memref<1x128xf32, #tpu.memory_space<vmem>>
    %dma_start3A_82 = tpu.memref_squeeze %dma_start3A_81 : memref<1x128xf32, #tpu.memory_space<vmem>> -> memref<128xf32, #tpu.memory_space<vmem>>
    %dma_start3A_83 = arith.constant 384 : i32
    %dma_start3A_84 = tpu.memref_slice %arg7[%dma_start3A_78, %dma_start3A_83] : memref<13x512xi32, #tpu.memory_space<vmem>> -> memref<1x128xi32, #tpu.memory_space<vmem>>
    %dma_start3A_85 = tpu.memref_squeeze %dma_start3A_84 : memref<1x128xi32, #tpu.memory_space<vmem>> -> memref<128xi32, #tpu.memory_space<vmem>>
    %dma_start3A_86 = arith.constant 0 : i32
    %dma_start3A_87 = tpu.memref_slice %arg2[%dma_start3A_86] : memref<1304576xf32, #tpu.memory_space<hbm>> -> memref<1304576xf32, #tpu.memory_space<hbm>>
    tpu.enqueue_indirect_dma source(%dma_start3A_87 : memref<1304576xf32, #tpu.memory_space<hbm>>) target(%dma_start3A_82 : memref<128xf32, #tpu.memory_space<vmem>>) offsets(%dma_start3A_85 : memref<128xi32, #tpu.memory_space<vmem>>) semaphore(%arg11 : memref<!tpu.dma_semaphore, #tpu.memory_space<semaphore_mem>>)
    %dma_start3A_88 = arith.constant 2 : i32
    %dma_start3A_89 = arith.constant 2 : i32
    %dma_start3A_90 = arith.constant 0 : i32
    %dma_start3A_91 = tpu.memref_slice %arg8[%dma_start3A_89, %dma_start3A_90] : memref<13x512xf32, #tpu.memory_space<vmem>> -> memref<1x128xf32, #tpu.memory_space<vmem>>
    %dma_start3A_92 = tpu.memref_squeeze %dma_start3A_91 : memref<1x128xf32, #tpu.memory_space<vmem>> -> memref<128xf32, #tpu.memory_space<vmem>>
    %dma_start3A_93 = arith.constant 0 : i32
    %dma_start3A_94 = tpu.memref_slice %arg7[%dma_start3A_88, %dma_start3A_93] : memref<13x512xi32, #tpu.memory_space<vmem>> -> memref<1x128xi32, #tpu.memory_space<vmem>>
    %dma_start3A_95 = tpu.memref_squeeze %dma_start3A_94 : memref<1x128xi32, #tpu.memory_space<vmem>> -> memref<128xi32, #tpu.memory_space<vmem>>
    %dma_start3A_96 = arith.constant 0 : i32
    %dma_start3A_97 = tpu.memref_slice %arg2[%dma_start3A_96] : memref<1304576xf32, #tpu.memory_space<hbm>> -> memref<1304576xf32, #tpu.memory_space<hbm>>
    tpu.enqueue_indirect_dma source(%dma_start3A_97 : memref<1304576xf32, #tpu.memory_space<hbm>>) target(%dma_start3A_92 : memref<128xf32, #tpu.memory_space<vmem>>) offsets(%dma_start3A_95 : memref<128xi32, #tpu.memory_space<vmem>>) semaphore(%arg11 : memref<!tpu.dma_semaphore, #tpu.memory_space<semaphore_mem>>)
    %dma_start3A_98 = arith.constant 2 : i32
    %dma_start3A_99 = arith.constant 2 : i32
    %dma_start3A_100 = arith.constant 128 : i32
    %dma_start3A_101 = tpu.memref_slice %arg8[%dma_start3A_99, %dma_start3A_100] : memref<13x512xf32, #tpu.memory_space<vmem>> -> memref<1x128xf32, #tpu.memory_space<vmem>>
    %dma_start3A_102 = tpu.memref_squeeze %dma_start3A_101 : memref<1x128xf32, #tpu.memory_space<vmem>> -> memref<128xf32, #tpu.memory_space<vmem>>
    %dma_start3A_103 = arith.constant 128 : i32
    %dma_start3A_104 = tpu.memref_slice %arg7[%dma_start3A_98, %dma_start3A_103] : memref<13x512xi32, #tpu.memory_space<vmem>> -> memref<1x128xi32, #tpu.memory_space<vmem>>
    %dma_start3A_105 = tpu.memref_squeeze %dma_start3A_104 : memref<1x128xi32, #tpu.memory_space<vmem>> -> memref<128xi32, #tpu.memory_space<vmem>>
    %dma_start3A_106 = arith.constant 0 : i32
    %dma_start3A_107 = tpu.memref_slice %arg2[%dma_start3A_106] : memref<1304576xf32, #tpu.memory_space<hbm>> -> memref<1304576xf32, #tpu.memory_space<hbm>>
    tpu.enqueue_indirect_dma source(%dma_start3A_107 : memref<1304576xf32, #tpu.memory_space<hbm>>) target(%dma_start3A_102 : memref<128xf32, #tpu.memory_space<vmem>>) offsets(%dma_start3A_105 : memref<128xi32, #tpu.memory_space<vmem>>) semaphore(%arg11 : memref<!tpu.dma_semaphore, #tpu.memory_space<semaphore_mem>>)
    %dma_start3A_108 = arith.constant 2 : i32
    %dma_start3A_109 = arith.constant 2 : i32
    %dma_start3A_110 = arith.constant 256 : i32
    %dma_start3A_111 = tpu.memref_slice %arg8[%dma_start3A_109, %dma_start3A_110] : memref<13x512xf32, #tpu.memory_space<vmem>> -> memref<1x128xf32, #tpu.memory_space<vmem>>
    %dma_start3A_112 = tpu.memref_squeeze %dma_start3A_111 : memref<1x128xf32, #tpu.memory_space<vmem>> -> memref<128xf32, #tpu.memory_space<vmem>>
    %dma_start3A_113 = arith.constant 256 : i32
    %dma_start3A_114 = tpu.memref_slice %arg7[%dma_start3A_108, %dma_start3A_113] : memref<13x512xi32, #tpu.memory_space<vmem>> -> memref<1x128xi32, #tpu.memory_space<vmem>>
    %dma_start3A_115 = tpu.memref_squeeze %dma_start3A_114 : memref<1x128xi32, #tpu.memory_space<vmem>> -> memref<128xi32, #tpu.memory_space<vmem>>
    %dma_start3A_116 = arith.constant 0 : i32
    %dma_start3A_117 = tpu.memref_slice %arg2[%dma_start3A_116] : memref<1304576xf32, #tpu.memory_space<hbm>> -> memref<1304576xf32, #tpu.memory_space<hbm>>
    tpu.enqueue_indirect_dma source(%dma_start3A_117 : memref<1304576xf32, #tpu.memory_space<hbm>>) target(%dma_start3A_112 : memref<128xf32, #tpu.memory_space<vmem>>) offsets(%dma_start3A_115 : memref<128xi32, #tpu.memory_space<vmem>>) semaphore(%arg11 : memref<!tpu.dma_semaphore, #tpu.memory_space<semaphore_mem>>)
    %dma_start3A_118 = arith.constant 2 : i32
    %dma_start3A_119 = arith.constant 2 : i32
    %dma_start3A_120 = arith.constant 384 : i32
    %dma_start3A_121 = tpu.memref_slice %arg8[%dma_start3A_119, %dma_start3A_120] : memref<13x512xf32, #tpu.memory_space<vmem>> -> memref<1x128xf32, #tpu.memory_space<vmem>>
    %dma_start3A_122 = tpu.memref_squeeze %dma_start3A_121 : memref<1x128xf32, #tpu.memory_space<vmem>> -> memref<128xf32, #tpu.memory_space<vmem>>
    %dma_start3A_123 = arith.constant 384 : i32
    %dma_start3A_124 = tpu.memref_slice %arg7[%dma_start3A_118, %dma_start3A_123] : memref<13x512xi32, #tpu.memory_space<vmem>> -> memref<1x128xi32, #tpu.memory_space<vmem>>
    %dma_start3A_125 = tpu.memref_squeeze %dma_start3A_124 : memref<1x128xi32, #tpu.memory_space<vmem>> -> memref<128xi32, #tpu.memory_space<vmem>>
    %dma_start3A_126 = arith.constant 0 : i32
    %dma_start3A_127 = tpu.memref_slice %arg2[%dma_start3A_126] : memref<1304576xf32, #tpu.memory_space<hbm>> -> memref<1304576xf32, #tpu.memory_space<hbm>>
    tpu.enqueue_indirect_dma source(%dma_start3A_127 : memref<1304576xf32, #tpu.memory_space<hbm>>) target(%dma_start3A_122 : memref<128xf32, #tpu.memory_space<vmem>>) offsets(%dma_start3A_125 : memref<128xi32, #tpu.memory_space<vmem>>) semaphore(%arg11 : memref<!tpu.dma_semaphore, #tpu.memory_space<semaphore_mem>>)
    %dma_start3A_128 = arith.constant 3 : i32
    %dma_start3A_129 = arith.constant 3 : i32
    %dma_start3A_130 = arith.constant 0 : i32
    %dma_start3A_131 = tpu.memref_slice %arg8[%dma_start3A_129, %dma_start3A_130] : memref<13x512xf32, #tpu.memory_space<vmem>> -> memref<1x128xf32, #tpu.memory_space<vmem>>
    %dma_start3A_132 = tpu.memref_squeeze %dma_start3A_131 : memref<1x128xf32, #tpu.memory_space<vmem>> -> memref<128xf32, #tpu.memory_space<vmem>>
    %dma_start3A_133 = arith.constant 0 : i32
    %dma_start3A_134 = tpu.memref_slice %arg7[%dma_start3A_128, %dma_start3A_133] : memref<13x512xi32, #tpu.memory_space<vmem>> -> memref<1x128xi32, #tpu.memory_space<vmem>>
    %dma_start3A_135 = tpu.memref_squeeze %dma_start3A_134 : memref<1x128xi32, #tpu.memory_space<vmem>> -> memref<128xi32, #tpu.memory_space<vmem>>
    %dma_start3A_136 = arith.constant 0 : i32
    %dma_start3A_137 = tpu.memref_slice %arg2[%dma_start3A_136] : memref<1304576xf32, #tpu.memory_space<hbm>> -> memref<1304576xf32, #tpu.memory_space<hbm>>
    tpu.enqueue_indirect_dma source(%dma_start3A_137 : memref<1304576xf32, #tpu.memory_space<hbm>>) target(%dma_start3A_132 : memref<128xf32, #tpu.memory_space<vmem>>) offsets(%dma_start3A_135 : memref<128xi32, #tpu.memory_space<vmem>>) semaphore(%arg11 : memref<!tpu.dma_semaphore, #tpu.memory_space<semaphore_mem>>)
    %dma_start3A_138 = arith.constant 3 : i32
    %dma_start3A_139 = arith.constant 3 : i32
    %dma_start3A_140 = arith.constant 128 : i32
    %dma_start3A_141 = tpu.memref_slice %arg8[%dma_start3A_139, %dma_start3A_140] : memref<13x512xf32, #tpu.memory_space<vmem>> -> memref<1x128xf32, #tpu.memory_space<vmem>>
    %dma_start3A_142 = tpu.memref_squeeze %dma_start3A_141 : memref<1x128xf32, #tpu.memory_space<vmem>> -> memref<128xf32, #tpu.memory_space<vmem>>
    %dma_start3A_143 = arith.constant 128 : i32
    %dma_start3A_144 = tpu.memref_slice %arg7[%dma_start3A_138, %dma_start3A_143] : memref<13x512xi32, #tpu.memory_space<vmem>> -> memref<1x128xi32, #tpu.memory_space<vmem>>
    %dma_start3A_145 = tpu.memref_squeeze %dma_start3A_144 : memref<1x128xi32, #tpu.memory_space<vmem>> -> memref<128xi32, #tpu.memory_space<vmem>>
    %dma_start3A_146 = arith.constant 0 : i32
    %dma_start3A_147 = tpu.memref_slice %arg2[%dma_start3A_146] : memref<1304576xf32, #tpu.memory_space<hbm>> -> memref<1304576xf32, #tpu.memory_space<hbm>>
    tpu.enqueue_indirect_dma source(%dma_start3A_147 : memref<1304576xf32, #tpu.memory_space<hbm>>) target(%dma_start3A_142 : memref<128xf32, #tpu.memory_space<vmem>>) offsets(%dma_start3A_145 : memref<128xi32, #tpu.memory_space<vmem>>) semaphore(%arg11 : memref<!tpu.dma_semaphore, #tpu.memory_space<semaphore_mem>>)
    %dma_start3A_148 = arith.constant 3 : i32
    %dma_start3A_149 = arith.constant 3 : i32
    %dma_start3A_150 = arith.constant 256 : i32
    %dma_start3A_151 = tpu.memref_slice %arg8[%dma_start3A_149, %dma_start3A_150] : memref<13x512xf32, #tpu.memory_space<vmem>> -> memref<1x128xf32, #tpu.memory_space<vmem>>
    %dma_start3A_152 = tpu.memref_squeeze %dma_start3A_151 : memref<1x128xf32, #tpu.memory_space<vmem>> -> memref<128xf32, #tpu.memory_space<vmem>>
    %dma_start3A_153 = arith.constant 256 : i32
    %dma_start3A_154 = tpu.memref_slice %arg7[%dma_start3A_148, %dma_start3A_153] : memref<13x512xi32, #tpu.memory_space<vmem>> -> memref<1x128xi32, #tpu.memory_space<vmem>>
    %dma_start3A_155 = tpu.memref_squeeze %dma_start3A_154 : memref<1x128xi32, #tpu.memory_space<vmem>> -> memref<128xi32, #tpu.memory_space<vmem>>
    %dma_start3A_156 = arith.constant 0 : i32
    %dma_start3A_157 = tpu.memref_slice %arg2[%dma_start3A_156] : memref<1304576xf32, #tpu.memory_space<hbm>> -> memref<1304576xf32, #tpu.memory_space<hbm>>
    tpu.enqueue_indirect_dma source(%dma_start3A_157 : memref<1304576xf32, #tpu.memory_space<hbm>>) target(%dma_start3A_152 : memref<128xf32, #tpu.memory_space<vmem>>) offsets(%dma_start3A_155 : memref<128xi32, #tpu.memory_space<vmem>>) semaphore(%arg11 : memref<!tpu.dma_semaphore, #tpu.memory_space<semaphore_mem>>)
    %dma_start3A_158 = arith.constant 3 : i32
    %dma_start3A_159 = arith.constant 3 : i32
    %dma_start3A_160 = arith.constant 384 : i32
    %dma_start3A_161 = tpu.memref_slice %arg8[%dma_start3A_159, %dma_start3A_160] : memref<13x512xf32, #tpu.memory_space<vmem>> -> memref<1x128xf32, #tpu.memory_space<vmem>>
    %dma_start3A_162 = tpu.memref_squeeze %dma_start3A_161 : memref<1x128xf32, #tpu.memory_space<vmem>> -> memref<128xf32, #tpu.memory_space<vmem>>
    %dma_start3A_163 = arith.constant 384 : i32
    %dma_start3A_164 = tpu.memref_slice %arg7[%dma_start3A_158, %dma_start3A_163] : memref<13x512xi32, #tpu.memory_space<vmem>> -> memref<1x128xi32, #tpu.memory_space<vmem>>
    %dma_start3A_165 = tpu.memref_squeeze %dma_start3A_164 : memref<1x128xi32, #tpu.memory_space<vmem>> -> memref<128xi32, #tpu.memory_space<vmem>>
    %dma_start3A_166 = arith.constant 0 : i32
    %dma_start3A_167 = tpu.memref_slice %arg2[%dma_start3A_166] : memref<1304576xf32, #tpu.memory_space<hbm>> -> memref<1304576xf32, #tpu.memory_space<hbm>>
    tpu.enqueue_indirect_dma source(%dma_start3A_167 : memref<1304576xf32, #tpu.memory_space<hbm>>) target(%dma_start3A_162 : memref<128xf32, #tpu.memory_space<vmem>>) offsets(%dma_start3A_165 : memref<128xi32, #tpu.memory_space<vmem>>) semaphore(%arg11 : memref<!tpu.dma_semaphore, #tpu.memory_space<semaphore_mem>>)
    %dma_start3A_168 = arith.constant 4 : i32
    %dma_start3A_169 = arith.constant 4 : i32
    %dma_start3A_170 = arith.constant 0 : i32
    %dma_start3A_171 = tpu.memref_slice %arg8[%dma_start3A_169, %dma_start3A_170] : memref<13x512xf32, #tpu.memory_space<vmem>> -> memref<1x128xf32, #tpu.memory_space<vmem>>
    %dma_start3A_172 = tpu.memref_squeeze %dma_start3A_171 : memref<1x128xf32, #tpu.memory_space<vmem>> -> memref<128xf32, #tpu.memory_space<vmem>>
    %dma_start3A_173 = arith.constant 0 : i32
    %dma_start3A_174 = tpu.memref_slice %arg7[%dma_start3A_168, %dma_start3A_173] : memref<13x512xi32, #tpu.memory_space<vmem>> -> memref<1x128xi32, #tpu.memory_space<vmem>>
    %dma_start3A_175 = tpu.memref_squeeze %dma_start3A_174 : memref<1x128xi32, #tpu.memory_space<vmem>> -> memref<128xi32, #tpu.memory_space<vmem>>
    %dma_start3A_176 = arith.constant 0 : i32
    %dma_start3A_177 = tpu.memref_slice %arg2[%dma_start3A_176] : memref<1304576xf32, #tpu.memory_space<hbm>> -> memref<1304576xf32, #tpu.memory_space<hbm>>
    tpu.enqueue_indirect_dma source(%dma_start3A_177 : memref<1304576xf32, #tpu.memory_space<hbm>>) target(%dma_start3A_172 : memref<128xf32, #tpu.memory_space<vmem>>) offsets(%dma_start3A_175 : memref<128xi32, #tpu.memory_space<vmem>>) semaphore(%arg11 : memref<!tpu.dma_semaphore, #tpu.memory_space<semaphore_mem>>)
    %dma_start3A_178 = arith.constant 4 : i32
    %dma_start3A_179 = arith.constant 4 : i32
    %dma_start3A_180 = arith.constant 128 : i32
    %dma_start3A_181 = tpu.memref_slice %arg8[%dma_start3A_179, %dma_start3A_180] : memref<13x512xf32, #tpu.memory_space<vmem>> -> memref<1x128xf32, #tpu.memory_space<vmem>>
    %dma_start3A_182 = tpu.memref_squeeze %dma_start3A_181 : memref<1x128xf32, #tpu.memory_space<vmem>> -> memref<128xf32, #tpu.memory_space<vmem>>
    %dma_start3A_183 = arith.constant 128 : i32
    %dma_start3A_184 = tpu.memref_slice %arg7[%dma_start3A_178, %dma_start3A_183] : memref<13x512xi32, #tpu.memory_space<vmem>> -> memref<1x128xi32, #tpu.memory_space<vmem>>
    %dma_start3A_185 = tpu.memref_squeeze %dma_start3A_184 : memref<1x128xi32, #tpu.memory_space<vmem>> -> memref<128xi32, #tpu.memory_space<vmem>>
    %dma_start3A_186 = arith.constant 0 : i32
    %dma_start3A_187 = tpu.memref_slice %arg2[%dma_start3A_186] : memref<1304576xf32, #tpu.memory_space<hbm>> -> memref<1304576xf32, #tpu.memory_space<hbm>>
    tpu.enqueue_indirect_dma source(%dma_start3A_187 : memref<1304576xf32, #tpu.memory_space<hbm>>) target(%dma_start3A_182 : memref<128xf32, #tpu.memory_space<vmem>>) offsets(%dma_start3A_185 : memref<128xi32, #tpu.memory_space<vmem>>) semaphore(%arg11 : memref<!tpu.dma_semaphore, #tpu.memory_space<semaphore_mem>>)
    %dma_start3A_188 = arith.constant 4 : i32
    %dma_start3A_189 = arith.constant 4 : i32
    %dma_start3A_190 = arith.constant 256 : i32
    %dma_start3A_191 = tpu.memref_slice %arg8[%dma_start3A_189, %dma_start3A_190] : memref<13x512xf32, #tpu.memory_space<vmem>> -> memref<1x128xf32, #tpu.memory_space<vmem>>
    %dma_start3A_192 = tpu.memref_squeeze %dma_start3A_191 : memref<1x128xf32, #tpu.memory_space<vmem>> -> memref<128xf32, #tpu.memory_space<vmem>>
    %dma_start3A_193 = arith.constant 256 : i32
    %dma_start3A_194 = tpu.memref_slice %arg7[%dma_start3A_188, %dma_start3A_193] : memref<13x512xi32, #tpu.memory_space<vmem>> -> memref<1x128xi32, #tpu.memory_space<vmem>>
    %dma_start3A_195 = tpu.memref_squeeze %dma_start3A_194 : memref<1x128xi32, #tpu.memory_space<vmem>> -> memref<128xi32, #tpu.memory_space<vmem>>
    %dma_start3A_196 = arith.constant 0 : i32
    %dma_start3A_197 = tpu.memref_slice %arg2[%dma_start3A_196] : memref<1304576xf32, #tpu.memory_space<hbm>> -> memref<1304576xf32, #tpu.memory_space<hbm>>
    tpu.enqueue_indirect_dma source(%dma_start3A_197 : memref<1304576xf32, #tpu.memory_space<hbm>>) target(%dma_start3A_192 : memref<128xf32, #tpu.memory_space<vmem>>) offsets(%dma_start3A_195 : memref<128xi32, #tpu.memory_space<vmem>>) semaphore(%arg11 : memref<!tpu.dma_semaphore, #tpu.memory_space<semaphore_mem>>)
    %dma_start3A_198 = arith.constant 4 : i32
    %dma_start3A_199 = arith.constant 4 : i32
    %dma_start3A_200 = arith.constant 384 : i32
    %dma_start3A_201 = tpu.memref_slice %arg8[%dma_start3A_199, %dma_start3A_200] : memref<13x512xf32, #tpu.memory_space<vmem>> -> memref<1x128xf32, #tpu.memory_space<vmem>>
    %dma_start3A_202 = tpu.memref_squeeze %dma_start3A_201 : memref<1x128xf32, #tpu.memory_space<vmem>> -> memref<128xf32, #tpu.memory_space<vmem>>
    %dma_start3A_203 = arith.constant 384 : i32
    %dma_start3A_204 = tpu.memref_slice %arg7[%dma_start3A_198, %dma_start3A_203] : memref<13x512xi32, #tpu.memory_space<vmem>> -> memref<1x128xi32, #tpu.memory_space<vmem>>
    %dma_start3A_205 = tpu.memref_squeeze %dma_start3A_204 : memref<1x128xi32, #tpu.memory_space<vmem>> -> memref<128xi32, #tpu.memory_space<vmem>>
    %dma_start3A_206 = arith.constant 0 : i32
    %dma_start3A_207 = tpu.memref_slice %arg2[%dma_start3A_206] : memref<1304576xf32, #tpu.memory_space<hbm>> -> memref<1304576xf32, #tpu.memory_space<hbm>>
    tpu.enqueue_indirect_dma source(%dma_start3A_207 : memref<1304576xf32, #tpu.memory_space<hbm>>) target(%dma_start3A_202 : memref<128xf32, #tpu.memory_space<vmem>>) offsets(%dma_start3A_205 : memref<128xi32, #tpu.memory_space<vmem>>) semaphore(%arg11 : memref<!tpu.dma_semaphore, #tpu.memory_space<semaphore_mem>>)
    %dma_start3A_208 = arith.constant 5 : i32
    %dma_start3A_209 = arith.constant 5 : i32
    %dma_start3A_210 = arith.constant 0 : i32
    %dma_start3A_211 = tpu.memref_slice %arg8[%dma_start3A_209, %dma_start3A_210] : memref<13x512xf32, #tpu.memory_space<vmem>> -> memref<1x128xf32, #tpu.memory_space<vmem>>
    %dma_start3A_212 = tpu.memref_squeeze %dma_start3A_211 : memref<1x128xf32, #tpu.memory_space<vmem>> -> memref<128xf32, #tpu.memory_space<vmem>>
    %dma_start3A_213 = arith.constant 0 : i32
    %dma_start3A_214 = tpu.memref_slice %arg7[%dma_start3A_208, %dma_start3A_213] : memref<13x512xi32, #tpu.memory_space<vmem>> -> memref<1x128xi32, #tpu.memory_space<vmem>>
    %dma_start3A_215 = tpu.memref_squeeze %dma_start3A_214 : memref<1x128xi32, #tpu.memory_space<vmem>> -> memref<128xi32, #tpu.memory_space<vmem>>
    %dma_start3A_216 = arith.constant 0 : i32
    %dma_start3A_217 = tpu.memref_slice %arg2[%dma_start3A_216] : memref<1304576xf32, #tpu.memory_space<hbm>> -> memref<1304576xf32, #tpu.memory_space<hbm>>
    tpu.enqueue_indirect_dma source(%dma_start3A_217 : memref<1304576xf32, #tpu.memory_space<hbm>>) target(%dma_start3A_212 : memref<128xf32, #tpu.memory_space<vmem>>) offsets(%dma_start3A_215 : memref<128xi32, #tpu.memory_space<vmem>>) semaphore(%arg11 : memref<!tpu.dma_semaphore, #tpu.memory_space<semaphore_mem>>)
    %dma_start3A_218 = arith.constant 5 : i32
    %dma_start3A_219 = arith.constant 5 : i32
    %dma_start3A_220 = arith.constant 128 : i32
    %dma_start3A_221 = tpu.memref_slice %arg8[%dma_start3A_219, %dma_start3A_220] : memref<13x512xf32, #tpu.memory_space<vmem>> -> memref<1x128xf32, #tpu.memory_space<vmem>>
    %dma_start3A_222 = tpu.memref_squeeze %dma_start3A_221 : memref<1x128xf32, #tpu.memory_space<vmem>> -> memref<128xf32, #tpu.memory_space<vmem>>
    %dma_start3A_223 = arith.constant 128 : i32
    %dma_start3A_224 = tpu.memref_slice %arg7[%dma_start3A_218, %dma_start3A_223] : memref<13x512xi32, #tpu.memory_space<vmem>> -> memref<1x128xi32, #tpu.memory_space<vmem>>
    %dma_start3A_225 = tpu.memref_squeeze %dma_start3A_224 : memref<1x128xi32, #tpu.memory_space<vmem>> -> memref<128xi32, #tpu.memory_space<vmem>>
    %dma_start3A_226 = arith.constant 0 : i32
    %dma_start3A_227 = tpu.memref_slice %arg2[%dma_start3A_226] : memref<1304576xf32, #tpu.memory_space<hbm>> -> memref<1304576xf32, #tpu.memory_space<hbm>>
    tpu.enqueue_indirect_dma source(%dma_start3A_227 : memref<1304576xf32, #tpu.memory_space<hbm>>) target(%dma_start3A_222 : memref<128xf32, #tpu.memory_space<vmem>>) offsets(%dma_start3A_225 : memref<128xi32, #tpu.memory_space<vmem>>) semaphore(%arg11 : memref<!tpu.dma_semaphore, #tpu.memory_space<semaphore_mem>>)
    %dma_start3A_228 = arith.constant 5 : i32
    %dma_start3A_229 = arith.constant 5 : i32
    %dma_start3A_230 = arith.constant 256 : i32
    %dma_start3A_231 = tpu.memref_slice %arg8[%dma_start3A_229, %dma_start3A_230] : memref<13x512xf32, #tpu.memory_space<vmem>> -> memref<1x128xf32, #tpu.memory_space<vmem>>
    %dma_start3A_232 = tpu.memref_squeeze %dma_start3A_231 : memref<1x128xf32, #tpu.memory_space<vmem>> -> memref<128xf32, #tpu.memory_space<vmem>>
    %dma_start3A_233 = arith.constant 256 : i32
    %dma_start3A_234 = tpu.memref_slice %arg7[%dma_start3A_228, %dma_start3A_233] : memref<13x512xi32, #tpu.memory_space<vmem>> -> memref<1x128xi32, #tpu.memory_space<vmem>>
    %dma_start3A_235 = tpu.memref_squeeze %dma_start3A_234 : memref<1x128xi32, #tpu.memory_space<vmem>> -> memref<128xi32, #tpu.memory_space<vmem>>
    %dma_start3A_236 = arith.constant 0 : i32
    %dma_start3A_237 = tpu.memref_slice %arg2[%dma_start3A_236] : memref<1304576xf32, #tpu.memory_space<hbm>> -> memref<1304576xf32, #tpu.memory_space<hbm>>
    tpu.enqueue_indirect_dma source(%dma_start3A_237 : memref<1304576xf32, #tpu.memory_space<hbm>>) target(%dma_start3A_232 : memref<128xf32, #tpu.memory_space<vmem>>) offsets(%dma_start3A_235 : memref<128xi32, #tpu.memory_space<vmem>>) semaphore(%arg11 : memref<!tpu.dma_semaphore, #tpu.memory_space<semaphore_mem>>)
    %dma_start3A_238 = arith.constant 5 : i32
    %dma_start3A_239 = arith.constant 5 : i32
    %dma_start3A_240 = arith.constant 384 : i32
    %dma_start3A_241 = tpu.memref_slice %arg8[%dma_start3A_239, %dma_start3A_240] : memref<13x512xf32, #tpu.memory_space<vmem>> -> memref<1x128xf32, #tpu.memory_space<vmem>>
    %dma_start3A_242 = tpu.memref_squeeze %dma_start3A_241 : memref<1x128xf32, #tpu.memory_space<vmem>> -> memref<128xf32, #tpu.memory_space<vmem>>
    %dma_start3A_243 = arith.constant 384 : i32
    %dma_start3A_244 = tpu.memref_slice %arg7[%dma_start3A_238, %dma_start3A_243] : memref<13x512xi32, #tpu.memory_space<vmem>> -> memref<1x128xi32, #tpu.memory_space<vmem>>
    %dma_start3A_245 = tpu.memref_squeeze %dma_start3A_244 : memref<1x128xi32, #tpu.memory_space<vmem>> -> memref<128xi32, #tpu.memory_space<vmem>>
    %dma_start3A_246 = arith.constant 0 : i32
    %dma_start3A_247 = tpu.memref_slice %arg2[%dma_start3A_246] : memref<1304576xf32, #tpu.memory_space<hbm>> -> memref<1304576xf32, #tpu.memory_space<hbm>>
    tpu.enqueue_indirect_dma source(%dma_start3A_247 : memref<1304576xf32, #tpu.memory_space<hbm>>) target(%dma_start3A_242 : memref<128xf32, #tpu.memory_space<vmem>>) offsets(%dma_start3A_245 : memref<128xi32, #tpu.memory_space<vmem>>) semaphore(%arg11 : memref<!tpu.dma_semaphore, #tpu.memory_space<semaphore_mem>>)
    %dma_start3A_248 = arith.constant 6 : i32
    %dma_start3A_249 = arith.constant 6 : i32
    %dma_start3A_250 = arith.constant 0 : i32
    %dma_start3A_251 = tpu.memref_slice %arg8[%dma_start3A_249, %dma_start3A_250] : memref<13x512xf32, #tpu.memory_space<vmem>> -> memref<1x128xf32, #tpu.memory_space<vmem>>
    %dma_start3A_252 = tpu.memref_squeeze %dma_start3A_251 : memref<1x128xf32, #tpu.memory_space<vmem>> -> memref<128xf32, #tpu.memory_space<vmem>>
    %dma_start3A_253 = arith.constant 0 : i32
    %dma_start3A_254 = tpu.memref_slice %arg7[%dma_start3A_248, %dma_start3A_253] : memref<13x512xi32, #tpu.memory_space<vmem>> -> memref<1x128xi32, #tpu.memory_space<vmem>>
    %dma_start3A_255 = tpu.memref_squeeze %dma_start3A_254 : memref<1x128xi32, #tpu.memory_space<vmem>> -> memref<128xi32, #tpu.memory_space<vmem>>
    %dma_start3A_256 = arith.constant 0 : i32
    %dma_start3A_257 = tpu.memref_slice %arg2[%dma_start3A_256] : memref<1304576xf32, #tpu.memory_space<hbm>> -> memref<1304576xf32, #tpu.memory_space<hbm>>
    tpu.enqueue_indirect_dma source(%dma_start3A_257 : memref<1304576xf32, #tpu.memory_space<hbm>>) target(%dma_start3A_252 : memref<128xf32, #tpu.memory_space<vmem>>) offsets(%dma_start3A_255 : memref<128xi32, #tpu.memory_space<vmem>>) semaphore(%arg11 : memref<!tpu.dma_semaphore, #tpu.memory_space<semaphore_mem>>)
    %dma_start3A_258 = arith.constant 6 : i32
    %dma_start3A_259 = arith.constant 6 : i32
    %dma_start3A_260 = arith.constant 128 : i32
    %dma_start3A_261 = tpu.memref_slice %arg8[%dma_start3A_259, %dma_start3A_260] : memref<13x512xf32, #tpu.memory_space<vmem>> -> memref<1x128xf32, #tpu.memory_space<vmem>>
    %dma_start3A_262 = tpu.memref_squeeze %dma_start3A_261 : memref<1x128xf32, #tpu.memory_space<vmem>> -> memref<128xf32, #tpu.memory_space<vmem>>
    %dma_start3A_263 = arith.constant 128 : i32
    %dma_start3A_264 = tpu.memref_slice %arg7[%dma_start3A_258, %dma_start3A_263] : memref<13x512xi32, #tpu.memory_space<vmem>> -> memref<1x128xi32, #tpu.memory_space<vmem>>
    %dma_start3A_265 = tpu.memref_squeeze %dma_start3A_264 : memref<1x128xi32, #tpu.memory_space<vmem>> -> memref<128xi32, #tpu.memory_space<vmem>>
    %dma_start3A_266 = arith.constant 0 : i32
    %dma_start3A_267 = tpu.memref_slice %arg2[%dma_start3A_266] : memref<1304576xf32, #tpu.memory_space<hbm>> -> memref<1304576xf32, #tpu.memory_space<hbm>>
    tpu.enqueue_indirect_dma source(%dma_start3A_267 : memref<1304576xf32, #tpu.memory_space<hbm>>) target(%dma_start3A_262 : memref<128xf32, #tpu.memory_space<vmem>>) offsets(%dma_start3A_265 : memref<128xi32, #tpu.memory_space<vmem>>) semaphore(%arg11 : memref<!tpu.dma_semaphore, #tpu.memory_space<semaphore_mem>>)
    %dma_start3A_268 = arith.constant 6 : i32
    %dma_start3A_269 = arith.constant 6 : i32
    %dma_start3A_270 = arith.constant 256 : i32
    %dma_start3A_271 = tpu.memref_slice %arg8[%dma_start3A_269, %dma_start3A_270] : memref<13x512xf32, #tpu.memory_space<vmem>> -> memref<1x128xf32, #tpu.memory_space<vmem>>
    %dma_start3A_272 = tpu.memref_squeeze %dma_start3A_271 : memref<1x128xf32, #tpu.memory_space<vmem>> -> memref<128xf32, #tpu.memory_space<vmem>>
    %dma_start3A_273 = arith.constant 256 : i32
    %dma_start3A_274 = tpu.memref_slice %arg7[%dma_start3A_268, %dma_start3A_273] : memref<13x512xi32, #tpu.memory_space<vmem>> -> memref<1x128xi32, #tpu.memory_space<vmem>>
    %dma_start3A_275 = tpu.memref_squeeze %dma_start3A_274 : memref<1x128xi32, #tpu.memory_space<vmem>> -> memref<128xi32, #tpu.memory_space<vmem>>
    %dma_start3A_276 = arith.constant 0 : i32
    %dma_start3A_277 = tpu.memref_slice %arg2[%dma_start3A_276] : memref<1304576xf32, #tpu.memory_space<hbm>> -> memref<1304576xf32, #tpu.memory_space<hbm>>
    tpu.enqueue_indirect_dma source(%dma_start3A_277 : memref<1304576xf32, #tpu.memory_space<hbm>>) target(%dma_start3A_272 : memref<128xf32, #tpu.memory_space<vmem>>) offsets(%dma_start3A_275 : memref<128xi32, #tpu.memory_space<vmem>>) semaphore(%arg11 : memref<!tpu.dma_semaphore, #tpu.memory_space<semaphore_mem>>)
    %dma_start3A_278 = arith.constant 6 : i32
    %dma_start3A_279 = arith.constant 6 : i32
    %dma_start3A_280 = arith.constant 384 : i32
    %dma_start3A_281 = tpu.memref_slice %arg8[%dma_start3A_279, %dma_start3A_280] : memref<13x512xf32, #tpu.memory_space<vmem>> -> memref<1x128xf32, #tpu.memory_space<vmem>>
    %dma_start3A_282 = tpu.memref_squeeze %dma_start3A_281 : memref<1x128xf32, #tpu.memory_space<vmem>> -> memref<128xf32, #tpu.memory_space<vmem>>
    %dma_start3A_283 = arith.constant 384 : i32
    %dma_start3A_284 = tpu.memref_slice %arg7[%dma_start3A_278, %dma_start3A_283] : memref<13x512xi32, #tpu.memory_space<vmem>> -> memref<1x128xi32, #tpu.memory_space<vmem>>
    %dma_start3A_285 = tpu.memref_squeeze %dma_start3A_284 : memref<1x128xi32, #tpu.memory_space<vmem>> -> memref<128xi32, #tpu.memory_space<vmem>>
    %dma_start3A_286 = arith.constant 0 : i32
    %dma_start3A_287 = tpu.memref_slice %arg2[%dma_start3A_286] : memref<1304576xf32, #tpu.memory_space<hbm>> -> memref<1304576xf32, #tpu.memory_space<hbm>>
    tpu.enqueue_indirect_dma source(%dma_start3A_287 : memref<1304576xf32, #tpu.memory_space<hbm>>) target(%dma_start3A_282 : memref<128xf32, #tpu.memory_space<vmem>>) offsets(%dma_start3A_285 : memref<128xi32, #tpu.memory_space<vmem>>) semaphore(%arg11 : memref<!tpu.dma_semaphore, #tpu.memory_space<semaphore_mem>>)
    %dma_start3A_288 = arith.constant 7 : i32
    %dma_start3A_289 = arith.constant 7 : i32
    %dma_start3A_290 = arith.constant 0 : i32
    %dma_start3A_291 = tpu.memref_slice %arg8[%dma_start3A_289, %dma_start3A_290] : memref<13x512xf32, #tpu.memory_space<vmem>> -> memref<1x128xf32, #tpu.memory_space<vmem>>
    %dma_start3A_292 = tpu.memref_squeeze %dma_start3A_291 : memref<1x128xf32, #tpu.memory_space<vmem>> -> memref<128xf32, #tpu.memory_space<vmem>>
    %dma_start3A_293 = arith.constant 0 : i32
    %dma_start3A_294 = tpu.memref_slice %arg7[%dma_start3A_288, %dma_start3A_293] : memref<13x512xi32, #tpu.memory_space<vmem>> -> memref<1x128xi32, #tpu.memory_space<vmem>>
    %dma_start3A_295 = tpu.memref_squeeze %dma_start3A_294 : memref<1x128xi32, #tpu.memory_space<vmem>> -> memref<128xi32, #tpu.memory_space<vmem>>
    %dma_start3A_296 = arith.constant 0 : i32
    %dma_start3A_297 = tpu.memref_slice %arg2[%dma_start3A_296] : memref<1304576xf32, #tpu.memory_space<hbm>> -> memref<1304576xf32, #tpu.memory_space<hbm>>
    tpu.enqueue_indirect_dma source(%dma_start3A_297 : memref<1304576xf32, #tpu.memory_space<hbm>>) target(%dma_start3A_292 : memref<128xf32, #tpu.memory_space<vmem>>) offsets(%dma_start3A_295 : memref<128xi32, #tpu.memory_space<vmem>>) semaphore(%arg11 : memref<!tpu.dma_semaphore, #tpu.memory_space<semaphore_mem>>)
    %dma_start3A_298 = arith.constant 7 : i32
    %dma_start3A_299 = arith.constant 7 : i32
    %dma_start3A_300 = arith.constant 128 : i32
    %dma_start3A_301 = tpu.memref_slice %arg8[%dma_start3A_299, %dma_start3A_300] : memref<13x512xf32, #tpu.memory_space<vmem>> -> memref<1x128xf32, #tpu.memory_space<vmem>>
    %dma_start3A_302 = tpu.memref_squeeze %dma_start3A_301 : memref<1x128xf32, #tpu.memory_space<vmem>> -> memref<128xf32, #tpu.memory_space<vmem>>
    %dma_start3A_303 = arith.constant 128 : i32
    %dma_start3A_304 = tpu.memref_slice %arg7[%dma_start3A_298, %dma_start3A_303] : memref<13x512xi32, #tpu.memory_space<vmem>> -> memref<1x128xi32, #tpu.memory_space<vmem>>
    %dma_start3A_305 = tpu.memref_squeeze %dma_start3A_304 : memref<1x128xi32, #tpu.memory_space<vmem>> -> memref<128xi32, #tpu.memory_space<vmem>>
    %dma_start3A_306 = arith.constant 0 : i32
    %dma_start3A_307 = tpu.memref_slice %arg2[%dma_start3A_306] : memref<1304576xf32, #tpu.memory_space<hbm>> -> memref<1304576xf32, #tpu.memory_space<hbm>>
    tpu.enqueue_indirect_dma source(%dma_start3A_307 : memref<1304576xf32, #tpu.memory_space<hbm>>) target(%dma_start3A_302 : memref<128xf32, #tpu.memory_space<vmem>>) offsets(%dma_start3A_305 : memref<128xi32, #tpu.memory_space<vmem>>) semaphore(%arg11 : memref<!tpu.dma_semaphore, #tpu.memory_space<semaphore_mem>>)
    %dma_start3A_308 = arith.constant 7 : i32
    %dma_start3A_309 = arith.constant 7 : i32
    %dma_start3A_310 = arith.constant 256 : i32
    %dma_start3A_311 = tpu.memref_slice %arg8[%dma_start3A_309, %dma_start3A_310] : memref<13x512xf32, #tpu.memory_space<vmem>> -> memref<1x128xf32, #tpu.memory_space<vmem>>
    %dma_start3A_312 = tpu.memref_squeeze %dma_start3A_311 : memref<1x128xf32, #tpu.memory_space<vmem>> -> memref<128xf32, #tpu.memory_space<vmem>>
    %dma_start3A_313 = arith.constant 256 : i32
    %dma_start3A_314 = tpu.memref_slice %arg7[%dma_start3A_308, %dma_start3A_313] : memref<13x512xi32, #tpu.memory_space<vmem>> -> memref<1x128xi32, #tpu.memory_space<vmem>>
    %dma_start3A_315 = tpu.memref_squeeze %dma_start3A_314 : memref<1x128xi32, #tpu.memory_space<vmem>> -> memref<128xi32, #tpu.memory_space<vmem>>
    %dma_start3A_316 = arith.constant 0 : i32
    %dma_start3A_317 = tpu.memref_slice %arg2[%dma_start3A_316] : memref<1304576xf32, #tpu.memory_space<hbm>> -> memref<1304576xf32, #tpu.memory_space<hbm>>
    tpu.enqueue_indirect_dma source(%dma_start3A_317 : memref<1304576xf32, #tpu.memory_space<hbm>>) target(%dma_start3A_312 : memref<128xf32, #tpu.memory_space<vmem>>) offsets(%dma_start3A_315 : memref<128xi32, #tpu.memory_space<vmem>>) semaphore(%arg11 : memref<!tpu.dma_semaphore, #tpu.memory_space<semaphore_mem>>)
    %dma_start3A_318 = arith.constant 7 : i32
    %dma_start3A_319 = arith.constant 7 : i32
    %dma_start3A_320 = arith.constant 384 : i32
    %dma_start3A_321 = tpu.memref_slice %arg8[%dma_start3A_319, %dma_start3A_320] : memref<13x512xf32, #tpu.memory_space<vmem>> -> memref<1x128xf32, #tpu.memory_space<vmem>>
    %dma_start3A_322 = tpu.memref_squeeze %dma_start3A_321 : memref<1x128xf32, #tpu.memory_space<vmem>> -> memref<128xf32, #tpu.memory_space<vmem>>
    %dma_start3A_323 = arith.constant 384 : i32
    %dma_start3A_324 = tpu.memref_slice %arg7[%dma_start3A_318, %dma_start3A_323] : memref<13x512xi32, #tpu.memory_space<vmem>> -> memref<1x128xi32, #tpu.memory_space<vmem>>
    %dma_start3A_325 = tpu.memref_squeeze %dma_start3A_324 : memref<1x128xi32, #tpu.memory_space<vmem>> -> memref<128xi32, #tpu.memory_space<vmem>>
    %dma_start3A_326 = arith.constant 0 : i32
    %dma_start3A_327 = tpu.memref_slice %arg2[%dma_start3A_326] : memref<1304576xf32, #tpu.memory_space<hbm>> -> memref<1304576xf32, #tpu.memory_space<hbm>>
    tpu.enqueue_indirect_dma source(%dma_start3A_327 : memref<1304576xf32, #tpu.memory_space<hbm>>) target(%dma_start3A_322 : memref<128xf32, #tpu.memory_space<vmem>>) offsets(%dma_start3A_325 : memref<128xi32, #tpu.memory_space<vmem>>) semaphore(%arg11 : memref<!tpu.dma_semaphore, #tpu.memory_space<semaphore_mem>>)
    %dma_start3A_328 = arith.constant 8 : i32
    %dma_start3A_329 = arith.constant 8 : i32
    %dma_start3A_330 = arith.constant 0 : i32
    %dma_start3A_331 = tpu.memref_slice %arg8[%dma_start3A_329, %dma_start3A_330] : memref<13x512xf32, #tpu.memory_space<vmem>> -> memref<1x128xf32, #tpu.memory_space<vmem>>
    %dma_start3A_332 = tpu.memref_squeeze %dma_start3A_331 : memref<1x128xf32, #tpu.memory_space<vmem>> -> memref<128xf32, #tpu.memory_space<vmem>>
    %dma_start3A_333 = arith.constant 0 : i32
    %dma_start3A_334 = tpu.memref_slice %arg7[%dma_start3A_328, %dma_start3A_333] : memref<13x512xi32, #tpu.memory_space<vmem>> -> memref<1x128xi32, #tpu.memory_space<vmem>>
    %dma_start3A_335 = tpu.memref_squeeze %dma_start3A_334 : memref<1x128xi32, #tpu.memory_space<vmem>> -> memref<128xi32, #tpu.memory_space<vmem>>
    %dma_start3A_336 = arith.constant 0 : i32
    %dma_start3A_337 = tpu.memref_slice %arg2[%dma_start3A_336] : memref<1304576xf32, #tpu.memory_space<hbm>> -> memref<1304576xf32, #tpu.memory_space<hbm>>
    tpu.enqueue_indirect_dma source(%dma_start3A_337 : memref<1304576xf32, #tpu.memory_space<hbm>>) target(%dma_start3A_332 : memref<128xf32, #tpu.memory_space<vmem>>) offsets(%dma_start3A_335 : memref<128xi32, #tpu.memory_space<vmem>>) semaphore(%arg11 : memref<!tpu.dma_semaphore, #tpu.memory_space<semaphore_mem>>)
    %dma_start3A_338 = arith.constant 8 : i32
    %dma_start3A_339 = arith.constant 8 : i32
    %dma_start3A_340 = arith.constant 128 : i32
    %dma_start3A_341 = tpu.memref_slice %arg8[%dma_start3A_339, %dma_start3A_340] : memref<13x512xf32, #tpu.memory_space<vmem>> -> memref<1x128xf32, #tpu.memory_space<vmem>>
    %dma_start3A_342 = tpu.memref_squeeze %dma_start3A_341 : memref<1x128xf32, #tpu.memory_space<vmem>> -> memref<128xf32, #tpu.memory_space<vmem>>
    %dma_start3A_343 = arith.constant 128 : i32
    %dma_start3A_344 = tpu.memref_slice %arg7[%dma_start3A_338, %dma_start3A_343] : memref<13x512xi32, #tpu.memory_space<vmem>> -> memref<1x128xi32, #tpu.memory_space<vmem>>
    %dma_start3A_345 = tpu.memref_squeeze %dma_start3A_344 : memref<1x128xi32, #tpu.memory_space<vmem>> -> memref<128xi32, #tpu.memory_space<vmem>>
    %dma_start3A_346 = arith.constant 0 : i32
    %dma_start3A_347 = tpu.memref_slice %arg2[%dma_start3A_346] : memref<1304576xf32, #tpu.memory_space<hbm>> -> memref<1304576xf32, #tpu.memory_space<hbm>>
    tpu.enqueue_indirect_dma source(%dma_start3A_347 : memref<1304576xf32, #tpu.memory_space<hbm>>) target(%dma_start3A_342 : memref<128xf32, #tpu.memory_space<vmem>>) offsets(%dma_start3A_345 : memref<128xi32, #tpu.memory_space<vmem>>) semaphore(%arg11 : memref<!tpu.dma_semaphore, #tpu.memory_space<semaphore_mem>>)
    %dma_start3A_348 = arith.constant 8 : i32
    %dma_start3A_349 = arith.constant 8 : i32
    %dma_start3A_350 = arith.constant 256 : i32
    %dma_start3A_351 = tpu.memref_slice %arg8[%dma_start3A_349, %dma_start3A_350] : memref<13x512xf32, #tpu.memory_space<vmem>> -> memref<1x128xf32, #tpu.memory_space<vmem>>
    %dma_start3A_352 = tpu.memref_squeeze %dma_start3A_351 : memref<1x128xf32, #tpu.memory_space<vmem>> -> memref<128xf32, #tpu.memory_space<vmem>>
    %dma_start3A_353 = arith.constant 256 : i32
    %dma_start3A_354 = tpu.memref_slice %arg7[%dma_start3A_348, %dma_start3A_353] : memref<13x512xi32, #tpu.memory_space<vmem>> -> memref<1x128xi32, #tpu.memory_space<vmem>>
    %dma_start3A_355 = tpu.memref_squeeze %dma_start3A_354 : memref<1x128xi32, #tpu.memory_space<vmem>> -> memref<128xi32, #tpu.memory_space<vmem>>
    %dma_start3A_356 = arith.constant 0 : i32
    %dma_start3A_357 = tpu.memref_slice %arg2[%dma_start3A_356] : memref<1304576xf32, #tpu.memory_space<hbm>> -> memref<1304576xf32, #tpu.memory_space<hbm>>
    tpu.enqueue_indirect_dma source(%dma_start3A_357 : memref<1304576xf32, #tpu.memory_space<hbm>>) target(%dma_start3A_352 : memref<128xf32, #tpu.memory_space<vmem>>) offsets(%dma_start3A_355 : memref<128xi32, #tpu.memory_space<vmem>>) semaphore(%arg11 : memref<!tpu.dma_semaphore, #tpu.memory_space<semaphore_mem>>)
    %dma_start3A_358 = arith.constant 8 : i32
    %dma_start3A_359 = arith.constant 8 : i32
    %dma_start3A_360 = arith.constant 384 : i32
    %dma_start3A_361 = tpu.memref_slice %arg8[%dma_start3A_359, %dma_start3A_360] : memref<13x512xf32, #tpu.memory_space<vmem>> -> memref<1x128xf32, #tpu.memory_space<vmem>>
    %dma_start3A_362 = tpu.memref_squeeze %dma_start3A_361 : memref<1x128xf32, #tpu.memory_space<vmem>> -> memref<128xf32, #tpu.memory_space<vmem>>
    %dma_start3A_363 = arith.constant 384 : i32
    %dma_start3A_364 = tpu.memref_slice %arg7[%dma_start3A_358, %dma_start3A_363] : memref<13x512xi32, #tpu.memory_space<vmem>> -> memref<1x128xi32, #tpu.memory_space<vmem>>
    %dma_start3A_365 = tpu.memref_squeeze %dma_start3A_364 : memref<1x128xi32, #tpu.memory_space<vmem>> -> memref<128xi32, #tpu.memory_space<vmem>>
    %dma_start3A_366 = arith.constant 0 : i32
    %dma_start3A_367 = tpu.memref_slice %arg2[%dma_start3A_366] : memref<1304576xf32, #tpu.memory_space<hbm>> -> memref<1304576xf32, #tpu.memory_space<hbm>>
    tpu.enqueue_indirect_dma source(%dma_start3A_367 : memref<1304576xf32, #tpu.memory_space<hbm>>) target(%dma_start3A_362 : memref<128xf32, #tpu.memory_space<vmem>>) offsets(%dma_start3A_365 : memref<128xi32, #tpu.memory_space<vmem>>) semaphore(%arg11 : memref<!tpu.dma_semaphore, #tpu.memory_space<semaphore_mem>>)
    %dma_start3A_368 = arith.constant 9 : i32
    %dma_start3A_369 = arith.constant 9 : i32
    %dma_start3A_370 = arith.constant 0 : i32
    %dma_start3A_371 = tpu.memref_slice %arg8[%dma_start3A_369, %dma_start3A_370] : memref<13x512xf32, #tpu.memory_space<vmem>> -> memref<1x128xf32, #tpu.memory_space<vmem>>
    %dma_start3A_372 = tpu.memref_squeeze %dma_start3A_371 : memref<1x128xf32, #tpu.memory_space<vmem>> -> memref<128xf32, #tpu.memory_space<vmem>>
    %dma_start3A_373 = arith.constant 0 : i32
    %dma_start3A_374 = tpu.memref_slice %arg7[%dma_start3A_368, %dma_start3A_373] : memref<13x512xi32, #tpu.memory_space<vmem>> -> memref<1x128xi32, #tpu.memory_space<vmem>>
    %dma_start3A_375 = tpu.memref_squeeze %dma_start3A_374 : memref<1x128xi32, #tpu.memory_space<vmem>> -> memref<128xi32, #tpu.memory_space<vmem>>
    %dma_start3A_376 = arith.constant 0 : i32
    %dma_start3A_377 = tpu.memref_slice %arg2[%dma_start3A_376] : memref<1304576xf32, #tpu.memory_space<hbm>> -> memref<1304576xf32, #tpu.memory_space<hbm>>
    tpu.enqueue_indirect_dma source(%dma_start3A_377 : memref<1304576xf32, #tpu.memory_space<hbm>>) target(%dma_start3A_372 : memref<128xf32, #tpu.memory_space<vmem>>) offsets(%dma_start3A_375 : memref<128xi32, #tpu.memory_space<vmem>>) semaphore(%arg11 : memref<!tpu.dma_semaphore, #tpu.memory_space<semaphore_mem>>)
    %dma_start3A_378 = arith.constant 9 : i32
    %dma_start3A_379 = arith.constant 9 : i32
    %dma_start3A_380 = arith.constant 128 : i32
    %dma_start3A_381 = tpu.memref_slice %arg8[%dma_start3A_379, %dma_start3A_380] : memref<13x512xf32, #tpu.memory_space<vmem>> -> memref<1x128xf32, #tpu.memory_space<vmem>>
    %dma_start3A_382 = tpu.memref_squeeze %dma_start3A_381 : memref<1x128xf32, #tpu.memory_space<vmem>> -> memref<128xf32, #tpu.memory_space<vmem>>
    %dma_start3A_383 = arith.constant 128 : i32
    %dma_start3A_384 = tpu.memref_slice %arg7[%dma_start3A_378, %dma_start3A_383] : memref<13x512xi32, #tpu.memory_space<vmem>> -> memref<1x128xi32, #tpu.memory_space<vmem>>
    %dma_start3A_385 = tpu.memref_squeeze %dma_start3A_384 : memref<1x128xi32, #tpu.memory_space<vmem>> -> memref<128xi32, #tpu.memory_space<vmem>>
    %dma_start3A_386 = arith.constant 0 : i32
    %dma_start3A_387 = tpu.memref_slice %arg2[%dma_start3A_386] : memref<1304576xf32, #tpu.memory_space<hbm>> -> memref<1304576xf32, #tpu.memory_space<hbm>>
    tpu.enqueue_indirect_dma source(%dma_start3A_387 : memref<1304576xf32, #tpu.memory_space<hbm>>) target(%dma_start3A_382 : memref<128xf32, #tpu.memory_space<vmem>>) offsets(%dma_start3A_385 : memref<128xi32, #tpu.memory_space<vmem>>) semaphore(%arg11 : memref<!tpu.dma_semaphore, #tpu.memory_space<semaphore_mem>>)
    %dma_start3A_388 = arith.constant 9 : i32
    %dma_start3A_389 = arith.constant 9 : i32
    %dma_start3A_390 = arith.constant 256 : i32
    %dma_start3A_391 = tpu.memref_slice %arg8[%dma_start3A_389, %dma_start3A_390] : memref<13x512xf32, #tpu.memory_space<vmem>> -> memref<1x128xf32, #tpu.memory_space<vmem>>
    %dma_start3A_392 = tpu.memref_squeeze %dma_start3A_391 : memref<1x128xf32, #tpu.memory_space<vmem>> -> memref<128xf32, #tpu.memory_space<vmem>>
    %dma_start3A_393 = arith.constant 256 : i32
    %dma_start3A_394 = tpu.memref_slice %arg7[%dma_start3A_388, %dma_start3A_393] : memref<13x512xi32, #tpu.memory_space<vmem>> -> memref<1x128xi32, #tpu.memory_space<vmem>>
    %dma_start3A_395 = tpu.memref_squeeze %dma_start3A_394 : memref<1x128xi32, #tpu.memory_space<vmem>> -> memref<128xi32, #tpu.memory_space<vmem>>
    %dma_start3A_396 = arith.constant 0 : i32
    %dma_start3A_397 = tpu.memref_slice %arg2[%dma_start3A_396] : memref<1304576xf32, #tpu.memory_space<hbm>> -> memref<1304576xf32, #tpu.memory_space<hbm>>
    tpu.enqueue_indirect_dma source(%dma_start3A_397 : memref<1304576xf32, #tpu.memory_space<hbm>>) target(%dma_start3A_392 : memref<128xf32, #tpu.memory_space<vmem>>) offsets(%dma_start3A_395 : memref<128xi32, #tpu.memory_space<vmem>>) semaphore(%arg11 : memref<!tpu.dma_semaphore, #tpu.memory_space<semaphore_mem>>)
    %dma_start3A_398 = arith.constant 9 : i32
    %dma_start3A_399 = arith.constant 9 : i32
    %dma_start3A_400 = arith.constant 384 : i32
    %dma_start3A_401 = tpu.memref_slice %arg8[%dma_start3A_399, %dma_start3A_400] : memref<13x512xf32, #tpu.memory_space<vmem>> -> memref<1x128xf32, #tpu.memory_space<vmem>>
    %dma_start3A_402 = tpu.memref_squeeze %dma_start3A_401 : memref<1x128xf32, #tpu.memory_space<vmem>> -> memref<128xf32, #tpu.memory_space<vmem>>
    %dma_start3A_403 = arith.constant 384 : i32
    %dma_start3A_404 = tpu.memref_slice %arg7[%dma_start3A_398, %dma_start3A_403] : memref<13x512xi32, #tpu.memory_space<vmem>> -> memref<1x128xi32, #tpu.memory_space<vmem>>
    %dma_start3A_405 = tpu.memref_squeeze %dma_start3A_404 : memref<1x128xi32, #tpu.memory_space<vmem>> -> memref<128xi32, #tpu.memory_space<vmem>>
    %dma_start3A_406 = arith.constant 0 : i32
    %dma_start3A_407 = tpu.memref_slice %arg2[%dma_start3A_406] : memref<1304576xf32, #tpu.memory_space<hbm>> -> memref<1304576xf32, #tpu.memory_space<hbm>>
    tpu.enqueue_indirect_dma source(%dma_start3A_407 : memref<1304576xf32, #tpu.memory_space<hbm>>) target(%dma_start3A_402 : memref<128xf32, #tpu.memory_space<vmem>>) offsets(%dma_start3A_405 : memref<128xi32, #tpu.memory_space<vmem>>) semaphore(%arg11 : memref<!tpu.dma_semaphore, #tpu.memory_space<semaphore_mem>>)
    %dma_start3A_408 = arith.constant 10 : i32
    %dma_start3A_409 = arith.constant 10 : i32
    %dma_start3A_410 = arith.constant 0 : i32
    %dma_start3A_411 = tpu.memref_slice %arg8[%dma_start3A_409, %dma_start3A_410] : memref<13x512xf32, #tpu.memory_space<vmem>> -> memref<1x128xf32, #tpu.memory_space<vmem>>
    %dma_start3A_412 = tpu.memref_squeeze %dma_start3A_411 : memref<1x128xf32, #tpu.memory_space<vmem>> -> memref<128xf32, #tpu.memory_space<vmem>>
    %dma_start3A_413 = arith.constant 0 : i32
    %dma_start3A_414 = tpu.memref_slice %arg7[%dma_start3A_408, %dma_start3A_413] : memref<13x512xi32, #tpu.memory_space<vmem>> -> memref<1x128xi32, #tpu.memory_space<vmem>>
    %dma_start3A_415 = tpu.memref_squeeze %dma_start3A_414 : memref<1x128xi32, #tpu.memory_space<vmem>> -> memref<128xi32, #tpu.memory_space<vmem>>
    %dma_start3A_416 = arith.constant 0 : i32
    %dma_start3A_417 = tpu.memref_slice %arg2[%dma_start3A_416] : memref<1304576xf32, #tpu.memory_space<hbm>> -> memref<1304576xf32, #tpu.memory_space<hbm>>
    tpu.enqueue_indirect_dma source(%dma_start3A_417 : memref<1304576xf32, #tpu.memory_space<hbm>>) target(%dma_start3A_412 : memref<128xf32, #tpu.memory_space<vmem>>) offsets(%dma_start3A_415 : memref<128xi32, #tpu.memory_space<vmem>>) semaphore(%arg11 : memref<!tpu.dma_semaphore, #tpu.memory_space<semaphore_mem>>)
    %dma_start3A_418 = arith.constant 10 : i32
    %dma_start3A_419 = arith.constant 10 : i32
    %dma_start3A_420 = arith.constant 128 : i32
    %dma_start3A_421 = tpu.memref_slice %arg8[%dma_start3A_419, %dma_start3A_420] : memref<13x512xf32, #tpu.memory_space<vmem>> -> memref<1x128xf32, #tpu.memory_space<vmem>>
    %dma_start3A_422 = tpu.memref_squeeze %dma_start3A_421 : memref<1x128xf32, #tpu.memory_space<vmem>> -> memref<128xf32, #tpu.memory_space<vmem>>
    %dma_start3A_423 = arith.constant 128 : i32
    %dma_start3A_424 = tpu.memref_slice %arg7[%dma_start3A_418, %dma_start3A_423] : memref<13x512xi32, #tpu.memory_space<vmem>> -> memref<1x128xi32, #tpu.memory_space<vmem>>
    %dma_start3A_425 = tpu.memref_squeeze %dma_start3A_424 : memref<1x128xi32, #tpu.memory_space<vmem>> -> memref<128xi32, #tpu.memory_space<vmem>>
    %dma_start3A_426 = arith.constant 0 : i32
    %dma_start3A_427 = tpu.memref_slice %arg2[%dma_start3A_426] : memref<1304576xf32, #tpu.memory_space<hbm>> -> memref<1304576xf32, #tpu.memory_space<hbm>>
    tpu.enqueue_indirect_dma source(%dma_start3A_427 : memref<1304576xf32, #tpu.memory_space<hbm>>) target(%dma_start3A_422 : memref<128xf32, #tpu.memory_space<vmem>>) offsets(%dma_start3A_425 : memref<128xi32, #tpu.memory_space<vmem>>) semaphore(%arg11 : memref<!tpu.dma_semaphore, #tpu.memory_space<semaphore_mem>>)
    %dma_start3A_428 = arith.constant 10 : i32
    %dma_start3A_429 = arith.constant 10 : i32
    %dma_start3A_430 = arith.constant 256 : i32
    %dma_start3A_431 = tpu.memref_slice %arg8[%dma_start3A_429, %dma_start3A_430] : memref<13x512xf32, #tpu.memory_space<vmem>> -> memref<1x128xf32, #tpu.memory_space<vmem>>
    %dma_start3A_432 = tpu.memref_squeeze %dma_start3A_431 : memref<1x128xf32, #tpu.memory_space<vmem>> -> memref<128xf32, #tpu.memory_space<vmem>>
    %dma_start3A_433 = arith.constant 256 : i32
    %dma_start3A_434 = tpu.memref_slice %arg7[%dma_start3A_428, %dma_start3A_433] : memref<13x512xi32, #tpu.memory_space<vmem>> -> memref<1x128xi32, #tpu.memory_space<vmem>>
    %dma_start3A_435 = tpu.memref_squeeze %dma_start3A_434 : memref<1x128xi32, #tpu.memory_space<vmem>> -> memref<128xi32, #tpu.memory_space<vmem>>
    %dma_start3A_436 = arith.constant 0 : i32
    %dma_start3A_437 = tpu.memref_slice %arg2[%dma_start3A_436] : memref<1304576xf32, #tpu.memory_space<hbm>> -> memref<1304576xf32, #tpu.memory_space<hbm>>
    tpu.enqueue_indirect_dma source(%dma_start3A_437 : memref<1304576xf32, #tpu.memory_space<hbm>>) target(%dma_start3A_432 : memref<128xf32, #tpu.memory_space<vmem>>) offsets(%dma_start3A_435 : memref<128xi32, #tpu.memory_space<vmem>>) semaphore(%arg11 : memref<!tpu.dma_semaphore, #tpu.memory_space<semaphore_mem>>)
    %dma_start3A_438 = arith.constant 10 : i32
    %dma_start3A_439 = arith.constant 10 : i32
    %dma_start3A_440 = arith.constant 384 : i32
    %dma_start3A_441 = tpu.memref_slice %arg8[%dma_start3A_439, %dma_start3A_440] : memref<13x512xf32, #tpu.memory_space<vmem>> -> memref<1x128xf32, #tpu.memory_space<vmem>>
    %dma_start3A_442 = tpu.memref_squeeze %dma_start3A_441 : memref<1x128xf32, #tpu.memory_space<vmem>> -> memref<128xf32, #tpu.memory_space<vmem>>
    %dma_start3A_443 = arith.constant 384 : i32
    %dma_start3A_444 = tpu.memref_slice %arg7[%dma_start3A_438, %dma_start3A_443] : memref<13x512xi32, #tpu.memory_space<vmem>> -> memref<1x128xi32, #tpu.memory_space<vmem>>
    %dma_start3A_445 = tpu.memref_squeeze %dma_start3A_444 : memref<1x128xi32, #tpu.memory_space<vmem>> -> memref<128xi32, #tpu.memory_space<vmem>>
    %dma_start3A_446 = arith.constant 0 : i32
    %dma_start3A_447 = tpu.memref_slice %arg2[%dma_start3A_446] : memref<1304576xf32, #tpu.memory_space<hbm>> -> memref<1304576xf32, #tpu.memory_space<hbm>>
    tpu.enqueue_indirect_dma source(%dma_start3A_447 : memref<1304576xf32, #tpu.memory_space<hbm>>) target(%dma_start3A_442 : memref<128xf32, #tpu.memory_space<vmem>>) offsets(%dma_start3A_445 : memref<128xi32, #tpu.memory_space<vmem>>) semaphore(%arg11 : memref<!tpu.dma_semaphore, #tpu.memory_space<semaphore_mem>>)
    %dma_start3A_448 = arith.constant 11 : i32
    %dma_start3A_449 = arith.constant 11 : i32
    %dma_start3A_450 = arith.constant 0 : i32
    %dma_start3A_451 = tpu.memref_slice %arg8[%dma_start3A_449, %dma_start3A_450] : memref<13x512xf32, #tpu.memory_space<vmem>> -> memref<1x128xf32, #tpu.memory_space<vmem>>
    %dma_start3A_452 = tpu.memref_squeeze %dma_start3A_451 : memref<1x128xf32, #tpu.memory_space<vmem>> -> memref<128xf32, #tpu.memory_space<vmem>>
    %dma_start3A_453 = arith.constant 0 : i32
    %dma_start3A_454 = tpu.memref_slice %arg7[%dma_start3A_448, %dma_start3A_453] : memref<13x512xi32, #tpu.memory_space<vmem>> -> memref<1x128xi32, #tpu.memory_space<vmem>>
    %dma_start3A_455 = tpu.memref_squeeze %dma_start3A_454 : memref<1x128xi32, #tpu.memory_space<vmem>> -> memref<128xi32, #tpu.memory_space<vmem>>
    %dma_start3A_456 = arith.constant 0 : i32
    %dma_start3A_457 = tpu.memref_slice %arg2[%dma_start3A_456] : memref<1304576xf32, #tpu.memory_space<hbm>> -> memref<1304576xf32, #tpu.memory_space<hbm>>
    tpu.enqueue_indirect_dma source(%dma_start3A_457 : memref<1304576xf32, #tpu.memory_space<hbm>>) target(%dma_start3A_452 : memref<128xf32, #tpu.memory_space<vmem>>) offsets(%dma_start3A_455 : memref<128xi32, #tpu.memory_space<vmem>>) semaphore(%arg11 : memref<!tpu.dma_semaphore, #tpu.memory_space<semaphore_mem>>)
    %dma_start3A_458 = arith.constant 11 : i32
    %dma_start3A_459 = arith.constant 11 : i32
    %dma_start3A_460 = arith.constant 128 : i32
    %dma_start3A_461 = tpu.memref_slice %arg8[%dma_start3A_459, %dma_start3A_460] : memref<13x512xf32, #tpu.memory_space<vmem>> -> memref<1x128xf32, #tpu.memory_space<vmem>>
    %dma_start3A_462 = tpu.memref_squeeze %dma_start3A_461 : memref<1x128xf32, #tpu.memory_space<vmem>> -> memref<128xf32, #tpu.memory_space<vmem>>
    %dma_start3A_463 = arith.constant 128 : i32
    %dma_start3A_464 = tpu.memref_slice %arg7[%dma_start3A_458, %dma_start3A_463] : memref<13x512xi32, #tpu.memory_space<vmem>> -> memref<1x128xi32, #tpu.memory_space<vmem>>
    %dma_start3A_465 = tpu.memref_squeeze %dma_start3A_464 : memref<1x128xi32, #tpu.memory_space<vmem>> -> memref<128xi32, #tpu.memory_space<vmem>>
    %dma_start3A_466 = arith.constant 0 : i32
    %dma_start3A_467 = tpu.memref_slice %arg2[%dma_start3A_466] : memref<1304576xf32, #tpu.memory_space<hbm>> -> memref<1304576xf32, #tpu.memory_space<hbm>>
    tpu.enqueue_indirect_dma source(%dma_start3A_467 : memref<1304576xf32, #tpu.memory_space<hbm>>) target(%dma_start3A_462 : memref<128xf32, #tpu.memory_space<vmem>>) offsets(%dma_start3A_465 : memref<128xi32, #tpu.memory_space<vmem>>) semaphore(%arg11 : memref<!tpu.dma_semaphore, #tpu.memory_space<semaphore_mem>>)
    %dma_start3A_468 = arith.constant 11 : i32
    %dma_start3A_469 = arith.constant 11 : i32
    %dma_start3A_470 = arith.constant 256 : i32
    %dma_start3A_471 = tpu.memref_slice %arg8[%dma_start3A_469, %dma_start3A_470] : memref<13x512xf32, #tpu.memory_space<vmem>> -> memref<1x128xf32, #tpu.memory_space<vmem>>
    %dma_start3A_472 = tpu.memref_squeeze %dma_start3A_471 : memref<1x128xf32, #tpu.memory_space<vmem>> -> memref<128xf32, #tpu.memory_space<vmem>>
    %dma_start3A_473 = arith.constant 256 : i32
    %dma_start3A_474 = tpu.memref_slice %arg7[%dma_start3A_468, %dma_start3A_473] : memref<13x512xi32, #tpu.memory_space<vmem>> -> memref<1x128xi32, #tpu.memory_space<vmem>>
    %dma_start3A_475 = tpu.memref_squeeze %dma_start3A_474 : memref<1x128xi32, #tpu.memory_space<vmem>> -> memref<128xi32, #tpu.memory_space<vmem>>
    %dma_start3A_476 = arith.constant 0 : i32
    %dma_start3A_477 = tpu.memref_slice %arg2[%dma_start3A_476] : memref<1304576xf32, #tpu.memory_space<hbm>> -> memref<1304576xf32, #tpu.memory_space<hbm>>
    tpu.enqueue_indirect_dma source(%dma_start3A_477 : memref<1304576xf32, #tpu.memory_space<hbm>>) target(%dma_start3A_472 : memref<128xf32, #tpu.memory_space<vmem>>) offsets(%dma_start3A_475 : memref<128xi32, #tpu.memory_space<vmem>>) semaphore(%arg11 : memref<!tpu.dma_semaphore, #tpu.memory_space<semaphore_mem>>)
    %dma_start3A_478 = arith.constant 11 : i32
    %dma_start3A_479 = arith.constant 11 : i32
    %dma_start3A_480 = arith.constant 384 : i32
    %dma_start3A_481 = tpu.memref_slice %arg8[%dma_start3A_479, %dma_start3A_480] : memref<13x512xf32, #tpu.memory_space<vmem>> -> memref<1x128xf32, #tpu.memory_space<vmem>>
    %dma_start3A_482 = tpu.memref_squeeze %dma_start3A_481 : memref<1x128xf32, #tpu.memory_space<vmem>> -> memref<128xf32, #tpu.memory_space<vmem>>
    %dma_start3A_483 = arith.constant 384 : i32
    %dma_start3A_484 = tpu.memref_slice %arg7[%dma_start3A_478, %dma_start3A_483] : memref<13x512xi32, #tpu.memory_space<vmem>> -> memref<1x128xi32, #tpu.memory_space<vmem>>
    %dma_start3A_485 = tpu.memref_squeeze %dma_start3A_484 : memref<1x128xi32, #tpu.memory_space<vmem>> -> memref<128xi32, #tpu.memory_space<vmem>>
    %dma_start3A_486 = arith.constant 0 : i32
    %dma_start3A_487 = tpu.memref_slice %arg2[%dma_start3A_486] : memref<1304576xf32, #tpu.memory_space<hbm>> -> memref<1304576xf32, #tpu.memory_space<hbm>>
    tpu.enqueue_indirect_dma source(%dma_start3A_487 : memref<1304576xf32, #tpu.memory_space<hbm>>) target(%dma_start3A_482 : memref<128xf32, #tpu.memory_space<vmem>>) offsets(%dma_start3A_485 : memref<128xi32, #tpu.memory_space<vmem>>) semaphore(%arg11 : memref<!tpu.dma_semaphore, #tpu.memory_space<semaphore_mem>>)
    %dma_start3A_488 = arith.constant 12 : i32
    %dma_start3A_489 = arith.constant 12 : i32
    %dma_start3A_490 = arith.constant 0 : i32
    %dma_start3A_491 = tpu.memref_slice %arg8[%dma_start3A_489, %dma_start3A_490] : memref<13x512xf32, #tpu.memory_space<vmem>> -> memref<1x128xf32, #tpu.memory_space<vmem>>
    %dma_start3A_492 = tpu.memref_squeeze %dma_start3A_491 : memref<1x128xf32, #tpu.memory_space<vmem>> -> memref<128xf32, #tpu.memory_space<vmem>>
    %dma_start3A_493 = arith.constant 0 : i32
    %dma_start3A_494 = tpu.memref_slice %arg7[%dma_start3A_488, %dma_start3A_493] : memref<13x512xi32, #tpu.memory_space<vmem>> -> memref<1x128xi32, #tpu.memory_space<vmem>>
    %dma_start3A_495 = tpu.memref_squeeze %dma_start3A_494 : memref<1x128xi32, #tpu.memory_space<vmem>> -> memref<128xi32, #tpu.memory_space<vmem>>
    %dma_start3A_496 = arith.constant 0 : i32
    %dma_start3A_497 = tpu.memref_slice %arg2[%dma_start3A_496] : memref<1304576xf32, #tpu.memory_space<hbm>> -> memref<1304576xf32, #tpu.memory_space<hbm>>
    tpu.enqueue_indirect_dma source(%dma_start3A_497 : memref<1304576xf32, #tpu.memory_space<hbm>>) target(%dma_start3A_492 : memref<128xf32, #tpu.memory_space<vmem>>) offsets(%dma_start3A_495 : memref<128xi32, #tpu.memory_space<vmem>>) semaphore(%arg11 : memref<!tpu.dma_semaphore, #tpu.memory_space<semaphore_mem>>)
    %dma_start3A_498 = arith.constant 12 : i32
    %dma_start3A_499 = arith.constant 12 : i32
    %dma_start3A_500 = arith.constant 128 : i32
    %dma_start3A_501 = tpu.memref_slice %arg8[%dma_start3A_499, %dma_start3A_500] : memref<13x512xf32, #tpu.memory_space<vmem>> -> memref<1x128xf32, #tpu.memory_space<vmem>>
    %dma_start3A_502 = tpu.memref_squeeze %dma_start3A_501 : memref<1x128xf32, #tpu.memory_space<vmem>> -> memref<128xf32, #tpu.memory_space<vmem>>
    %dma_start3A_503 = arith.constant 128 : i32
    %dma_start3A_504 = tpu.memref_slice %arg7[%dma_start3A_498, %dma_start3A_503] : memref<13x512xi32, #tpu.memory_space<vmem>> -> memref<1x128xi32, #tpu.memory_space<vmem>>
    %dma_start3A_505 = tpu.memref_squeeze %dma_start3A_504 : memref<1x128xi32, #tpu.memory_space<vmem>> -> memref<128xi32, #tpu.memory_space<vmem>>
    %dma_start3A_506 = arith.constant 0 : i32
    %dma_start3A_507 = tpu.memref_slice %arg2[%dma_start3A_506] : memref<1304576xf32, #tpu.memory_space<hbm>> -> memref<1304576xf32, #tpu.memory_space<hbm>>
    tpu.enqueue_indirect_dma source(%dma_start3A_507 : memref<1304576xf32, #tpu.memory_space<hbm>>) target(%dma_start3A_502 : memref<128xf32, #tpu.memory_space<vmem>>) offsets(%dma_start3A_505 : memref<128xi32, #tpu.memory_space<vmem>>) semaphore(%arg11 : memref<!tpu.dma_semaphore, #tpu.memory_space<semaphore_mem>>)
    %dma_start3A_508 = arith.constant 12 : i32
    %dma_start3A_509 = arith.constant 12 : i32
    %dma_start3A_510 = arith.constant 256 : i32
    %dma_start3A_511 = tpu.memref_slice %arg8[%dma_start3A_509, %dma_start3A_510] : memref<13x512xf32, #tpu.memory_space<vmem>> -> memref<1x128xf32, #tpu.memory_space<vmem>>
    %dma_start3A_512 = tpu.memref_squeeze %dma_start3A_511 : memref<1x128xf32, #tpu.memory_space<vmem>> -> memref<128xf32, #tpu.memory_space<vmem>>
    %dma_start3A_513 = arith.constant 256 : i32
    %dma_start3A_514 = tpu.memref_slice %arg7[%dma_start3A_508, %dma_start3A_513] : memref<13x512xi32, #tpu.memory_space<vmem>> -> memref<1x128xi32, #tpu.memory_space<vmem>>
    %dma_start3A_515 = tpu.memref_squeeze %dma_start3A_514 : memref<1x128xi32, #tpu.memory_space<vmem>> -> memref<128xi32, #tpu.memory_space<vmem>>
    %dma_start3A_516 = arith.constant 0 : i32
    %dma_start3A_517 = tpu.memref_slice %arg2[%dma_start3A_516] : memref<1304576xf32, #tpu.memory_space<hbm>> -> memref<1304576xf32, #tpu.memory_space<hbm>>
    tpu.enqueue_indirect_dma source(%dma_start3A_517 : memref<1304576xf32, #tpu.memory_space<hbm>>) target(%dma_start3A_512 : memref<128xf32, #tpu.memory_space<vmem>>) offsets(%dma_start3A_515 : memref<128xi32, #tpu.memory_space<vmem>>) semaphore(%arg11 : memref<!tpu.dma_semaphore, #tpu.memory_space<semaphore_mem>>)
    %dma_start3A_518 = arith.constant 12 : i32
    %dma_start3A_519 = arith.constant 12 : i32
    %dma_start3A_520 = arith.constant 384 : i32
    %dma_start3A_521 = tpu.memref_slice %arg8[%dma_start3A_519, %dma_start3A_520] : memref<13x512xf32, #tpu.memory_space<vmem>> -> memref<1x128xf32, #tpu.memory_space<vmem>>
    %dma_start3A_522 = tpu.memref_squeeze %dma_start3A_521 : memref<1x128xf32, #tpu.memory_space<vmem>> -> memref<128xf32, #tpu.memory_space<vmem>>
    %dma_start3A_523 = arith.constant 384 : i32
    %dma_start3A_524 = tpu.memref_slice %arg7[%dma_start3A_518, %dma_start3A_523] : memref<13x512xi32, #tpu.memory_space<vmem>> -> memref<1x128xi32, #tpu.memory_space<vmem>>
    %dma_start3A_525 = tpu.memref_squeeze %dma_start3A_524 : memref<1x128xi32, #tpu.memory_space<vmem>> -> memref<128xi32, #tpu.memory_space<vmem>>
    %dma_start3A_526 = arith.constant 0 : i32
    %dma_start3A_527 = tpu.memref_slice %arg2[%dma_start3A_526] : memref<1304576xf32, #tpu.memory_space<hbm>> -> memref<1304576xf32, #tpu.memory_space<hbm>>
    tpu.enqueue_indirect_dma source(%dma_start3A_527 : memref<1304576xf32, #tpu.memory_space<hbm>>) target(%dma_start3A_522 : memref<128xf32, #tpu.memory_space<vmem>>) offsets(%dma_start3A_525 : memref<128xi32, #tpu.memory_space<vmem>>) semaphore(%arg11 : memref<!tpu.dma_semaphore, #tpu.memory_space<semaphore_mem>>)
    %dma_wait3A = arith.constant 0 : i32
    %dma_wait3A_528 = arith.constant 0 : i32
    %dma_wait3A_529 = arith.constant 0 : i32
    %dma_wait3A_530 = tpu.memref_slice %arg8[%dma_wait3A_528, %dma_wait3A_529] : memref<13x512xf32, #tpu.memory_space<vmem>> -> memref<1x128xf32, #tpu.memory_space<vmem>>
    %dma_wait3A_531 = tpu.memref_squeeze %dma_wait3A_530 : memref<1x128xf32, #tpu.memory_space<vmem>> -> memref<128xf32, #tpu.memory_space<vmem>>
    %dma_wait3A_532 = arith.constant 0 : i32
    %dma_wait3A_533 = tpu.memref_slice %arg7[%dma_wait3A, %dma_wait3A_532] : memref<13x512xi32, #tpu.memory_space<vmem>> -> memref<1x128xi32, #tpu.memory_space<vmem>>
    %dma_wait3A_534 = tpu.memref_squeeze %dma_wait3A_533 : memref<1x128xi32, #tpu.memory_space<vmem>> -> memref<128xi32, #tpu.memory_space<vmem>>
    %dma_wait3A_535 = arith.constant 0 : i32
    %dma_wait3A_536 = tpu.memref_slice %arg2[%dma_wait3A_535] : memref<1304576xf32, #tpu.memory_space<hbm>> -> memref<1304576xf32, #tpu.memory_space<hbm>>
    tpu.wait_indirect_dma semaphore(%arg11 : memref<!tpu.dma_semaphore, #tpu.memory_space<semaphore_mem>>) src(%dma_wait3A_536 : memref<1304576xf32, #tpu.memory_space<hbm>>) dst(%dma_wait3A_531 : memref<128xf32, #tpu.memory_space<vmem>>)
    %dma_wait3A_537 = arith.constant 0 : i32
    %dma_wait3A_538 = arith.constant 0 : i32
    %dma_wait3A_539 = arith.constant 128 : i32
    %dma_wait3A_540 = tpu.memref_slice %arg8[%dma_wait3A_538, %dma_wait3A_539] : memref<13x512xf32, #tpu.memory_space<vmem>> -> memref<1x128xf32, #tpu.memory_space<vmem>>
    %dma_wait3A_541 = tpu.memref_squeeze %dma_wait3A_540 : memref<1x128xf32, #tpu.memory_space<vmem>> -> memref<128xf32, #tpu.memory_space<vmem>>
    %dma_wait3A_542 = arith.constant 128 : i32
    %dma_wait3A_543 = tpu.memref_slice %arg7[%dma_wait3A_537, %dma_wait3A_542] : memref<13x512xi32, #tpu.memory_space<vmem>> -> memref<1x128xi32, #tpu.memory_space<vmem>>
    %dma_wait3A_544 = tpu.memref_squeeze %dma_wait3A_543 : memref<1x128xi32, #tpu.memory_space<vmem>> -> memref<128xi32, #tpu.memory_space<vmem>>
    %dma_wait3A_545 = arith.constant 0 : i32
    %dma_wait3A_546 = tpu.memref_slice %arg2[%dma_wait3A_545] : memref<1304576xf32, #tpu.memory_space<hbm>> -> memref<1304576xf32, #tpu.memory_space<hbm>>
    tpu.wait_indirect_dma semaphore(%arg11 : memref<!tpu.dma_semaphore, #tpu.memory_space<semaphore_mem>>) src(%dma_wait3A_546 : memref<1304576xf32, #tpu.memory_space<hbm>>) dst(%dma_wait3A_541 : memref<128xf32, #tpu.memory_space<vmem>>)
    %dma_wait3A_547 = arith.constant 0 : i32
    %dma_wait3A_548 = arith.constant 0 : i32
    %dma_wait3A_549 = arith.constant 256 : i32
    %dma_wait3A_550 = tpu.memref_slice %arg8[%dma_wait3A_548, %dma_wait3A_549] : memref<13x512xf32, #tpu.memory_space<vmem>> -> memref<1x128xf32, #tpu.memory_space<vmem>>
    %dma_wait3A_551 = tpu.memref_squeeze %dma_wait3A_550 : memref<1x128xf32, #tpu.memory_space<vmem>> -> memref<128xf32, #tpu.memory_space<vmem>>
    %dma_wait3A_552 = arith.constant 256 : i32
    %dma_wait3A_553 = tpu.memref_slice %arg7[%dma_wait3A_547, %dma_wait3A_552] : memref<13x512xi32, #tpu.memory_space<vmem>> -> memref<1x128xi32, #tpu.memory_space<vmem>>
    %dma_wait3A_554 = tpu.memref_squeeze %dma_wait3A_553 : memref<1x128xi32, #tpu.memory_space<vmem>> -> memref<128xi32, #tpu.memory_space<vmem>>
    %dma_wait3A_555 = arith.constant 0 : i32
    %dma_wait3A_556 = tpu.memref_slice %arg2[%dma_wait3A_555] : memref<1304576xf32, #tpu.memory_space<hbm>> -> memref<1304576xf32, #tpu.memory_space<hbm>>
    tpu.wait_indirect_dma semaphore(%arg11 : memref<!tpu.dma_semaphore, #tpu.memory_space<semaphore_mem>>) src(%dma_wait3A_556 : memref<1304576xf32, #tpu.memory_space<hbm>>) dst(%dma_wait3A_551 : memref<128xf32, #tpu.memory_space<vmem>>)
    %dma_wait3A_557 = arith.constant 0 : i32
    %dma_wait3A_558 = arith.constant 0 : i32
    %dma_wait3A_559 = arith.constant 384 : i32
    %dma_wait3A_560 = tpu.memref_slice %arg8[%dma_wait3A_558, %dma_wait3A_559] : memref<13x512xf32, #tpu.memory_space<vmem>> -> memref<1x128xf32, #tpu.memory_space<vmem>>
    %dma_wait3A_561 = tpu.memref_squeeze %dma_wait3A_560 : memref<1x128xf32, #tpu.memory_space<vmem>> -> memref<128xf32, #tpu.memory_space<vmem>>
    %dma_wait3A_562 = arith.constant 384 : i32
    %dma_wait3A_563 = tpu.memref_slice %arg7[%dma_wait3A_557, %dma_wait3A_562] : memref<13x512xi32, #tpu.memory_space<vmem>> -> memref<1x128xi32, #tpu.memory_space<vmem>>
    %dma_wait3A_564 = tpu.memref_squeeze %dma_wait3A_563 : memref<1x128xi32, #tpu.memory_space<vmem>> -> memref<128xi32, #tpu.memory_space<vmem>>
    %dma_wait3A_565 = arith.constant 0 : i32
    %dma_wait3A_566 = tpu.memref_slice %arg2[%dma_wait3A_565] : memref<1304576xf32, #tpu.memory_space<hbm>> -> memref<1304576xf32, #tpu.memory_space<hbm>>
    tpu.wait_indirect_dma semaphore(%arg11 : memref<!tpu.dma_semaphore, #tpu.memory_space<semaphore_mem>>) src(%dma_wait3A_566 : memref<1304576xf32, #tpu.memory_space<hbm>>) dst(%dma_wait3A_561 : memref<128xf32, #tpu.memory_space<vmem>>)
    %dma_wait3A_567 = arith.constant 1 : i32
    %dma_wait3A_568 = arith.constant 1 : i32
    %dma_wait3A_569 = arith.constant 0 : i32
    %dma_wait3A_570 = tpu.memref_slice %arg8[%dma_wait3A_568, %dma_wait3A_569] : memref<13x512xf32, #tpu.memory_space<vmem>> -> memref<1x128xf32, #tpu.memory_space<vmem>>
    %dma_wait3A_571 = tpu.memref_squeeze %dma_wait3A_570 : memref<1x128xf32, #tpu.memory_space<vmem>> -> memref<128xf32, #tpu.memory_space<vmem>>
    %dma_wait3A_572 = arith.constant 0 : i32
    %dma_wait3A_573 = tpu.memref_slice %arg7[%dma_wait3A_567, %dma_wait3A_572] : memref<13x512xi32, #tpu.memory_space<vmem>> -> memref<1x128xi32, #tpu.memory_space<vmem>>
    %dma_wait3A_574 = tpu.memref_squeeze %dma_wait3A_573 : memref<1x128xi32, #tpu.memory_space<vmem>> -> memref<128xi32, #tpu.memory_space<vmem>>
    %dma_wait3A_575 = arith.constant 0 : i32
    %dma_wait3A_576 = tpu.memref_slice %arg2[%dma_wait3A_575] : memref<1304576xf32, #tpu.memory_space<hbm>> -> memref<1304576xf32, #tpu.memory_space<hbm>>
    tpu.wait_indirect_dma semaphore(%arg11 : memref<!tpu.dma_semaphore, #tpu.memory_space<semaphore_mem>>) src(%dma_wait3A_576 : memref<1304576xf32, #tpu.memory_space<hbm>>) dst(%dma_wait3A_571 : memref<128xf32, #tpu.memory_space<vmem>>)
    %dma_wait3A_577 = arith.constant 1 : i32
    %dma_wait3A_578 = arith.constant 1 : i32
    %dma_wait3A_579 = arith.constant 128 : i32
    %dma_wait3A_580 = tpu.memref_slice %arg8[%dma_wait3A_578, %dma_wait3A_579] : memref<13x512xf32, #tpu.memory_space<vmem>> -> memref<1x128xf32, #tpu.memory_space<vmem>>
    %dma_wait3A_581 = tpu.memref_squeeze %dma_wait3A_580 : memref<1x128xf32, #tpu.memory_space<vmem>> -> memref<128xf32, #tpu.memory_space<vmem>>
    %dma_wait3A_582 = arith.constant 128 : i32
    %dma_wait3A_583 = tpu.memref_slice %arg7[%dma_wait3A_577, %dma_wait3A_582] : memref<13x512xi32, #tpu.memory_space<vmem>> -> memref<1x128xi32, #tpu.memory_space<vmem>>
    %dma_wait3A_584 = tpu.memref_squeeze %dma_wait3A_583 : memref<1x128xi32, #tpu.memory_space<vmem>> -> memref<128xi32, #tpu.memory_space<vmem>>
    %dma_wait3A_585 = arith.constant 0 : i32
    %dma_wait3A_586 = tpu.memref_slice %arg2[%dma_wait3A_585] : memref<1304576xf32, #tpu.memory_space<hbm>> -> memref<1304576xf32, #tpu.memory_space<hbm>>
    tpu.wait_indirect_dma semaphore(%arg11 : memref<!tpu.dma_semaphore, #tpu.memory_space<semaphore_mem>>) src(%dma_wait3A_586 : memref<1304576xf32, #tpu.memory_space<hbm>>) dst(%dma_wait3A_581 : memref<128xf32, #tpu.memory_space<vmem>>)
    %dma_wait3A_587 = arith.constant 1 : i32
    %dma_wait3A_588 = arith.constant 1 : i32
    %dma_wait3A_589 = arith.constant 256 : i32
    %dma_wait3A_590 = tpu.memref_slice %arg8[%dma_wait3A_588, %dma_wait3A_589] : memref<13x512xf32, #tpu.memory_space<vmem>> -> memref<1x128xf32, #tpu.memory_space<vmem>>
    %dma_wait3A_591 = tpu.memref_squeeze %dma_wait3A_590 : memref<1x128xf32, #tpu.memory_space<vmem>> -> memref<128xf32, #tpu.memory_space<vmem>>
    %dma_wait3A_592 = arith.constant 256 : i32
    %dma_wait3A_593 = tpu.memref_slice %arg7[%dma_wait3A_587, %dma_wait3A_592] : memref<13x512xi32, #tpu.memory_space<vmem>> -> memref<1x128xi32, #tpu.memory_space<vmem>>
    %dma_wait3A_594 = tpu.memref_squeeze %dma_wait3A_593 : memref<1x128xi32, #tpu.memory_space<vmem>> -> memref<128xi32, #tpu.memory_space<vmem>>
    %dma_wait3A_595 = arith.constant 0 : i32
    %dma_wait3A_596 = tpu.memref_slice %arg2[%dma_wait3A_595] : memref<1304576xf32, #tpu.memory_space<hbm>> -> memref<1304576xf32, #tpu.memory_space<hbm>>
    tpu.wait_indirect_dma semaphore(%arg11 : memref<!tpu.dma_semaphore, #tpu.memory_space<semaphore_mem>>) src(%dma_wait3A_596 : memref<1304576xf32, #tpu.memory_space<hbm>>) dst(%dma_wait3A_591 : memref<128xf32, #tpu.memory_space<vmem>>)
    %dma_wait3A_597 = arith.constant 1 : i32
    %dma_wait3A_598 = arith.constant 1 : i32
    %dma_wait3A_599 = arith.constant 384 : i32
    %dma_wait3A_600 = tpu.memref_slice %arg8[%dma_wait3A_598, %dma_wait3A_599] : memref<13x512xf32, #tpu.memory_space<vmem>> -> memref<1x128xf32, #tpu.memory_space<vmem>>
    %dma_wait3A_601 = tpu.memref_squeeze %dma_wait3A_600 : memref<1x128xf32, #tpu.memory_space<vmem>> -> memref<128xf32, #tpu.memory_space<vmem>>
    %dma_wait3A_602 = arith.constant 384 : i32
    %dma_wait3A_603 = tpu.memref_slice %arg7[%dma_wait3A_597, %dma_wait3A_602] : memref<13x512xi32, #tpu.memory_space<vmem>> -> memref<1x128xi32, #tpu.memory_space<vmem>>
    %dma_wait3A_604 = tpu.memref_squeeze %dma_wait3A_603 : memref<1x128xi32, #tpu.memory_space<vmem>> -> memref<128xi32, #tpu.memory_space<vmem>>
    %dma_wait3A_605 = arith.constant 0 : i32
    %dma_wait3A_606 = tpu.memref_slice %arg2[%dma_wait3A_605] : memref<1304576xf32, #tpu.memory_space<hbm>> -> memref<1304576xf32, #tpu.memory_space<hbm>>
    tpu.wait_indirect_dma semaphore(%arg11 : memref<!tpu.dma_semaphore, #tpu.memory_space<semaphore_mem>>) src(%dma_wait3A_606 : memref<1304576xf32, #tpu.memory_space<hbm>>) dst(%dma_wait3A_601 : memref<128xf32, #tpu.memory_space<vmem>>)
    %dma_wait3A_607 = arith.constant 2 : i32
    %dma_wait3A_608 = arith.constant 2 : i32
    %dma_wait3A_609 = arith.constant 0 : i32
    %dma_wait3A_610 = tpu.memref_slice %arg8[%dma_wait3A_608, %dma_wait3A_609] : memref<13x512xf32, #tpu.memory_space<vmem>> -> memref<1x128xf32, #tpu.memory_space<vmem>>
    %dma_wait3A_611 = tpu.memref_squeeze %dma_wait3A_610 : memref<1x128xf32, #tpu.memory_space<vmem>> -> memref<128xf32, #tpu.memory_space<vmem>>
    %dma_wait3A_612 = arith.constant 0 : i32
    %dma_wait3A_613 = tpu.memref_slice %arg7[%dma_wait3A_607, %dma_wait3A_612] : memref<13x512xi32, #tpu.memory_space<vmem>> -> memref<1x128xi32, #tpu.memory_space<vmem>>
    %dma_wait3A_614 = tpu.memref_squeeze %dma_wait3A_613 : memref<1x128xi32, #tpu.memory_space<vmem>> -> memref<128xi32, #tpu.memory_space<vmem>>
    %dma_wait3A_615 = arith.constant 0 : i32
    %dma_wait3A_616 = tpu.memref_slice %arg2[%dma_wait3A_615] : memref<1304576xf32, #tpu.memory_space<hbm>> -> memref<1304576xf32, #tpu.memory_space<hbm>>
    tpu.wait_indirect_dma semaphore(%arg11 : memref<!tpu.dma_semaphore, #tpu.memory_space<semaphore_mem>>) src(%dma_wait3A_616 : memref<1304576xf32, #tpu.memory_space<hbm>>) dst(%dma_wait3A_611 : memref<128xf32, #tpu.memory_space<vmem>>)
    %dma_wait3A_617 = arith.constant 2 : i32
    %dma_wait3A_618 = arith.constant 2 : i32
    %dma_wait3A_619 = arith.constant 128 : i32
    %dma_wait3A_620 = tpu.memref_slice %arg8[%dma_wait3A_618, %dma_wait3A_619] : memref<13x512xf32, #tpu.memory_space<vmem>> -> memref<1x128xf32, #tpu.memory_space<vmem>>
    %dma_wait3A_621 = tpu.memref_squeeze %dma_wait3A_620 : memref<1x128xf32, #tpu.memory_space<vmem>> -> memref<128xf32, #tpu.memory_space<vmem>>
    %dma_wait3A_622 = arith.constant 128 : i32
    %dma_wait3A_623 = tpu.memref_slice %arg7[%dma_wait3A_617, %dma_wait3A_622] : memref<13x512xi32, #tpu.memory_space<vmem>> -> memref<1x128xi32, #tpu.memory_space<vmem>>
    %dma_wait3A_624 = tpu.memref_squeeze %dma_wait3A_623 : memref<1x128xi32, #tpu.memory_space<vmem>> -> memref<128xi32, #tpu.memory_space<vmem>>
    %dma_wait3A_625 = arith.constant 0 : i32
    %dma_wait3A_626 = tpu.memref_slice %arg2[%dma_wait3A_625] : memref<1304576xf32, #tpu.memory_space<hbm>> -> memref<1304576xf32, #tpu.memory_space<hbm>>
    tpu.wait_indirect_dma semaphore(%arg11 : memref<!tpu.dma_semaphore, #tpu.memory_space<semaphore_mem>>) src(%dma_wait3A_626 : memref<1304576xf32, #tpu.memory_space<hbm>>) dst(%dma_wait3A_621 : memref<128xf32, #tpu.memory_space<vmem>>)
    %dma_wait3A_627 = arith.constant 2 : i32
    %dma_wait3A_628 = arith.constant 2 : i32
    %dma_wait3A_629 = arith.constant 256 : i32
    %dma_wait3A_630 = tpu.memref_slice %arg8[%dma_wait3A_628, %dma_wait3A_629] : memref<13x512xf32, #tpu.memory_space<vmem>> -> memref<1x128xf32, #tpu.memory_space<vmem>>
    %dma_wait3A_631 = tpu.memref_squeeze %dma_wait3A_630 : memref<1x128xf32, #tpu.memory_space<vmem>> -> memref<128xf32, #tpu.memory_space<vmem>>
    %dma_wait3A_632 = arith.constant 256 : i32
    %dma_wait3A_633 = tpu.memref_slice %arg7[%dma_wait3A_627, %dma_wait3A_632] : memref<13x512xi32, #tpu.memory_space<vmem>> -> memref<1x128xi32, #tpu.memory_space<vmem>>
    %dma_wait3A_634 = tpu.memref_squeeze %dma_wait3A_633 : memref<1x128xi32, #tpu.memory_space<vmem>> -> memref<128xi32, #tpu.memory_space<vmem>>
    %dma_wait3A_635 = arith.constant 0 : i32
    %dma_wait3A_636 = tpu.memref_slice %arg2[%dma_wait3A_635] : memref<1304576xf32, #tpu.memory_space<hbm>> -> memref<1304576xf32, #tpu.memory_space<hbm>>
    tpu.wait_indirect_dma semaphore(%arg11 : memref<!tpu.dma_semaphore, #tpu.memory_space<semaphore_mem>>) src(%dma_wait3A_636 : memref<1304576xf32, #tpu.memory_space<hbm>>) dst(%dma_wait3A_631 : memref<128xf32, #tpu.memory_space<vmem>>)
    %dma_wait3A_637 = arith.constant 2 : i32
    %dma_wait3A_638 = arith.constant 2 : i32
    %dma_wait3A_639 = arith.constant 384 : i32
    %dma_wait3A_640 = tpu.memref_slice %arg8[%dma_wait3A_638, %dma_wait3A_639] : memref<13x512xf32, #tpu.memory_space<vmem>> -> memref<1x128xf32, #tpu.memory_space<vmem>>
    %dma_wait3A_641 = tpu.memref_squeeze %dma_wait3A_640 : memref<1x128xf32, #tpu.memory_space<vmem>> -> memref<128xf32, #tpu.memory_space<vmem>>
    %dma_wait3A_642 = arith.constant 384 : i32
    %dma_wait3A_643 = tpu.memref_slice %arg7[%dma_wait3A_637, %dma_wait3A_642] : memref<13x512xi32, #tpu.memory_space<vmem>> -> memref<1x128xi32, #tpu.memory_space<vmem>>
    %dma_wait3A_644 = tpu.memref_squeeze %dma_wait3A_643 : memref<1x128xi32, #tpu.memory_space<vmem>> -> memref<128xi32, #tpu.memory_space<vmem>>
    %dma_wait3A_645 = arith.constant 0 : i32
    %dma_wait3A_646 = tpu.memref_slice %arg2[%dma_wait3A_645] : memref<1304576xf32, #tpu.memory_space<hbm>> -> memref<1304576xf32, #tpu.memory_space<hbm>>
    tpu.wait_indirect_dma semaphore(%arg11 : memref<!tpu.dma_semaphore, #tpu.memory_space<semaphore_mem>>) src(%dma_wait3A_646 : memref<1304576xf32, #tpu.memory_space<hbm>>) dst(%dma_wait3A_641 : memref<128xf32, #tpu.memory_space<vmem>>)
    %dma_wait3A_647 = arith.constant 3 : i32
    %dma_wait3A_648 = arith.constant 3 : i32
    %dma_wait3A_649 = arith.constant 0 : i32
    %dma_wait3A_650 = tpu.memref_slice %arg8[%dma_wait3A_648, %dma_wait3A_649] : memref<13x512xf32, #tpu.memory_space<vmem>> -> memref<1x128xf32, #tpu.memory_space<vmem>>
    %dma_wait3A_651 = tpu.memref_squeeze %dma_wait3A_650 : memref<1x128xf32, #tpu.memory_space<vmem>> -> memref<128xf32, #tpu.memory_space<vmem>>
    %dma_wait3A_652 = arith.constant 0 : i32
    %dma_wait3A_653 = tpu.memref_slice %arg7[%dma_wait3A_647, %dma_wait3A_652] : memref<13x512xi32, #tpu.memory_space<vmem>> -> memref<1x128xi32, #tpu.memory_space<vmem>>
    %dma_wait3A_654 = tpu.memref_squeeze %dma_wait3A_653 : memref<1x128xi32, #tpu.memory_space<vmem>> -> memref<128xi32, #tpu.memory_space<vmem>>
    %dma_wait3A_655 = arith.constant 0 : i32
    %dma_wait3A_656 = tpu.memref_slice %arg2[%dma_wait3A_655] : memref<1304576xf32, #tpu.memory_space<hbm>> -> memref<1304576xf32, #tpu.memory_space<hbm>>
    tpu.wait_indirect_dma semaphore(%arg11 : memref<!tpu.dma_semaphore, #tpu.memory_space<semaphore_mem>>) src(%dma_wait3A_656 : memref<1304576xf32, #tpu.memory_space<hbm>>) dst(%dma_wait3A_651 : memref<128xf32, #tpu.memory_space<vmem>>)
    %dma_wait3A_657 = arith.constant 3 : i32
    %dma_wait3A_658 = arith.constant 3 : i32
    %dma_wait3A_659 = arith.constant 128 : i32
    %dma_wait3A_660 = tpu.memref_slice %arg8[%dma_wait3A_658, %dma_wait3A_659] : memref<13x512xf32, #tpu.memory_space<vmem>> -> memref<1x128xf32, #tpu.memory_space<vmem>>
    %dma_wait3A_661 = tpu.memref_squeeze %dma_wait3A_660 : memref<1x128xf32, #tpu.memory_space<vmem>> -> memref<128xf32, #tpu.memory_space<vmem>>
    %dma_wait3A_662 = arith.constant 128 : i32
    %dma_wait3A_663 = tpu.memref_slice %arg7[%dma_wait3A_657, %dma_wait3A_662] : memref<13x512xi32, #tpu.memory_space<vmem>> -> memref<1x128xi32, #tpu.memory_space<vmem>>
    %dma_wait3A_664 = tpu.memref_squeeze %dma_wait3A_663 : memref<1x128xi32, #tpu.memory_space<vmem>> -> memref<128xi32, #tpu.memory_space<vmem>>
    %dma_wait3A_665 = arith.constant 0 : i32
    %dma_wait3A_666 = tpu.memref_slice %arg2[%dma_wait3A_665] : memref<1304576xf32, #tpu.memory_space<hbm>> -> memref<1304576xf32, #tpu.memory_space<hbm>>
    tpu.wait_indirect_dma semaphore(%arg11 : memref<!tpu.dma_semaphore, #tpu.memory_space<semaphore_mem>>) src(%dma_wait3A_666 : memref<1304576xf32, #tpu.memory_space<hbm>>) dst(%dma_wait3A_661 : memref<128xf32, #tpu.memory_space<vmem>>)
    %dma_wait3A_667 = arith.constant 3 : i32
    %dma_wait3A_668 = arith.constant 3 : i32
    %dma_wait3A_669 = arith.constant 256 : i32
    %dma_wait3A_670 = tpu.memref_slice %arg8[%dma_wait3A_668, %dma_wait3A_669] : memref<13x512xf32, #tpu.memory_space<vmem>> -> memref<1x128xf32, #tpu.memory_space<vmem>>
    %dma_wait3A_671 = tpu.memref_squeeze %dma_wait3A_670 : memref<1x128xf32, #tpu.memory_space<vmem>> -> memref<128xf32, #tpu.memory_space<vmem>>
    %dma_wait3A_672 = arith.constant 256 : i32
    %dma_wait3A_673 = tpu.memref_slice %arg7[%dma_wait3A_667, %dma_wait3A_672] : memref<13x512xi32, #tpu.memory_space<vmem>> -> memref<1x128xi32, #tpu.memory_space<vmem>>
    %dma_wait3A_674 = tpu.memref_squeeze %dma_wait3A_673 : memref<1x128xi32, #tpu.memory_space<vmem>> -> memref<128xi32, #tpu.memory_space<vmem>>
    %dma_wait3A_675 = arith.constant 0 : i32
    %dma_wait3A_676 = tpu.memref_slice %arg2[%dma_wait3A_675] : memref<1304576xf32, #tpu.memory_space<hbm>> -> memref<1304576xf32, #tpu.memory_space<hbm>>
    tpu.wait_indirect_dma semaphore(%arg11 : memref<!tpu.dma_semaphore, #tpu.memory_space<semaphore_mem>>) src(%dma_wait3A_676 : memref<1304576xf32, #tpu.memory_space<hbm>>) dst(%dma_wait3A_671 : memref<128xf32, #tpu.memory_space<vmem>>)
    %dma_wait3A_677 = arith.constant 3 : i32
    %dma_wait3A_678 = arith.constant 3 : i32
    %dma_wait3A_679 = arith.constant 384 : i32
    %dma_wait3A_680 = tpu.memref_slice %arg8[%dma_wait3A_678, %dma_wait3A_679] : memref<13x512xf32, #tpu.memory_space<vmem>> -> memref<1x128xf32, #tpu.memory_space<vmem>>
    %dma_wait3A_681 = tpu.memref_squeeze %dma_wait3A_680 : memref<1x128xf32, #tpu.memory_space<vmem>> -> memref<128xf32, #tpu.memory_space<vmem>>
    %dma_wait3A_682 = arith.constant 384 : i32
    %dma_wait3A_683 = tpu.memref_slice %arg7[%dma_wait3A_677, %dma_wait3A_682] : memref<13x512xi32, #tpu.memory_space<vmem>> -> memref<1x128xi32, #tpu.memory_space<vmem>>
    %dma_wait3A_684 = tpu.memref_squeeze %dma_wait3A_683 : memref<1x128xi32, #tpu.memory_space<vmem>> -> memref<128xi32, #tpu.memory_space<vmem>>
    %dma_wait3A_685 = arith.constant 0 : i32
    %dma_wait3A_686 = tpu.memref_slice %arg2[%dma_wait3A_685] : memref<1304576xf32, #tpu.memory_space<hbm>> -> memref<1304576xf32, #tpu.memory_space<hbm>>
    tpu.wait_indirect_dma semaphore(%arg11 : memref<!tpu.dma_semaphore, #tpu.memory_space<semaphore_mem>>) src(%dma_wait3A_686 : memref<1304576xf32, #tpu.memory_space<hbm>>) dst(%dma_wait3A_681 : memref<128xf32, #tpu.memory_space<vmem>>)
    %dma_wait3A_687 = arith.constant 4 : i32
    %dma_wait3A_688 = arith.constant 4 : i32
    %dma_wait3A_689 = arith.constant 0 : i32
    %dma_wait3A_690 = tpu.memref_slice %arg8[%dma_wait3A_688, %dma_wait3A_689] : memref<13x512xf32, #tpu.memory_space<vmem>> -> memref<1x128xf32, #tpu.memory_space<vmem>>
    %dma_wait3A_691 = tpu.memref_squeeze %dma_wait3A_690 : memref<1x128xf32, #tpu.memory_space<vmem>> -> memref<128xf32, #tpu.memory_space<vmem>>
    %dma_wait3A_692 = arith.constant 0 : i32
    %dma_wait3A_693 = tpu.memref_slice %arg7[%dma_wait3A_687, %dma_wait3A_692] : memref<13x512xi32, #tpu.memory_space<vmem>> -> memref<1x128xi32, #tpu.memory_space<vmem>>
    %dma_wait3A_694 = tpu.memref_squeeze %dma_wait3A_693 : memref<1x128xi32, #tpu.memory_space<vmem>> -> memref<128xi32, #tpu.memory_space<vmem>>
    %dma_wait3A_695 = arith.constant 0 : i32
    %dma_wait3A_696 = tpu.memref_slice %arg2[%dma_wait3A_695] : memref<1304576xf32, #tpu.memory_space<hbm>> -> memref<1304576xf32, #tpu.memory_space<hbm>>
    tpu.wait_indirect_dma semaphore(%arg11 : memref<!tpu.dma_semaphore, #tpu.memory_space<semaphore_mem>>) src(%dma_wait3A_696 : memref<1304576xf32, #tpu.memory_space<hbm>>) dst(%dma_wait3A_691 : memref<128xf32, #tpu.memory_space<vmem>>)
    %dma_wait3A_697 = arith.constant 4 : i32
    %dma_wait3A_698 = arith.constant 4 : i32
    %dma_wait3A_699 = arith.constant 128 : i32
    %dma_wait3A_700 = tpu.memref_slice %arg8[%dma_wait3A_698, %dma_wait3A_699] : memref<13x512xf32, #tpu.memory_space<vmem>> -> memref<1x128xf32, #tpu.memory_space<vmem>>
    %dma_wait3A_701 = tpu.memref_squeeze %dma_wait3A_700 : memref<1x128xf32, #tpu.memory_space<vmem>> -> memref<128xf32, #tpu.memory_space<vmem>>
    %dma_wait3A_702 = arith.constant 128 : i32
    %dma_wait3A_703 = tpu.memref_slice %arg7[%dma_wait3A_697, %dma_wait3A_702] : memref<13x512xi32, #tpu.memory_space<vmem>> -> memref<1x128xi32, #tpu.memory_space<vmem>>
    %dma_wait3A_704 = tpu.memref_squeeze %dma_wait3A_703 : memref<1x128xi32, #tpu.memory_space<vmem>> -> memref<128xi32, #tpu.memory_space<vmem>>
    %dma_wait3A_705 = arith.constant 0 : i32
    %dma_wait3A_706 = tpu.memref_slice %arg2[%dma_wait3A_705] : memref<1304576xf32, #tpu.memory_space<hbm>> -> memref<1304576xf32, #tpu.memory_space<hbm>>
    tpu.wait_indirect_dma semaphore(%arg11 : memref<!tpu.dma_semaphore, #tpu.memory_space<semaphore_mem>>) src(%dma_wait3A_706 : memref<1304576xf32, #tpu.memory_space<hbm>>) dst(%dma_wait3A_701 : memref<128xf32, #tpu.memory_space<vmem>>)
    %dma_wait3A_707 = arith.constant 4 : i32
    %dma_wait3A_708 = arith.constant 4 : i32
    %dma_wait3A_709 = arith.constant 256 : i32
    %dma_wait3A_710 = tpu.memref_slice %arg8[%dma_wait3A_708, %dma_wait3A_709] : memref<13x512xf32, #tpu.memory_space<vmem>> -> memref<1x128xf32, #tpu.memory_space<vmem>>
    %dma_wait3A_711 = tpu.memref_squeeze %dma_wait3A_710 : memref<1x128xf32, #tpu.memory_space<vmem>> -> memref<128xf32, #tpu.memory_space<vmem>>
    %dma_wait3A_712 = arith.constant 256 : i32
    %dma_wait3A_713 = tpu.memref_slice %arg7[%dma_wait3A_707, %dma_wait3A_712] : memref<13x512xi32, #tpu.memory_space<vmem>> -> memref<1x128xi32, #tpu.memory_space<vmem>>
    %dma_wait3A_714 = tpu.memref_squeeze %dma_wait3A_713 : memref<1x128xi32, #tpu.memory_space<vmem>> -> memref<128xi32, #tpu.memory_space<vmem>>
    %dma_wait3A_715 = arith.constant 0 : i32
    %dma_wait3A_716 = tpu.memref_slice %arg2[%dma_wait3A_715] : memref<1304576xf32, #tpu.memory_space<hbm>> -> memref<1304576xf32, #tpu.memory_space<hbm>>
    tpu.wait_indirect_dma semaphore(%arg11 : memref<!tpu.dma_semaphore, #tpu.memory_space<semaphore_mem>>) src(%dma_wait3A_716 : memref<1304576xf32, #tpu.memory_space<hbm>>) dst(%dma_wait3A_711 : memref<128xf32, #tpu.memory_space<vmem>>)
    %dma_wait3A_717 = arith.constant 4 : i32
    %dma_wait3A_718 = arith.constant 4 : i32
    %dma_wait3A_719 = arith.constant 384 : i32
    %dma_wait3A_720 = tpu.memref_slice %arg8[%dma_wait3A_718, %dma_wait3A_719] : memref<13x512xf32, #tpu.memory_space<vmem>> -> memref<1x128xf32, #tpu.memory_space<vmem>>
    %dma_wait3A_721 = tpu.memref_squeeze %dma_wait3A_720 : memref<1x128xf32, #tpu.memory_space<vmem>> -> memref<128xf32, #tpu.memory_space<vmem>>
    %dma_wait3A_722 = arith.constant 384 : i32
    %dma_wait3A_723 = tpu.memref_slice %arg7[%dma_wait3A_717, %dma_wait3A_722] : memref<13x512xi32, #tpu.memory_space<vmem>> -> memref<1x128xi32, #tpu.memory_space<vmem>>
    %dma_wait3A_724 = tpu.memref_squeeze %dma_wait3A_723 : memref<1x128xi32, #tpu.memory_space<vmem>> -> memref<128xi32, #tpu.memory_space<vmem>>
    %dma_wait3A_725 = arith.constant 0 : i32
    %dma_wait3A_726 = tpu.memref_slice %arg2[%dma_wait3A_725] : memref<1304576xf32, #tpu.memory_space<hbm>> -> memref<1304576xf32, #tpu.memory_space<hbm>>
    tpu.wait_indirect_dma semaphore(%arg11 : memref<!tpu.dma_semaphore, #tpu.memory_space<semaphore_mem>>) src(%dma_wait3A_726 : memref<1304576xf32, #tpu.memory_space<hbm>>) dst(%dma_wait3A_721 : memref<128xf32, #tpu.memory_space<vmem>>)
    %dma_wait3A_727 = arith.constant 5 : i32
    %dma_wait3A_728 = arith.constant 5 : i32
    %dma_wait3A_729 = arith.constant 0 : i32
    %dma_wait3A_730 = tpu.memref_slice %arg8[%dma_wait3A_728, %dma_wait3A_729] : memref<13x512xf32, #tpu.memory_space<vmem>> -> memref<1x128xf32, #tpu.memory_space<vmem>>
    %dma_wait3A_731 = tpu.memref_squeeze %dma_wait3A_730 : memref<1x128xf32, #tpu.memory_space<vmem>> -> memref<128xf32, #tpu.memory_space<vmem>>
    %dma_wait3A_732 = arith.constant 0 : i32
    %dma_wait3A_733 = tpu.memref_slice %arg7[%dma_wait3A_727, %dma_wait3A_732] : memref<13x512xi32, #tpu.memory_space<vmem>> -> memref<1x128xi32, #tpu.memory_space<vmem>>
    %dma_wait3A_734 = tpu.memref_squeeze %dma_wait3A_733 : memref<1x128xi32, #tpu.memory_space<vmem>> -> memref<128xi32, #tpu.memory_space<vmem>>
    %dma_wait3A_735 = arith.constant 0 : i32
    %dma_wait3A_736 = tpu.memref_slice %arg2[%dma_wait3A_735] : memref<1304576xf32, #tpu.memory_space<hbm>> -> memref<1304576xf32, #tpu.memory_space<hbm>>
    tpu.wait_indirect_dma semaphore(%arg11 : memref<!tpu.dma_semaphore, #tpu.memory_space<semaphore_mem>>) src(%dma_wait3A_736 : memref<1304576xf32, #tpu.memory_space<hbm>>) dst(%dma_wait3A_731 : memref<128xf32, #tpu.memory_space<vmem>>)
    %dma_wait3A_737 = arith.constant 5 : i32
    %dma_wait3A_738 = arith.constant 5 : i32
    %dma_wait3A_739 = arith.constant 128 : i32
    %dma_wait3A_740 = tpu.memref_slice %arg8[%dma_wait3A_738, %dma_wait3A_739] : memref<13x512xf32, #tpu.memory_space<vmem>> -> memref<1x128xf32, #tpu.memory_space<vmem>>
    %dma_wait3A_741 = tpu.memref_squeeze %dma_wait3A_740 : memref<1x128xf32, #tpu.memory_space<vmem>> -> memref<128xf32, #tpu.memory_space<vmem>>
    %dma_wait3A_742 = arith.constant 128 : i32
    %dma_wait3A_743 = tpu.memref_slice %arg7[%dma_wait3A_737, %dma_wait3A_742] : memref<13x512xi32, #tpu.memory_space<vmem>> -> memref<1x128xi32, #tpu.memory_space<vmem>>
    %dma_wait3A_744 = tpu.memref_squeeze %dma_wait3A_743 : memref<1x128xi32, #tpu.memory_space<vmem>> -> memref<128xi32, #tpu.memory_space<vmem>>
    %dma_wait3A_745 = arith.constant 0 : i32
    %dma_wait3A_746 = tpu.memref_slice %arg2[%dma_wait3A_745] : memref<1304576xf32, #tpu.memory_space<hbm>> -> memref<1304576xf32, #tpu.memory_space<hbm>>
    tpu.wait_indirect_dma semaphore(%arg11 : memref<!tpu.dma_semaphore, #tpu.memory_space<semaphore_mem>>) src(%dma_wait3A_746 : memref<1304576xf32, #tpu.memory_space<hbm>>) dst(%dma_wait3A_741 : memref<128xf32, #tpu.memory_space<vmem>>)
    %dma_wait3A_747 = arith.constant 5 : i32
    %dma_wait3A_748 = arith.constant 5 : i32
    %dma_wait3A_749 = arith.constant 256 : i32
    %dma_wait3A_750 = tpu.memref_slice %arg8[%dma_wait3A_748, %dma_wait3A_749] : memref<13x512xf32, #tpu.memory_space<vmem>> -> memref<1x128xf32, #tpu.memory_space<vmem>>
    %dma_wait3A_751 = tpu.memref_squeeze %dma_wait3A_750 : memref<1x128xf32, #tpu.memory_space<vmem>> -> memref<128xf32, #tpu.memory_space<vmem>>
    %dma_wait3A_752 = arith.constant 256 : i32
    %dma_wait3A_753 = tpu.memref_slice %arg7[%dma_wait3A_747, %dma_wait3A_752] : memref<13x512xi32, #tpu.memory_space<vmem>> -> memref<1x128xi32, #tpu.memory_space<vmem>>
    %dma_wait3A_754 = tpu.memref_squeeze %dma_wait3A_753 : memref<1x128xi32, #tpu.memory_space<vmem>> -> memref<128xi32, #tpu.memory_space<vmem>>
    %dma_wait3A_755 = arith.constant 0 : i32
    %dma_wait3A_756 = tpu.memref_slice %arg2[%dma_wait3A_755] : memref<1304576xf32, #tpu.memory_space<hbm>> -> memref<1304576xf32, #tpu.memory_space<hbm>>
    tpu.wait_indirect_dma semaphore(%arg11 : memref<!tpu.dma_semaphore, #tpu.memory_space<semaphore_mem>>) src(%dma_wait3A_756 : memref<1304576xf32, #tpu.memory_space<hbm>>) dst(%dma_wait3A_751 : memref<128xf32, #tpu.memory_space<vmem>>)
    %dma_wait3A_757 = arith.constant 5 : i32
    %dma_wait3A_758 = arith.constant 5 : i32
    %dma_wait3A_759 = arith.constant 384 : i32
    %dma_wait3A_760 = tpu.memref_slice %arg8[%dma_wait3A_758, %dma_wait3A_759] : memref<13x512xf32, #tpu.memory_space<vmem>> -> memref<1x128xf32, #tpu.memory_space<vmem>>
    %dma_wait3A_761 = tpu.memref_squeeze %dma_wait3A_760 : memref<1x128xf32, #tpu.memory_space<vmem>> -> memref<128xf32, #tpu.memory_space<vmem>>
    %dma_wait3A_762 = arith.constant 384 : i32
    %dma_wait3A_763 = tpu.memref_slice %arg7[%dma_wait3A_757, %dma_wait3A_762] : memref<13x512xi32, #tpu.memory_space<vmem>> -> memref<1x128xi32, #tpu.memory_space<vmem>>
    %dma_wait3A_764 = tpu.memref_squeeze %dma_wait3A_763 : memref<1x128xi32, #tpu.memory_space<vmem>> -> memref<128xi32, #tpu.memory_space<vmem>>
    %dma_wait3A_765 = arith.constant 0 : i32
    %dma_wait3A_766 = tpu.memref_slice %arg2[%dma_wait3A_765] : memref<1304576xf32, #tpu.memory_space<hbm>> -> memref<1304576xf32, #tpu.memory_space<hbm>>
    tpu.wait_indirect_dma semaphore(%arg11 : memref<!tpu.dma_semaphore, #tpu.memory_space<semaphore_mem>>) src(%dma_wait3A_766 : memref<1304576xf32, #tpu.memory_space<hbm>>) dst(%dma_wait3A_761 : memref<128xf32, #tpu.memory_space<vmem>>)
    %dma_wait3A_767 = arith.constant 6 : i32
    %dma_wait3A_768 = arith.constant 6 : i32
    %dma_wait3A_769 = arith.constant 0 : i32
    %dma_wait3A_770 = tpu.memref_slice %arg8[%dma_wait3A_768, %dma_wait3A_769] : memref<13x512xf32, #tpu.memory_space<vmem>> -> memref<1x128xf32, #tpu.memory_space<vmem>>
    %dma_wait3A_771 = tpu.memref_squeeze %dma_wait3A_770 : memref<1x128xf32, #tpu.memory_space<vmem>> -> memref<128xf32, #tpu.memory_space<vmem>>
    %dma_wait3A_772 = arith.constant 0 : i32
    %dma_wait3A_773 = tpu.memref_slice %arg7[%dma_wait3A_767, %dma_wait3A_772] : memref<13x512xi32, #tpu.memory_space<vmem>> -> memref<1x128xi32, #tpu.memory_space<vmem>>
    %dma_wait3A_774 = tpu.memref_squeeze %dma_wait3A_773 : memref<1x128xi32, #tpu.memory_space<vmem>> -> memref<128xi32, #tpu.memory_space<vmem>>
    %dma_wait3A_775 = arith.constant 0 : i32
    %dma_wait3A_776 = tpu.memref_slice %arg2[%dma_wait3A_775] : memref<1304576xf32, #tpu.memory_space<hbm>> -> memref<1304576xf32, #tpu.memory_space<hbm>>
    tpu.wait_indirect_dma semaphore(%arg11 : memref<!tpu.dma_semaphore, #tpu.memory_space<semaphore_mem>>) src(%dma_wait3A_776 : memref<1304576xf32, #tpu.memory_space<hbm>>) dst(%dma_wait3A_771 : memref<128xf32, #tpu.memory_space<vmem>>)
    %dma_wait3A_777 = arith.constant 6 : i32
    %dma_wait3A_778 = arith.constant 6 : i32
    %dma_wait3A_779 = arith.constant 128 : i32
    %dma_wait3A_780 = tpu.memref_slice %arg8[%dma_wait3A_778, %dma_wait3A_779] : memref<13x512xf32, #tpu.memory_space<vmem>> -> memref<1x128xf32, #tpu.memory_space<vmem>>
    %dma_wait3A_781 = tpu.memref_squeeze %dma_wait3A_780 : memref<1x128xf32, #tpu.memory_space<vmem>> -> memref<128xf32, #tpu.memory_space<vmem>>
    %dma_wait3A_782 = arith.constant 128 : i32
    %dma_wait3A_783 = tpu.memref_slice %arg7[%dma_wait3A_777, %dma_wait3A_782] : memref<13x512xi32, #tpu.memory_space<vmem>> -> memref<1x128xi32, #tpu.memory_space<vmem>>
    %dma_wait3A_784 = tpu.memref_squeeze %dma_wait3A_783 : memref<1x128xi32, #tpu.memory_space<vmem>> -> memref<128xi32, #tpu.memory_space<vmem>>
    %dma_wait3A_785 = arith.constant 0 : i32
    %dma_wait3A_786 = tpu.memref_slice %arg2[%dma_wait3A_785] : memref<1304576xf32, #tpu.memory_space<hbm>> -> memref<1304576xf32, #tpu.memory_space<hbm>>
    tpu.wait_indirect_dma semaphore(%arg11 : memref<!tpu.dma_semaphore, #tpu.memory_space<semaphore_mem>>) src(%dma_wait3A_786 : memref<1304576xf32, #tpu.memory_space<hbm>>) dst(%dma_wait3A_781 : memref<128xf32, #tpu.memory_space<vmem>>)
    %dma_wait3A_787 = arith.constant 6 : i32
    %dma_wait3A_788 = arith.constant 6 : i32
    %dma_wait3A_789 = arith.constant 256 : i32
    %dma_wait3A_790 = tpu.memref_slice %arg8[%dma_wait3A_788, %dma_wait3A_789] : memref<13x512xf32, #tpu.memory_space<vmem>> -> memref<1x128xf32, #tpu.memory_space<vmem>>
    %dma_wait3A_791 = tpu.memref_squeeze %dma_wait3A_790 : memref<1x128xf32, #tpu.memory_space<vmem>> -> memref<128xf32, #tpu.memory_space<vmem>>
    %dma_wait3A_792 = arith.constant 256 : i32
    %dma_wait3A_793 = tpu.memref_slice %arg7[%dma_wait3A_787, %dma_wait3A_792] : memref<13x512xi32, #tpu.memory_space<vmem>> -> memref<1x128xi32, #tpu.memory_space<vmem>>
    %dma_wait3A_794 = tpu.memref_squeeze %dma_wait3A_793 : memref<1x128xi32, #tpu.memory_space<vmem>> -> memref<128xi32, #tpu.memory_space<vmem>>
    %dma_wait3A_795 = arith.constant 0 : i32
    %dma_wait3A_796 = tpu.memref_slice %arg2[%dma_wait3A_795] : memref<1304576xf32, #tpu.memory_space<hbm>> -> memref<1304576xf32, #tpu.memory_space<hbm>>
    tpu.wait_indirect_dma semaphore(%arg11 : memref<!tpu.dma_semaphore, #tpu.memory_space<semaphore_mem>>) src(%dma_wait3A_796 : memref<1304576xf32, #tpu.memory_space<hbm>>) dst(%dma_wait3A_791 : memref<128xf32, #tpu.memory_space<vmem>>)
    %dma_wait3A_797 = arith.constant 6 : i32
    %dma_wait3A_798 = arith.constant 6 : i32
    %dma_wait3A_799 = arith.constant 384 : i32
    %dma_wait3A_800 = tpu.memref_slice %arg8[%dma_wait3A_798, %dma_wait3A_799] : memref<13x512xf32, #tpu.memory_space<vmem>> -> memref<1x128xf32, #tpu.memory_space<vmem>>
    %dma_wait3A_801 = tpu.memref_squeeze %dma_wait3A_800 : memref<1x128xf32, #tpu.memory_space<vmem>> -> memref<128xf32, #tpu.memory_space<vmem>>
    %dma_wait3A_802 = arith.constant 384 : i32
    %dma_wait3A_803 = tpu.memref_slice %arg7[%dma_wait3A_797, %dma_wait3A_802] : memref<13x512xi32, #tpu.memory_space<vmem>> -> memref<1x128xi32, #tpu.memory_space<vmem>>
    %dma_wait3A_804 = tpu.memref_squeeze %dma_wait3A_803 : memref<1x128xi32, #tpu.memory_space<vmem>> -> memref<128xi32, #tpu.memory_space<vmem>>
    %dma_wait3A_805 = arith.constant 0 : i32
    %dma_wait3A_806 = tpu.memref_slice %arg2[%dma_wait3A_805] : memref<1304576xf32, #tpu.memory_space<hbm>> -> memref<1304576xf32, #tpu.memory_space<hbm>>
    tpu.wait_indirect_dma semaphore(%arg11 : memref<!tpu.dma_semaphore, #tpu.memory_space<semaphore_mem>>) src(%dma_wait3A_806 : memref<1304576xf32, #tpu.memory_space<hbm>>) dst(%dma_wait3A_801 : memref<128xf32, #tpu.memory_space<vmem>>)
    %dma_wait3A_807 = arith.constant 7 : i32
    %dma_wait3A_808 = arith.constant 7 : i32
    %dma_wait3A_809 = arith.constant 0 : i32
    %dma_wait3A_810 = tpu.memref_slice %arg8[%dma_wait3A_808, %dma_wait3A_809] : memref<13x512xf32, #tpu.memory_space<vmem>> -> memref<1x128xf32, #tpu.memory_space<vmem>>
    %dma_wait3A_811 = tpu.memref_squeeze %dma_wait3A_810 : memref<1x128xf32, #tpu.memory_space<vmem>> -> memref<128xf32, #tpu.memory_space<vmem>>
    %dma_wait3A_812 = arith.constant 0 : i32
    %dma_wait3A_813 = tpu.memref_slice %arg7[%dma_wait3A_807, %dma_wait3A_812] : memref<13x512xi32, #tpu.memory_space<vmem>> -> memref<1x128xi32, #tpu.memory_space<vmem>>
    %dma_wait3A_814 = tpu.memref_squeeze %dma_wait3A_813 : memref<1x128xi32, #tpu.memory_space<vmem>> -> memref<128xi32, #tpu.memory_space<vmem>>
    %dma_wait3A_815 = arith.constant 0 : i32
    %dma_wait3A_816 = tpu.memref_slice %arg2[%dma_wait3A_815] : memref<1304576xf32, #tpu.memory_space<hbm>> -> memref<1304576xf32, #tpu.memory_space<hbm>>
    tpu.wait_indirect_dma semaphore(%arg11 : memref<!tpu.dma_semaphore, #tpu.memory_space<semaphore_mem>>) src(%dma_wait3A_816 : memref<1304576xf32, #tpu.memory_space<hbm>>) dst(%dma_wait3A_811 : memref<128xf32, #tpu.memory_space<vmem>>)
    %dma_wait3A_817 = arith.constant 7 : i32
    %dma_wait3A_818 = arith.constant 7 : i32
    %dma_wait3A_819 = arith.constant 128 : i32
    %dma_wait3A_820 = tpu.memref_slice %arg8[%dma_wait3A_818, %dma_wait3A_819] : memref<13x512xf32, #tpu.memory_space<vmem>> -> memref<1x128xf32, #tpu.memory_space<vmem>>
    %dma_wait3A_821 = tpu.memref_squeeze %dma_wait3A_820 : memref<1x128xf32, #tpu.memory_space<vmem>> -> memref<128xf32, #tpu.memory_space<vmem>>
    %dma_wait3A_822 = arith.constant 128 : i32
    %dma_wait3A_823 = tpu.memref_slice %arg7[%dma_wait3A_817, %dma_wait3A_822] : memref<13x512xi32, #tpu.memory_space<vmem>> -> memref<1x128xi32, #tpu.memory_space<vmem>>
    %dma_wait3A_824 = tpu.memref_squeeze %dma_wait3A_823 : memref<1x128xi32, #tpu.memory_space<vmem>> -> memref<128xi32, #tpu.memory_space<vmem>>
    %dma_wait3A_825 = arith.constant 0 : i32
    %dma_wait3A_826 = tpu.memref_slice %arg2[%dma_wait3A_825] : memref<1304576xf32, #tpu.memory_space<hbm>> -> memref<1304576xf32, #tpu.memory_space<hbm>>
    tpu.wait_indirect_dma semaphore(%arg11 : memref<!tpu.dma_semaphore, #tpu.memory_space<semaphore_mem>>) src(%dma_wait3A_826 : memref<1304576xf32, #tpu.memory_space<hbm>>) dst(%dma_wait3A_821 : memref<128xf32, #tpu.memory_space<vmem>>)
    %dma_wait3A_827 = arith.constant 7 : i32
    %dma_wait3A_828 = arith.constant 7 : i32
    %dma_wait3A_829 = arith.constant 256 : i32
    %dma_wait3A_830 = tpu.memref_slice %arg8[%dma_wait3A_828, %dma_wait3A_829] : memref<13x512xf32, #tpu.memory_space<vmem>> -> memref<1x128xf32, #tpu.memory_space<vmem>>
    %dma_wait3A_831 = tpu.memref_squeeze %dma_wait3A_830 : memref<1x128xf32, #tpu.memory_space<vmem>> -> memref<128xf32, #tpu.memory_space<vmem>>
    %dma_wait3A_832 = arith.constant 256 : i32
    %dma_wait3A_833 = tpu.memref_slice %arg7[%dma_wait3A_827, %dma_wait3A_832] : memref<13x512xi32, #tpu.memory_space<vmem>> -> memref<1x128xi32, #tpu.memory_space<vmem>>
    %dma_wait3A_834 = tpu.memref_squeeze %dma_wait3A_833 : memref<1x128xi32, #tpu.memory_space<vmem>> -> memref<128xi32, #tpu.memory_space<vmem>>
    %dma_wait3A_835 = arith.constant 0 : i32
    %dma_wait3A_836 = tpu.memref_slice %arg2[%dma_wait3A_835] : memref<1304576xf32, #tpu.memory_space<hbm>> -> memref<1304576xf32, #tpu.memory_space<hbm>>
    tpu.wait_indirect_dma semaphore(%arg11 : memref<!tpu.dma_semaphore, #tpu.memory_space<semaphore_mem>>) src(%dma_wait3A_836 : memref<1304576xf32, #tpu.memory_space<hbm>>) dst(%dma_wait3A_831 : memref<128xf32, #tpu.memory_space<vmem>>)
    %dma_wait3A_837 = arith.constant 7 : i32
    %dma_wait3A_838 = arith.constant 7 : i32
    %dma_wait3A_839 = arith.constant 384 : i32
    %dma_wait3A_840 = tpu.memref_slice %arg8[%dma_wait3A_838, %dma_wait3A_839] : memref<13x512xf32, #tpu.memory_space<vmem>> -> memref<1x128xf32, #tpu.memory_space<vmem>>
    %dma_wait3A_841 = tpu.memref_squeeze %dma_wait3A_840 : memref<1x128xf32, #tpu.memory_space<vmem>> -> memref<128xf32, #tpu.memory_space<vmem>>
    %dma_wait3A_842 = arith.constant 384 : i32
    %dma_wait3A_843 = tpu.memref_slice %arg7[%dma_wait3A_837, %dma_wait3A_842] : memref<13x512xi32, #tpu.memory_space<vmem>> -> memref<1x128xi32, #tpu.memory_space<vmem>>
    %dma_wait3A_844 = tpu.memref_squeeze %dma_wait3A_843 : memref<1x128xi32, #tpu.memory_space<vmem>> -> memref<128xi32, #tpu.memory_space<vmem>>
    %dma_wait3A_845 = arith.constant 0 : i32
    %dma_wait3A_846 = tpu.memref_slice %arg2[%dma_wait3A_845] : memref<1304576xf32, #tpu.memory_space<hbm>> -> memref<1304576xf32, #tpu.memory_space<hbm>>
    tpu.wait_indirect_dma semaphore(%arg11 : memref<!tpu.dma_semaphore, #tpu.memory_space<semaphore_mem>>) src(%dma_wait3A_846 : memref<1304576xf32, #tpu.memory_space<hbm>>) dst(%dma_wait3A_841 : memref<128xf32, #tpu.memory_space<vmem>>)
    %dma_wait3A_847 = arith.constant 8 : i32
    %dma_wait3A_848 = arith.constant 8 : i32
    %dma_wait3A_849 = arith.constant 0 : i32
    %dma_wait3A_850 = tpu.memref_slice %arg8[%dma_wait3A_848, %dma_wait3A_849] : memref<13x512xf32, #tpu.memory_space<vmem>> -> memref<1x128xf32, #tpu.memory_space<vmem>>
    %dma_wait3A_851 = tpu.memref_squeeze %dma_wait3A_850 : memref<1x128xf32, #tpu.memory_space<vmem>> -> memref<128xf32, #tpu.memory_space<vmem>>
    %dma_wait3A_852 = arith.constant 0 : i32
    %dma_wait3A_853 = tpu.memref_slice %arg7[%dma_wait3A_847, %dma_wait3A_852] : memref<13x512xi32, #tpu.memory_space<vmem>> -> memref<1x128xi32, #tpu.memory_space<vmem>>
    %dma_wait3A_854 = tpu.memref_squeeze %dma_wait3A_853 : memref<1x128xi32, #tpu.memory_space<vmem>> -> memref<128xi32, #tpu.memory_space<vmem>>
    %dma_wait3A_855 = arith.constant 0 : i32
    %dma_wait3A_856 = tpu.memref_slice %arg2[%dma_wait3A_855] : memref<1304576xf32, #tpu.memory_space<hbm>> -> memref<1304576xf32, #tpu.memory_space<hbm>>
    tpu.wait_indirect_dma semaphore(%arg11 : memref<!tpu.dma_semaphore, #tpu.memory_space<semaphore_mem>>) src(%dma_wait3A_856 : memref<1304576xf32, #tpu.memory_space<hbm>>) dst(%dma_wait3A_851 : memref<128xf32, #tpu.memory_space<vmem>>)
    %dma_wait3A_857 = arith.constant 8 : i32
    %dma_wait3A_858 = arith.constant 8 : i32
    %dma_wait3A_859 = arith.constant 128 : i32
    %dma_wait3A_860 = tpu.memref_slice %arg8[%dma_wait3A_858, %dma_wait3A_859] : memref<13x512xf32, #tpu.memory_space<vmem>> -> memref<1x128xf32, #tpu.memory_space<vmem>>
    %dma_wait3A_861 = tpu.memref_squeeze %dma_wait3A_860 : memref<1x128xf32, #tpu.memory_space<vmem>> -> memref<128xf32, #tpu.memory_space<vmem>>
    %dma_wait3A_862 = arith.constant 128 : i32
    %dma_wait3A_863 = tpu.memref_slice %arg7[%dma_wait3A_857, %dma_wait3A_862] : memref<13x512xi32, #tpu.memory_space<vmem>> -> memref<1x128xi32, #tpu.memory_space<vmem>>
    %dma_wait3A_864 = tpu.memref_squeeze %dma_wait3A_863 : memref<1x128xi32, #tpu.memory_space<vmem>> -> memref<128xi32, #tpu.memory_space<vmem>>
    %dma_wait3A_865 = arith.constant 0 : i32
    %dma_wait3A_866 = tpu.memref_slice %arg2[%dma_wait3A_865] : memref<1304576xf32, #tpu.memory_space<hbm>> -> memref<1304576xf32, #tpu.memory_space<hbm>>
    tpu.wait_indirect_dma semaphore(%arg11 : memref<!tpu.dma_semaphore, #tpu.memory_space<semaphore_mem>>) src(%dma_wait3A_866 : memref<1304576xf32, #tpu.memory_space<hbm>>) dst(%dma_wait3A_861 : memref<128xf32, #tpu.memory_space<vmem>>)
    %dma_wait3A_867 = arith.constant 8 : i32
    %dma_wait3A_868 = arith.constant 8 : i32
    %dma_wait3A_869 = arith.constant 256 : i32
    %dma_wait3A_870 = tpu.memref_slice %arg8[%dma_wait3A_868, %dma_wait3A_869] : memref<13x512xf32, #tpu.memory_space<vmem>> -> memref<1x128xf32, #tpu.memory_space<vmem>>
    %dma_wait3A_871 = tpu.memref_squeeze %dma_wait3A_870 : memref<1x128xf32, #tpu.memory_space<vmem>> -> memref<128xf32, #tpu.memory_space<vmem>>
    %dma_wait3A_872 = arith.constant 256 : i32
    %dma_wait3A_873 = tpu.memref_slice %arg7[%dma_wait3A_867, %dma_wait3A_872] : memref<13x512xi32, #tpu.memory_space<vmem>> -> memref<1x128xi32, #tpu.memory_space<vmem>>
    %dma_wait3A_874 = tpu.memref_squeeze %dma_wait3A_873 : memref<1x128xi32, #tpu.memory_space<vmem>> -> memref<128xi32, #tpu.memory_space<vmem>>
    %dma_wait3A_875 = arith.constant 0 : i32
    %dma_wait3A_876 = tpu.memref_slice %arg2[%dma_wait3A_875] : memref<1304576xf32, #tpu.memory_space<hbm>> -> memref<1304576xf32, #tpu.memory_space<hbm>>
    tpu.wait_indirect_dma semaphore(%arg11 : memref<!tpu.dma_semaphore, #tpu.memory_space<semaphore_mem>>) src(%dma_wait3A_876 : memref<1304576xf32, #tpu.memory_space<hbm>>) dst(%dma_wait3A_871 : memref<128xf32, #tpu.memory_space<vmem>>)
    %dma_wait3A_877 = arith.constant 8 : i32
    %dma_wait3A_878 = arith.constant 8 : i32
    %dma_wait3A_879 = arith.constant 384 : i32
    %dma_wait3A_880 = tpu.memref_slice %arg8[%dma_wait3A_878, %dma_wait3A_879] : memref<13x512xf32, #tpu.memory_space<vmem>> -> memref<1x128xf32, #tpu.memory_space<vmem>>
    %dma_wait3A_881 = tpu.memref_squeeze %dma_wait3A_880 : memref<1x128xf32, #tpu.memory_space<vmem>> -> memref<128xf32, #tpu.memory_space<vmem>>
    %dma_wait3A_882 = arith.constant 384 : i32
    %dma_wait3A_883 = tpu.memref_slice %arg7[%dma_wait3A_877, %dma_wait3A_882] : memref<13x512xi32, #tpu.memory_space<vmem>> -> memref<1x128xi32, #tpu.memory_space<vmem>>
    %dma_wait3A_884 = tpu.memref_squeeze %dma_wait3A_883 : memref<1x128xi32, #tpu.memory_space<vmem>> -> memref<128xi32, #tpu.memory_space<vmem>>
    %dma_wait3A_885 = arith.constant 0 : i32
    %dma_wait3A_886 = tpu.memref_slice %arg2[%dma_wait3A_885] : memref<1304576xf32, #tpu.memory_space<hbm>> -> memref<1304576xf32, #tpu.memory_space<hbm>>
    tpu.wait_indirect_dma semaphore(%arg11 : memref<!tpu.dma_semaphore, #tpu.memory_space<semaphore_mem>>) src(%dma_wait3A_886 : memref<1304576xf32, #tpu.memory_space<hbm>>) dst(%dma_wait3A_881 : memref<128xf32, #tpu.memory_space<vmem>>)
    %dma_wait3A_887 = arith.constant 9 : i32
    %dma_wait3A_888 = arith.constant 9 : i32
    %dma_wait3A_889 = arith.constant 0 : i32
    %dma_wait3A_890 = tpu.memref_slice %arg8[%dma_wait3A_888, %dma_wait3A_889] : memref<13x512xf32, #tpu.memory_space<vmem>> -> memref<1x128xf32, #tpu.memory_space<vmem>>
    %dma_wait3A_891 = tpu.memref_squeeze %dma_wait3A_890 : memref<1x128xf32, #tpu.memory_space<vmem>> -> memref<128xf32, #tpu.memory_space<vmem>>
    %dma_wait3A_892 = arith.constant 0 : i32
    %dma_wait3A_893 = tpu.memref_slice %arg7[%dma_wait3A_887, %dma_wait3A_892] : memref<13x512xi32, #tpu.memory_space<vmem>> -> memref<1x128xi32, #tpu.memory_space<vmem>>
    %dma_wait3A_894 = tpu.memref_squeeze %dma_wait3A_893 : memref<1x128xi32, #tpu.memory_space<vmem>> -> memref<128xi32, #tpu.memory_space<vmem>>
    %dma_wait3A_895 = arith.constant 0 : i32
    %dma_wait3A_896 = tpu.memref_slice %arg2[%dma_wait3A_895] : memref<1304576xf32, #tpu.memory_space<hbm>> -> memref<1304576xf32, #tpu.memory_space<hbm>>
    tpu.wait_indirect_dma semaphore(%arg11 : memref<!tpu.dma_semaphore, #tpu.memory_space<semaphore_mem>>) src(%dma_wait3A_896 : memref<1304576xf32, #tpu.memory_space<hbm>>) dst(%dma_wait3A_891 : memref<128xf32, #tpu.memory_space<vmem>>)
    %dma_wait3A_897 = arith.constant 9 : i32
    %dma_wait3A_898 = arith.constant 9 : i32
    %dma_wait3A_899 = arith.constant 128 : i32
    %dma_wait3A_900 = tpu.memref_slice %arg8[%dma_wait3A_898, %dma_wait3A_899] : memref<13x512xf32, #tpu.memory_space<vmem>> -> memref<1x128xf32, #tpu.memory_space<vmem>>
    %dma_wait3A_901 = tpu.memref_squeeze %dma_wait3A_900 : memref<1x128xf32, #tpu.memory_space<vmem>> -> memref<128xf32, #tpu.memory_space<vmem>>
    %dma_wait3A_902 = arith.constant 128 : i32
    %dma_wait3A_903 = tpu.memref_slice %arg7[%dma_wait3A_897, %dma_wait3A_902] : memref<13x512xi32, #tpu.memory_space<vmem>> -> memref<1x128xi32, #tpu.memory_space<vmem>>
    %dma_wait3A_904 = tpu.memref_squeeze %dma_wait3A_903 : memref<1x128xi32, #tpu.memory_space<vmem>> -> memref<128xi32, #tpu.memory_space<vmem>>
    %dma_wait3A_905 = arith.constant 0 : i32
    %dma_wait3A_906 = tpu.memref_slice %arg2[%dma_wait3A_905] : memref<1304576xf32, #tpu.memory_space<hbm>> -> memref<1304576xf32, #tpu.memory_space<hbm>>
    tpu.wait_indirect_dma semaphore(%arg11 : memref<!tpu.dma_semaphore, #tpu.memory_space<semaphore_mem>>) src(%dma_wait3A_906 : memref<1304576xf32, #tpu.memory_space<hbm>>) dst(%dma_wait3A_901 : memref<128xf32, #tpu.memory_space<vmem>>)
    %dma_wait3A_907 = arith.constant 9 : i32
    %dma_wait3A_908 = arith.constant 9 : i32
    %dma_wait3A_909 = arith.constant 256 : i32
    %dma_wait3A_910 = tpu.memref_slice %arg8[%dma_wait3A_908, %dma_wait3A_909] : memref<13x512xf32, #tpu.memory_space<vmem>> -> memref<1x128xf32, #tpu.memory_space<vmem>>
    %dma_wait3A_911 = tpu.memref_squeeze %dma_wait3A_910 : memref<1x128xf32, #tpu.memory_space<vmem>> -> memref<128xf32, #tpu.memory_space<vmem>>
    %dma_wait3A_912 = arith.constant 256 : i32
    %dma_wait3A_913 = tpu.memref_slice %arg7[%dma_wait3A_907, %dma_wait3A_912] : memref<13x512xi32, #tpu.memory_space<vmem>> -> memref<1x128xi32, #tpu.memory_space<vmem>>
    %dma_wait3A_914 = tpu.memref_squeeze %dma_wait3A_913 : memref<1x128xi32, #tpu.memory_space<vmem>> -> memref<128xi32, #tpu.memory_space<vmem>>
    %dma_wait3A_915 = arith.constant 0 : i32
    %dma_wait3A_916 = tpu.memref_slice %arg2[%dma_wait3A_915] : memref<1304576xf32, #tpu.memory_space<hbm>> -> memref<1304576xf32, #tpu.memory_space<hbm>>
    tpu.wait_indirect_dma semaphore(%arg11 : memref<!tpu.dma_semaphore, #tpu.memory_space<semaphore_mem>>) src(%dma_wait3A_916 : memref<1304576xf32, #tpu.memory_space<hbm>>) dst(%dma_wait3A_911 : memref<128xf32, #tpu.memory_space<vmem>>)
    %dma_wait3A_917 = arith.constant 9 : i32
    %dma_wait3A_918 = arith.constant 9 : i32
    %dma_wait3A_919 = arith.constant 384 : i32
    %dma_wait3A_920 = tpu.memref_slice %arg8[%dma_wait3A_918, %dma_wait3A_919] : memref<13x512xf32, #tpu.memory_space<vmem>> -> memref<1x128xf32, #tpu.memory_space<vmem>>
    %dma_wait3A_921 = tpu.memref_squeeze %dma_wait3A_920 : memref<1x128xf32, #tpu.memory_space<vmem>> -> memref<128xf32, #tpu.memory_space<vmem>>
    %dma_wait3A_922 = arith.constant 384 : i32
    %dma_wait3A_923 = tpu.memref_slice %arg7[%dma_wait3A_917, %dma_wait3A_922] : memref<13x512xi32, #tpu.memory_space<vmem>> -> memref<1x128xi32, #tpu.memory_space<vmem>>
    %dma_wait3A_924 = tpu.memref_squeeze %dma_wait3A_923 : memref<1x128xi32, #tpu.memory_space<vmem>> -> memref<128xi32, #tpu.memory_space<vmem>>
    %dma_wait3A_925 = arith.constant 0 : i32
    %dma_wait3A_926 = tpu.memref_slice %arg2[%dma_wait3A_925] : memref<1304576xf32, #tpu.memory_space<hbm>> -> memref<1304576xf32, #tpu.memory_space<hbm>>
    tpu.wait_indirect_dma semaphore(%arg11 : memref<!tpu.dma_semaphore, #tpu.memory_space<semaphore_mem>>) src(%dma_wait3A_926 : memref<1304576xf32, #tpu.memory_space<hbm>>) dst(%dma_wait3A_921 : memref<128xf32, #tpu.memory_space<vmem>>)
    %dma_wait3A_927 = arith.constant 10 : i32
    %dma_wait3A_928 = arith.constant 10 : i32
    %dma_wait3A_929 = arith.constant 0 : i32
    %dma_wait3A_930 = tpu.memref_slice %arg8[%dma_wait3A_928, %dma_wait3A_929] : memref<13x512xf32, #tpu.memory_space<vmem>> -> memref<1x128xf32, #tpu.memory_space<vmem>>
    %dma_wait3A_931 = tpu.memref_squeeze %dma_wait3A_930 : memref<1x128xf32, #tpu.memory_space<vmem>> -> memref<128xf32, #tpu.memory_space<vmem>>
    %dma_wait3A_932 = arith.constant 0 : i32
    %dma_wait3A_933 = tpu.memref_slice %arg7[%dma_wait3A_927, %dma_wait3A_932] : memref<13x512xi32, #tpu.memory_space<vmem>> -> memref<1x128xi32, #tpu.memory_space<vmem>>
    %dma_wait3A_934 = tpu.memref_squeeze %dma_wait3A_933 : memref<1x128xi32, #tpu.memory_space<vmem>> -> memref<128xi32, #tpu.memory_space<vmem>>
    %dma_wait3A_935 = arith.constant 0 : i32
    %dma_wait3A_936 = tpu.memref_slice %arg2[%dma_wait3A_935] : memref<1304576xf32, #tpu.memory_space<hbm>> -> memref<1304576xf32, #tpu.memory_space<hbm>>
    tpu.wait_indirect_dma semaphore(%arg11 : memref<!tpu.dma_semaphore, #tpu.memory_space<semaphore_mem>>) src(%dma_wait3A_936 : memref<1304576xf32, #tpu.memory_space<hbm>>) dst(%dma_wait3A_931 : memref<128xf32, #tpu.memory_space<vmem>>)
    %dma_wait3A_937 = arith.constant 10 : i32
    %dma_wait3A_938 = arith.constant 10 : i32
    %dma_wait3A_939 = arith.constant 128 : i32
    %dma_wait3A_940 = tpu.memref_slice %arg8[%dma_wait3A_938, %dma_wait3A_939] : memref<13x512xf32, #tpu.memory_space<vmem>> -> memref<1x128xf32, #tpu.memory_space<vmem>>
    %dma_wait3A_941 = tpu.memref_squeeze %dma_wait3A_940 : memref<1x128xf32, #tpu.memory_space<vmem>> -> memref<128xf32, #tpu.memory_space<vmem>>
    %dma_wait3A_942 = arith.constant 128 : i32
    %dma_wait3A_943 = tpu.memref_slice %arg7[%dma_wait3A_937, %dma_wait3A_942] : memref<13x512xi32, #tpu.memory_space<vmem>> -> memref<1x128xi32, #tpu.memory_space<vmem>>
    %dma_wait3A_944 = tpu.memref_squeeze %dma_wait3A_943 : memref<1x128xi32, #tpu.memory_space<vmem>> -> memref<128xi32, #tpu.memory_space<vmem>>
    %dma_wait3A_945 = arith.constant 0 : i32
    %dma_wait3A_946 = tpu.memref_slice %arg2[%dma_wait3A_945] : memref<1304576xf32, #tpu.memory_space<hbm>> -> memref<1304576xf32, #tpu.memory_space<hbm>>
    tpu.wait_indirect_dma semaphore(%arg11 : memref<!tpu.dma_semaphore, #tpu.memory_space<semaphore_mem>>) src(%dma_wait3A_946 : memref<1304576xf32, #tpu.memory_space<hbm>>) dst(%dma_wait3A_941 : memref<128xf32, #tpu.memory_space<vmem>>)
    %dma_wait3A_947 = arith.constant 10 : i32
    %dma_wait3A_948 = arith.constant 10 : i32
    %dma_wait3A_949 = arith.constant 256 : i32
    %dma_wait3A_950 = tpu.memref_slice %arg8[%dma_wait3A_948, %dma_wait3A_949] : memref<13x512xf32, #tpu.memory_space<vmem>> -> memref<1x128xf32, #tpu.memory_space<vmem>>
    %dma_wait3A_951 = tpu.memref_squeeze %dma_wait3A_950 : memref<1x128xf32, #tpu.memory_space<vmem>> -> memref<128xf32, #tpu.memory_space<vmem>>
    %dma_wait3A_952 = arith.constant 256 : i32
    %dma_wait3A_953 = tpu.memref_slice %arg7[%dma_wait3A_947, %dma_wait3A_952] : memref<13x512xi32, #tpu.memory_space<vmem>> -> memref<1x128xi32, #tpu.memory_space<vmem>>
    %dma_wait3A_954 = tpu.memref_squeeze %dma_wait3A_953 : memref<1x128xi32, #tpu.memory_space<vmem>> -> memref<128xi32, #tpu.memory_space<vmem>>
    %dma_wait3A_955 = arith.constant 0 : i32
    %dma_wait3A_956 = tpu.memref_slice %arg2[%dma_wait3A_955] : memref<1304576xf32, #tpu.memory_space<hbm>> -> memref<1304576xf32, #tpu.memory_space<hbm>>
    tpu.wait_indirect_dma semaphore(%arg11 : memref<!tpu.dma_semaphore, #tpu.memory_space<semaphore_mem>>) src(%dma_wait3A_956 : memref<1304576xf32, #tpu.memory_space<hbm>>) dst(%dma_wait3A_951 : memref<128xf32, #tpu.memory_space<vmem>>)
    %dma_wait3A_957 = arith.constant 10 : i32
    %dma_wait3A_958 = arith.constant 10 : i32
    %dma_wait3A_959 = arith.constant 384 : i32
    %dma_wait3A_960 = tpu.memref_slice %arg8[%dma_wait3A_958, %dma_wait3A_959] : memref<13x512xf32, #tpu.memory_space<vmem>> -> memref<1x128xf32, #tpu.memory_space<vmem>>
    %dma_wait3A_961 = tpu.memref_squeeze %dma_wait3A_960 : memref<1x128xf32, #tpu.memory_space<vmem>> -> memref<128xf32, #tpu.memory_space<vmem>>
    %dma_wait3A_962 = arith.constant 384 : i32
    %dma_wait3A_963 = tpu.memref_slice %arg7[%dma_wait3A_957, %dma_wait3A_962] : memref<13x512xi32, #tpu.memory_space<vmem>> -> memref<1x128xi32, #tpu.memory_space<vmem>>
    %dma_wait3A_964 = tpu.memref_squeeze %dma_wait3A_963 : memref<1x128xi32, #tpu.memory_space<vmem>> -> memref<128xi32, #tpu.memory_space<vmem>>
    %dma_wait3A_965 = arith.constant 0 : i32
    %dma_wait3A_966 = tpu.memref_slice %arg2[%dma_wait3A_965] : memref<1304576xf32, #tpu.memory_space<hbm>> -> memref<1304576xf32, #tpu.memory_space<hbm>>
    tpu.wait_indirect_dma semaphore(%arg11 : memref<!tpu.dma_semaphore, #tpu.memory_space<semaphore_mem>>) src(%dma_wait3A_966 : memref<1304576xf32, #tpu.memory_space<hbm>>) dst(%dma_wait3A_961 : memref<128xf32, #tpu.memory_space<vmem>>)
    %dma_wait3A_967 = arith.constant 11 : i32
    %dma_wait3A_968 = arith.constant 11 : i32
    %dma_wait3A_969 = arith.constant 0 : i32
    %dma_wait3A_970 = tpu.memref_slice %arg8[%dma_wait3A_968, %dma_wait3A_969] : memref<13x512xf32, #tpu.memory_space<vmem>> -> memref<1x128xf32, #tpu.memory_space<vmem>>
    %dma_wait3A_971 = tpu.memref_squeeze %dma_wait3A_970 : memref<1x128xf32, #tpu.memory_space<vmem>> -> memref<128xf32, #tpu.memory_space<vmem>>
    %dma_wait3A_972 = arith.constant 0 : i32
    %dma_wait3A_973 = tpu.memref_slice %arg7[%dma_wait3A_967, %dma_wait3A_972] : memref<13x512xi32, #tpu.memory_space<vmem>> -> memref<1x128xi32, #tpu.memory_space<vmem>>
    %dma_wait3A_974 = tpu.memref_squeeze %dma_wait3A_973 : memref<1x128xi32, #tpu.memory_space<vmem>> -> memref<128xi32, #tpu.memory_space<vmem>>
    %dma_wait3A_975 = arith.constant 0 : i32
    %dma_wait3A_976 = tpu.memref_slice %arg2[%dma_wait3A_975] : memref<1304576xf32, #tpu.memory_space<hbm>> -> memref<1304576xf32, #tpu.memory_space<hbm>>
    tpu.wait_indirect_dma semaphore(%arg11 : memref<!tpu.dma_semaphore, #tpu.memory_space<semaphore_mem>>) src(%dma_wait3A_976 : memref<1304576xf32, #tpu.memory_space<hbm>>) dst(%dma_wait3A_971 : memref<128xf32, #tpu.memory_space<vmem>>)
    %dma_wait3A_977 = arith.constant 11 : i32
    %dma_wait3A_978 = arith.constant 11 : i32
    %dma_wait3A_979 = arith.constant 128 : i32
    %dma_wait3A_980 = tpu.memref_slice %arg8[%dma_wait3A_978, %dma_wait3A_979] : memref<13x512xf32, #tpu.memory_space<vmem>> -> memref<1x128xf32, #tpu.memory_space<vmem>>
    %dma_wait3A_981 = tpu.memref_squeeze %dma_wait3A_980 : memref<1x128xf32, #tpu.memory_space<vmem>> -> memref<128xf32, #tpu.memory_space<vmem>>
    %dma_wait3A_982 = arith.constant 128 : i32
    %dma_wait3A_983 = tpu.memref_slice %arg7[%dma_wait3A_977, %dma_wait3A_982] : memref<13x512xi32, #tpu.memory_space<vmem>> -> memref<1x128xi32, #tpu.memory_space<vmem>>
    %dma_wait3A_984 = tpu.memref_squeeze %dma_wait3A_983 : memref<1x128xi32, #tpu.memory_space<vmem>> -> memref<128xi32, #tpu.memory_space<vmem>>
    %dma_wait3A_985 = arith.constant 0 : i32
    %dma_wait3A_986 = tpu.memref_slice %arg2[%dma_wait3A_985] : memref<1304576xf32, #tpu.memory_space<hbm>> -> memref<1304576xf32, #tpu.memory_space<hbm>>
    tpu.wait_indirect_dma semaphore(%arg11 : memref<!tpu.dma_semaphore, #tpu.memory_space<semaphore_mem>>) src(%dma_wait3A_986 : memref<1304576xf32, #tpu.memory_space<hbm>>) dst(%dma_wait3A_981 : memref<128xf32, #tpu.memory_space<vmem>>)
    %dma_wait3A_987 = arith.constant 11 : i32
    %dma_wait3A_988 = arith.constant 11 : i32
    %dma_wait3A_989 = arith.constant 256 : i32
    %dma_wait3A_990 = tpu.memref_slice %arg8[%dma_wait3A_988, %dma_wait3A_989] : memref<13x512xf32, #tpu.memory_space<vmem>> -> memref<1x128xf32, #tpu.memory_space<vmem>>
    %dma_wait3A_991 = tpu.memref_squeeze %dma_wait3A_990 : memref<1x128xf32, #tpu.memory_space<vmem>> -> memref<128xf32, #tpu.memory_space<vmem>>
    %dma_wait3A_992 = arith.constant 256 : i32
    %dma_wait3A_993 = tpu.memref_slice %arg7[%dma_wait3A_987, %dma_wait3A_992] : memref<13x512xi32, #tpu.memory_space<vmem>> -> memref<1x128xi32, #tpu.memory_space<vmem>>
    %dma_wait3A_994 = tpu.memref_squeeze %dma_wait3A_993 : memref<1x128xi32, #tpu.memory_space<vmem>> -> memref<128xi32, #tpu.memory_space<vmem>>
    %dma_wait3A_995 = arith.constant 0 : i32
    %dma_wait3A_996 = tpu.memref_slice %arg2[%dma_wait3A_995] : memref<1304576xf32, #tpu.memory_space<hbm>> -> memref<1304576xf32, #tpu.memory_space<hbm>>
    tpu.wait_indirect_dma semaphore(%arg11 : memref<!tpu.dma_semaphore, #tpu.memory_space<semaphore_mem>>) src(%dma_wait3A_996 : memref<1304576xf32, #tpu.memory_space<hbm>>) dst(%dma_wait3A_991 : memref<128xf32, #tpu.memory_space<vmem>>)
    %dma_wait3A_997 = arith.constant 11 : i32
    %dma_wait3A_998 = arith.constant 11 : i32
    %dma_wait3A_999 = arith.constant 384 : i32
    %dma_wait3A_1000 = tpu.memref_slice %arg8[%dma_wait3A_998, %dma_wait3A_999] : memref<13x512xf32, #tpu.memory_space<vmem>> -> memref<1x128xf32, #tpu.memory_space<vmem>>
    %dma_wait3A_1001 = tpu.memref_squeeze %dma_wait3A_1000 : memref<1x128xf32, #tpu.memory_space<vmem>> -> memref<128xf32, #tpu.memory_space<vmem>>
    %dma_wait3A_1002 = arith.constant 384 : i32
    %dma_wait3A_1003 = tpu.memref_slice %arg7[%dma_wait3A_997, %dma_wait3A_1002] : memref<13x512xi32, #tpu.memory_space<vmem>> -> memref<1x128xi32, #tpu.memory_space<vmem>>
    %dma_wait3A_1004 = tpu.memref_squeeze %dma_wait3A_1003 : memref<1x128xi32, #tpu.memory_space<vmem>> -> memref<128xi32, #tpu.memory_space<vmem>>
    %dma_wait3A_1005 = arith.constant 0 : i32
    %dma_wait3A_1006 = tpu.memref_slice %arg2[%dma_wait3A_1005] : memref<1304576xf32, #tpu.memory_space<hbm>> -> memref<1304576xf32, #tpu.memory_space<hbm>>
    tpu.wait_indirect_dma semaphore(%arg11 : memref<!tpu.dma_semaphore, #tpu.memory_space<semaphore_mem>>) src(%dma_wait3A_1006 : memref<1304576xf32, #tpu.memory_space<hbm>>) dst(%dma_wait3A_1001 : memref<128xf32, #tpu.memory_space<vmem>>)
    %dma_wait3A_1007 = arith.constant 12 : i32
    %dma_wait3A_1008 = arith.constant 12 : i32
    %dma_wait3A_1009 = arith.constant 0 : i32
    %dma_wait3A_1010 = tpu.memref_slice %arg8[%dma_wait3A_1008, %dma_wait3A_1009] : memref<13x512xf32, #tpu.memory_space<vmem>> -> memref<1x128xf32, #tpu.memory_space<vmem>>
    %dma_wait3A_1011 = tpu.memref_squeeze %dma_wait3A_1010 : memref<1x128xf32, #tpu.memory_space<vmem>> -> memref<128xf32, #tpu.memory_space<vmem>>
    %dma_wait3A_1012 = arith.constant 0 : i32
    %dma_wait3A_1013 = tpu.memref_slice %arg7[%dma_wait3A_1007, %dma_wait3A_1012] : memref<13x512xi32, #tpu.memory_space<vmem>> -> memref<1x128xi32, #tpu.memory_space<vmem>>
    %dma_wait3A_1014 = tpu.memref_squeeze %dma_wait3A_1013 : memref<1x128xi32, #tpu.memory_space<vmem>> -> memref<128xi32, #tpu.memory_space<vmem>>
    %dma_wait3A_1015 = arith.constant 0 : i32
    %dma_wait3A_1016 = tpu.memref_slice %arg2[%dma_wait3A_1015] : memref<1304576xf32, #tpu.memory_space<hbm>> -> memref<1304576xf32, #tpu.memory_space<hbm>>
    tpu.wait_indirect_dma semaphore(%arg11 : memref<!tpu.dma_semaphore, #tpu.memory_space<semaphore_mem>>) src(%dma_wait3A_1016 : memref<1304576xf32, #tpu.memory_space<hbm>>) dst(%dma_wait3A_1011 : memref<128xf32, #tpu.memory_space<vmem>>)
    %dma_wait3A_1017 = arith.constant 12 : i32
    %dma_wait3A_1018 = arith.constant 12 : i32
    %dma_wait3A_1019 = arith.constant 128 : i32
    %dma_wait3A_1020 = tpu.memref_slice %arg8[%dma_wait3A_1018, %dma_wait3A_1019] : memref<13x512xf32, #tpu.memory_space<vmem>> -> memref<1x128xf32, #tpu.memory_space<vmem>>
    %dma_wait3A_1021 = tpu.memref_squeeze %dma_wait3A_1020 : memref<1x128xf32, #tpu.memory_space<vmem>> -> memref<128xf32, #tpu.memory_space<vmem>>
    %dma_wait3A_1022 = arith.constant 128 : i32
    %dma_wait3A_1023 = tpu.memref_slice %arg7[%dma_wait3A_1017, %dma_wait3A_1022] : memref<13x512xi32, #tpu.memory_space<vmem>> -> memref<1x128xi32, #tpu.memory_space<vmem>>
    %dma_wait3A_1024 = tpu.memref_squeeze %dma_wait3A_1023 : memref<1x128xi32, #tpu.memory_space<vmem>> -> memref<128xi32, #tpu.memory_space<vmem>>
    %dma_wait3A_1025 = arith.constant 0 : i32
    %dma_wait3A_1026 = tpu.memref_slice %arg2[%dma_wait3A_1025] : memref<1304576xf32, #tpu.memory_space<hbm>> -> memref<1304576xf32, #tpu.memory_space<hbm>>
    tpu.wait_indirect_dma semaphore(%arg11 : memref<!tpu.dma_semaphore, #tpu.memory_space<semaphore_mem>>) src(%dma_wait3A_1026 : memref<1304576xf32, #tpu.memory_space<hbm>>) dst(%dma_wait3A_1021 : memref<128xf32, #tpu.memory_space<vmem>>)
    %dma_wait3A_1027 = arith.constant 12 : i32
    %dma_wait3A_1028 = arith.constant 12 : i32
    %dma_wait3A_1029 = arith.constant 256 : i32
    %dma_wait3A_1030 = tpu.memref_slice %arg8[%dma_wait3A_1028, %dma_wait3A_1029] : memref<13x512xf32, #tpu.memory_space<vmem>> -> memref<1x128xf32, #tpu.memory_space<vmem>>
    %dma_wait3A_1031 = tpu.memref_squeeze %dma_wait3A_1030 : memref<1x128xf32, #tpu.memory_space<vmem>> -> memref<128xf32, #tpu.memory_space<vmem>>
    %dma_wait3A_1032 = arith.constant 256 : i32
    %dma_wait3A_1033 = tpu.memref_slice %arg7[%dma_wait3A_1027, %dma_wait3A_1032] : memref<13x512xi32, #tpu.memory_space<vmem>> -> memref<1x128xi32, #tpu.memory_space<vmem>>
    %dma_wait3A_1034 = tpu.memref_squeeze %dma_wait3A_1033 : memref<1x128xi32, #tpu.memory_space<vmem>> -> memref<128xi32, #tpu.memory_space<vmem>>
    %dma_wait3A_1035 = arith.constant 0 : i32
    %dma_wait3A_1036 = tpu.memref_slice %arg2[%dma_wait3A_1035] : memref<1304576xf32, #tpu.memory_space<hbm>> -> memref<1304576xf32, #tpu.memory_space<hbm>>
    tpu.wait_indirect_dma semaphore(%arg11 : memref<!tpu.dma_semaphore, #tpu.memory_space<semaphore_mem>>) src(%dma_wait3A_1036 : memref<1304576xf32, #tpu.memory_space<hbm>>) dst(%dma_wait3A_1031 : memref<128xf32, #tpu.memory_space<vmem>>)
    %dma_wait3A_1037 = arith.constant 12 : i32
    %dma_wait3A_1038 = arith.constant 12 : i32
    %dma_wait3A_1039 = arith.constant 384 : i32
    %dma_wait3A_1040 = tpu.memref_slice %arg8[%dma_wait3A_1038, %dma_wait3A_1039] : memref<13x512xf32, #tpu.memory_space<vmem>> -> memref<1x128xf32, #tpu.memory_space<vmem>>
    %dma_wait3A_1041 = tpu.memref_squeeze %dma_wait3A_1040 : memref<1x128xf32, #tpu.memory_space<vmem>> -> memref<128xf32, #tpu.memory_space<vmem>>
    %dma_wait3A_1042 = arith.constant 384 : i32
    %dma_wait3A_1043 = tpu.memref_slice %arg7[%dma_wait3A_1037, %dma_wait3A_1042] : memref<13x512xi32, #tpu.memory_space<vmem>> -> memref<1x128xi32, #tpu.memory_space<vmem>>
    %dma_wait3A_1044 = tpu.memref_squeeze %dma_wait3A_1043 : memref<1x128xi32, #tpu.memory_space<vmem>> -> memref<128xi32, #tpu.memory_space<vmem>>
    %dma_wait3A_1045 = arith.constant 0 : i32
    %dma_wait3A_1046 = tpu.memref_slice %arg2[%dma_wait3A_1045] : memref<1304576xf32, #tpu.memory_space<hbm>> -> memref<1304576xf32, #tpu.memory_space<hbm>>
    tpu.wait_indirect_dma semaphore(%arg11 : memref<!tpu.dma_semaphore, #tpu.memory_space<semaphore_mem>>) src(%dma_wait3A_1046 : memref<1304576xf32, #tpu.memory_space<hbm>>) dst(%dma_wait3A_1041 : memref<128xf32, #tpu.memory_space<vmem>>)
    %scan3A_1047 = arith.constant 0 : i32
    %scan3A_1048 = arith.constant 0 : i32
    %scan3A_1049 = arith.constant 32 : i32
    %scan3A_1050 = arith.addi %scan3A_1048, %scan3A_1049 : i32
    %scan3A_1051 = arith.constant 1 : i32
    %scan3A_1052 = scf.for %scan3A_1054 = %scan3A_1048 to %scan3A_1050 step %scan3A_1051 iter_args(%scan3A_1055 = %scan3A_1047) -> (i32)  : i32 {
      %mul3A_1056 = arith.constant 16 : i32
      %mul3A_1057 = arith.muli %scan3A_1054, %mul3A_1056 : i32
      %get3A = arith.constant 0 : i32
      %get3A_1058 = arith.index_cast %get3A : i32 to index
      %get3A_1059 = arith.index_cast %mul3A_1057 : i32 to index
      %get3A_1060 = tpu.vector_load %arg8[%get3A_1058, %get3A_1059] {strides = array<i32>} : memref<13x512xf32, #tpu.memory_space<vmem>>, vector<1x16xf32>,
      %get3A_1061 = vector.shape_cast %get3A_1060 : vector<1x16xf32> to vector<16xf32>
      %get3A_1062 = arith.constant 1 : i32
      %get3A_1063 = arith.index_cast %get3A_1062 : i32 to index
      %get3A_1064 = arith.index_cast %mul3A_1057 : i32 to index
      %get3A_1065 = tpu.vector_load %arg8[%get3A_1063, %get3A_1064] {strides = array<i32>} : memref<13x512xf32, #tpu.memory_space<vmem>>, vector<1x16xf32>,
      %get3A_1066 = vector.shape_cast %get3A_1065 : vector<1x16xf32> to vector<16xf32>
      %get3A_1067 = arith.constant 2 : i32
      %get3A_1068 = arith.index_cast %get3A_1067 : i32 to index
      %get3A_1069 = arith.index_cast %mul3A_1057 : i32 to index
      %get3A_1070 = tpu.vector_load %arg8[%get3A_1068, %get3A_1069] {strides = array<i32>} : memref<13x512xf32, #tpu.memory_space<vmem>>, vector<1x16xf32>,
      %get3A_1071 = vector.shape_cast %get3A_1070 : vector<1x16xf32> to vector<16xf32>
      %get3A_1072 = arith.constant 3 : i32
      %get3A_1073 = arith.index_cast %get3A_1072 : i32 to index
      %get3A_1074 = arith.index_cast %mul3A_1057 : i32 to index
      %get3A_1075 = tpu.vector_load %arg8[%get3A_1073, %get3A_1074] {strides = array<i32>} : memref<13x512xf32, #tpu.memory_space<vmem>>, vector<1x16xf32>,
      %get3A_1076 = vector.shape_cast %get3A_1075 : vector<1x16xf32> to vector<16xf32>
      %get3A_1077 = arith.constant 4 : i32
      %get3A_1078 = arith.index_cast %get3A_1077 : i32 to index
      %get3A_1079 = arith.index_cast %mul3A_1057 : i32 to index
      %get3A_1080 = tpu.vector_load %arg8[%get3A_1078, %get3A_1079] {strides = array<i32>} : memref<13x512xf32, #tpu.memory_space<vmem>>, vector<1x16xf32>,
      %get3A_1081 = vector.shape_cast %get3A_1080 : vector<1x16xf32> to vector<16xf32>
      %get3A_1082 = arith.constant 5 : i32
      %get3A_1083 = arith.index_cast %get3A_1082 : i32 to index
      %get3A_1084 = arith.index_cast %mul3A_1057 : i32 to index
      %get3A_1085 = tpu.vector_load %arg8[%get3A_1083, %get3A_1084] {strides = array<i32>} : memref<13x512xf32, #tpu.memory_space<vmem>>, vector<1x16xf32>,
      %get3A_1086 = vector.shape_cast %get3A_1085 : vector<1x16xf32> to vector<16xf32>
      %get3A_1087 = arith.constant 6 : i32
      %get3A_1088 = arith.index_cast %get3A_1087 : i32 to index
      %get3A_1089 = arith.index_cast %mul3A_1057 : i32 to index
      %get3A_1090 = tpu.vector_load %arg8[%get3A_1088, %get3A_1089] {strides = array<i32>} : memref<13x512xf32, #tpu.memory_space<vmem>>, vector<1x16xf32>,
      %get3A_1091 = vector.shape_cast %get3A_1090 : vector<1x16xf32> to vector<16xf32>
      %get3A_1092 = arith.constant 7 : i32
      %get3A_1093 = arith.index_cast %get3A_1092 : i32 to index
      %get3A_1094 = arith.index_cast %mul3A_1057 : i32 to index
      %get3A_1095 = tpu.vector_load %arg8[%get3A_1093, %get3A_1094] {strides = array<i32>} : memref<13x512xf32, #tpu.memory_space<vmem>>, vector<1x16xf32>,
      %get3A_1096 = vector.shape_cast %get3A_1095 : vector<1x16xf32> to vector<16xf32>
      %get3A_1097 = arith.constant 8 : i32
      %get3A_1098 = arith.index_cast %get3A_1097 : i32 to index
      %get3A_1099 = arith.index_cast %mul3A_1057 : i32 to index
      %get3A_1100 = tpu.vector_load %arg8[%get3A_1098, %get3A_1099] {strides = array<i32>} : memref<13x512xf32, #tpu.memory_space<vmem>>, vector<1x16xf32>,
      %get3A_1101 = vector.shape_cast %get3A_1100 : vector<1x16xf32> to vector<16xf32>
      %get3A_1102 = arith.constant 9 : i32
      %get3A_1103 = arith.index_cast %get3A_1102 : i32 to index
      %get3A_1104 = arith.index_cast %mul3A_1057 : i32 to index
      %get3A_1105 = tpu.vector_load %arg8[%get3A_1103, %get3A_1104] {strides = array<i32>} : memref<13x512xf32, #tpu.memory_space<vmem>>, vector<1x16xf32>,
      %get3A_1106 = vector.shape_cast %get3A_1105 : vector<1x16xf32> to vector<16xf32>
      %get3A_1107 = arith.constant 10 : i32
      %get3A_1108 = arith.index_cast %get3A_1107 : i32 to index
      %get3A_1109 = arith.index_cast %mul3A_1057 : i32 to index
      %get3A_1110 = tpu.vector_load %arg8[%get3A_1108, %get3A_1109] {strides = array<i32>} : memref<13x512xf32, #tpu.memory_space<vmem>>, vector<1x16xf32>,
      %get3A_1111 = vector.shape_cast %get3A_1110 : vector<1x16xf32> to vector<16xf32>
      %get3A_1112 = arith.constant 11 : i32
      %get3A_1113 = arith.index_cast %get3A_1112 : i32 to index
      %get3A_1114 = arith.index_cast %mul3A_1057 : i32 to index
      %get3A_1115 = tpu.vector_load %arg8[%get3A_1113, %get3A_1114] {strides = array<i32>} : memref<13x512xf32, #tpu.memory_space<vmem>>, vector<1x16xf32>,
      %get3A_1116 = vector.shape_cast %get3A_1115 : vector<1x16xf32> to vector<16xf32>
      %get3A_1117 = arith.constant 12 : i32
      %get3A_1118 = arith.index_cast %get3A_1117 : i32 to index
      %get3A_1119 = arith.index_cast %mul3A_1057 : i32 to index
      %get3A_1120 = tpu.vector_load %arg8[%get3A_1118, %get3A_1119] {strides = array<i32>} : memref<13x512xf32, #tpu.memory_space<vmem>>, vector<1x16xf32>,
      %get3A_1121 = vector.shape_cast %get3A_1120 : vector<1x16xf32> to vector<16xf32>
      %add3A_1122 = arith.addf %get3A_1061, %get3A_1066 : vector<16xf32>
      %add3A_1123 = arith.addf %get3A_1071, %get3A_1076 : vector<16xf32>
      %add3A_1124 = arith.addf %get3A_1081, %get3A_1086 : vector<16xf32>
      %add3A_1125 = arith.addf %get3A_1091, %get3A_1096 : vector<16xf32>
      %add3A_1126 = arith.addf %get3A_1101, %get3A_1106 : vector<16xf32>
      %add3A_1127 = arith.addf %get3A_1111, %get3A_1116 : vector<16xf32>
      %add3A_1128 = arith.addf %add3A_1122, %add3A_1123 : vector<16xf32>
      %add3A_1129 = arith.addf %add3A_1124, %add3A_1125 : vector<16xf32>
      %add3A_1130 = arith.addf %add3A_1126, %add3A_1127 : vector<16xf32>
      %add3A_1131 = arith.addf %add3A_1128, %add3A_1129 : vector<16xf32>
      %add3A_1132 = arith.addf %add3A_1130, %get3A_1121 : vector<16xf32>
      %add3A_1133 = arith.addf %add3A_1131, %add3A_1132 : vector<16xf32>
      %get3A_1134 = arith.index_cast %mul3A_1057 : i32 to index
      %get3A_1135 = tpu.vector_load %arg9[%get3A_1134] {strides = array<i32>} : memref<512xf32, #tpu.memory_space<vmem>>, vector<16xf32>,
      %get3A_1136 = vector.shape_cast %get3A_1135 : vector<16xf32> to vector<16xf32>
      %add3A_1137 = arith.addf %add3A_1133, %get3A_1136 : vector<16xf32>
      %swap3A = arith.index_cast %mul3A_1057 : i32 to index
      %swap3A_1138 = tpu.vector_load %arg10[%swap3A] {strides = array<i32>} : memref<512xf32, #tpu.memory_space<vmem>>, vector<16xf32>,
      %swap3A_1139 = vector.shape_cast %swap3A_1138 : vector<16xf32> to vector<16xf32>
      %swap3A_1140 = vector.shape_cast %add3A_1137 : vector<16xf32> to vector<16xf32>
      tpu.vector_store %arg10[%swap3A], %swap3A_1140 {strides = array<i32>} : memref<512xf32, #tpu.memory_space<vmem>>, vector<16xf32>,
      %scan3A_1141 = arith.constant 0 : i32
      scf.yield %scan3A_1141 : i32
    }
    %scan3A_1053 = arith.constant 32 : i32
    "tpu.region"() ({
      %run_scoped3A = tpu.sem_alloc : memref<!tpu.dma_semaphore, #tpu.memory_space<semaphore_mem>>
      %dma_start3A_1054 = tpu.memref_slice %arg5[%mul3A_2] : memref<16384xf32, #tpu.memory_space<hbm>> -> memref<512xf32, #tpu.memory_space<hbm>>
      %dma_start3A_1055 = tpu.memref_slice %arg5[%mul3A_2] : memref<16384xf32, #tpu.memory_space<hbm>> -> memref<512xf32, #tpu.memory_space<hbm>>
      tpu.enqueue_dma source(%arg10 : memref<512xf32, #tpu.memory_space<vmem>>) target(%dma_start3A_1055 : memref<512xf32, #tpu.memory_space<hbm>>) target_semaphore(%run_scoped3A : memref<!tpu.dma_semaphore, #tpu.memory_space<semaphore_mem>>)
      %dma_wait3A_1056 = tpu.memref_slice %arg5[%mul3A_2] : memref<16384xf32, #tpu.memory_space<hbm>> -> memref<512xf32, #tpu.memory_space<hbm>>
      %dma_wait3A_1057 = tpu.memref_slice %arg5[%mul3A_2] : memref<16384xf32, #tpu.memory_space<hbm>> -> memref<512xf32, #tpu.memory_space<hbm>>
      tpu.wait_dma2 semaphore(%run_scoped3A : memref<!tpu.dma_semaphore, #tpu.memory_space<semaphore_mem>>) src(%arg10 : memref<512xf32, #tpu.memory_space<vmem>>) dst(%dma_wait3A_1057 : memref<512xf32, #tpu.memory_space<hbm>>)
      tpu.yield
    }) : () -> ()
    return
  }
}

#map = affine_map<(d0, d1) -> (0)>
#map1 = affine_map<(d0, d1) -> (0, 0)>
module attributes {stable_mosaic.version = 14 : i64} {
  func.func @body(%arg0: i32, %arg1: i32, %arg2: memref<1304576xf32, #tpu.memory_space<hbm>>, %arg3: memref<26x16384xi32, #tpu.memory_space<hbm>>, %arg4: memref<16384xf32, #tpu.memory_space<hbm>>, %arg5: memref<16384xf32, #tpu.memory_space<hbm>>, %arg6: memref<26x512xi32, #tpu.memory_space<vmem>>, %arg7: memref<13x512xi32, #tpu.memory_space<vmem>>, %arg8: memref<13x512xf32, #tpu.memory_space<vmem>>, %arg9: memref<512xf32, #tpu.memory_space<vmem>>, %arg10: memref<512xf32, #tpu.memory_space<vmem>>, %arg11: memref<!tpu.dma_semaphore, #tpu.memory_space<semaphore_mem>>) attributes {dimension_semantics = [#tpu.dimension_semantics<core_parallel>, #tpu.dimension_semantics<subcore_parallel>], iteration_bounds = array<i64: 2, 16>, scalar_prefetch = 0 : i64, scratch_operands = 6 : i64, tpu.core_type = #tpu.core_type<sc_vector_subcore>, window_params = [{transform_indices = #map}, {transform_indices = #map1}, {transform_indices = #map}, {transform_indices = #map}]} {
    %mul3A = arith.constant 2 : i32
    %mul3A_0 = arith.muli %arg1, %mul3A : i32
    %add3A = arith.addi %mul3A_0, %arg0 : i32
    %mul3A_1 = arith.constant 512 : i32
    %mul3A_2 = arith.muli %add3A, %mul3A_1 : i32
    "tpu.region"() ({
      %run_scoped3A = tpu.sem_alloc : memref<!tpu.dma_semaphore, #tpu.memory_space<semaphore_mem>>
      %dma_start3A_1054 = arith.constant 0 : i32
      %dma_start3A_1055 = tpu.memref_slice %arg3[%dma_start3A_1054, %mul3A_2] : memref<26x16384xi32, #tpu.memory_space<hbm>> -> memref<26x512xi32, #tpu.memory_space<hbm>>
      %dma_start3A_1056 = arith.constant 0 : i32
      %dma_start3A_1057 = tpu.memref_slice %arg3[%dma_start3A_1056, %mul3A_2] : memref<26x16384xi32, #tpu.memory_space<hbm>> -> memref<26x512xi32, #tpu.memory_space<hbm>>
      tpu.enqueue_dma source(%dma_start3A_1057 : memref<26x512xi32, #tpu.memory_space<hbm>>) target(%arg6 : memref<26x512xi32, #tpu.memory_space<vmem>>) target_semaphore(%run_scoped3A : memref<!tpu.dma_semaphore, #tpu.memory_space<semaphore_mem>>)
      %dma_wait3A_1058 = arith.constant 0 : i32
      %dma_wait3A_1059 = tpu.memref_slice %arg3[%dma_wait3A_1058, %mul3A_2] : memref<26x16384xi32, #tpu.memory_space<hbm>> -> memref<26x512xi32, #tpu.memory_space<hbm>>
      %dma_wait3A_1060 = arith.constant 0 : i32
      %dma_wait3A_1061 = tpu.memref_slice %arg3[%dma_wait3A_1060, %mul3A_2] : memref<26x16384xi32, #tpu.memory_space<hbm>> -> memref<26x512xi32, #tpu.memory_space<hbm>>
      tpu.wait_dma2 semaphore(%run_scoped3A : memref<!tpu.dma_semaphore, #tpu.memory_space<semaphore_mem>>) src(%dma_wait3A_1061 : memref<26x512xi32, #tpu.memory_space<hbm>>) dst(%arg6 : memref<26x512xi32, #tpu.memory_space<vmem>>)
      tpu.yield
    }) : () -> ()
    "tpu.region"() ({
      %run_scoped3A = tpu.sem_alloc : memref<!tpu.dma_semaphore, #tpu.memory_space<semaphore_mem>>
      %dma_start3A_1054 = tpu.memref_slice %arg4[%mul3A_2] : memref<16384xf32, #tpu.memory_space<hbm>> -> memref<512xf32, #tpu.memory_space<hbm>>
      %dma_start3A_1055 = tpu.memref_slice %arg4[%mul3A_2] : memref<16384xf32, #tpu.memory_space<hbm>> -> memref<512xf32, #tpu.memory_space<hbm>>
      tpu.enqueue_dma source(%dma_start3A_1055 : memref<512xf32, #tpu.memory_space<hbm>>) target(%arg9 : memref<512xf32, #tpu.memory_space<vmem>>) target_semaphore(%run_scoped3A : memref<!tpu.dma_semaphore, #tpu.memory_space<semaphore_mem>>)
      %dma_wait3A_1056 = tpu.memref_slice %arg4[%mul3A_2] : memref<16384xf32, #tpu.memory_space<hbm>> -> memref<512xf32, #tpu.memory_space<hbm>>
      %dma_wait3A_1057 = tpu.memref_slice %arg4[%mul3A_2] : memref<16384xf32, #tpu.memory_space<hbm>> -> memref<512xf32, #tpu.memory_space<hbm>>
      tpu.wait_dma2 semaphore(%run_scoped3A : memref<!tpu.dma_semaphore, #tpu.memory_space<semaphore_mem>>) src(%dma_wait3A_1057 : memref<512xf32, #tpu.memory_space<hbm>>) dst(%arg9 : memref<512xf32, #tpu.memory_space<vmem>>)
      tpu.yield
    }) : () -> ()
    %scan3A = arith.constant 0 : i32
    %scan3A_3 = arith.constant 0 : i32
    %scan3A_4 = arith.constant 32 : i32
    %scan3A_5 = arith.addi %scan3A_3, %scan3A_4 : i32
    %scan3A_6 = arith.constant 1 : i32
    %scan3A_7 = scf.for %scan3A_1054 = %scan3A_3 to %scan3A_5 step %scan3A_6 iter_args(%scan3A_1055 = %scan3A) -> (i32)  : i32 {
      %mul3A_1056 = arith.constant 16 : i32
      %mul3A_1057 = arith.muli %scan3A_1054, %mul3A_1056 : i32
      %get3A = arith.constant 0 : i32
      %get3A_1058 = arith.index_cast %get3A : i32 to index
      %get3A_1059 = arith.index_cast %mul3A_1057 : i32 to index
      %get3A_1060 = tpu.vector_load %arg6[%get3A_1058, %get3A_1059] {strides = array<i32>} : memref<26x512xi32, #tpu.memory_space<vmem>>, vector<1x16xi32>,
      %get3A_1061 = vector.shape_cast %get3A_1060 : vector<1x16xi32> to vector<16xi32>
      %add3A_1062 = arith.constant 0 : i32
      %add3A_1063 = vector.broadcast %add3A_1062 : i32 to vector<16xi32>
      %add3A_1064 = arith.addi %get3A_1061, %add3A_1063 : vector<16xi32>
      %swap3A = arith.constant 0 : i32
      %swap3A_1065 = arith.index_cast %swap3A : i32 to index
      %swap3A_1066 = arith.index_cast %mul3A_1057 : i32 to index
      %swap3A_1067 = tpu.vector_load %arg7[%swap3A_1065, %swap3A_1066] {strides = array<i32>} : memref<13x512xi32, #tpu.memory_space<vmem>>, vector<1x16xi32>,
      %swap3A_1068 = vector.shape_cast %swap3A_1067 : vector<1x16xi32> to vector<16xi32>
      %swap3A_1069 = vector.shape_cast %add3A_1064 : vector<16xi32> to vector<1x16xi32>
      tpu.vector_store %arg7[%swap3A_1065, %swap3A_1066], %swap3A_1069 {strides = array<i32>} : memref<13x512xi32, #tpu.memory_space<vmem>>, vector<1x16xi32>,
      %get3A_1070 = arith.constant 1 : i32
      %get3A_1071 = arith.index_cast %get3A_1070 : i32 to index
      %get3A_1072 = arith.index_cast %mul3A_1057 : i32 to index
      %get3A_1073 = tpu.vector_load %arg6[%get3A_1071, %get3A_1072] {strides = array<i32>} : memref<26x512xi32, #tpu.memory_space<vmem>>, vector<1x16xi32>,
      %get3A_1074 = vector.shape_cast %get3A_1073 : vector<1x16xi32> to vector<16xi32>
      %add3A_1075 = arith.constant 100352 : i32
      %add3A_1076 = vector.broadcast %add3A_1075 : i32 to vector<16xi32>
      %add3A_1077 = arith.addi %get3A_1074, %add3A_1076 : vector<16xi32>
      %swap3A_1078 = arith.constant 1 : i32
      %swap3A_1079 = arith.index_cast %swap3A_1078 : i32 to index
      %swap3A_1080 = arith.index_cast %mul3A_1057 : i32 to index
      %swap3A_1081 = tpu.vector_load %arg7[%swap3A_1079, %swap3A_1080] {strides = array<i32>} : memref<13x512xi32, #tpu.memory_space<vmem>>, vector<1x16xi32>,
      %swap3A_1082 = vector.shape_cast %swap3A_1081 : vector<1x16xi32> to vector<16xi32>
      %swap3A_1083 = vector.shape_cast %add3A_1077 : vector<16xi32> to vector<1x16xi32>
      tpu.vector_store %arg7[%swap3A_1079, %swap3A_1080], %swap3A_1083 {strides = array<i32>} : memref<13x512xi32, #tpu.memory_space<vmem>>, vector<1x16xi32>,
      %get3A_1084 = arith.constant 2 : i32
      %get3A_1085 = arith.index_cast %get3A_1084 : i32 to index
      %get3A_1086 = arith.index_cast %mul3A_1057 : i32 to index
      %get3A_1087 = tpu.vector_load %arg6[%get3A_1085, %get3A_1086] {strides = array<i32>} : memref<26x512xi32, #tpu.memory_space<vmem>>, vector<1x16xi32>,
      %get3A_1088 = vector.shape_cast %get3A_1087 : vector<1x16xi32> to vector<16xi32>
      %add3A_1089 = arith.constant 200704 : i32
      %add3A_1090 = vector.broadcast %add3A_1089 : i32 to vector<16xi32>
      %add3A_1091 = arith.addi %get3A_1088, %add3A_1090 : vector<16xi32>
      %swap3A_1092 = arith.constant 2 : i32
      %swap3A_1093 = arith.index_cast %swap3A_1092 : i32 to index
      %swap3A_1094 = arith.index_cast %mul3A_1057 : i32 to index
      %swap3A_1095 = tpu.vector_load %arg7[%swap3A_1093, %swap3A_1094] {strides = array<i32>} : memref<13x512xi32, #tpu.memory_space<vmem>>, vector<1x16xi32>,
      %swap3A_1096 = vector.shape_cast %swap3A_1095 : vector<1x16xi32> to vector<16xi32>
      %swap3A_1097 = vector.shape_cast %add3A_1091 : vector<16xi32> to vector<1x16xi32>
      tpu.vector_store %arg7[%swap3A_1093, %swap3A_1094], %swap3A_1097 {strides = array<i32>} : memref<13x512xi32, #tpu.memory_space<vmem>>, vector<1x16xi32>,
      %get3A_1098 = arith.constant 3 : i32
      %get3A_1099 = arith.index_cast %get3A_1098 : i32 to index
      %get3A_1100 = arith.index_cast %mul3A_1057 : i32 to index
      %get3A_1101 = tpu.vector_load %arg6[%get3A_1099, %get3A_1100] {strides = array<i32>} : memref<26x512xi32, #tpu.memory_space<vmem>>, vector<1x16xi32>,
      %get3A_1102 = vector.shape_cast %get3A_1101 : vector<1x16xi32> to vector<16xi32>
      %add3A_1103 = arith.constant 301056 : i32
      %add3A_1104 = vector.broadcast %add3A_1103 : i32 to vector<16xi32>
      %add3A_1105 = arith.addi %get3A_1102, %add3A_1104 : vector<16xi32>
      %swap3A_1106 = arith.constant 3 : i32
      %swap3A_1107 = arith.index_cast %swap3A_1106 : i32 to index
      %swap3A_1108 = arith.index_cast %mul3A_1057 : i32 to index
      %swap3A_1109 = tpu.vector_load %arg7[%swap3A_1107, %swap3A_1108] {strides = array<i32>} : memref<13x512xi32, #tpu.memory_space<vmem>>, vector<1x16xi32>,
      %swap3A_1110 = vector.shape_cast %swap3A_1109 : vector<1x16xi32> to vector<16xi32>
      %swap3A_1111 = vector.shape_cast %add3A_1105 : vector<16xi32> to vector<1x16xi32>
      tpu.vector_store %arg7[%swap3A_1107, %swap3A_1108], %swap3A_1111 {strides = array<i32>} : memref<13x512xi32, #tpu.memory_space<vmem>>, vector<1x16xi32>,
      %get3A_1112 = arith.constant 4 : i32
      %get3A_1113 = arith.index_cast %get3A_1112 : i32 to index
      %get3A_1114 = arith.index_cast %mul3A_1057 : i32 to index
      %get3A_1115 = tpu.vector_load %arg6[%get3A_1113, %get3A_1114] {strides = array<i32>} : memref<26x512xi32, #tpu.memory_space<vmem>>, vector<1x16xi32>,
      %get3A_1116 = vector.shape_cast %get3A_1115 : vector<1x16xi32> to vector<16xi32>
      %add3A_1117 = arith.constant 401408 : i32
      %add3A_1118 = vector.broadcast %add3A_1117 : i32 to vector<16xi32>
      %add3A_1119 = arith.addi %get3A_1116, %add3A_1118 : vector<16xi32>
      %swap3A_1120 = arith.constant 4 : i32
      %swap3A_1121 = arith.index_cast %swap3A_1120 : i32 to index
      %swap3A_1122 = arith.index_cast %mul3A_1057 : i32 to index
      %swap3A_1123 = tpu.vector_load %arg7[%swap3A_1121, %swap3A_1122] {strides = array<i32>} : memref<13x512xi32, #tpu.memory_space<vmem>>, vector<1x16xi32>,
      %swap3A_1124 = vector.shape_cast %swap3A_1123 : vector<1x16xi32> to vector<16xi32>
      %swap3A_1125 = vector.shape_cast %add3A_1119 : vector<16xi32> to vector<1x16xi32>
      tpu.vector_store %arg7[%swap3A_1121, %swap3A_1122], %swap3A_1125 {strides = array<i32>} : memref<13x512xi32, #tpu.memory_space<vmem>>, vector<1x16xi32>,
      %get3A_1126 = arith.constant 5 : i32
      %get3A_1127 = arith.index_cast %get3A_1126 : i32 to index
      %get3A_1128 = arith.index_cast %mul3A_1057 : i32 to index
      %get3A_1129 = tpu.vector_load %arg6[%get3A_1127, %get3A_1128] {strides = array<i32>} : memref<26x512xi32, #tpu.memory_space<vmem>>, vector<1x16xi32>,
      %get3A_1130 = vector.shape_cast %get3A_1129 : vector<1x16xi32> to vector<16xi32>
      %add3A_1131 = arith.constant 501760 : i32
      %add3A_1132 = vector.broadcast %add3A_1131 : i32 to vector<16xi32>
      %add3A_1133 = arith.addi %get3A_1130, %add3A_1132 : vector<16xi32>
      %swap3A_1134 = arith.constant 5 : i32
      %swap3A_1135 = arith.index_cast %swap3A_1134 : i32 to index
      %swap3A_1136 = arith.index_cast %mul3A_1057 : i32 to index
      %swap3A_1137 = tpu.vector_load %arg7[%swap3A_1135, %swap3A_1136] {strides = array<i32>} : memref<13x512xi32, #tpu.memory_space<vmem>>, vector<1x16xi32>,
      %swap3A_1138 = vector.shape_cast %swap3A_1137 : vector<1x16xi32> to vector<16xi32>
      %swap3A_1139 = vector.shape_cast %add3A_1133 : vector<16xi32> to vector<1x16xi32>
      tpu.vector_store %arg7[%swap3A_1135, %swap3A_1136], %swap3A_1139 {strides = array<i32>} : memref<13x512xi32, #tpu.memory_space<vmem>>, vector<1x16xi32>,
      %get3A_1140 = arith.constant 6 : i32
      %get3A_1141 = arith.index_cast %get3A_1140 : i32 to index
      %get3A_1142 = arith.index_cast %mul3A_1057 : i32 to index
      %get3A_1143 = tpu.vector_load %arg6[%get3A_1141, %get3A_1142] {strides = array<i32>} : memref<26x512xi32, #tpu.memory_space<vmem>>, vector<1x16xi32>,
      %get3A_1144 = vector.shape_cast %get3A_1143 : vector<1x16xi32> to vector<16xi32>
      %add3A_1145 = arith.constant 602112 : i32
      %add3A_1146 = vector.broadcast %add3A_1145 : i32 to vector<16xi32>
      %add3A_1147 = arith.addi %get3A_1144, %add3A_1146 : vector<16xi32>
      %swap3A_1148 = arith.constant 6 : i32
      %swap3A_1149 = arith.index_cast %swap3A_1148 : i32 to index
      %swap3A_1150 = arith.index_cast %mul3A_1057 : i32 to index
      %swap3A_1151 = tpu.vector_load %arg7[%swap3A_1149, %swap3A_1150] {strides = array<i32>} : memref<13x512xi32, #tpu.memory_space<vmem>>, vector<1x16xi32>,
      %swap3A_1152 = vector.shape_cast %swap3A_1151 : vector<1x16xi32> to vector<16xi32>
      %swap3A_1153 = vector.shape_cast %add3A_1147 : vector<16xi32> to vector<1x16xi32>
      tpu.vector_store %arg7[%swap3A_1149, %swap3A_1150], %swap3A_1153 {strides = array<i32>} : memref<13x512xi32, #tpu.memory_space<vmem>>, vector<1x16xi32>,
      %get3A_1154 = arith.constant 7 : i32
      %get3A_1155 = arith.index_cast %get3A_1154 : i32 to index
      %get3A_1156 = arith.index_cast %mul3A_1057 : i32 to index
      %get3A_1157 = tpu.vector_load %arg6[%get3A_1155, %get3A_1156] {strides = array<i32>} : memref<26x512xi32, #tpu.memory_space<vmem>>, vector<1x16xi32>,
      %get3A_1158 = vector.shape_cast %get3A_1157 : vector<1x16xi32> to vector<16xi32>
      %add3A_1159 = arith.constant 702464 : i32
      %add3A_1160 = vector.broadcast %add3A_1159 : i32 to vector<16xi32>
      %add3A_1161 = arith.addi %get3A_1158, %add3A_1160 : vector<16xi32>
      %swap3A_1162 = arith.constant 7 : i32
      %swap3A_1163 = arith.index_cast %swap3A_1162 : i32 to index
      %swap3A_1164 = arith.index_cast %mul3A_1057 : i32 to index
      %swap3A_1165 = tpu.vector_load %arg7[%swap3A_1163, %swap3A_1164] {strides = array<i32>} : memref<13x512xi32, #tpu.memory_space<vmem>>, vector<1x16xi32>,
      %swap3A_1166 = vector.shape_cast %swap3A_1165 : vector<1x16xi32> to vector<16xi32>
      %swap3A_1167 = vector.shape_cast %add3A_1161 : vector<16xi32> to vector<1x16xi32>
      tpu.vector_store %arg7[%swap3A_1163, %swap3A_1164], %swap3A_1167 {strides = array<i32>} : memref<13x512xi32, #tpu.memory_space<vmem>>, vector<1x16xi32>,
      %get3A_1168 = arith.constant 8 : i32
      %get3A_1169 = arith.index_cast %get3A_1168 : i32 to index
      %get3A_1170 = arith.index_cast %mul3A_1057 : i32 to index
      %get3A_1171 = tpu.vector_load %arg6[%get3A_1169, %get3A_1170] {strides = array<i32>} : memref<26x512xi32, #tpu.memory_space<vmem>>, vector<1x16xi32>,
      %get3A_1172 = vector.shape_cast %get3A_1171 : vector<1x16xi32> to vector<16xi32>
      %add3A_1173 = arith.constant 802816 : i32
      %add3A_1174 = vector.broadcast %add3A_1173 : i32 to vector<16xi32>
      %add3A_1175 = arith.addi %get3A_1172, %add3A_1174 : vector<16xi32>
      %swap3A_1176 = arith.constant 8 : i32
      %swap3A_1177 = arith.index_cast %swap3A_1176 : i32 to index
      %swap3A_1178 = arith.index_cast %mul3A_1057 : i32 to index
      %swap3A_1179 = tpu.vector_load %arg7[%swap3A_1177, %swap3A_1178] {strides = array<i32>} : memref<13x512xi32, #tpu.memory_space<vmem>>, vector<1x16xi32>,
      %swap3A_1180 = vector.shape_cast %swap3A_1179 : vector<1x16xi32> to vector<16xi32>
      %swap3A_1181 = vector.shape_cast %add3A_1175 : vector<16xi32> to vector<1x16xi32>
      tpu.vector_store %arg7[%swap3A_1177, %swap3A_1178], %swap3A_1181 {strides = array<i32>} : memref<13x512xi32, #tpu.memory_space<vmem>>, vector<1x16xi32>,
      %get3A_1182 = arith.constant 9 : i32
      %get3A_1183 = arith.index_cast %get3A_1182 : i32 to index
      %get3A_1184 = arith.index_cast %mul3A_1057 : i32 to index
      %get3A_1185 = tpu.vector_load %arg6[%get3A_1183, %get3A_1184] {strides = array<i32>} : memref<26x512xi32, #tpu.memory_space<vmem>>, vector<1x16xi32>,
      %get3A_1186 = vector.shape_cast %get3A_1185 : vector<1x16xi32> to vector<16xi32>
      %add3A_1187 = arith.constant 903168 : i32
      %add3A_1188 = vector.broadcast %add3A_1187 : i32 to vector<16xi32>
      %add3A_1189 = arith.addi %get3A_1186, %add3A_1188 : vector<16xi32>
      %swap3A_1190 = arith.constant 9 : i32
      %swap3A_1191 = arith.index_cast %swap3A_1190 : i32 to index
      %swap3A_1192 = arith.index_cast %mul3A_1057 : i32 to index
      %swap3A_1193 = tpu.vector_load %arg7[%swap3A_1191, %swap3A_1192] {strides = array<i32>} : memref<13x512xi32, #tpu.memory_space<vmem>>, vector<1x16xi32>,
      %swap3A_1194 = vector.shape_cast %swap3A_1193 : vector<1x16xi32> to vector<16xi32>
      %swap3A_1195 = vector.shape_cast %add3A_1189 : vector<16xi32> to vector<1x16xi32>
      tpu.vector_store %arg7[%swap3A_1191, %swap3A_1192], %swap3A_1195 {strides = array<i32>} : memref<13x512xi32, #tpu.memory_space<vmem>>, vector<1x16xi32>,
      %get3A_1196 = arith.constant 10 : i32
      %get3A_1197 = arith.index_cast %get3A_1196 : i32 to index
      %get3A_1198 = arith.index_cast %mul3A_1057 : i32 to index
      %get3A_1199 = tpu.vector_load %arg6[%get3A_1197, %get3A_1198] {strides = array<i32>} : memref<26x512xi32, #tpu.memory_space<vmem>>, vector<1x16xi32>,
      %get3A_1200 = vector.shape_cast %get3A_1199 : vector<1x16xi32> to vector<16xi32>
      %add3A_1201 = arith.constant 1003520 : i32
      %add3A_1202 = vector.broadcast %add3A_1201 : i32 to vector<16xi32>
      %add3A_1203 = arith.addi %get3A_1200, %add3A_1202 : vector<16xi32>
      %swap3A_1204 = arith.constant 10 : i32
      %swap3A_1205 = arith.index_cast %swap3A_1204 : i32 to index
      %swap3A_1206 = arith.index_cast %mul3A_1057 : i32 to index
      %swap3A_1207 = tpu.vector_load %arg7[%swap3A_1205, %swap3A_1206] {strides = array<i32>} : memref<13x512xi32, #tpu.memory_space<vmem>>, vector<1x16xi32>,
      %swap3A_1208 = vector.shape_cast %swap3A_1207 : vector<1x16xi32> to vector<16xi32>
      %swap3A_1209 = vector.shape_cast %add3A_1203 : vector<16xi32> to vector<1x16xi32>
      tpu.vector_store %arg7[%swap3A_1205, %swap3A_1206], %swap3A_1209 {strides = array<i32>} : memref<13x512xi32, #tpu.memory_space<vmem>>, vector<1x16xi32>,
      %get3A_1210 = arith.constant 11 : i32
      %get3A_1211 = arith.index_cast %get3A_1210 : i32 to index
      %get3A_1212 = arith.index_cast %mul3A_1057 : i32 to index
      %get3A_1213 = tpu.vector_load %arg6[%get3A_1211, %get3A_1212] {strides = array<i32>} : memref<26x512xi32, #tpu.memory_space<vmem>>, vector<1x16xi32>,
      %get3A_1214 = vector.shape_cast %get3A_1213 : vector<1x16xi32> to vector<16xi32>
      %add3A_1215 = arith.constant 1103872 : i32
      %add3A_1216 = vector.broadcast %add3A_1215 : i32 to vector<16xi32>
      %add3A_1217 = arith.addi %get3A_1214, %add3A_1216 : vector<16xi32>
      %swap3A_1218 = arith.constant 11 : i32
      %swap3A_1219 = arith.index_cast %swap3A_1218 : i32 to index
      %swap3A_1220 = arith.index_cast %mul3A_1057 : i32 to index
      %swap3A_1221 = tpu.vector_load %arg7[%swap3A_1219, %swap3A_1220] {strides = array<i32>} : memref<13x512xi32, #tpu.memory_space<vmem>>, vector<1x16xi32>,
      %swap3A_1222 = vector.shape_cast %swap3A_1221 : vector<1x16xi32> to vector<16xi32>
      %swap3A_1223 = vector.shape_cast %add3A_1217 : vector<16xi32> to vector<1x16xi32>
      tpu.vector_store %arg7[%swap3A_1219, %swap3A_1220], %swap3A_1223 {strides = array<i32>} : memref<13x512xi32, #tpu.memory_space<vmem>>, vector<1x16xi32>,
      %get3A_1224 = arith.constant 12 : i32
      %get3A_1225 = arith.index_cast %get3A_1224 : i32 to index
      %get3A_1226 = arith.index_cast %mul3A_1057 : i32 to index
      %get3A_1227 = tpu.vector_load %arg6[%get3A_1225, %get3A_1226] {strides = array<i32>} : memref<26x512xi32, #tpu.memory_space<vmem>>, vector<1x16xi32>,
      %get3A_1228 = vector.shape_cast %get3A_1227 : vector<1x16xi32> to vector<16xi32>
      %add3A_1229 = arith.constant 1204224 : i32
      %add3A_1230 = vector.broadcast %add3A_1229 : i32 to vector<16xi32>
      %add3A_1231 = arith.addi %get3A_1228, %add3A_1230 : vector<16xi32>
      %swap3A_1232 = arith.constant 12 : i32
      %swap3A_1233 = arith.index_cast %swap3A_1232 : i32 to index
      %swap3A_1234 = arith.index_cast %mul3A_1057 : i32 to index
      %swap3A_1235 = tpu.vector_load %arg7[%swap3A_1233, %swap3A_1234] {strides = array<i32>} : memref<13x512xi32, #tpu.memory_space<vmem>>, vector<1x16xi32>,
      %swap3A_1236 = vector.shape_cast %swap3A_1235 : vector<1x16xi32> to vector<16xi32>
      %swap3A_1237 = vector.shape_cast %add3A_1231 : vector<16xi32> to vector<1x16xi32>
      tpu.vector_store %arg7[%swap3A_1233, %swap3A_1234], %swap3A_1237 {strides = array<i32>} : memref<13x512xi32, #tpu.memory_space<vmem>>, vector<1x16xi32>,
      %scan3A_1238 = arith.constant 0 : i32
      scf.yield %scan3A_1238 : i32
    }
    %scan3A_8 = arith.constant 32 : i32
    %dma_start3A = arith.constant 0 : i32
    %dma_start3A_9 = arith.constant 0 : i32
    %dma_start3A_10 = arith.constant 0 : i32
    %dma_start3A_11 = tpu.memref_slice %arg8[%dma_start3A_9, %dma_start3A_10] : memref<13x512xf32, #tpu.memory_space<vmem>> -> memref<1x128xf32, #tpu.memory_space<vmem>>
    %dma_start3A_12 = tpu.memref_squeeze %dma_start3A_11 : memref<1x128xf32, #tpu.memory_space<vmem>> -> memref<128xf32, #tpu.memory_space<vmem>>
    %dma_start3A_13 = arith.constant 0 : i32
    %dma_start3A_14 = tpu.memref_slice %arg7[%dma_start3A, %dma_start3A_13] : memref<13x512xi32, #tpu.memory_space<vmem>> -> memref<1x128xi32, #tpu.memory_space<vmem>>
    %dma_start3A_15 = tpu.memref_squeeze %dma_start3A_14 : memref<1x128xi32, #tpu.memory_space<vmem>> -> memref<128xi32, #tpu.memory_space<vmem>>
    %dma_start3A_16 = arith.constant 0 : i32
    %dma_start3A_17 = tpu.memref_slice %arg2[%dma_start3A_16] : memref<1304576xf32, #tpu.memory_space<hbm>> -> memref<1304576xf32, #tpu.memory_space<hbm>>
    tpu.enqueue_indirect_dma source(%dma_start3A_17 : memref<1304576xf32, #tpu.memory_space<hbm>>) target(%dma_start3A_12 : memref<128xf32, #tpu.memory_space<vmem>>) offsets(%dma_start3A_15 : memref<128xi32, #tpu.memory_space<vmem>>) semaphore(%arg11 : memref<!tpu.dma_semaphore, #tpu.memory_space<semaphore_mem>>)
    %dma_start3A_18 = arith.constant 0 : i32
    %dma_start3A_19 = arith.constant 0 : i32
    %dma_start3A_20 = arith.constant 128 : i32
    %dma_start3A_21 = tpu.memref_slice %arg8[%dma_start3A_19, %dma_start3A_20] : memref<13x512xf32, #tpu.memory_space<vmem>> -> memref<1x128xf32, #tpu.memory_space<vmem>>
    %dma_start3A_22 = tpu.memref_squeeze %dma_start3A_21 : memref<1x128xf32, #tpu.memory_space<vmem>> -> memref<128xf32, #tpu.memory_space<vmem>>
    %dma_start3A_23 = arith.constant 128 : i32
    %dma_start3A_24 = tpu.memref_slice %arg7[%dma_start3A_18, %dma_start3A_23] : memref<13x512xi32, #tpu.memory_space<vmem>> -> memref<1x128xi32, #tpu.memory_space<vmem>>
    %dma_start3A_25 = tpu.memref_squeeze %dma_start3A_24 : memref<1x128xi32, #tpu.memory_space<vmem>> -> memref<128xi32, #tpu.memory_space<vmem>>
    %dma_start3A_26 = arith.constant 0 : i32
    %dma_start3A_27 = tpu.memref_slice %arg2[%dma_start3A_26] : memref<1304576xf32, #tpu.memory_space<hbm>> -> memref<1304576xf32, #tpu.memory_space<hbm>>
    tpu.enqueue_indirect_dma source(%dma_start3A_27 : memref<1304576xf32, #tpu.memory_space<hbm>>) target(%dma_start3A_22 : memref<128xf32, #tpu.memory_space<vmem>>) offsets(%dma_start3A_25 : memref<128xi32, #tpu.memory_space<vmem>>) semaphore(%arg11 : memref<!tpu.dma_semaphore, #tpu.memory_space<semaphore_mem>>)
    %dma_start3A_28 = arith.constant 0 : i32
    %dma_start3A_29 = arith.constant 0 : i32
    %dma_start3A_30 = arith.constant 256 : i32
    %dma_start3A_31 = tpu.memref_slice %arg8[%dma_start3A_29, %dma_start3A_30] : memref<13x512xf32, #tpu.memory_space<vmem>> -> memref<1x128xf32, #tpu.memory_space<vmem>>
    %dma_start3A_32 = tpu.memref_squeeze %dma_start3A_31 : memref<1x128xf32, #tpu.memory_space<vmem>> -> memref<128xf32, #tpu.memory_space<vmem>>
    %dma_start3A_33 = arith.constant 256 : i32
    %dma_start3A_34 = tpu.memref_slice %arg7[%dma_start3A_28, %dma_start3A_33] : memref<13x512xi32, #tpu.memory_space<vmem>> -> memref<1x128xi32, #tpu.memory_space<vmem>>
    %dma_start3A_35 = tpu.memref_squeeze %dma_start3A_34 : memref<1x128xi32, #tpu.memory_space<vmem>> -> memref<128xi32, #tpu.memory_space<vmem>>
    %dma_start3A_36 = arith.constant 0 : i32
    %dma_start3A_37 = tpu.memref_slice %arg2[%dma_start3A_36] : memref<1304576xf32, #tpu.memory_space<hbm>> -> memref<1304576xf32, #tpu.memory_space<hbm>>
    tpu.enqueue_indirect_dma source(%dma_start3A_37 : memref<1304576xf32, #tpu.memory_space<hbm>>) target(%dma_start3A_32 : memref<128xf32, #tpu.memory_space<vmem>>) offsets(%dma_start3A_35 : memref<128xi32, #tpu.memory_space<vmem>>) semaphore(%arg11 : memref<!tpu.dma_semaphore, #tpu.memory_space<semaphore_mem>>)
    %dma_start3A_38 = arith.constant 0 : i32
    %dma_start3A_39 = arith.constant 0 : i32
    %dma_start3A_40 = arith.constant 384 : i32
    %dma_start3A_41 = tpu.memref_slice %arg8[%dma_start3A_39, %dma_start3A_40] : memref<13x512xf32, #tpu.memory_space<vmem>> -> memref<1x128xf32, #tpu.memory_space<vmem>>
    %dma_start3A_42 = tpu.memref_squeeze %dma_start3A_41 : memref<1x128xf32, #tpu.memory_space<vmem>> -> memref<128xf32, #tpu.memory_space<vmem>>
    %dma_start3A_43 = arith.constant 384 : i32
    %dma_start3A_44 = tpu.memref_slice %arg7[%dma_start3A_38, %dma_start3A_43] : memref<13x512xi32, #tpu.memory_space<vmem>> -> memref<1x128xi32, #tpu.memory_space<vmem>>
    %dma_start3A_45 = tpu.memref_squeeze %dma_start3A_44 : memref<1x128xi32, #tpu.memory_space<vmem>> -> memref<128xi32, #tpu.memory_space<vmem>>
    %dma_start3A_46 = arith.constant 0 : i32
    %dma_start3A_47 = tpu.memref_slice %arg2[%dma_start3A_46] : memref<1304576xf32, #tpu.memory_space<hbm>> -> memref<1304576xf32, #tpu.memory_space<hbm>>
    tpu.enqueue_indirect_dma source(%dma_start3A_47 : memref<1304576xf32, #tpu.memory_space<hbm>>) target(%dma_start3A_42 : memref<128xf32, #tpu.memory_space<vmem>>) offsets(%dma_start3A_45 : memref<128xi32, #tpu.memory_space<vmem>>) semaphore(%arg11 : memref<!tpu.dma_semaphore, #tpu.memory_space<semaphore_mem>>)
    %dma_start3A_48 = arith.constant 1 : i32
    %dma_start3A_49 = arith.constant 1 : i32
    %dma_start3A_50 = arith.constant 0 : i32
    %dma_start3A_51 = tpu.memref_slice %arg8[%dma_start3A_49, %dma_start3A_50] : memref<13x512xf32, #tpu.memory_space<vmem>> -> memref<1x128xf32, #tpu.memory_space<vmem>>
    %dma_start3A_52 = tpu.memref_squeeze %dma_start3A_51 : memref<1x128xf32, #tpu.memory_space<vmem>> -> memref<128xf32, #tpu.memory_space<vmem>>
    %dma_start3A_53 = arith.constant 0 : i32
    %dma_start3A_54 = tpu.memref_slice %arg7[%dma_start3A_48, %dma_start3A_53] : memref<13x512xi32, #tpu.memory_space<vmem>> -> memref<1x128xi32, #tpu.memory_space<vmem>>
    %dma_start3A_55 = tpu.memref_squeeze %dma_start3A_54 : memref<1x128xi32, #tpu.memory_space<vmem>> -> memref<128xi32, #tpu.memory_space<vmem>>
    %dma_start3A_56 = arith.constant 0 : i32
    %dma_start3A_57 = tpu.memref_slice %arg2[%dma_start3A_56] : memref<1304576xf32, #tpu.memory_space<hbm>> -> memref<1304576xf32, #tpu.memory_space<hbm>>
    tpu.enqueue_indirect_dma source(%dma_start3A_57 : memref<1304576xf32, #tpu.memory_space<hbm>>) target(%dma_start3A_52 : memref<128xf32, #tpu.memory_space<vmem>>) offsets(%dma_start3A_55 : memref<128xi32, #tpu.memory_space<vmem>>) semaphore(%arg11 : memref<!tpu.dma_semaphore, #tpu.memory_space<semaphore_mem>>)
    %dma_start3A_58 = arith.constant 1 : i32
    %dma_start3A_59 = arith.constant 1 : i32
    %dma_start3A_60 = arith.constant 128 : i32
    %dma_start3A_61 = tpu.memref_slice %arg8[%dma_start3A_59, %dma_start3A_60] : memref<13x512xf32, #tpu.memory_space<vmem>> -> memref<1x128xf32, #tpu.memory_space<vmem>>
    %dma_start3A_62 = tpu.memref_squeeze %dma_start3A_61 : memref<1x128xf32, #tpu.memory_space<vmem>> -> memref<128xf32, #tpu.memory_space<vmem>>
    %dma_start3A_63 = arith.constant 128 : i32
    %dma_start3A_64 = tpu.memref_slice %arg7[%dma_start3A_58, %dma_start3A_63] : memref<13x512xi32, #tpu.memory_space<vmem>> -> memref<1x128xi32, #tpu.memory_space<vmem>>
    %dma_start3A_65 = tpu.memref_squeeze %dma_start3A_64 : memref<1x128xi32, #tpu.memory_space<vmem>> -> memref<128xi32, #tpu.memory_space<vmem>>
    %dma_start3A_66 = arith.constant 0 : i32
    %dma_start3A_67 = tpu.memref_slice %arg2[%dma_start3A_66] : memref<1304576xf32, #tpu.memory_space<hbm>> -> memref<1304576xf32, #tpu.memory_space<hbm>>
    tpu.enqueue_indirect_dma source(%dma_start3A_67 : memref<1304576xf32, #tpu.memory_space<hbm>>) target(%dma_start3A_62 : memref<128xf32, #tpu.memory_space<vmem>>) offsets(%dma_start3A_65 : memref<128xi32, #tpu.memory_space<vmem>>) semaphore(%arg11 : memref<!tpu.dma_semaphore, #tpu.memory_space<semaphore_mem>>)
    %dma_start3A_68 = arith.constant 1 : i32
    %dma_start3A_69 = arith.constant 1 : i32
    %dma_start3A_70 = arith.constant 256 : i32
    %dma_start3A_71 = tpu.memref_slice %arg8[%dma_start3A_69, %dma_start3A_70] : memref<13x512xf32, #tpu.memory_space<vmem>> -> memref<1x128xf32, #tpu.memory_space<vmem>>
    %dma_start3A_72 = tpu.memref_squeeze %dma_start3A_71 : memref<1x128xf32, #tpu.memory_space<vmem>> -> memref<128xf32, #tpu.memory_space<vmem>>
    %dma_start3A_73 = arith.constant 256 : i32
    %dma_start3A_74 = tpu.memref_slice %arg7[%dma_start3A_68, %dma_start3A_73] : memref<13x512xi32, #tpu.memory_space<vmem>> -> memref<1x128xi32, #tpu.memory_space<vmem>>
    %dma_start3A_75 = tpu.memref_squeeze %dma_start3A_74 : memref<1x128xi32, #tpu.memory_space<vmem>> -> memref<128xi32, #tpu.memory_space<vmem>>
    %dma_start3A_76 = arith.constant 0 : i32
    %dma_start3A_77 = tpu.memref_slice %arg2[%dma_start3A_76] : memref<1304576xf32, #tpu.memory_space<hbm>> -> memref<1304576xf32, #tpu.memory_space<hbm>>
    tpu.enqueue_indirect_dma source(%dma_start3A_77 : memref<1304576xf32, #tpu.memory_space<hbm>>) target(%dma_start3A_72 : memref<128xf32, #tpu.memory_space<vmem>>) offsets(%dma_start3A_75 : memref<128xi32, #tpu.memory_space<vmem>>) semaphore(%arg11 : memref<!tpu.dma_semaphore, #tpu.memory_space<semaphore_mem>>)
    %dma_start3A_78 = arith.constant 1 : i32
    %dma_start3A_79 = arith.constant 1 : i32
    %dma_start3A_80 = arith.constant 384 : i32
    %dma_start3A_81 = tpu.memref_slice %arg8[%dma_start3A_79, %dma_start3A_80] : memref<13x512xf32, #tpu.memory_space<vmem>> -> memref<1x128xf32, #tpu.memory_space<vmem>>
    %dma_start3A_82 = tpu.memref_squeeze %dma_start3A_81 : memref<1x128xf32, #tpu.memory_space<vmem>> -> memref<128xf32, #tpu.memory_space<vmem>>
    %dma_start3A_83 = arith.constant 384 : i32
    %dma_start3A_84 = tpu.memref_slice %arg7[%dma_start3A_78, %dma_start3A_83] : memref<13x512xi32, #tpu.memory_space<vmem>> -> memref<1x128xi32, #tpu.memory_space<vmem>>
    %dma_start3A_85 = tpu.memref_squeeze %dma_start3A_84 : memref<1x128xi32, #tpu.memory_space<vmem>> -> memref<128xi32, #tpu.memory_space<vmem>>
    %dma_start3A_86 = arith.constant 0 : i32
    %dma_start3A_87 = tpu.memref_slice %arg2[%dma_start3A_86] : memref<1304576xf32, #tpu.memory_space<hbm>> -> memref<1304576xf32, #tpu.memory_space<hbm>>
    tpu.enqueue_indirect_dma source(%dma_start3A_87 : memref<1304576xf32, #tpu.memory_space<hbm>>) target(%dma_start3A_82 : memref<128xf32, #tpu.memory_space<vmem>>) offsets(%dma_start3A_85 : memref<128xi32, #tpu.memory_space<vmem>>) semaphore(%arg11 : memref<!tpu.dma_semaphore, #tpu.memory_space<semaphore_mem>>)
    %dma_start3A_88 = arith.constant 2 : i32
    %dma_start3A_89 = arith.constant 2 : i32
    %dma_start3A_90 = arith.constant 0 : i32
    %dma_start3A_91 = tpu.memref_slice %arg8[%dma_start3A_89, %dma_start3A_90] : memref<13x512xf32, #tpu.memory_space<vmem>> -> memref<1x128xf32, #tpu.memory_space<vmem>>
    %dma_start3A_92 = tpu.memref_squeeze %dma_start3A_91 : memref<1x128xf32, #tpu.memory_space<vmem>> -> memref<128xf32, #tpu.memory_space<vmem>>
    %dma_start3A_93 = arith.constant 0 : i32
    %dma_start3A_94 = tpu.memref_slice %arg7[%dma_start3A_88, %dma_start3A_93] : memref<13x512xi32, #tpu.memory_space<vmem>> -> memref<1x128xi32, #tpu.memory_space<vmem>>
    %dma_start3A_95 = tpu.memref_squeeze %dma_start3A_94 : memref<1x128xi32, #tpu.memory_space<vmem>> -> memref<128xi32, #tpu.memory_space<vmem>>
    %dma_start3A_96 = arith.constant 0 : i32
    %dma_start3A_97 = tpu.memref_slice %arg2[%dma_start3A_96] : memref<1304576xf32, #tpu.memory_space<hbm>> -> memref<1304576xf32, #tpu.memory_space<hbm>>
    tpu.enqueue_indirect_dma source(%dma_start3A_97 : memref<1304576xf32, #tpu.memory_space<hbm>>) target(%dma_start3A_92 : memref<128xf32, #tpu.memory_space<vmem>>) offsets(%dma_start3A_95 : memref<128xi32, #tpu.memory_space<vmem>>) semaphore(%arg11 : memref<!tpu.dma_semaphore, #tpu.memory_space<semaphore_mem>>)
    %dma_start3A_98 = arith.constant 2 : i32
    %dma_start3A_99 = arith.constant 2 : i32
    %dma_start3A_100 = arith.constant 128 : i32
    %dma_start3A_101 = tpu.memref_slice %arg8[%dma_start3A_99, %dma_start3A_100] : memref<13x512xf32, #tpu.memory_space<vmem>> -> memref<1x128xf32, #tpu.memory_space<vmem>>
    %dma_start3A_102 = tpu.memref_squeeze %dma_start3A_101 : memref<1x128xf32, #tpu.memory_space<vmem>> -> memref<128xf32, #tpu.memory_space<vmem>>
    %dma_start3A_103 = arith.constant 128 : i32
    %dma_start3A_104 = tpu.memref_slice %arg7[%dma_start3A_98, %dma_start3A_103] : memref<13x512xi32, #tpu.memory_space<vmem>> -> memref<1x128xi32, #tpu.memory_space<vmem>>
    %dma_start3A_105 = tpu.memref_squeeze %dma_start3A_104 : memref<1x128xi32, #tpu.memory_space<vmem>> -> memref<128xi32, #tpu.memory_space<vmem>>
    %dma_start3A_106 = arith.constant 0 : i32
    %dma_start3A_107 = tpu.memref_slice %arg2[%dma_start3A_106] : memref<1304576xf32, #tpu.memory_space<hbm>> -> memref<1304576xf32, #tpu.memory_space<hbm>>
    tpu.enqueue_indirect_dma source(%dma_start3A_107 : memref<1304576xf32, #tpu.memory_space<hbm>>) target(%dma_start3A_102 : memref<128xf32, #tpu.memory_space<vmem>>) offsets(%dma_start3A_105 : memref<128xi32, #tpu.memory_space<vmem>>) semaphore(%arg11 : memref<!tpu.dma_semaphore, #tpu.memory_space<semaphore_mem>>)
    %dma_start3A_108 = arith.constant 2 : i32
    %dma_start3A_109 = arith.constant 2 : i32
    %dma_start3A_110 = arith.constant 256 : i32
    %dma_start3A_111 = tpu.memref_slice %arg8[%dma_start3A_109, %dma_start3A_110] : memref<13x512xf32, #tpu.memory_space<vmem>> -> memref<1x128xf32, #tpu.memory_space<vmem>>
    %dma_start3A_112 = tpu.memref_squeeze %dma_start3A_111 : memref<1x128xf32, #tpu.memory_space<vmem>> -> memref<128xf32, #tpu.memory_space<vmem>>
    %dma_start3A_113 = arith.constant 256 : i32
    %dma_start3A_114 = tpu.memref_slice %arg7[%dma_start3A_108, %dma_start3A_113] : memref<13x512xi32, #tpu.memory_space<vmem>> -> memref<1x128xi32, #tpu.memory_space<vmem>>
    %dma_start3A_115 = tpu.memref_squeeze %dma_start3A_114 : memref<1x128xi32, #tpu.memory_space<vmem>> -> memref<128xi32, #tpu.memory_space<vmem>>
    %dma_start3A_116 = arith.constant 0 : i32
    %dma_start3A_117 = tpu.memref_slice %arg2[%dma_start3A_116] : memref<1304576xf32, #tpu.memory_space<hbm>> -> memref<1304576xf32, #tpu.memory_space<hbm>>
    tpu.enqueue_indirect_dma source(%dma_start3A_117 : memref<1304576xf32, #tpu.memory_space<hbm>>) target(%dma_start3A_112 : memref<128xf32, #tpu.memory_space<vmem>>) offsets(%dma_start3A_115 : memref<128xi32, #tpu.memory_space<vmem>>) semaphore(%arg11 : memref<!tpu.dma_semaphore, #tpu.memory_space<semaphore_mem>>)
    %dma_start3A_118 = arith.constant 2 : i32
    %dma_start3A_119 = arith.constant 2 : i32
    %dma_start3A_120 = arith.constant 384 : i32
    %dma_start3A_121 = tpu.memref_slice %arg8[%dma_start3A_119, %dma_start3A_120] : memref<13x512xf32, #tpu.memory_space<vmem>> -> memref<1x128xf32, #tpu.memory_space<vmem>>
    %dma_start3A_122 = tpu.memref_squeeze %dma_start3A_121 : memref<1x128xf32, #tpu.memory_space<vmem>> -> memref<128xf32, #tpu.memory_space<vmem>>
    %dma_start3A_123 = arith.constant 384 : i32
    %dma_start3A_124 = tpu.memref_slice %arg7[%dma_start3A_118, %dma_start3A_123] : memref<13x512xi32, #tpu.memory_space<vmem>> -> memref<1x128xi32, #tpu.memory_space<vmem>>
    %dma_start3A_125 = tpu.memref_squeeze %dma_start3A_124 : memref<1x128xi32, #tpu.memory_space<vmem>> -> memref<128xi32, #tpu.memory_space<vmem>>
    %dma_start3A_126 = arith.constant 0 : i32
    %dma_start3A_127 = tpu.memref_slice %arg2[%dma_start3A_126] : memref<1304576xf32, #tpu.memory_space<hbm>> -> memref<1304576xf32, #tpu.memory_space<hbm>>
    tpu.enqueue_indirect_dma source(%dma_start3A_127 : memref<1304576xf32, #tpu.memory_space<hbm>>) target(%dma_start3A_122 : memref<128xf32, #tpu.memory_space<vmem>>) offsets(%dma_start3A_125 : memref<128xi32, #tpu.memory_space<vmem>>) semaphore(%arg11 : memref<!tpu.dma_semaphore, #tpu.memory_space<semaphore_mem>>)
    %dma_start3A_128 = arith.constant 3 : i32
    %dma_start3A_129 = arith.constant 3 : i32
    %dma_start3A_130 = arith.constant 0 : i32
    %dma_start3A_131 = tpu.memref_slice %arg8[%dma_start3A_129, %dma_start3A_130] : memref<13x512xf32, #tpu.memory_space<vmem>> -> memref<1x128xf32, #tpu.memory_space<vmem>>
    %dma_start3A_132 = tpu.memref_squeeze %dma_start3A_131 : memref<1x128xf32, #tpu.memory_space<vmem>> -> memref<128xf32, #tpu.memory_space<vmem>>
    %dma_start3A_133 = arith.constant 0 : i32
    %dma_start3A_134 = tpu.memref_slice %arg7[%dma_start3A_128, %dma_start3A_133] : memref<13x512xi32, #tpu.memory_space<vmem>> -> memref<1x128xi32, #tpu.memory_space<vmem>>
    %dma_start3A_135 = tpu.memref_squeeze %dma_start3A_134 : memref<1x128xi32, #tpu.memory_space<vmem>> -> memref<128xi32, #tpu.memory_space<vmem>>
    %dma_start3A_136 = arith.constant 0 : i32
    %dma_start3A_137 = tpu.memref_slice %arg2[%dma_start3A_136] : memref<1304576xf32, #tpu.memory_space<hbm>> -> memref<1304576xf32, #tpu.memory_space<hbm>>
    tpu.enqueue_indirect_dma source(%dma_start3A_137 : memref<1304576xf32, #tpu.memory_space<hbm>>) target(%dma_start3A_132 : memref<128xf32, #tpu.memory_space<vmem>>) offsets(%dma_start3A_135 : memref<128xi32, #tpu.memory_space<vmem>>) semaphore(%arg11 : memref<!tpu.dma_semaphore, #tpu.memory_space<semaphore_mem>>)
    %dma_start3A_138 = arith.constant 3 : i32
    %dma_start3A_139 = arith.constant 3 : i32
    %dma_start3A_140 = arith.constant 128 : i32
    %dma_start3A_141 = tpu.memref_slice %arg8[%dma_start3A_139, %dma_start3A_140] : memref<13x512xf32, #tpu.memory_space<vmem>> -> memref<1x128xf32, #tpu.memory_space<vmem>>
    %dma_start3A_142 = tpu.memref_squeeze %dma_start3A_141 : memref<1x128xf32, #tpu.memory_space<vmem>> -> memref<128xf32, #tpu.memory_space<vmem>>
    %dma_start3A_143 = arith.constant 128 : i32
    %dma_start3A_144 = tpu.memref_slice %arg7[%dma_start3A_138, %dma_start3A_143] : memref<13x512xi32, #tpu.memory_space<vmem>> -> memref<1x128xi32, #tpu.memory_space<vmem>>
    %dma_start3A_145 = tpu.memref_squeeze %dma_start3A_144 : memref<1x128xi32, #tpu.memory_space<vmem>> -> memref<128xi32, #tpu.memory_space<vmem>>
    %dma_start3A_146 = arith.constant 0 : i32
    %dma_start3A_147 = tpu.memref_slice %arg2[%dma_start3A_146] : memref<1304576xf32, #tpu.memory_space<hbm>> -> memref<1304576xf32, #tpu.memory_space<hbm>>
    tpu.enqueue_indirect_dma source(%dma_start3A_147 : memref<1304576xf32, #tpu.memory_space<hbm>>) target(%dma_start3A_142 : memref<128xf32, #tpu.memory_space<vmem>>) offsets(%dma_start3A_145 : memref<128xi32, #tpu.memory_space<vmem>>) semaphore(%arg11 : memref<!tpu.dma_semaphore, #tpu.memory_space<semaphore_mem>>)
    %dma_start3A_148 = arith.constant 3 : i32
    %dma_start3A_149 = arith.constant 3 : i32
    %dma_start3A_150 = arith.constant 256 : i32
    %dma_start3A_151 = tpu.memref_slice %arg8[%dma_start3A_149, %dma_start3A_150] : memref<13x512xf32, #tpu.memory_space<vmem>> -> memref<1x128xf32, #tpu.memory_space<vmem>>
    %dma_start3A_152 = tpu.memref_squeeze %dma_start3A_151 : memref<1x128xf32, #tpu.memory_space<vmem>> -> memref<128xf32, #tpu.memory_space<vmem>>
    %dma_start3A_153 = arith.constant 256 : i32
    %dma_start3A_154 = tpu.memref_slice %arg7[%dma_start3A_148, %dma_start3A_153] : memref<13x512xi32, #tpu.memory_space<vmem>> -> memref<1x128xi32, #tpu.memory_space<vmem>>
    %dma_start3A_155 = tpu.memref_squeeze %dma_start3A_154 : memref<1x128xi32, #tpu.memory_space<vmem>> -> memref<128xi32, #tpu.memory_space<vmem>>
    %dma_start3A_156 = arith.constant 0 : i32
    %dma_start3A_157 = tpu.memref_slice %arg2[%dma_start3A_156] : memref<1304576xf32, #tpu.memory_space<hbm>> -> memref<1304576xf32, #tpu.memory_space<hbm>>
    tpu.enqueue_indirect_dma source(%dma_start3A_157 : memref<1304576xf32, #tpu.memory_space<hbm>>) target(%dma_start3A_152 : memref<128xf32, #tpu.memory_space<vmem>>) offsets(%dma_start3A_155 : memref<128xi32, #tpu.memory_space<vmem>>) semaphore(%arg11 : memref<!tpu.dma_semaphore, #tpu.memory_space<semaphore_mem>>)
    %dma_start3A_158 = arith.constant 3 : i32
    %dma_start3A_159 = arith.constant 3 : i32
    %dma_start3A_160 = arith.constant 384 : i32
    %dma_start3A_161 = tpu.memref_slice %arg8[%dma_start3A_159, %dma_start3A_160] : memref<13x512xf32, #tpu.memory_space<vmem>> -> memref<1x128xf32, #tpu.memory_space<vmem>>
    %dma_start3A_162 = tpu.memref_squeeze %dma_start3A_161 : memref<1x128xf32, #tpu.memory_space<vmem>> -> memref<128xf32, #tpu.memory_space<vmem>>
    %dma_start3A_163 = arith.constant 384 : i32
    %dma_start3A_164 = tpu.memref_slice %arg7[%dma_start3A_158, %dma_start3A_163] : memref<13x512xi32, #tpu.memory_space<vmem>> -> memref<1x128xi32, #tpu.memory_space<vmem>>
    %dma_start3A_165 = tpu.memref_squeeze %dma_start3A_164 : memref<1x128xi32, #tpu.memory_space<vmem>> -> memref<128xi32, #tpu.memory_space<vmem>>
    %dma_start3A_166 = arith.constant 0 : i32
    %dma_start3A_167 = tpu.memref_slice %arg2[%dma_start3A_166] : memref<1304576xf32, #tpu.memory_space<hbm>> -> memref<1304576xf32, #tpu.memory_space<hbm>>
    tpu.enqueue_indirect_dma source(%dma_start3A_167 : memref<1304576xf32, #tpu.memory_space<hbm>>) target(%dma_start3A_162 : memref<128xf32, #tpu.memory_space<vmem>>) offsets(%dma_start3A_165 : memref<128xi32, #tpu.memory_space<vmem>>) semaphore(%arg11 : memref<!tpu.dma_semaphore, #tpu.memory_space<semaphore_mem>>)
    %dma_start3A_168 = arith.constant 4 : i32
    %dma_start3A_169 = arith.constant 4 : i32
    %dma_start3A_170 = arith.constant 0 : i32
    %dma_start3A_171 = tpu.memref_slice %arg8[%dma_start3A_169, %dma_start3A_170] : memref<13x512xf32, #tpu.memory_space<vmem>> -> memref<1x128xf32, #tpu.memory_space<vmem>>
    %dma_start3A_172 = tpu.memref_squeeze %dma_start3A_171 : memref<1x128xf32, #tpu.memory_space<vmem>> -> memref<128xf32, #tpu.memory_space<vmem>>
    %dma_start3A_173 = arith.constant 0 : i32
    %dma_start3A_174 = tpu.memref_slice %arg7[%dma_start3A_168, %dma_start3A_173] : memref<13x512xi32, #tpu.memory_space<vmem>> -> memref<1x128xi32, #tpu.memory_space<vmem>>
    %dma_start3A_175 = tpu.memref_squeeze %dma_start3A_174 : memref<1x128xi32, #tpu.memory_space<vmem>> -> memref<128xi32, #tpu.memory_space<vmem>>
    %dma_start3A_176 = arith.constant 0 : i32
    %dma_start3A_177 = tpu.memref_slice %arg2[%dma_start3A_176] : memref<1304576xf32, #tpu.memory_space<hbm>> -> memref<1304576xf32, #tpu.memory_space<hbm>>
    tpu.enqueue_indirect_dma source(%dma_start3A_177 : memref<1304576xf32, #tpu.memory_space<hbm>>) target(%dma_start3A_172 : memref<128xf32, #tpu.memory_space<vmem>>) offsets(%dma_start3A_175 : memref<128xi32, #tpu.memory_space<vmem>>) semaphore(%arg11 : memref<!tpu.dma_semaphore, #tpu.memory_space<semaphore_mem>>)
    %dma_start3A_178 = arith.constant 4 : i32
    %dma_start3A_179 = arith.constant 4 : i32
    %dma_start3A_180 = arith.constant 128 : i32
    %dma_start3A_181 = tpu.memref_slice %arg8[%dma_start3A_179, %dma_start3A_180] : memref<13x512xf32, #tpu.memory_space<vmem>> -> memref<1x128xf32, #tpu.memory_space<vmem>>
    %dma_start3A_182 = tpu.memref_squeeze %dma_start3A_181 : memref<1x128xf32, #tpu.memory_space<vmem>> -> memref<128xf32, #tpu.memory_space<vmem>>
    %dma_start3A_183 = arith.constant 128 : i32
    %dma_start3A_184 = tpu.memref_slice %arg7[%dma_start3A_178, %dma_start3A_183] : memref<13x512xi32, #tpu.memory_space<vmem>> -> memref<1x128xi32, #tpu.memory_space<vmem>>
    %dma_start3A_185 = tpu.memref_squeeze %dma_start3A_184 : memref<1x128xi32, #tpu.memory_space<vmem>> -> memref<128xi32, #tpu.memory_space<vmem>>
    %dma_start3A_186 = arith.constant 0 : i32
    %dma_start3A_187 = tpu.memref_slice %arg2[%dma_start3A_186] : memref<1304576xf32, #tpu.memory_space<hbm>> -> memref<1304576xf32, #tpu.memory_space<hbm>>
    tpu.enqueue_indirect_dma source(%dma_start3A_187 : memref<1304576xf32, #tpu.memory_space<hbm>>) target(%dma_start3A_182 : memref<128xf32, #tpu.memory_space<vmem>>) offsets(%dma_start3A_185 : memref<128xi32, #tpu.memory_space<vmem>>) semaphore(%arg11 : memref<!tpu.dma_semaphore, #tpu.memory_space<semaphore_mem>>)
    %dma_start3A_188 = arith.constant 4 : i32
    %dma_start3A_189 = arith.constant 4 : i32
    %dma_start3A_190 = arith.constant 256 : i32
    %dma_start3A_191 = tpu.memref_slice %arg8[%dma_start3A_189, %dma_start3A_190] : memref<13x512xf32, #tpu.memory_space<vmem>> -> memref<1x128xf32, #tpu.memory_space<vmem>>
    %dma_start3A_192 = tpu.memref_squeeze %dma_start3A_191 : memref<1x128xf32, #tpu.memory_space<vmem>> -> memref<128xf32, #tpu.memory_space<vmem>>
    %dma_start3A_193 = arith.constant 256 : i32
    %dma_start3A_194 = tpu.memref_slice %arg7[%dma_start3A_188, %dma_start3A_193] : memref<13x512xi32, #tpu.memory_space<vmem>> -> memref<1x128xi32, #tpu.memory_space<vmem>>
    %dma_start3A_195 = tpu.memref_squeeze %dma_start3A_194 : memref<1x128xi32, #tpu.memory_space<vmem>> -> memref<128xi32, #tpu.memory_space<vmem>>
    %dma_start3A_196 = arith.constant 0 : i32
    %dma_start3A_197 = tpu.memref_slice %arg2[%dma_start3A_196] : memref<1304576xf32, #tpu.memory_space<hbm>> -> memref<1304576xf32, #tpu.memory_space<hbm>>
    tpu.enqueue_indirect_dma source(%dma_start3A_197 : memref<1304576xf32, #tpu.memory_space<hbm>>) target(%dma_start3A_192 : memref<128xf32, #tpu.memory_space<vmem>>) offsets(%dma_start3A_195 : memref<128xi32, #tpu.memory_space<vmem>>) semaphore(%arg11 : memref<!tpu.dma_semaphore, #tpu.memory_space<semaphore_mem>>)
    %dma_start3A_198 = arith.constant 4 : i32
    %dma_start3A_199 = arith.constant 4 : i32
    %dma_start3A_200 = arith.constant 384 : i32
    %dma_start3A_201 = tpu.memref_slice %arg8[%dma_start3A_199, %dma_start3A_200] : memref<13x512xf32, #tpu.memory_space<vmem>> -> memref<1x128xf32, #tpu.memory_space<vmem>>
    %dma_start3A_202 = tpu.memref_squeeze %dma_start3A_201 : memref<1x128xf32, #tpu.memory_space<vmem>> -> memref<128xf32, #tpu.memory_space<vmem>>
    %dma_start3A_203 = arith.constant 384 : i32
    %dma_start3A_204 = tpu.memref_slice %arg7[%dma_start3A_198, %dma_start3A_203] : memref<13x512xi32, #tpu.memory_space<vmem>> -> memref<1x128xi32, #tpu.memory_space<vmem>>
    %dma_start3A_205 = tpu.memref_squeeze %dma_start3A_204 : memref<1x128xi32, #tpu.memory_space<vmem>> -> memref<128xi32, #tpu.memory_space<vmem>>
    %dma_start3A_206 = arith.constant 0 : i32
    %dma_start3A_207 = tpu.memref_slice %arg2[%dma_start3A_206] : memref<1304576xf32, #tpu.memory_space<hbm>> -> memref<1304576xf32, #tpu.memory_space<hbm>>
    tpu.enqueue_indirect_dma source(%dma_start3A_207 : memref<1304576xf32, #tpu.memory_space<hbm>>) target(%dma_start3A_202 : memref<128xf32, #tpu.memory_space<vmem>>) offsets(%dma_start3A_205 : memref<128xi32, #tpu.memory_space<vmem>>) semaphore(%arg11 : memref<!tpu.dma_semaphore, #tpu.memory_space<semaphore_mem>>)
    %dma_start3A_208 = arith.constant 5 : i32
    %dma_start3A_209 = arith.constant 5 : i32
    %dma_start3A_210 = arith.constant 0 : i32
    %dma_start3A_211 = tpu.memref_slice %arg8[%dma_start3A_209, %dma_start3A_210] : memref<13x512xf32, #tpu.memory_space<vmem>> -> memref<1x128xf32, #tpu.memory_space<vmem>>
    %dma_start3A_212 = tpu.memref_squeeze %dma_start3A_211 : memref<1x128xf32, #tpu.memory_space<vmem>> -> memref<128xf32, #tpu.memory_space<vmem>>
    %dma_start3A_213 = arith.constant 0 : i32
    %dma_start3A_214 = tpu.memref_slice %arg7[%dma_start3A_208, %dma_start3A_213] : memref<13x512xi32, #tpu.memory_space<vmem>> -> memref<1x128xi32, #tpu.memory_space<vmem>>
    %dma_start3A_215 = tpu.memref_squeeze %dma_start3A_214 : memref<1x128xi32, #tpu.memory_space<vmem>> -> memref<128xi32, #tpu.memory_space<vmem>>
    %dma_start3A_216 = arith.constant 0 : i32
    %dma_start3A_217 = tpu.memref_slice %arg2[%dma_start3A_216] : memref<1304576xf32, #tpu.memory_space<hbm>> -> memref<1304576xf32, #tpu.memory_space<hbm>>
    tpu.enqueue_indirect_dma source(%dma_start3A_217 : memref<1304576xf32, #tpu.memory_space<hbm>>) target(%dma_start3A_212 : memref<128xf32, #tpu.memory_space<vmem>>) offsets(%dma_start3A_215 : memref<128xi32, #tpu.memory_space<vmem>>) semaphore(%arg11 : memref<!tpu.dma_semaphore, #tpu.memory_space<semaphore_mem>>)
    %dma_start3A_218 = arith.constant 5 : i32
    %dma_start3A_219 = arith.constant 5 : i32
    %dma_start3A_220 = arith.constant 128 : i32
    %dma_start3A_221 = tpu.memref_slice %arg8[%dma_start3A_219, %dma_start3A_220] : memref<13x512xf32, #tpu.memory_space<vmem>> -> memref<1x128xf32, #tpu.memory_space<vmem>>
    %dma_start3A_222 = tpu.memref_squeeze %dma_start3A_221 : memref<1x128xf32, #tpu.memory_space<vmem>> -> memref<128xf32, #tpu.memory_space<vmem>>
    %dma_start3A_223 = arith.constant 128 : i32
    %dma_start3A_224 = tpu.memref_slice %arg7[%dma_start3A_218, %dma_start3A_223] : memref<13x512xi32, #tpu.memory_space<vmem>> -> memref<1x128xi32, #tpu.memory_space<vmem>>
    %dma_start3A_225 = tpu.memref_squeeze %dma_start3A_224 : memref<1x128xi32, #tpu.memory_space<vmem>> -> memref<128xi32, #tpu.memory_space<vmem>>
    %dma_start3A_226 = arith.constant 0 : i32
    %dma_start3A_227 = tpu.memref_slice %arg2[%dma_start3A_226] : memref<1304576xf32, #tpu.memory_space<hbm>> -> memref<1304576xf32, #tpu.memory_space<hbm>>
    tpu.enqueue_indirect_dma source(%dma_start3A_227 : memref<1304576xf32, #tpu.memory_space<hbm>>) target(%dma_start3A_222 : memref<128xf32, #tpu.memory_space<vmem>>) offsets(%dma_start3A_225 : memref<128xi32, #tpu.memory_space<vmem>>) semaphore(%arg11 : memref<!tpu.dma_semaphore, #tpu.memory_space<semaphore_mem>>)
    %dma_start3A_228 = arith.constant 5 : i32
    %dma_start3A_229 = arith.constant 5 : i32
    %dma_start3A_230 = arith.constant 256 : i32
    %dma_start3A_231 = tpu.memref_slice %arg8[%dma_start3A_229, %dma_start3A_230] : memref<13x512xf32, #tpu.memory_space<vmem>> -> memref<1x128xf32, #tpu.memory_space<vmem>>
    %dma_start3A_232 = tpu.memref_squeeze %dma_start3A_231 : memref<1x128xf32, #tpu.memory_space<vmem>> -> memref<128xf32, #tpu.memory_space<vmem>>
    %dma_start3A_233 = arith.constant 256 : i32
    %dma_start3A_234 = tpu.memref_slice %arg7[%dma_start3A_228, %dma_start3A_233] : memref<13x512xi32, #tpu.memory_space<vmem>> -> memref<1x128xi32, #tpu.memory_space<vmem>>
    %dma_start3A_235 = tpu.memref_squeeze %dma_start3A_234 : memref<1x128xi32, #tpu.memory_space<vmem>> -> memref<128xi32, #tpu.memory_space<vmem>>
    %dma_start3A_236 = arith.constant 0 : i32
    %dma_start3A_237 = tpu.memref_slice %arg2[%dma_start3A_236] : memref<1304576xf32, #tpu.memory_space<hbm>> -> memref<1304576xf32, #tpu.memory_space<hbm>>
    tpu.enqueue_indirect_dma source(%dma_start3A_237 : memref<1304576xf32, #tpu.memory_space<hbm>>) target(%dma_start3A_232 : memref<128xf32, #tpu.memory_space<vmem>>) offsets(%dma_start3A_235 : memref<128xi32, #tpu.memory_space<vmem>>) semaphore(%arg11 : memref<!tpu.dma_semaphore, #tpu.memory_space<semaphore_mem>>)
    %dma_start3A_238 = arith.constant 5 : i32
    %dma_start3A_239 = arith.constant 5 : i32
    %dma_start3A_240 = arith.constant 384 : i32
    %dma_start3A_241 = tpu.memref_slice %arg8[%dma_start3A_239, %dma_start3A_240] : memref<13x512xf32, #tpu.memory_space<vmem>> -> memref<1x128xf32, #tpu.memory_space<vmem>>
    %dma_start3A_242 = tpu.memref_squeeze %dma_start3A_241 : memref<1x128xf32, #tpu.memory_space<vmem>> -> memref<128xf32, #tpu.memory_space<vmem>>
    %dma_start3A_243 = arith.constant 384 : i32
    %dma_start3A_244 = tpu.memref_slice %arg7[%dma_start3A_238, %dma_start3A_243] : memref<13x512xi32, #tpu.memory_space<vmem>> -> memref<1x128xi32, #tpu.memory_space<vmem>>
    %dma_start3A_245 = tpu.memref_squeeze %dma_start3A_244 : memref<1x128xi32, #tpu.memory_space<vmem>> -> memref<128xi32, #tpu.memory_space<vmem>>
    %dma_start3A_246 = arith.constant 0 : i32
    %dma_start3A_247 = tpu.memref_slice %arg2[%dma_start3A_246] : memref<1304576xf32, #tpu.memory_space<hbm>> -> memref<1304576xf32, #tpu.memory_space<hbm>>
    tpu.enqueue_indirect_dma source(%dma_start3A_247 : memref<1304576xf32, #tpu.memory_space<hbm>>) target(%dma_start3A_242 : memref<128xf32, #tpu.memory_space<vmem>>) offsets(%dma_start3A_245 : memref<128xi32, #tpu.memory_space<vmem>>) semaphore(%arg11 : memref<!tpu.dma_semaphore, #tpu.memory_space<semaphore_mem>>)
    %dma_start3A_248 = arith.constant 6 : i32
    %dma_start3A_249 = arith.constant 6 : i32
    %dma_start3A_250 = arith.constant 0 : i32
    %dma_start3A_251 = tpu.memref_slice %arg8[%dma_start3A_249, %dma_start3A_250] : memref<13x512xf32, #tpu.memory_space<vmem>> -> memref<1x128xf32, #tpu.memory_space<vmem>>
    %dma_start3A_252 = tpu.memref_squeeze %dma_start3A_251 : memref<1x128xf32, #tpu.memory_space<vmem>> -> memref<128xf32, #tpu.memory_space<vmem>>
    %dma_start3A_253 = arith.constant 0 : i32
    %dma_start3A_254 = tpu.memref_slice %arg7[%dma_start3A_248, %dma_start3A_253] : memref<13x512xi32, #tpu.memory_space<vmem>> -> memref<1x128xi32, #tpu.memory_space<vmem>>
    %dma_start3A_255 = tpu.memref_squeeze %dma_start3A_254 : memref<1x128xi32, #tpu.memory_space<vmem>> -> memref<128xi32, #tpu.memory_space<vmem>>
    %dma_start3A_256 = arith.constant 0 : i32
    %dma_start3A_257 = tpu.memref_slice %arg2[%dma_start3A_256] : memref<1304576xf32, #tpu.memory_space<hbm>> -> memref<1304576xf32, #tpu.memory_space<hbm>>
    tpu.enqueue_indirect_dma source(%dma_start3A_257 : memref<1304576xf32, #tpu.memory_space<hbm>>) target(%dma_start3A_252 : memref<128xf32, #tpu.memory_space<vmem>>) offsets(%dma_start3A_255 : memref<128xi32, #tpu.memory_space<vmem>>) semaphore(%arg11 : memref<!tpu.dma_semaphore, #tpu.memory_space<semaphore_mem>>)
    %dma_start3A_258 = arith.constant 6 : i32
    %dma_start3A_259 = arith.constant 6 : i32
    %dma_start3A_260 = arith.constant 128 : i32
    %dma_start3A_261 = tpu.memref_slice %arg8[%dma_start3A_259, %dma_start3A_260] : memref<13x512xf32, #tpu.memory_space<vmem>> -> memref<1x128xf32, #tpu.memory_space<vmem>>
    %dma_start3A_262 = tpu.memref_squeeze %dma_start3A_261 : memref<1x128xf32, #tpu.memory_space<vmem>> -> memref<128xf32, #tpu.memory_space<vmem>>
    %dma_start3A_263 = arith.constant 128 : i32
    %dma_start3A_264 = tpu.memref_slice %arg7[%dma_start3A_258, %dma_start3A_263] : memref<13x512xi32, #tpu.memory_space<vmem>> -> memref<1x128xi32, #tpu.memory_space<vmem>>
    %dma_start3A_265 = tpu.memref_squeeze %dma_start3A_264 : memref<1x128xi32, #tpu.memory_space<vmem>> -> memref<128xi32, #tpu.memory_space<vmem>>
    %dma_start3A_266 = arith.constant 0 : i32
    %dma_start3A_267 = tpu.memref_slice %arg2[%dma_start3A_266] : memref<1304576xf32, #tpu.memory_space<hbm>> -> memref<1304576xf32, #tpu.memory_space<hbm>>
    tpu.enqueue_indirect_dma source(%dma_start3A_267 : memref<1304576xf32, #tpu.memory_space<hbm>>) target(%dma_start3A_262 : memref<128xf32, #tpu.memory_space<vmem>>) offsets(%dma_start3A_265 : memref<128xi32, #tpu.memory_space<vmem>>) semaphore(%arg11 : memref<!tpu.dma_semaphore, #tpu.memory_space<semaphore_mem>>)
    %dma_start3A_268 = arith.constant 6 : i32
    %dma_start3A_269 = arith.constant 6 : i32
    %dma_start3A_270 = arith.constant 256 : i32
    %dma_start3A_271 = tpu.memref_slice %arg8[%dma_start3A_269, %dma_start3A_270] : memref<13x512xf32, #tpu.memory_space<vmem>> -> memref<1x128xf32, #tpu.memory_space<vmem>>
    %dma_start3A_272 = tpu.memref_squeeze %dma_start3A_271 : memref<1x128xf32, #tpu.memory_space<vmem>> -> memref<128xf32, #tpu.memory_space<vmem>>
    %dma_start3A_273 = arith.constant 256 : i32
    %dma_start3A_274 = tpu.memref_slice %arg7[%dma_start3A_268, %dma_start3A_273] : memref<13x512xi32, #tpu.memory_space<vmem>> -> memref<1x128xi32, #tpu.memory_space<vmem>>
    %dma_start3A_275 = tpu.memref_squeeze %dma_start3A_274 : memref<1x128xi32, #tpu.memory_space<vmem>> -> memref<128xi32, #tpu.memory_space<vmem>>
    %dma_start3A_276 = arith.constant 0 : i32
    %dma_start3A_277 = tpu.memref_slice %arg2[%dma_start3A_276] : memref<1304576xf32, #tpu.memory_space<hbm>> -> memref<1304576xf32, #tpu.memory_space<hbm>>
    tpu.enqueue_indirect_dma source(%dma_start3A_277 : memref<1304576xf32, #tpu.memory_space<hbm>>) target(%dma_start3A_272 : memref<128xf32, #tpu.memory_space<vmem>>) offsets(%dma_start3A_275 : memref<128xi32, #tpu.memory_space<vmem>>) semaphore(%arg11 : memref<!tpu.dma_semaphore, #tpu.memory_space<semaphore_mem>>)
    %dma_start3A_278 = arith.constant 6 : i32
    %dma_start3A_279 = arith.constant 6 : i32
    %dma_start3A_280 = arith.constant 384 : i32
    %dma_start3A_281 = tpu.memref_slice %arg8[%dma_start3A_279, %dma_start3A_280] : memref<13x512xf32, #tpu.memory_space<vmem>> -> memref<1x128xf32, #tpu.memory_space<vmem>>
    %dma_start3A_282 = tpu.memref_squeeze %dma_start3A_281 : memref<1x128xf32, #tpu.memory_space<vmem>> -> memref<128xf32, #tpu.memory_space<vmem>>
    %dma_start3A_283 = arith.constant 384 : i32
    %dma_start3A_284 = tpu.memref_slice %arg7[%dma_start3A_278, %dma_start3A_283] : memref<13x512xi32, #tpu.memory_space<vmem>> -> memref<1x128xi32, #tpu.memory_space<vmem>>
    %dma_start3A_285 = tpu.memref_squeeze %dma_start3A_284 : memref<1x128xi32, #tpu.memory_space<vmem>> -> memref<128xi32, #tpu.memory_space<vmem>>
    %dma_start3A_286 = arith.constant 0 : i32
    %dma_start3A_287 = tpu.memref_slice %arg2[%dma_start3A_286] : memref<1304576xf32, #tpu.memory_space<hbm>> -> memref<1304576xf32, #tpu.memory_space<hbm>>
    tpu.enqueue_indirect_dma source(%dma_start3A_287 : memref<1304576xf32, #tpu.memory_space<hbm>>) target(%dma_start3A_282 : memref<128xf32, #tpu.memory_space<vmem>>) offsets(%dma_start3A_285 : memref<128xi32, #tpu.memory_space<vmem>>) semaphore(%arg11 : memref<!tpu.dma_semaphore, #tpu.memory_space<semaphore_mem>>)
    %dma_start3A_288 = arith.constant 7 : i32
    %dma_start3A_289 = arith.constant 7 : i32
    %dma_start3A_290 = arith.constant 0 : i32
    %dma_start3A_291 = tpu.memref_slice %arg8[%dma_start3A_289, %dma_start3A_290] : memref<13x512xf32, #tpu.memory_space<vmem>> -> memref<1x128xf32, #tpu.memory_space<vmem>>
    %dma_start3A_292 = tpu.memref_squeeze %dma_start3A_291 : memref<1x128xf32, #tpu.memory_space<vmem>> -> memref<128xf32, #tpu.memory_space<vmem>>
    %dma_start3A_293 = arith.constant 0 : i32
    %dma_start3A_294 = tpu.memref_slice %arg7[%dma_start3A_288, %dma_start3A_293] : memref<13x512xi32, #tpu.memory_space<vmem>> -> memref<1x128xi32, #tpu.memory_space<vmem>>
    %dma_start3A_295 = tpu.memref_squeeze %dma_start3A_294 : memref<1x128xi32, #tpu.memory_space<vmem>> -> memref<128xi32, #tpu.memory_space<vmem>>
    %dma_start3A_296 = arith.constant 0 : i32
    %dma_start3A_297 = tpu.memref_slice %arg2[%dma_start3A_296] : memref<1304576xf32, #tpu.memory_space<hbm>> -> memref<1304576xf32, #tpu.memory_space<hbm>>
    tpu.enqueue_indirect_dma source(%dma_start3A_297 : memref<1304576xf32, #tpu.memory_space<hbm>>) target(%dma_start3A_292 : memref<128xf32, #tpu.memory_space<vmem>>) offsets(%dma_start3A_295 : memref<128xi32, #tpu.memory_space<vmem>>) semaphore(%arg11 : memref<!tpu.dma_semaphore, #tpu.memory_space<semaphore_mem>>)
    %dma_start3A_298 = arith.constant 7 : i32
    %dma_start3A_299 = arith.constant 7 : i32
    %dma_start3A_300 = arith.constant 128 : i32
    %dma_start3A_301 = tpu.memref_slice %arg8[%dma_start3A_299, %dma_start3A_300] : memref<13x512xf32, #tpu.memory_space<vmem>> -> memref<1x128xf32, #tpu.memory_space<vmem>>
    %dma_start3A_302 = tpu.memref_squeeze %dma_start3A_301 : memref<1x128xf32, #tpu.memory_space<vmem>> -> memref<128xf32, #tpu.memory_space<vmem>>
    %dma_start3A_303 = arith.constant 128 : i32
    %dma_start3A_304 = tpu.memref_slice %arg7[%dma_start3A_298, %dma_start3A_303] : memref<13x512xi32, #tpu.memory_space<vmem>> -> memref<1x128xi32, #tpu.memory_space<vmem>>
    %dma_start3A_305 = tpu.memref_squeeze %dma_start3A_304 : memref<1x128xi32, #tpu.memory_space<vmem>> -> memref<128xi32, #tpu.memory_space<vmem>>
    %dma_start3A_306 = arith.constant 0 : i32
    %dma_start3A_307 = tpu.memref_slice %arg2[%dma_start3A_306] : memref<1304576xf32, #tpu.memory_space<hbm>> -> memref<1304576xf32, #tpu.memory_space<hbm>>
    tpu.enqueue_indirect_dma source(%dma_start3A_307 : memref<1304576xf32, #tpu.memory_space<hbm>>) target(%dma_start3A_302 : memref<128xf32, #tpu.memory_space<vmem>>) offsets(%dma_start3A_305 : memref<128xi32, #tpu.memory_space<vmem>>) semaphore(%arg11 : memref<!tpu.dma_semaphore, #tpu.memory_space<semaphore_mem>>)
    %dma_start3A_308 = arith.constant 7 : i32
    %dma_start3A_309 = arith.constant 7 : i32
    %dma_start3A_310 = arith.constant 256 : i32
    %dma_start3A_311 = tpu.memref_slice %arg8[%dma_start3A_309, %dma_start3A_310] : memref<13x512xf32, #tpu.memory_space<vmem>> -> memref<1x128xf32, #tpu.memory_space<vmem>>
    %dma_start3A_312 = tpu.memref_squeeze %dma_start3A_311 : memref<1x128xf32, #tpu.memory_space<vmem>> -> memref<128xf32, #tpu.memory_space<vmem>>
    %dma_start3A_313 = arith.constant 256 : i32
    %dma_start3A_314 = tpu.memref_slice %arg7[%dma_start3A_308, %dma_start3A_313] : memref<13x512xi32, #tpu.memory_space<vmem>> -> memref<1x128xi32, #tpu.memory_space<vmem>>
    %dma_start3A_315 = tpu.memref_squeeze %dma_start3A_314 : memref<1x128xi32, #tpu.memory_space<vmem>> -> memref<128xi32, #tpu.memory_space<vmem>>
    %dma_start3A_316 = arith.constant 0 : i32
    %dma_start3A_317 = tpu.memref_slice %arg2[%dma_start3A_316] : memref<1304576xf32, #tpu.memory_space<hbm>> -> memref<1304576xf32, #tpu.memory_space<hbm>>
    tpu.enqueue_indirect_dma source(%dma_start3A_317 : memref<1304576xf32, #tpu.memory_space<hbm>>) target(%dma_start3A_312 : memref<128xf32, #tpu.memory_space<vmem>>) offsets(%dma_start3A_315 : memref<128xi32, #tpu.memory_space<vmem>>) semaphore(%arg11 : memref<!tpu.dma_semaphore, #tpu.memory_space<semaphore_mem>>)
    %dma_start3A_318 = arith.constant 7 : i32
    %dma_start3A_319 = arith.constant 7 : i32
    %dma_start3A_320 = arith.constant 384 : i32
    %dma_start3A_321 = tpu.memref_slice %arg8[%dma_start3A_319, %dma_start3A_320] : memref<13x512xf32, #tpu.memory_space<vmem>> -> memref<1x128xf32, #tpu.memory_space<vmem>>
    %dma_start3A_322 = tpu.memref_squeeze %dma_start3A_321 : memref<1x128xf32, #tpu.memory_space<vmem>> -> memref<128xf32, #tpu.memory_space<vmem>>
    %dma_start3A_323 = arith.constant 384 : i32
    %dma_start3A_324 = tpu.memref_slice %arg7[%dma_start3A_318, %dma_start3A_323] : memref<13x512xi32, #tpu.memory_space<vmem>> -> memref<1x128xi32, #tpu.memory_space<vmem>>
    %dma_start3A_325 = tpu.memref_squeeze %dma_start3A_324 : memref<1x128xi32, #tpu.memory_space<vmem>> -> memref<128xi32, #tpu.memory_space<vmem>>
    %dma_start3A_326 = arith.constant 0 : i32
    %dma_start3A_327 = tpu.memref_slice %arg2[%dma_start3A_326] : memref<1304576xf32, #tpu.memory_space<hbm>> -> memref<1304576xf32, #tpu.memory_space<hbm>>
    tpu.enqueue_indirect_dma source(%dma_start3A_327 : memref<1304576xf32, #tpu.memory_space<hbm>>) target(%dma_start3A_322 : memref<128xf32, #tpu.memory_space<vmem>>) offsets(%dma_start3A_325 : memref<128xi32, #tpu.memory_space<vmem>>) semaphore(%arg11 : memref<!tpu.dma_semaphore, #tpu.memory_space<semaphore_mem>>)
    %dma_start3A_328 = arith.constant 8 : i32
    %dma_start3A_329 = arith.constant 8 : i32
    %dma_start3A_330 = arith.constant 0 : i32
    %dma_start3A_331 = tpu.memref_slice %arg8[%dma_start3A_329, %dma_start3A_330] : memref<13x512xf32, #tpu.memory_space<vmem>> -> memref<1x128xf32, #tpu.memory_space<vmem>>
    %dma_start3A_332 = tpu.memref_squeeze %dma_start3A_331 : memref<1x128xf32, #tpu.memory_space<vmem>> -> memref<128xf32, #tpu.memory_space<vmem>>
    %dma_start3A_333 = arith.constant 0 : i32
    %dma_start3A_334 = tpu.memref_slice %arg7[%dma_start3A_328, %dma_start3A_333] : memref<13x512xi32, #tpu.memory_space<vmem>> -> memref<1x128xi32, #tpu.memory_space<vmem>>
    %dma_start3A_335 = tpu.memref_squeeze %dma_start3A_334 : memref<1x128xi32, #tpu.memory_space<vmem>> -> memref<128xi32, #tpu.memory_space<vmem>>
    %dma_start3A_336 = arith.constant 0 : i32
    %dma_start3A_337 = tpu.memref_slice %arg2[%dma_start3A_336] : memref<1304576xf32, #tpu.memory_space<hbm>> -> memref<1304576xf32, #tpu.memory_space<hbm>>
    tpu.enqueue_indirect_dma source(%dma_start3A_337 : memref<1304576xf32, #tpu.memory_space<hbm>>) target(%dma_start3A_332 : memref<128xf32, #tpu.memory_space<vmem>>) offsets(%dma_start3A_335 : memref<128xi32, #tpu.memory_space<vmem>>) semaphore(%arg11 : memref<!tpu.dma_semaphore, #tpu.memory_space<semaphore_mem>>)
    %dma_start3A_338 = arith.constant 8 : i32
    %dma_start3A_339 = arith.constant 8 : i32
    %dma_start3A_340 = arith.constant 128 : i32
    %dma_start3A_341 = tpu.memref_slice %arg8[%dma_start3A_339, %dma_start3A_340] : memref<13x512xf32, #tpu.memory_space<vmem>> -> memref<1x128xf32, #tpu.memory_space<vmem>>
    %dma_start3A_342 = tpu.memref_squeeze %dma_start3A_341 : memref<1x128xf32, #tpu.memory_space<vmem>> -> memref<128xf32, #tpu.memory_space<vmem>>
    %dma_start3A_343 = arith.constant 128 : i32
    %dma_start3A_344 = tpu.memref_slice %arg7[%dma_start3A_338, %dma_start3A_343] : memref<13x512xi32, #tpu.memory_space<vmem>> -> memref<1x128xi32, #tpu.memory_space<vmem>>
    %dma_start3A_345 = tpu.memref_squeeze %dma_start3A_344 : memref<1x128xi32, #tpu.memory_space<vmem>> -> memref<128xi32, #tpu.memory_space<vmem>>
    %dma_start3A_346 = arith.constant 0 : i32
    %dma_start3A_347 = tpu.memref_slice %arg2[%dma_start3A_346] : memref<1304576xf32, #tpu.memory_space<hbm>> -> memref<1304576xf32, #tpu.memory_space<hbm>>
    tpu.enqueue_indirect_dma source(%dma_start3A_347 : memref<1304576xf32, #tpu.memory_space<hbm>>) target(%dma_start3A_342 : memref<128xf32, #tpu.memory_space<vmem>>) offsets(%dma_start3A_345 : memref<128xi32, #tpu.memory_space<vmem>>) semaphore(%arg11 : memref<!tpu.dma_semaphore, #tpu.memory_space<semaphore_mem>>)
    %dma_start3A_348 = arith.constant 8 : i32
    %dma_start3A_349 = arith.constant 8 : i32
    %dma_start3A_350 = arith.constant 256 : i32
    %dma_start3A_351 = tpu.memref_slice %arg8[%dma_start3A_349, %dma_start3A_350] : memref<13x512xf32, #tpu.memory_space<vmem>> -> memref<1x128xf32, #tpu.memory_space<vmem>>
    %dma_start3A_352 = tpu.memref_squeeze %dma_start3A_351 : memref<1x128xf32, #tpu.memory_space<vmem>> -> memref<128xf32, #tpu.memory_space<vmem>>
    %dma_start3A_353 = arith.constant 256 : i32
    %dma_start3A_354 = tpu.memref_slice %arg7[%dma_start3A_348, %dma_start3A_353] : memref<13x512xi32, #tpu.memory_space<vmem>> -> memref<1x128xi32, #tpu.memory_space<vmem>>
    %dma_start3A_355 = tpu.memref_squeeze %dma_start3A_354 : memref<1x128xi32, #tpu.memory_space<vmem>> -> memref<128xi32, #tpu.memory_space<vmem>>
    %dma_start3A_356 = arith.constant 0 : i32
    %dma_start3A_357 = tpu.memref_slice %arg2[%dma_start3A_356] : memref<1304576xf32, #tpu.memory_space<hbm>> -> memref<1304576xf32, #tpu.memory_space<hbm>>
    tpu.enqueue_indirect_dma source(%dma_start3A_357 : memref<1304576xf32, #tpu.memory_space<hbm>>) target(%dma_start3A_352 : memref<128xf32, #tpu.memory_space<vmem>>) offsets(%dma_start3A_355 : memref<128xi32, #tpu.memory_space<vmem>>) semaphore(%arg11 : memref<!tpu.dma_semaphore, #tpu.memory_space<semaphore_mem>>)
    %dma_start3A_358 = arith.constant 8 : i32
    %dma_start3A_359 = arith.constant 8 : i32
    %dma_start3A_360 = arith.constant 384 : i32
    %dma_start3A_361 = tpu.memref_slice %arg8[%dma_start3A_359, %dma_start3A_360] : memref<13x512xf32, #tpu.memory_space<vmem>> -> memref<1x128xf32, #tpu.memory_space<vmem>>
    %dma_start3A_362 = tpu.memref_squeeze %dma_start3A_361 : memref<1x128xf32, #tpu.memory_space<vmem>> -> memref<128xf32, #tpu.memory_space<vmem>>
    %dma_start3A_363 = arith.constant 384 : i32
    %dma_start3A_364 = tpu.memref_slice %arg7[%dma_start3A_358, %dma_start3A_363] : memref<13x512xi32, #tpu.memory_space<vmem>> -> memref<1x128xi32, #tpu.memory_space<vmem>>
    %dma_start3A_365 = tpu.memref_squeeze %dma_start3A_364 : memref<1x128xi32, #tpu.memory_space<vmem>> -> memref<128xi32, #tpu.memory_space<vmem>>
    %dma_start3A_366 = arith.constant 0 : i32
    %dma_start3A_367 = tpu.memref_slice %arg2[%dma_start3A_366] : memref<1304576xf32, #tpu.memory_space<hbm>> -> memref<1304576xf32, #tpu.memory_space<hbm>>
    tpu.enqueue_indirect_dma source(%dma_start3A_367 : memref<1304576xf32, #tpu.memory_space<hbm>>) target(%dma_start3A_362 : memref<128xf32, #tpu.memory_space<vmem>>) offsets(%dma_start3A_365 : memref<128xi32, #tpu.memory_space<vmem>>) semaphore(%arg11 : memref<!tpu.dma_semaphore, #tpu.memory_space<semaphore_mem>>)
    %dma_start3A_368 = arith.constant 9 : i32
    %dma_start3A_369 = arith.constant 9 : i32
    %dma_start3A_370 = arith.constant 0 : i32
    %dma_start3A_371 = tpu.memref_slice %arg8[%dma_start3A_369, %dma_start3A_370] : memref<13x512xf32, #tpu.memory_space<vmem>> -> memref<1x128xf32, #tpu.memory_space<vmem>>
    %dma_start3A_372 = tpu.memref_squeeze %dma_start3A_371 : memref<1x128xf32, #tpu.memory_space<vmem>> -> memref<128xf32, #tpu.memory_space<vmem>>
    %dma_start3A_373 = arith.constant 0 : i32
    %dma_start3A_374 = tpu.memref_slice %arg7[%dma_start3A_368, %dma_start3A_373] : memref<13x512xi32, #tpu.memory_space<vmem>> -> memref<1x128xi32, #tpu.memory_space<vmem>>
    %dma_start3A_375 = tpu.memref_squeeze %dma_start3A_374 : memref<1x128xi32, #tpu.memory_space<vmem>> -> memref<128xi32, #tpu.memory_space<vmem>>
    %dma_start3A_376 = arith.constant 0 : i32
    %dma_start3A_377 = tpu.memref_slice %arg2[%dma_start3A_376] : memref<1304576xf32, #tpu.memory_space<hbm>> -> memref<1304576xf32, #tpu.memory_space<hbm>>
    tpu.enqueue_indirect_dma source(%dma_start3A_377 : memref<1304576xf32, #tpu.memory_space<hbm>>) target(%dma_start3A_372 : memref<128xf32, #tpu.memory_space<vmem>>) offsets(%dma_start3A_375 : memref<128xi32, #tpu.memory_space<vmem>>) semaphore(%arg11 : memref<!tpu.dma_semaphore, #tpu.memory_space<semaphore_mem>>)
    %dma_start3A_378 = arith.constant 9 : i32
    %dma_start3A_379 = arith.constant 9 : i32
    %dma_start3A_380 = arith.constant 128 : i32
    %dma_start3A_381 = tpu.memref_slice %arg8[%dma_start3A_379, %dma_start3A_380] : memref<13x512xf32, #tpu.memory_space<vmem>> -> memref<1x128xf32, #tpu.memory_space<vmem>>
    %dma_start3A_382 = tpu.memref_squeeze %dma_start3A_381 : memref<1x128xf32, #tpu.memory_space<vmem>> -> memref<128xf32, #tpu.memory_space<vmem>>
    %dma_start3A_383 = arith.constant 128 : i32
    %dma_start3A_384 = tpu.memref_slice %arg7[%dma_start3A_378, %dma_start3A_383] : memref<13x512xi32, #tpu.memory_space<vmem>> -> memref<1x128xi32, #tpu.memory_space<vmem>>
    %dma_start3A_385 = tpu.memref_squeeze %dma_start3A_384 : memref<1x128xi32, #tpu.memory_space<vmem>> -> memref<128xi32, #tpu.memory_space<vmem>>
    %dma_start3A_386 = arith.constant 0 : i32
    %dma_start3A_387 = tpu.memref_slice %arg2[%dma_start3A_386] : memref<1304576xf32, #tpu.memory_space<hbm>> -> memref<1304576xf32, #tpu.memory_space<hbm>>
    tpu.enqueue_indirect_dma source(%dma_start3A_387 : memref<1304576xf32, #tpu.memory_space<hbm>>) target(%dma_start3A_382 : memref<128xf32, #tpu.memory_space<vmem>>) offsets(%dma_start3A_385 : memref<128xi32, #tpu.memory_space<vmem>>) semaphore(%arg11 : memref<!tpu.dma_semaphore, #tpu.memory_space<semaphore_mem>>)
    %dma_start3A_388 = arith.constant 9 : i32
    %dma_start3A_389 = arith.constant 9 : i32
    %dma_start3A_390 = arith.constant 256 : i32
    %dma_start3A_391 = tpu.memref_slice %arg8[%dma_start3A_389, %dma_start3A_390] : memref<13x512xf32, #tpu.memory_space<vmem>> -> memref<1x128xf32, #tpu.memory_space<vmem>>
    %dma_start3A_392 = tpu.memref_squeeze %dma_start3A_391 : memref<1x128xf32, #tpu.memory_space<vmem>> -> memref<128xf32, #tpu.memory_space<vmem>>
    %dma_start3A_393 = arith.constant 256 : i32
    %dma_start3A_394 = tpu.memref_slice %arg7[%dma_start3A_388, %dma_start3A_393] : memref<13x512xi32, #tpu.memory_space<vmem>> -> memref<1x128xi32, #tpu.memory_space<vmem>>
    %dma_start3A_395 = tpu.memref_squeeze %dma_start3A_394 : memref<1x128xi32, #tpu.memory_space<vmem>> -> memref<128xi32, #tpu.memory_space<vmem>>
    %dma_start3A_396 = arith.constant 0 : i32
    %dma_start3A_397 = tpu.memref_slice %arg2[%dma_start3A_396] : memref<1304576xf32, #tpu.memory_space<hbm>> -> memref<1304576xf32, #tpu.memory_space<hbm>>
    tpu.enqueue_indirect_dma source(%dma_start3A_397 : memref<1304576xf32, #tpu.memory_space<hbm>>) target(%dma_start3A_392 : memref<128xf32, #tpu.memory_space<vmem>>) offsets(%dma_start3A_395 : memref<128xi32, #tpu.memory_space<vmem>>) semaphore(%arg11 : memref<!tpu.dma_semaphore, #tpu.memory_space<semaphore_mem>>)
    %dma_start3A_398 = arith.constant 9 : i32
    %dma_start3A_399 = arith.constant 9 : i32
    %dma_start3A_400 = arith.constant 384 : i32
    %dma_start3A_401 = tpu.memref_slice %arg8[%dma_start3A_399, %dma_start3A_400] : memref<13x512xf32, #tpu.memory_space<vmem>> -> memref<1x128xf32, #tpu.memory_space<vmem>>
    %dma_start3A_402 = tpu.memref_squeeze %dma_start3A_401 : memref<1x128xf32, #tpu.memory_space<vmem>> -> memref<128xf32, #tpu.memory_space<vmem>>
    %dma_start3A_403 = arith.constant 384 : i32
    %dma_start3A_404 = tpu.memref_slice %arg7[%dma_start3A_398, %dma_start3A_403] : memref<13x512xi32, #tpu.memory_space<vmem>> -> memref<1x128xi32, #tpu.memory_space<vmem>>
    %dma_start3A_405 = tpu.memref_squeeze %dma_start3A_404 : memref<1x128xi32, #tpu.memory_space<vmem>> -> memref<128xi32, #tpu.memory_space<vmem>>
    %dma_start3A_406 = arith.constant 0 : i32
    %dma_start3A_407 = tpu.memref_slice %arg2[%dma_start3A_406] : memref<1304576xf32, #tpu.memory_space<hbm>> -> memref<1304576xf32, #tpu.memory_space<hbm>>
    tpu.enqueue_indirect_dma source(%dma_start3A_407 : memref<1304576xf32, #tpu.memory_space<hbm>>) target(%dma_start3A_402 : memref<128xf32, #tpu.memory_space<vmem>>) offsets(%dma_start3A_405 : memref<128xi32, #tpu.memory_space<vmem>>) semaphore(%arg11 : memref<!tpu.dma_semaphore, #tpu.memory_space<semaphore_mem>>)
    %dma_start3A_408 = arith.constant 10 : i32
    %dma_start3A_409 = arith.constant 10 : i32
    %dma_start3A_410 = arith.constant 0 : i32
    %dma_start3A_411 = tpu.memref_slice %arg8[%dma_start3A_409, %dma_start3A_410] : memref<13x512xf32, #tpu.memory_space<vmem>> -> memref<1x128xf32, #tpu.memory_space<vmem>>
    %dma_start3A_412 = tpu.memref_squeeze %dma_start3A_411 : memref<1x128xf32, #tpu.memory_space<vmem>> -> memref<128xf32, #tpu.memory_space<vmem>>
    %dma_start3A_413 = arith.constant 0 : i32
    %dma_start3A_414 = tpu.memref_slice %arg7[%dma_start3A_408, %dma_start3A_413] : memref<13x512xi32, #tpu.memory_space<vmem>> -> memref<1x128xi32, #tpu.memory_space<vmem>>
    %dma_start3A_415 = tpu.memref_squeeze %dma_start3A_414 : memref<1x128xi32, #tpu.memory_space<vmem>> -> memref<128xi32, #tpu.memory_space<vmem>>
    %dma_start3A_416 = arith.constant 0 : i32
    %dma_start3A_417 = tpu.memref_slice %arg2[%dma_start3A_416] : memref<1304576xf32, #tpu.memory_space<hbm>> -> memref<1304576xf32, #tpu.memory_space<hbm>>
    tpu.enqueue_indirect_dma source(%dma_start3A_417 : memref<1304576xf32, #tpu.memory_space<hbm>>) target(%dma_start3A_412 : memref<128xf32, #tpu.memory_space<vmem>>) offsets(%dma_start3A_415 : memref<128xi32, #tpu.memory_space<vmem>>) semaphore(%arg11 : memref<!tpu.dma_semaphore, #tpu.memory_space<semaphore_mem>>)
    %dma_start3A_418 = arith.constant 10 : i32
    %dma_start3A_419 = arith.constant 10 : i32
    %dma_start3A_420 = arith.constant 128 : i32
    %dma_start3A_421 = tpu.memref_slice %arg8[%dma_start3A_419, %dma_start3A_420] : memref<13x512xf32, #tpu.memory_space<vmem>> -> memref<1x128xf32, #tpu.memory_space<vmem>>
    %dma_start3A_422 = tpu.memref_squeeze %dma_start3A_421 : memref<1x128xf32, #tpu.memory_space<vmem>> -> memref<128xf32, #tpu.memory_space<vmem>>
    %dma_start3A_423 = arith.constant 128 : i32
    %dma_start3A_424 = tpu.memref_slice %arg7[%dma_start3A_418, %dma_start3A_423] : memref<13x512xi32, #tpu.memory_space<vmem>> -> memref<1x128xi32, #tpu.memory_space<vmem>>
    %dma_start3A_425 = tpu.memref_squeeze %dma_start3A_424 : memref<1x128xi32, #tpu.memory_space<vmem>> -> memref<128xi32, #tpu.memory_space<vmem>>
    %dma_start3A_426 = arith.constant 0 : i32
    %dma_start3A_427 = tpu.memref_slice %arg2[%dma_start3A_426] : memref<1304576xf32, #tpu.memory_space<hbm>> -> memref<1304576xf32, #tpu.memory_space<hbm>>
    tpu.enqueue_indirect_dma source(%dma_start3A_427 : memref<1304576xf32, #tpu.memory_space<hbm>>) target(%dma_start3A_422 : memref<128xf32, #tpu.memory_space<vmem>>) offsets(%dma_start3A_425 : memref<128xi32, #tpu.memory_space<vmem>>) semaphore(%arg11 : memref<!tpu.dma_semaphore, #tpu.memory_space<semaphore_mem>>)
    %dma_start3A_428 = arith.constant 10 : i32
    %dma_start3A_429 = arith.constant 10 : i32
    %dma_start3A_430 = arith.constant 256 : i32
    %dma_start3A_431 = tpu.memref_slice %arg8[%dma_start3A_429, %dma_start3A_430] : memref<13x512xf32, #tpu.memory_space<vmem>> -> memref<1x128xf32, #tpu.memory_space<vmem>>
    %dma_start3A_432 = tpu.memref_squeeze %dma_start3A_431 : memref<1x128xf32, #tpu.memory_space<vmem>> -> memref<128xf32, #tpu.memory_space<vmem>>
    %dma_start3A_433 = arith.constant 256 : i32
    %dma_start3A_434 = tpu.memref_slice %arg7[%dma_start3A_428, %dma_start3A_433] : memref<13x512xi32, #tpu.memory_space<vmem>> -> memref<1x128xi32, #tpu.memory_space<vmem>>
    %dma_start3A_435 = tpu.memref_squeeze %dma_start3A_434 : memref<1x128xi32, #tpu.memory_space<vmem>> -> memref<128xi32, #tpu.memory_space<vmem>>
    %dma_start3A_436 = arith.constant 0 : i32
    %dma_start3A_437 = tpu.memref_slice %arg2[%dma_start3A_436] : memref<1304576xf32, #tpu.memory_space<hbm>> -> memref<1304576xf32, #tpu.memory_space<hbm>>
    tpu.enqueue_indirect_dma source(%dma_start3A_437 : memref<1304576xf32, #tpu.memory_space<hbm>>) target(%dma_start3A_432 : memref<128xf32, #tpu.memory_space<vmem>>) offsets(%dma_start3A_435 : memref<128xi32, #tpu.memory_space<vmem>>) semaphore(%arg11 : memref<!tpu.dma_semaphore, #tpu.memory_space<semaphore_mem>>)
    %dma_start3A_438 = arith.constant 10 : i32
    %dma_start3A_439 = arith.constant 10 : i32
    %dma_start3A_440 = arith.constant 384 : i32
    %dma_start3A_441 = tpu.memref_slice %arg8[%dma_start3A_439, %dma_start3A_440] : memref<13x512xf32, #tpu.memory_space<vmem>> -> memref<1x128xf32, #tpu.memory_space<vmem>>
    %dma_start3A_442 = tpu.memref_squeeze %dma_start3A_441 : memref<1x128xf32, #tpu.memory_space<vmem>> -> memref<128xf32, #tpu.memory_space<vmem>>
    %dma_start3A_443 = arith.constant 384 : i32
    %dma_start3A_444 = tpu.memref_slice %arg7[%dma_start3A_438, %dma_start3A_443] : memref<13x512xi32, #tpu.memory_space<vmem>> -> memref<1x128xi32, #tpu.memory_space<vmem>>
    %dma_start3A_445 = tpu.memref_squeeze %dma_start3A_444 : memref<1x128xi32, #tpu.memory_space<vmem>> -> memref<128xi32, #tpu.memory_space<vmem>>
    %dma_start3A_446 = arith.constant 0 : i32
    %dma_start3A_447 = tpu.memref_slice %arg2[%dma_start3A_446] : memref<1304576xf32, #tpu.memory_space<hbm>> -> memref<1304576xf32, #tpu.memory_space<hbm>>
    tpu.enqueue_indirect_dma source(%dma_start3A_447 : memref<1304576xf32, #tpu.memory_space<hbm>>) target(%dma_start3A_442 : memref<128xf32, #tpu.memory_space<vmem>>) offsets(%dma_start3A_445 : memref<128xi32, #tpu.memory_space<vmem>>) semaphore(%arg11 : memref<!tpu.dma_semaphore, #tpu.memory_space<semaphore_mem>>)
    %dma_start3A_448 = arith.constant 11 : i32
    %dma_start3A_449 = arith.constant 11 : i32
    %dma_start3A_450 = arith.constant 0 : i32
    %dma_start3A_451 = tpu.memref_slice %arg8[%dma_start3A_449, %dma_start3A_450] : memref<13x512xf32, #tpu.memory_space<vmem>> -> memref<1x128xf32, #tpu.memory_space<vmem>>
    %dma_start3A_452 = tpu.memref_squeeze %dma_start3A_451 : memref<1x128xf32, #tpu.memory_space<vmem>> -> memref<128xf32, #tpu.memory_space<vmem>>
    %dma_start3A_453 = arith.constant 0 : i32
    %dma_start3A_454 = tpu.memref_slice %arg7[%dma_start3A_448, %dma_start3A_453] : memref<13x512xi32, #tpu.memory_space<vmem>> -> memref<1x128xi32, #tpu.memory_space<vmem>>
    %dma_start3A_455 = tpu.memref_squeeze %dma_start3A_454 : memref<1x128xi32, #tpu.memory_space<vmem>> -> memref<128xi32, #tpu.memory_space<vmem>>
    %dma_start3A_456 = arith.constant 0 : i32
    %dma_start3A_457 = tpu.memref_slice %arg2[%dma_start3A_456] : memref<1304576xf32, #tpu.memory_space<hbm>> -> memref<1304576xf32, #tpu.memory_space<hbm>>
    tpu.enqueue_indirect_dma source(%dma_start3A_457 : memref<1304576xf32, #tpu.memory_space<hbm>>) target(%dma_start3A_452 : memref<128xf32, #tpu.memory_space<vmem>>) offsets(%dma_start3A_455 : memref<128xi32, #tpu.memory_space<vmem>>) semaphore(%arg11 : memref<!tpu.dma_semaphore, #tpu.memory_space<semaphore_mem>>)
    %dma_start3A_458 = arith.constant 11 : i32
    %dma_start3A_459 = arith.constant 11 : i32
    %dma_start3A_460 = arith.constant 128 : i32
    %dma_start3A_461 = tpu.memref_slice %arg8[%dma_start3A_459, %dma_start3A_460] : memref<13x512xf32, #tpu.memory_space<vmem>> -> memref<1x128xf32, #tpu.memory_space<vmem>>
    %dma_start3A_462 = tpu.memref_squeeze %dma_start3A_461 : memref<1x128xf32, #tpu.memory_space<vmem>> -> memref<128xf32, #tpu.memory_space<vmem>>
    %dma_start3A_463 = arith.constant 128 : i32
    %dma_start3A_464 = tpu.memref_slice %arg7[%dma_start3A_458, %dma_start3A_463] : memref<13x512xi32, #tpu.memory_space<vmem>> -> memref<1x128xi32, #tpu.memory_space<vmem>>
    %dma_start3A_465 = tpu.memref_squeeze %dma_start3A_464 : memref<1x128xi32, #tpu.memory_space<vmem>> -> memref<128xi32, #tpu.memory_space<vmem>>
    %dma_start3A_466 = arith.constant 0 : i32
    %dma_start3A_467 = tpu.memref_slice %arg2[%dma_start3A_466] : memref<1304576xf32, #tpu.memory_space<hbm>> -> memref<1304576xf32, #tpu.memory_space<hbm>>
    tpu.enqueue_indirect_dma source(%dma_start3A_467 : memref<1304576xf32, #tpu.memory_space<hbm>>) target(%dma_start3A_462 : memref<128xf32, #tpu.memory_space<vmem>>) offsets(%dma_start3A_465 : memref<128xi32, #tpu.memory_space<vmem>>) semaphore(%arg11 : memref<!tpu.dma_semaphore, #tpu.memory_space<semaphore_mem>>)
    %dma_start3A_468 = arith.constant 11 : i32
    %dma_start3A_469 = arith.constant 11 : i32
    %dma_start3A_470 = arith.constant 256 : i32
    %dma_start3A_471 = tpu.memref_slice %arg8[%dma_start3A_469, %dma_start3A_470] : memref<13x512xf32, #tpu.memory_space<vmem>> -> memref<1x128xf32, #tpu.memory_space<vmem>>
    %dma_start3A_472 = tpu.memref_squeeze %dma_start3A_471 : memref<1x128xf32, #tpu.memory_space<vmem>> -> memref<128xf32, #tpu.memory_space<vmem>>
    %dma_start3A_473 = arith.constant 256 : i32
    %dma_start3A_474 = tpu.memref_slice %arg7[%dma_start3A_468, %dma_start3A_473] : memref<13x512xi32, #tpu.memory_space<vmem>> -> memref<1x128xi32, #tpu.memory_space<vmem>>
    %dma_start3A_475 = tpu.memref_squeeze %dma_start3A_474 : memref<1x128xi32, #tpu.memory_space<vmem>> -> memref<128xi32, #tpu.memory_space<vmem>>
    %dma_start3A_476 = arith.constant 0 : i32
    %dma_start3A_477 = tpu.memref_slice %arg2[%dma_start3A_476] : memref<1304576xf32, #tpu.memory_space<hbm>> -> memref<1304576xf32, #tpu.memory_space<hbm>>
    tpu.enqueue_indirect_dma source(%dma_start3A_477 : memref<1304576xf32, #tpu.memory_space<hbm>>) target(%dma_start3A_472 : memref<128xf32, #tpu.memory_space<vmem>>) offsets(%dma_start3A_475 : memref<128xi32, #tpu.memory_space<vmem>>) semaphore(%arg11 : memref<!tpu.dma_semaphore, #tpu.memory_space<semaphore_mem>>)
    %dma_start3A_478 = arith.constant 11 : i32
    %dma_start3A_479 = arith.constant 11 : i32
    %dma_start3A_480 = arith.constant 384 : i32
    %dma_start3A_481 = tpu.memref_slice %arg8[%dma_start3A_479, %dma_start3A_480] : memref<13x512xf32, #tpu.memory_space<vmem>> -> memref<1x128xf32, #tpu.memory_space<vmem>>
    %dma_start3A_482 = tpu.memref_squeeze %dma_start3A_481 : memref<1x128xf32, #tpu.memory_space<vmem>> -> memref<128xf32, #tpu.memory_space<vmem>>
    %dma_start3A_483 = arith.constant 384 : i32
    %dma_start3A_484 = tpu.memref_slice %arg7[%dma_start3A_478, %dma_start3A_483] : memref<13x512xi32, #tpu.memory_space<vmem>> -> memref<1x128xi32, #tpu.memory_space<vmem>>
    %dma_start3A_485 = tpu.memref_squeeze %dma_start3A_484 : memref<1x128xi32, #tpu.memory_space<vmem>> -> memref<128xi32, #tpu.memory_space<vmem>>
    %dma_start3A_486 = arith.constant 0 : i32
    %dma_start3A_487 = tpu.memref_slice %arg2[%dma_start3A_486] : memref<1304576xf32, #tpu.memory_space<hbm>> -> memref<1304576xf32, #tpu.memory_space<hbm>>
    tpu.enqueue_indirect_dma source(%dma_start3A_487 : memref<1304576xf32, #tpu.memory_space<hbm>>) target(%dma_start3A_482 : memref<128xf32, #tpu.memory_space<vmem>>) offsets(%dma_start3A_485 : memref<128xi32, #tpu.memory_space<vmem>>) semaphore(%arg11 : memref<!tpu.dma_semaphore, #tpu.memory_space<semaphore_mem>>)
    %dma_start3A_488 = arith.constant 12 : i32
    %dma_start3A_489 = arith.constant 12 : i32
    %dma_start3A_490 = arith.constant 0 : i32
    %dma_start3A_491 = tpu.memref_slice %arg8[%dma_start3A_489, %dma_start3A_490] : memref<13x512xf32, #tpu.memory_space<vmem>> -> memref<1x128xf32, #tpu.memory_space<vmem>>
    %dma_start3A_492 = tpu.memref_squeeze %dma_start3A_491 : memref<1x128xf32, #tpu.memory_space<vmem>> -> memref<128xf32, #tpu.memory_space<vmem>>
    %dma_start3A_493 = arith.constant 0 : i32
    %dma_start3A_494 = tpu.memref_slice %arg7[%dma_start3A_488, %dma_start3A_493] : memref<13x512xi32, #tpu.memory_space<vmem>> -> memref<1x128xi32, #tpu.memory_space<vmem>>
    %dma_start3A_495 = tpu.memref_squeeze %dma_start3A_494 : memref<1x128xi32, #tpu.memory_space<vmem>> -> memref<128xi32, #tpu.memory_space<vmem>>
    %dma_start3A_496 = arith.constant 0 : i32
    %dma_start3A_497 = tpu.memref_slice %arg2[%dma_start3A_496] : memref<1304576xf32, #tpu.memory_space<hbm>> -> memref<1304576xf32, #tpu.memory_space<hbm>>
    tpu.enqueue_indirect_dma source(%dma_start3A_497 : memref<1304576xf32, #tpu.memory_space<hbm>>) target(%dma_start3A_492 : memref<128xf32, #tpu.memory_space<vmem>>) offsets(%dma_start3A_495 : memref<128xi32, #tpu.memory_space<vmem>>) semaphore(%arg11 : memref<!tpu.dma_semaphore, #tpu.memory_space<semaphore_mem>>)
    %dma_start3A_498 = arith.constant 12 : i32
    %dma_start3A_499 = arith.constant 12 : i32
    %dma_start3A_500 = arith.constant 128 : i32
    %dma_start3A_501 = tpu.memref_slice %arg8[%dma_start3A_499, %dma_start3A_500] : memref<13x512xf32, #tpu.memory_space<vmem>> -> memref<1x128xf32, #tpu.memory_space<vmem>>
    %dma_start3A_502 = tpu.memref_squeeze %dma_start3A_501 : memref<1x128xf32, #tpu.memory_space<vmem>> -> memref<128xf32, #tpu.memory_space<vmem>>
    %dma_start3A_503 = arith.constant 128 : i32
    %dma_start3A_504 = tpu.memref_slice %arg7[%dma_start3A_498, %dma_start3A_503] : memref<13x512xi32, #tpu.memory_space<vmem>> -> memref<1x128xi32, #tpu.memory_space<vmem>>
    %dma_start3A_505 = tpu.memref_squeeze %dma_start3A_504 : memref<1x128xi32, #tpu.memory_space<vmem>> -> memref<128xi32, #tpu.memory_space<vmem>>
    %dma_start3A_506 = arith.constant 0 : i32
    %dma_start3A_507 = tpu.memref_slice %arg2[%dma_start3A_506] : memref<1304576xf32, #tpu.memory_space<hbm>> -> memref<1304576xf32, #tpu.memory_space<hbm>>
    tpu.enqueue_indirect_dma source(%dma_start3A_507 : memref<1304576xf32, #tpu.memory_space<hbm>>) target(%dma_start3A_502 : memref<128xf32, #tpu.memory_space<vmem>>) offsets(%dma_start3A_505 : memref<128xi32, #tpu.memory_space<vmem>>) semaphore(%arg11 : memref<!tpu.dma_semaphore, #tpu.memory_space<semaphore_mem>>)
    %dma_start3A_508 = arith.constant 12 : i32
    %dma_start3A_509 = arith.constant 12 : i32
    %dma_start3A_510 = arith.constant 256 : i32
    %dma_start3A_511 = tpu.memref_slice %arg8[%dma_start3A_509, %dma_start3A_510] : memref<13x512xf32, #tpu.memory_space<vmem>> -> memref<1x128xf32, #tpu.memory_space<vmem>>
    %dma_start3A_512 = tpu.memref_squeeze %dma_start3A_511 : memref<1x128xf32, #tpu.memory_space<vmem>> -> memref<128xf32, #tpu.memory_space<vmem>>
    %dma_start3A_513 = arith.constant 256 : i32
    %dma_start3A_514 = tpu.memref_slice %arg7[%dma_start3A_508, %dma_start3A_513] : memref<13x512xi32, #tpu.memory_space<vmem>> -> memref<1x128xi32, #tpu.memory_space<vmem>>
    %dma_start3A_515 = tpu.memref_squeeze %dma_start3A_514 : memref<1x128xi32, #tpu.memory_space<vmem>> -> memref<128xi32, #tpu.memory_space<vmem>>
    %dma_start3A_516 = arith.constant 0 : i32
    %dma_start3A_517 = tpu.memref_slice %arg2[%dma_start3A_516] : memref<1304576xf32, #tpu.memory_space<hbm>> -> memref<1304576xf32, #tpu.memory_space<hbm>>
    tpu.enqueue_indirect_dma source(%dma_start3A_517 : memref<1304576xf32, #tpu.memory_space<hbm>>) target(%dma_start3A_512 : memref<128xf32, #tpu.memory_space<vmem>>) offsets(%dma_start3A_515 : memref<128xi32, #tpu.memory_space<vmem>>) semaphore(%arg11 : memref<!tpu.dma_semaphore, #tpu.memory_space<semaphore_mem>>)
    %dma_start3A_518 = arith.constant 12 : i32
    %dma_start3A_519 = arith.constant 12 : i32
    %dma_start3A_520 = arith.constant 384 : i32
    %dma_start3A_521 = tpu.memref_slice %arg8[%dma_start3A_519, %dma_start3A_520] : memref<13x512xf32, #tpu.memory_space<vmem>> -> memref<1x128xf32, #tpu.memory_space<vmem>>
    %dma_start3A_522 = tpu.memref_squeeze %dma_start3A_521 : memref<1x128xf32, #tpu.memory_space<vmem>> -> memref<128xf32, #tpu.memory_space<vmem>>
    %dma_start3A_523 = arith.constant 384 : i32
    %dma_start3A_524 = tpu.memref_slice %arg7[%dma_start3A_518, %dma_start3A_523] : memref<13x512xi32, #tpu.memory_space<vmem>> -> memref<1x128xi32, #tpu.memory_space<vmem>>
    %dma_start3A_525 = tpu.memref_squeeze %dma_start3A_524 : memref<1x128xi32, #tpu.memory_space<vmem>> -> memref<128xi32, #tpu.memory_space<vmem>>
    %dma_start3A_526 = arith.constant 0 : i32
    %dma_start3A_527 = tpu.memref_slice %arg2[%dma_start3A_526] : memref<1304576xf32, #tpu.memory_space<hbm>> -> memref<1304576xf32, #tpu.memory_space<hbm>>
    tpu.enqueue_indirect_dma source(%dma_start3A_527 : memref<1304576xf32, #tpu.memory_space<hbm>>) target(%dma_start3A_522 : memref<128xf32, #tpu.memory_space<vmem>>) offsets(%dma_start3A_525 : memref<128xi32, #tpu.memory_space<vmem>>) semaphore(%arg11 : memref<!tpu.dma_semaphore, #tpu.memory_space<semaphore_mem>>)
    %dma_wait3A = arith.constant 0 : i32
    %dma_wait3A_528 = arith.constant 0 : i32
    %dma_wait3A_529 = arith.constant 0 : i32
    %dma_wait3A_530 = tpu.memref_slice %arg8[%dma_wait3A_528, %dma_wait3A_529] : memref<13x512xf32, #tpu.memory_space<vmem>> -> memref<1x128xf32, #tpu.memory_space<vmem>>
    %dma_wait3A_531 = tpu.memref_squeeze %dma_wait3A_530 : memref<1x128xf32, #tpu.memory_space<vmem>> -> memref<128xf32, #tpu.memory_space<vmem>>
    %dma_wait3A_532 = arith.constant 0 : i32
    %dma_wait3A_533 = tpu.memref_slice %arg7[%dma_wait3A, %dma_wait3A_532] : memref<13x512xi32, #tpu.memory_space<vmem>> -> memref<1x128xi32, #tpu.memory_space<vmem>>
    %dma_wait3A_534 = tpu.memref_squeeze %dma_wait3A_533 : memref<1x128xi32, #tpu.memory_space<vmem>> -> memref<128xi32, #tpu.memory_space<vmem>>
    %dma_wait3A_535 = arith.constant 0 : i32
    %dma_wait3A_536 = tpu.memref_slice %arg2[%dma_wait3A_535] : memref<1304576xf32, #tpu.memory_space<hbm>> -> memref<1304576xf32, #tpu.memory_space<hbm>>
    tpu.wait_indirect_dma semaphore(%arg11 : memref<!tpu.dma_semaphore, #tpu.memory_space<semaphore_mem>>) src(%dma_wait3A_536 : memref<1304576xf32, #tpu.memory_space<hbm>>) dst(%dma_wait3A_531 : memref<128xf32, #tpu.memory_space<vmem>>)
    %dma_wait3A_537 = arith.constant 0 : i32
    %dma_wait3A_538 = arith.constant 0 : i32
    %dma_wait3A_539 = arith.constant 128 : i32
    %dma_wait3A_540 = tpu.memref_slice %arg8[%dma_wait3A_538, %dma_wait3A_539] : memref<13x512xf32, #tpu.memory_space<vmem>> -> memref<1x128xf32, #tpu.memory_space<vmem>>
    %dma_wait3A_541 = tpu.memref_squeeze %dma_wait3A_540 : memref<1x128xf32, #tpu.memory_space<vmem>> -> memref<128xf32, #tpu.memory_space<vmem>>
    %dma_wait3A_542 = arith.constant 128 : i32
    %dma_wait3A_543 = tpu.memref_slice %arg7[%dma_wait3A_537, %dma_wait3A_542] : memref<13x512xi32, #tpu.memory_space<vmem>> -> memref<1x128xi32, #tpu.memory_space<vmem>>
    %dma_wait3A_544 = tpu.memref_squeeze %dma_wait3A_543 : memref<1x128xi32, #tpu.memory_space<vmem>> -> memref<128xi32, #tpu.memory_space<vmem>>
    %dma_wait3A_545 = arith.constant 0 : i32
    %dma_wait3A_546 = tpu.memref_slice %arg2[%dma_wait3A_545] : memref<1304576xf32, #tpu.memory_space<hbm>> -> memref<1304576xf32, #tpu.memory_space<hbm>>
    tpu.wait_indirect_dma semaphore(%arg11 : memref<!tpu.dma_semaphore, #tpu.memory_space<semaphore_mem>>) src(%dma_wait3A_546 : memref<1304576xf32, #tpu.memory_space<hbm>>) dst(%dma_wait3A_541 : memref<128xf32, #tpu.memory_space<vmem>>)
    %dma_wait3A_547 = arith.constant 0 : i32
    %dma_wait3A_548 = arith.constant 0 : i32
    %dma_wait3A_549 = arith.constant 256 : i32
    %dma_wait3A_550 = tpu.memref_slice %arg8[%dma_wait3A_548, %dma_wait3A_549] : memref<13x512xf32, #tpu.memory_space<vmem>> -> memref<1x128xf32, #tpu.memory_space<vmem>>
    %dma_wait3A_551 = tpu.memref_squeeze %dma_wait3A_550 : memref<1x128xf32, #tpu.memory_space<vmem>> -> memref<128xf32, #tpu.memory_space<vmem>>
    %dma_wait3A_552 = arith.constant 256 : i32
    %dma_wait3A_553 = tpu.memref_slice %arg7[%dma_wait3A_547, %dma_wait3A_552] : memref<13x512xi32, #tpu.memory_space<vmem>> -> memref<1x128xi32, #tpu.memory_space<vmem>>
    %dma_wait3A_554 = tpu.memref_squeeze %dma_wait3A_553 : memref<1x128xi32, #tpu.memory_space<vmem>> -> memref<128xi32, #tpu.memory_space<vmem>>
    %dma_wait3A_555 = arith.constant 0 : i32
    %dma_wait3A_556 = tpu.memref_slice %arg2[%dma_wait3A_555] : memref<1304576xf32, #tpu.memory_space<hbm>> -> memref<1304576xf32, #tpu.memory_space<hbm>>
    tpu.wait_indirect_dma semaphore(%arg11 : memref<!tpu.dma_semaphore, #tpu.memory_space<semaphore_mem>>) src(%dma_wait3A_556 : memref<1304576xf32, #tpu.memory_space<hbm>>) dst(%dma_wait3A_551 : memref<128xf32, #tpu.memory_space<vmem>>)
    %dma_wait3A_557 = arith.constant 0 : i32
    %dma_wait3A_558 = arith.constant 0 : i32
    %dma_wait3A_559 = arith.constant 384 : i32
    %dma_wait3A_560 = tpu.memref_slice %arg8[%dma_wait3A_558, %dma_wait3A_559] : memref<13x512xf32, #tpu.memory_space<vmem>> -> memref<1x128xf32, #tpu.memory_space<vmem>>
    %dma_wait3A_561 = tpu.memref_squeeze %dma_wait3A_560 : memref<1x128xf32, #tpu.memory_space<vmem>> -> memref<128xf32, #tpu.memory_space<vmem>>
    %dma_wait3A_562 = arith.constant 384 : i32
    %dma_wait3A_563 = tpu.memref_slice %arg7[%dma_wait3A_557, %dma_wait3A_562] : memref<13x512xi32, #tpu.memory_space<vmem>> -> memref<1x128xi32, #tpu.memory_space<vmem>>
    %dma_wait3A_564 = tpu.memref_squeeze %dma_wait3A_563 : memref<1x128xi32, #tpu.memory_space<vmem>> -> memref<128xi32, #tpu.memory_space<vmem>>
    %dma_wait3A_565 = arith.constant 0 : i32
    %dma_wait3A_566 = tpu.memref_slice %arg2[%dma_wait3A_565] : memref<1304576xf32, #tpu.memory_space<hbm>> -> memref<1304576xf32, #tpu.memory_space<hbm>>
    tpu.wait_indirect_dma semaphore(%arg11 : memref<!tpu.dma_semaphore, #tpu.memory_space<semaphore_mem>>) src(%dma_wait3A_566 : memref<1304576xf32, #tpu.memory_space<hbm>>) dst(%dma_wait3A_561 : memref<128xf32, #tpu.memory_space<vmem>>)
    %dma_wait3A_567 = arith.constant 1 : i32
    %dma_wait3A_568 = arith.constant 1 : i32
    %dma_wait3A_569 = arith.constant 0 : i32
    %dma_wait3A_570 = tpu.memref_slice %arg8[%dma_wait3A_568, %dma_wait3A_569] : memref<13x512xf32, #tpu.memory_space<vmem>> -> memref<1x128xf32, #tpu.memory_space<vmem>>
    %dma_wait3A_571 = tpu.memref_squeeze %dma_wait3A_570 : memref<1x128xf32, #tpu.memory_space<vmem>> -> memref<128xf32, #tpu.memory_space<vmem>>
    %dma_wait3A_572 = arith.constant 0 : i32
    %dma_wait3A_573 = tpu.memref_slice %arg7[%dma_wait3A_567, %dma_wait3A_572] : memref<13x512xi32, #tpu.memory_space<vmem>> -> memref<1x128xi32, #tpu.memory_space<vmem>>
    %dma_wait3A_574 = tpu.memref_squeeze %dma_wait3A_573 : memref<1x128xi32, #tpu.memory_space<vmem>> -> memref<128xi32, #tpu.memory_space<vmem>>
    %dma_wait3A_575 = arith.constant 0 : i32
    %dma_wait3A_576 = tpu.memref_slice %arg2[%dma_wait3A_575] : memref<1304576xf32, #tpu.memory_space<hbm>> -> memref<1304576xf32, #tpu.memory_space<hbm>>
    tpu.wait_indirect_dma semaphore(%arg11 : memref<!tpu.dma_semaphore, #tpu.memory_space<semaphore_mem>>) src(%dma_wait3A_576 : memref<1304576xf32, #tpu.memory_space<hbm>>) dst(%dma_wait3A_571 : memref<128xf32, #tpu.memory_space<vmem>>)
    %dma_wait3A_577 = arith.constant 1 : i32
    %dma_wait3A_578 = arith.constant 1 : i32
    %dma_wait3A_579 = arith.constant 128 : i32
    %dma_wait3A_580 = tpu.memref_slice %arg8[%dma_wait3A_578, %dma_wait3A_579] : memref<13x512xf32, #tpu.memory_space<vmem>> -> memref<1x128xf32, #tpu.memory_space<vmem>>
    %dma_wait3A_581 = tpu.memref_squeeze %dma_wait3A_580 : memref<1x128xf32, #tpu.memory_space<vmem>> -> memref<128xf32, #tpu.memory_space<vmem>>
    %dma_wait3A_582 = arith.constant 128 : i32
    %dma_wait3A_583 = tpu.memref_slice %arg7[%dma_wait3A_577, %dma_wait3A_582] : memref<13x512xi32, #tpu.memory_space<vmem>> -> memref<1x128xi32, #tpu.memory_space<vmem>>
    %dma_wait3A_584 = tpu.memref_squeeze %dma_wait3A_583 : memref<1x128xi32, #tpu.memory_space<vmem>> -> memref<128xi32, #tpu.memory_space<vmem>>
    %dma_wait3A_585 = arith.constant 0 : i32
    %dma_wait3A_586 = tpu.memref_slice %arg2[%dma_wait3A_585] : memref<1304576xf32, #tpu.memory_space<hbm>> -> memref<1304576xf32, #tpu.memory_space<hbm>>
    tpu.wait_indirect_dma semaphore(%arg11 : memref<!tpu.dma_semaphore, #tpu.memory_space<semaphore_mem>>) src(%dma_wait3A_586 : memref<1304576xf32, #tpu.memory_space<hbm>>) dst(%dma_wait3A_581 : memref<128xf32, #tpu.memory_space<vmem>>)
    %dma_wait3A_587 = arith.constant 1 : i32
    %dma_wait3A_588 = arith.constant 1 : i32
    %dma_wait3A_589 = arith.constant 256 : i32
    %dma_wait3A_590 = tpu.memref_slice %arg8[%dma_wait3A_588, %dma_wait3A_589] : memref<13x512xf32, #tpu.memory_space<vmem>> -> memref<1x128xf32, #tpu.memory_space<vmem>>
    %dma_wait3A_591 = tpu.memref_squeeze %dma_wait3A_590 : memref<1x128xf32, #tpu.memory_space<vmem>> -> memref<128xf32, #tpu.memory_space<vmem>>
    %dma_wait3A_592 = arith.constant 256 : i32
    %dma_wait3A_593 = tpu.memref_slice %arg7[%dma_wait3A_587, %dma_wait3A_592] : memref<13x512xi32, #tpu.memory_space<vmem>> -> memref<1x128xi32, #tpu.memory_space<vmem>>
    %dma_wait3A_594 = tpu.memref_squeeze %dma_wait3A_593 : memref<1x128xi32, #tpu.memory_space<vmem>> -> memref<128xi32, #tpu.memory_space<vmem>>
    %dma_wait3A_595 = arith.constant 0 : i32
    %dma_wait3A_596 = tpu.memref_slice %arg2[%dma_wait3A_595] : memref<1304576xf32, #tpu.memory_space<hbm>> -> memref<1304576xf32, #tpu.memory_space<hbm>>
    tpu.wait_indirect_dma semaphore(%arg11 : memref<!tpu.dma_semaphore, #tpu.memory_space<semaphore_mem>>) src(%dma_wait3A_596 : memref<1304576xf32, #tpu.memory_space<hbm>>) dst(%dma_wait3A_591 : memref<128xf32, #tpu.memory_space<vmem>>)
    %dma_wait3A_597 = arith.constant 1 : i32
    %dma_wait3A_598 = arith.constant 1 : i32
    %dma_wait3A_599 = arith.constant 384 : i32
    %dma_wait3A_600 = tpu.memref_slice %arg8[%dma_wait3A_598, %dma_wait3A_599] : memref<13x512xf32, #tpu.memory_space<vmem>> -> memref<1x128xf32, #tpu.memory_space<vmem>>
    %dma_wait3A_601 = tpu.memref_squeeze %dma_wait3A_600 : memref<1x128xf32, #tpu.memory_space<vmem>> -> memref<128xf32, #tpu.memory_space<vmem>>
    %dma_wait3A_602 = arith.constant 384 : i32
    %dma_wait3A_603 = tpu.memref_slice %arg7[%dma_wait3A_597, %dma_wait3A_602] : memref<13x512xi32, #tpu.memory_space<vmem>> -> memref<1x128xi32, #tpu.memory_space<vmem>>
    %dma_wait3A_604 = tpu.memref_squeeze %dma_wait3A_603 : memref<1x128xi32, #tpu.memory_space<vmem>> -> memref<128xi32, #tpu.memory_space<vmem>>
    %dma_wait3A_605 = arith.constant 0 : i32
    %dma_wait3A_606 = tpu.memref_slice %arg2[%dma_wait3A_605] : memref<1304576xf32, #tpu.memory_space<hbm>> -> memref<1304576xf32, #tpu.memory_space<hbm>>
    tpu.wait_indirect_dma semaphore(%arg11 : memref<!tpu.dma_semaphore, #tpu.memory_space<semaphore_mem>>) src(%dma_wait3A_606 : memref<1304576xf32, #tpu.memory_space<hbm>>) dst(%dma_wait3A_601 : memref<128xf32, #tpu.memory_space<vmem>>)
    %dma_wait3A_607 = arith.constant 2 : i32
    %dma_wait3A_608 = arith.constant 2 : i32
    %dma_wait3A_609 = arith.constant 0 : i32
    %dma_wait3A_610 = tpu.memref_slice %arg8[%dma_wait3A_608, %dma_wait3A_609] : memref<13x512xf32, #tpu.memory_space<vmem>> -> memref<1x128xf32, #tpu.memory_space<vmem>>
    %dma_wait3A_611 = tpu.memref_squeeze %dma_wait3A_610 : memref<1x128xf32, #tpu.memory_space<vmem>> -> memref<128xf32, #tpu.memory_space<vmem>>
    %dma_wait3A_612 = arith.constant 0 : i32
    %dma_wait3A_613 = tpu.memref_slice %arg7[%dma_wait3A_607, %dma_wait3A_612] : memref<13x512xi32, #tpu.memory_space<vmem>> -> memref<1x128xi32, #tpu.memory_space<vmem>>
    %dma_wait3A_614 = tpu.memref_squeeze %dma_wait3A_613 : memref<1x128xi32, #tpu.memory_space<vmem>> -> memref<128xi32, #tpu.memory_space<vmem>>
    %dma_wait3A_615 = arith.constant 0 : i32
    %dma_wait3A_616 = tpu.memref_slice %arg2[%dma_wait3A_615] : memref<1304576xf32, #tpu.memory_space<hbm>> -> memref<1304576xf32, #tpu.memory_space<hbm>>
    tpu.wait_indirect_dma semaphore(%arg11 : memref<!tpu.dma_semaphore, #tpu.memory_space<semaphore_mem>>) src(%dma_wait3A_616 : memref<1304576xf32, #tpu.memory_space<hbm>>) dst(%dma_wait3A_611 : memref<128xf32, #tpu.memory_space<vmem>>)
    %dma_wait3A_617 = arith.constant 2 : i32
    %dma_wait3A_618 = arith.constant 2 : i32
    %dma_wait3A_619 = arith.constant 128 : i32
    %dma_wait3A_620 = tpu.memref_slice %arg8[%dma_wait3A_618, %dma_wait3A_619] : memref<13x512xf32, #tpu.memory_space<vmem>> -> memref<1x128xf32, #tpu.memory_space<vmem>>
    %dma_wait3A_621 = tpu.memref_squeeze %dma_wait3A_620 : memref<1x128xf32, #tpu.memory_space<vmem>> -> memref<128xf32, #tpu.memory_space<vmem>>
    %dma_wait3A_622 = arith.constant 128 : i32
    %dma_wait3A_623 = tpu.memref_slice %arg7[%dma_wait3A_617, %dma_wait3A_622] : memref<13x512xi32, #tpu.memory_space<vmem>> -> memref<1x128xi32, #tpu.memory_space<vmem>>
    %dma_wait3A_624 = tpu.memref_squeeze %dma_wait3A_623 : memref<1x128xi32, #tpu.memory_space<vmem>> -> memref<128xi32, #tpu.memory_space<vmem>>
    %dma_wait3A_625 = arith.constant 0 : i32
    %dma_wait3A_626 = tpu.memref_slice %arg2[%dma_wait3A_625] : memref<1304576xf32, #tpu.memory_space<hbm>> -> memref<1304576xf32, #tpu.memory_space<hbm>>
    tpu.wait_indirect_dma semaphore(%arg11 : memref<!tpu.dma_semaphore, #tpu.memory_space<semaphore_mem>>) src(%dma_wait3A_626 : memref<1304576xf32, #tpu.memory_space<hbm>>) dst(%dma_wait3A_621 : memref<128xf32, #tpu.memory_space<vmem>>)
    %dma_wait3A_627 = arith.constant 2 : i32
    %dma_wait3A_628 = arith.constant 2 : i32
    %dma_wait3A_629 = arith.constant 256 : i32
    %dma_wait3A_630 = tpu.memref_slice %arg8[%dma_wait3A_628, %dma_wait3A_629] : memref<13x512xf32, #tpu.memory_space<vmem>> -> memref<1x128xf32, #tpu.memory_space<vmem>>
    %dma_wait3A_631 = tpu.memref_squeeze %dma_wait3A_630 : memref<1x128xf32, #tpu.memory_space<vmem>> -> memref<128xf32, #tpu.memory_space<vmem>>
    %dma_wait3A_632 = arith.constant 256 : i32
    %dma_wait3A_633 = tpu.memref_slice %arg7[%dma_wait3A_627, %dma_wait3A_632] : memref<13x512xi32, #tpu.memory_space<vmem>> -> memref<1x128xi32, #tpu.memory_space<vmem>>
    %dma_wait3A_634 = tpu.memref_squeeze %dma_wait3A_633 : memref<1x128xi32, #tpu.memory_space<vmem>> -> memref<128xi32, #tpu.memory_space<vmem>>
    %dma_wait3A_635 = arith.constant 0 : i32
    %dma_wait3A_636 = tpu.memref_slice %arg2[%dma_wait3A_635] : memref<1304576xf32, #tpu.memory_space<hbm>> -> memref<1304576xf32, #tpu.memory_space<hbm>>
    tpu.wait_indirect_dma semaphore(%arg11 : memref<!tpu.dma_semaphore, #tpu.memory_space<semaphore_mem>>) src(%dma_wait3A_636 : memref<1304576xf32, #tpu.memory_space<hbm>>) dst(%dma_wait3A_631 : memref<128xf32, #tpu.memory_space<vmem>>)
    %dma_wait3A_637 = arith.constant 2 : i32
    %dma_wait3A_638 = arith.constant 2 : i32
    %dma_wait3A_639 = arith.constant 384 : i32
    %dma_wait3A_640 = tpu.memref_slice %arg8[%dma_wait3A_638, %dma_wait3A_639] : memref<13x512xf32, #tpu.memory_space<vmem>> -> memref<1x128xf32, #tpu.memory_space<vmem>>
    %dma_wait3A_641 = tpu.memref_squeeze %dma_wait3A_640 : memref<1x128xf32, #tpu.memory_space<vmem>> -> memref<128xf32, #tpu.memory_space<vmem>>
    %dma_wait3A_642 = arith.constant 384 : i32
    %dma_wait3A_643 = tpu.memref_slice %arg7[%dma_wait3A_637, %dma_wait3A_642] : memref<13x512xi32, #tpu.memory_space<vmem>> -> memref<1x128xi32, #tpu.memory_space<vmem>>
    %dma_wait3A_644 = tpu.memref_squeeze %dma_wait3A_643 : memref<1x128xi32, #tpu.memory_space<vmem>> -> memref<128xi32, #tpu.memory_space<vmem>>
    %dma_wait3A_645 = arith.constant 0 : i32
    %dma_wait3A_646 = tpu.memref_slice %arg2[%dma_wait3A_645] : memref<1304576xf32, #tpu.memory_space<hbm>> -> memref<1304576xf32, #tpu.memory_space<hbm>>
    tpu.wait_indirect_dma semaphore(%arg11 : memref<!tpu.dma_semaphore, #tpu.memory_space<semaphore_mem>>) src(%dma_wait3A_646 : memref<1304576xf32, #tpu.memory_space<hbm>>) dst(%dma_wait3A_641 : memref<128xf32, #tpu.memory_space<vmem>>)
    %dma_wait3A_647 = arith.constant 3 : i32
    %dma_wait3A_648 = arith.constant 3 : i32
    %dma_wait3A_649 = arith.constant 0 : i32
    %dma_wait3A_650 = tpu.memref_slice %arg8[%dma_wait3A_648, %dma_wait3A_649] : memref<13x512xf32, #tpu.memory_space<vmem>> -> memref<1x128xf32, #tpu.memory_space<vmem>>
    %dma_wait3A_651 = tpu.memref_squeeze %dma_wait3A_650 : memref<1x128xf32, #tpu.memory_space<vmem>> -> memref<128xf32, #tpu.memory_space<vmem>>
    %dma_wait3A_652 = arith.constant 0 : i32
    %dma_wait3A_653 = tpu.memref_slice %arg7[%dma_wait3A_647, %dma_wait3A_652] : memref<13x512xi32, #tpu.memory_space<vmem>> -> memref<1x128xi32, #tpu.memory_space<vmem>>
    %dma_wait3A_654 = tpu.memref_squeeze %dma_wait3A_653 : memref<1x128xi32, #tpu.memory_space<vmem>> -> memref<128xi32, #tpu.memory_space<vmem>>
    %dma_wait3A_655 = arith.constant 0 : i32
    %dma_wait3A_656 = tpu.memref_slice %arg2[%dma_wait3A_655] : memref<1304576xf32, #tpu.memory_space<hbm>> -> memref<1304576xf32, #tpu.memory_space<hbm>>
    tpu.wait_indirect_dma semaphore(%arg11 : memref<!tpu.dma_semaphore, #tpu.memory_space<semaphore_mem>>) src(%dma_wait3A_656 : memref<1304576xf32, #tpu.memory_space<hbm>>) dst(%dma_wait3A_651 : memref<128xf32, #tpu.memory_space<vmem>>)
    %dma_wait3A_657 = arith.constant 3 : i32
    %dma_wait3A_658 = arith.constant 3 : i32
    %dma_wait3A_659 = arith.constant 128 : i32
    %dma_wait3A_660 = tpu.memref_slice %arg8[%dma_wait3A_658, %dma_wait3A_659] : memref<13x512xf32, #tpu.memory_space<vmem>> -> memref<1x128xf32, #tpu.memory_space<vmem>>
    %dma_wait3A_661 = tpu.memref_squeeze %dma_wait3A_660 : memref<1x128xf32, #tpu.memory_space<vmem>> -> memref<128xf32, #tpu.memory_space<vmem>>
    %dma_wait3A_662 = arith.constant 128 : i32
    %dma_wait3A_663 = tpu.memref_slice %arg7[%dma_wait3A_657, %dma_wait3A_662] : memref<13x512xi32, #tpu.memory_space<vmem>> -> memref<1x128xi32, #tpu.memory_space<vmem>>
    %dma_wait3A_664 = tpu.memref_squeeze %dma_wait3A_663 : memref<1x128xi32, #tpu.memory_space<vmem>> -> memref<128xi32, #tpu.memory_space<vmem>>
    %dma_wait3A_665 = arith.constant 0 : i32
    %dma_wait3A_666 = tpu.memref_slice %arg2[%dma_wait3A_665] : memref<1304576xf32, #tpu.memory_space<hbm>> -> memref<1304576xf32, #tpu.memory_space<hbm>>
    tpu.wait_indirect_dma semaphore(%arg11 : memref<!tpu.dma_semaphore, #tpu.memory_space<semaphore_mem>>) src(%dma_wait3A_666 : memref<1304576xf32, #tpu.memory_space<hbm>>) dst(%dma_wait3A_661 : memref<128xf32, #tpu.memory_space<vmem>>)
    %dma_wait3A_667 = arith.constant 3 : i32
    %dma_wait3A_668 = arith.constant 3 : i32
    %dma_wait3A_669 = arith.constant 256 : i32
    %dma_wait3A_670 = tpu.memref_slice %arg8[%dma_wait3A_668, %dma_wait3A_669] : memref<13x512xf32, #tpu.memory_space<vmem>> -> memref<1x128xf32, #tpu.memory_space<vmem>>
    %dma_wait3A_671 = tpu.memref_squeeze %dma_wait3A_670 : memref<1x128xf32, #tpu.memory_space<vmem>> -> memref<128xf32, #tpu.memory_space<vmem>>
    %dma_wait3A_672 = arith.constant 256 : i32
    %dma_wait3A_673 = tpu.memref_slice %arg7[%dma_wait3A_667, %dma_wait3A_672] : memref<13x512xi32, #tpu.memory_space<vmem>> -> memref<1x128xi32, #tpu.memory_space<vmem>>
    %dma_wait3A_674 = tpu.memref_squeeze %dma_wait3A_673 : memref<1x128xi32, #tpu.memory_space<vmem>> -> memref<128xi32, #tpu.memory_space<vmem>>
    %dma_wait3A_675 = arith.constant 0 : i32
    %dma_wait3A_676 = tpu.memref_slice %arg2[%dma_wait3A_675] : memref<1304576xf32, #tpu.memory_space<hbm>> -> memref<1304576xf32, #tpu.memory_space<hbm>>
    tpu.wait_indirect_dma semaphore(%arg11 : memref<!tpu.dma_semaphore, #tpu.memory_space<semaphore_mem>>) src(%dma_wait3A_676 : memref<1304576xf32, #tpu.memory_space<hbm>>) dst(%dma_wait3A_671 : memref<128xf32, #tpu.memory_space<vmem>>)
    %dma_wait3A_677 = arith.constant 3 : i32
    %dma_wait3A_678 = arith.constant 3 : i32
    %dma_wait3A_679 = arith.constant 384 : i32
    %dma_wait3A_680 = tpu.memref_slice %arg8[%dma_wait3A_678, %dma_wait3A_679] : memref<13x512xf32, #tpu.memory_space<vmem>> -> memref<1x128xf32, #tpu.memory_space<vmem>>
    %dma_wait3A_681 = tpu.memref_squeeze %dma_wait3A_680 : memref<1x128xf32, #tpu.memory_space<vmem>> -> memref<128xf32, #tpu.memory_space<vmem>>
    %dma_wait3A_682 = arith.constant 384 : i32
    %dma_wait3A_683 = tpu.memref_slice %arg7[%dma_wait3A_677, %dma_wait3A_682] : memref<13x512xi32, #tpu.memory_space<vmem>> -> memref<1x128xi32, #tpu.memory_space<vmem>>
    %dma_wait3A_684 = tpu.memref_squeeze %dma_wait3A_683 : memref<1x128xi32, #tpu.memory_space<vmem>> -> memref<128xi32, #tpu.memory_space<vmem>>
    %dma_wait3A_685 = arith.constant 0 : i32
    %dma_wait3A_686 = tpu.memref_slice %arg2[%dma_wait3A_685] : memref<1304576xf32, #tpu.memory_space<hbm>> -> memref<1304576xf32, #tpu.memory_space<hbm>>
    tpu.wait_indirect_dma semaphore(%arg11 : memref<!tpu.dma_semaphore, #tpu.memory_space<semaphore_mem>>) src(%dma_wait3A_686 : memref<1304576xf32, #tpu.memory_space<hbm>>) dst(%dma_wait3A_681 : memref<128xf32, #tpu.memory_space<vmem>>)
    %dma_wait3A_687 = arith.constant 4 : i32
    %dma_wait3A_688 = arith.constant 4 : i32
    %dma_wait3A_689 = arith.constant 0 : i32
    %dma_wait3A_690 = tpu.memref_slice %arg8[%dma_wait3A_688, %dma_wait3A_689] : memref<13x512xf32, #tpu.memory_space<vmem>> -> memref<1x128xf32, #tpu.memory_space<vmem>>
    %dma_wait3A_691 = tpu.memref_squeeze %dma_wait3A_690 : memref<1x128xf32, #tpu.memory_space<vmem>> -> memref<128xf32, #tpu.memory_space<vmem>>
    %dma_wait3A_692 = arith.constant 0 : i32
    %dma_wait3A_693 = tpu.memref_slice %arg7[%dma_wait3A_687, %dma_wait3A_692] : memref<13x512xi32, #tpu.memory_space<vmem>> -> memref<1x128xi32, #tpu.memory_space<vmem>>
    %dma_wait3A_694 = tpu.memref_squeeze %dma_wait3A_693 : memref<1x128xi32, #tpu.memory_space<vmem>> -> memref<128xi32, #tpu.memory_space<vmem>>
    %dma_wait3A_695 = arith.constant 0 : i32
    %dma_wait3A_696 = tpu.memref_slice %arg2[%dma_wait3A_695] : memref<1304576xf32, #tpu.memory_space<hbm>> -> memref<1304576xf32, #tpu.memory_space<hbm>>
    tpu.wait_indirect_dma semaphore(%arg11 : memref<!tpu.dma_semaphore, #tpu.memory_space<semaphore_mem>>) src(%dma_wait3A_696 : memref<1304576xf32, #tpu.memory_space<hbm>>) dst(%dma_wait3A_691 : memref<128xf32, #tpu.memory_space<vmem>>)
    %dma_wait3A_697 = arith.constant 4 : i32
    %dma_wait3A_698 = arith.constant 4 : i32
    %dma_wait3A_699 = arith.constant 128 : i32
    %dma_wait3A_700 = tpu.memref_slice %arg8[%dma_wait3A_698, %dma_wait3A_699] : memref<13x512xf32, #tpu.memory_space<vmem>> -> memref<1x128xf32, #tpu.memory_space<vmem>>
    %dma_wait3A_701 = tpu.memref_squeeze %dma_wait3A_700 : memref<1x128xf32, #tpu.memory_space<vmem>> -> memref<128xf32, #tpu.memory_space<vmem>>
    %dma_wait3A_702 = arith.constant 128 : i32
    %dma_wait3A_703 = tpu.memref_slice %arg7[%dma_wait3A_697, %dma_wait3A_702] : memref<13x512xi32, #tpu.memory_space<vmem>> -> memref<1x128xi32, #tpu.memory_space<vmem>>
    %dma_wait3A_704 = tpu.memref_squeeze %dma_wait3A_703 : memref<1x128xi32, #tpu.memory_space<vmem>> -> memref<128xi32, #tpu.memory_space<vmem>>
    %dma_wait3A_705 = arith.constant 0 : i32
    %dma_wait3A_706 = tpu.memref_slice %arg2[%dma_wait3A_705] : memref<1304576xf32, #tpu.memory_space<hbm>> -> memref<1304576xf32, #tpu.memory_space<hbm>>
    tpu.wait_indirect_dma semaphore(%arg11 : memref<!tpu.dma_semaphore, #tpu.memory_space<semaphore_mem>>) src(%dma_wait3A_706 : memref<1304576xf32, #tpu.memory_space<hbm>>) dst(%dma_wait3A_701 : memref<128xf32, #tpu.memory_space<vmem>>)
    %dma_wait3A_707 = arith.constant 4 : i32
    %dma_wait3A_708 = arith.constant 4 : i32
    %dma_wait3A_709 = arith.constant 256 : i32
    %dma_wait3A_710 = tpu.memref_slice %arg8[%dma_wait3A_708, %dma_wait3A_709] : memref<13x512xf32, #tpu.memory_space<vmem>> -> memref<1x128xf32, #tpu.memory_space<vmem>>
    %dma_wait3A_711 = tpu.memref_squeeze %dma_wait3A_710 : memref<1x128xf32, #tpu.memory_space<vmem>> -> memref<128xf32, #tpu.memory_space<vmem>>
    %dma_wait3A_712 = arith.constant 256 : i32
    %dma_wait3A_713 = tpu.memref_slice %arg7[%dma_wait3A_707, %dma_wait3A_712] : memref<13x512xi32, #tpu.memory_space<vmem>> -> memref<1x128xi32, #tpu.memory_space<vmem>>
    %dma_wait3A_714 = tpu.memref_squeeze %dma_wait3A_713 : memref<1x128xi32, #tpu.memory_space<vmem>> -> memref<128xi32, #tpu.memory_space<vmem>>
    %dma_wait3A_715 = arith.constant 0 : i32
    %dma_wait3A_716 = tpu.memref_slice %arg2[%dma_wait3A_715] : memref<1304576xf32, #tpu.memory_space<hbm>> -> memref<1304576xf32, #tpu.memory_space<hbm>>
    tpu.wait_indirect_dma semaphore(%arg11 : memref<!tpu.dma_semaphore, #tpu.memory_space<semaphore_mem>>) src(%dma_wait3A_716 : memref<1304576xf32, #tpu.memory_space<hbm>>) dst(%dma_wait3A_711 : memref<128xf32, #tpu.memory_space<vmem>>)
    %dma_wait3A_717 = arith.constant 4 : i32
    %dma_wait3A_718 = arith.constant 4 : i32
    %dma_wait3A_719 = arith.constant 384 : i32
    %dma_wait3A_720 = tpu.memref_slice %arg8[%dma_wait3A_718, %dma_wait3A_719] : memref<13x512xf32, #tpu.memory_space<vmem>> -> memref<1x128xf32, #tpu.memory_space<vmem>>
    %dma_wait3A_721 = tpu.memref_squeeze %dma_wait3A_720 : memref<1x128xf32, #tpu.memory_space<vmem>> -> memref<128xf32, #tpu.memory_space<vmem>>
    %dma_wait3A_722 = arith.constant 384 : i32
    %dma_wait3A_723 = tpu.memref_slice %arg7[%dma_wait3A_717, %dma_wait3A_722] : memref<13x512xi32, #tpu.memory_space<vmem>> -> memref<1x128xi32, #tpu.memory_space<vmem>>
    %dma_wait3A_724 = tpu.memref_squeeze %dma_wait3A_723 : memref<1x128xi32, #tpu.memory_space<vmem>> -> memref<128xi32, #tpu.memory_space<vmem>>
    %dma_wait3A_725 = arith.constant 0 : i32
    %dma_wait3A_726 = tpu.memref_slice %arg2[%dma_wait3A_725] : memref<1304576xf32, #tpu.memory_space<hbm>> -> memref<1304576xf32, #tpu.memory_space<hbm>>
    tpu.wait_indirect_dma semaphore(%arg11 : memref<!tpu.dma_semaphore, #tpu.memory_space<semaphore_mem>>) src(%dma_wait3A_726 : memref<1304576xf32, #tpu.memory_space<hbm>>) dst(%dma_wait3A_721 : memref<128xf32, #tpu.memory_space<vmem>>)
    %dma_wait3A_727 = arith.constant 5 : i32
    %dma_wait3A_728 = arith.constant 5 : i32
    %dma_wait3A_729 = arith.constant 0 : i32
    %dma_wait3A_730 = tpu.memref_slice %arg8[%dma_wait3A_728, %dma_wait3A_729] : memref<13x512xf32, #tpu.memory_space<vmem>> -> memref<1x128xf32, #tpu.memory_space<vmem>>
    %dma_wait3A_731 = tpu.memref_squeeze %dma_wait3A_730 : memref<1x128xf32, #tpu.memory_space<vmem>> -> memref<128xf32, #tpu.memory_space<vmem>>
    %dma_wait3A_732 = arith.constant 0 : i32
    %dma_wait3A_733 = tpu.memref_slice %arg7[%dma_wait3A_727, %dma_wait3A_732] : memref<13x512xi32, #tpu.memory_space<vmem>> -> memref<1x128xi32, #tpu.memory_space<vmem>>
    %dma_wait3A_734 = tpu.memref_squeeze %dma_wait3A_733 : memref<1x128xi32, #tpu.memory_space<vmem>> -> memref<128xi32, #tpu.memory_space<vmem>>
    %dma_wait3A_735 = arith.constant 0 : i32
    %dma_wait3A_736 = tpu.memref_slice %arg2[%dma_wait3A_735] : memref<1304576xf32, #tpu.memory_space<hbm>> -> memref<1304576xf32, #tpu.memory_space<hbm>>
    tpu.wait_indirect_dma semaphore(%arg11 : memref<!tpu.dma_semaphore, #tpu.memory_space<semaphore_mem>>) src(%dma_wait3A_736 : memref<1304576xf32, #tpu.memory_space<hbm>>) dst(%dma_wait3A_731 : memref<128xf32, #tpu.memory_space<vmem>>)
    %dma_wait3A_737 = arith.constant 5 : i32
    %dma_wait3A_738 = arith.constant 5 : i32
    %dma_wait3A_739 = arith.constant 128 : i32
    %dma_wait3A_740 = tpu.memref_slice %arg8[%dma_wait3A_738, %dma_wait3A_739] : memref<13x512xf32, #tpu.memory_space<vmem>> -> memref<1x128xf32, #tpu.memory_space<vmem>>
    %dma_wait3A_741 = tpu.memref_squeeze %dma_wait3A_740 : memref<1x128xf32, #tpu.memory_space<vmem>> -> memref<128xf32, #tpu.memory_space<vmem>>
    %dma_wait3A_742 = arith.constant 128 : i32
    %dma_wait3A_743 = tpu.memref_slice %arg7[%dma_wait3A_737, %dma_wait3A_742] : memref<13x512xi32, #tpu.memory_space<vmem>> -> memref<1x128xi32, #tpu.memory_space<vmem>>
    %dma_wait3A_744 = tpu.memref_squeeze %dma_wait3A_743 : memref<1x128xi32, #tpu.memory_space<vmem>> -> memref<128xi32, #tpu.memory_space<vmem>>
    %dma_wait3A_745 = arith.constant 0 : i32
    %dma_wait3A_746 = tpu.memref_slice %arg2[%dma_wait3A_745] : memref<1304576xf32, #tpu.memory_space<hbm>> -> memref<1304576xf32, #tpu.memory_space<hbm>>
    tpu.wait_indirect_dma semaphore(%arg11 : memref<!tpu.dma_semaphore, #tpu.memory_space<semaphore_mem>>) src(%dma_wait3A_746 : memref<1304576xf32, #tpu.memory_space<hbm>>) dst(%dma_wait3A_741 : memref<128xf32, #tpu.memory_space<vmem>>)
    %dma_wait3A_747 = arith.constant 5 : i32
    %dma_wait3A_748 = arith.constant 5 : i32
    %dma_wait3A_749 = arith.constant 256 : i32
    %dma_wait3A_750 = tpu.memref_slice %arg8[%dma_wait3A_748, %dma_wait3A_749] : memref<13x512xf32, #tpu.memory_space<vmem>> -> memref<1x128xf32, #tpu.memory_space<vmem>>
    %dma_wait3A_751 = tpu.memref_squeeze %dma_wait3A_750 : memref<1x128xf32, #tpu.memory_space<vmem>> -> memref<128xf32, #tpu.memory_space<vmem>>
    %dma_wait3A_752 = arith.constant 256 : i32
    %dma_wait3A_753 = tpu.memref_slice %arg7[%dma_wait3A_747, %dma_wait3A_752] : memref<13x512xi32, #tpu.memory_space<vmem>> -> memref<1x128xi32, #tpu.memory_space<vmem>>
    %dma_wait3A_754 = tpu.memref_squeeze %dma_wait3A_753 : memref<1x128xi32, #tpu.memory_space<vmem>> -> memref<128xi32, #tpu.memory_space<vmem>>
    %dma_wait3A_755 = arith.constant 0 : i32
    %dma_wait3A_756 = tpu.memref_slice %arg2[%dma_wait3A_755] : memref<1304576xf32, #tpu.memory_space<hbm>> -> memref<1304576xf32, #tpu.memory_space<hbm>>
    tpu.wait_indirect_dma semaphore(%arg11 : memref<!tpu.dma_semaphore, #tpu.memory_space<semaphore_mem>>) src(%dma_wait3A_756 : memref<1304576xf32, #tpu.memory_space<hbm>>) dst(%dma_wait3A_751 : memref<128xf32, #tpu.memory_space<vmem>>)
    %dma_wait3A_757 = arith.constant 5 : i32
    %dma_wait3A_758 = arith.constant 5 : i32
    %dma_wait3A_759 = arith.constant 384 : i32
    %dma_wait3A_760 = tpu.memref_slice %arg8[%dma_wait3A_758, %dma_wait3A_759] : memref<13x512xf32, #tpu.memory_space<vmem>> -> memref<1x128xf32, #tpu.memory_space<vmem>>
    %dma_wait3A_761 = tpu.memref_squeeze %dma_wait3A_760 : memref<1x128xf32, #tpu.memory_space<vmem>> -> memref<128xf32, #tpu.memory_space<vmem>>
    %dma_wait3A_762 = arith.constant 384 : i32
    %dma_wait3A_763 = tpu.memref_slice %arg7[%dma_wait3A_757, %dma_wait3A_762] : memref<13x512xi32, #tpu.memory_space<vmem>> -> memref<1x128xi32, #tpu.memory_space<vmem>>
    %dma_wait3A_764 = tpu.memref_squeeze %dma_wait3A_763 : memref<1x128xi32, #tpu.memory_space<vmem>> -> memref<128xi32, #tpu.memory_space<vmem>>
    %dma_wait3A_765 = arith.constant 0 : i32
    %dma_wait3A_766 = tpu.memref_slice %arg2[%dma_wait3A_765] : memref<1304576xf32, #tpu.memory_space<hbm>> -> memref<1304576xf32, #tpu.memory_space<hbm>>
    tpu.wait_indirect_dma semaphore(%arg11 : memref<!tpu.dma_semaphore, #tpu.memory_space<semaphore_mem>>) src(%dma_wait3A_766 : memref<1304576xf32, #tpu.memory_space<hbm>>) dst(%dma_wait3A_761 : memref<128xf32, #tpu.memory_space<vmem>>)
    %dma_wait3A_767 = arith.constant 6 : i32
    %dma_wait3A_768 = arith.constant 6 : i32
    %dma_wait3A_769 = arith.constant 0 : i32
    %dma_wait3A_770 = tpu.memref_slice %arg8[%dma_wait3A_768, %dma_wait3A_769] : memref<13x512xf32, #tpu.memory_space<vmem>> -> memref<1x128xf32, #tpu.memory_space<vmem>>
    %dma_wait3A_771 = tpu.memref_squeeze %dma_wait3A_770 : memref<1x128xf32, #tpu.memory_space<vmem>> -> memref<128xf32, #tpu.memory_space<vmem>>
    %dma_wait3A_772 = arith.constant 0 : i32
    %dma_wait3A_773 = tpu.memref_slice %arg7[%dma_wait3A_767, %dma_wait3A_772] : memref<13x512xi32, #tpu.memory_space<vmem>> -> memref<1x128xi32, #tpu.memory_space<vmem>>
    %dma_wait3A_774 = tpu.memref_squeeze %dma_wait3A_773 : memref<1x128xi32, #tpu.memory_space<vmem>> -> memref<128xi32, #tpu.memory_space<vmem>>
    %dma_wait3A_775 = arith.constant 0 : i32
    %dma_wait3A_776 = tpu.memref_slice %arg2[%dma_wait3A_775] : memref<1304576xf32, #tpu.memory_space<hbm>> -> memref<1304576xf32, #tpu.memory_space<hbm>>
    tpu.wait_indirect_dma semaphore(%arg11 : memref<!tpu.dma_semaphore, #tpu.memory_space<semaphore_mem>>) src(%dma_wait3A_776 : memref<1304576xf32, #tpu.memory_space<hbm>>) dst(%dma_wait3A_771 : memref<128xf32, #tpu.memory_space<vmem>>)
    %dma_wait3A_777 = arith.constant 6 : i32
    %dma_wait3A_778 = arith.constant 6 : i32
    %dma_wait3A_779 = arith.constant 128 : i32
    %dma_wait3A_780 = tpu.memref_slice %arg8[%dma_wait3A_778, %dma_wait3A_779] : memref<13x512xf32, #tpu.memory_space<vmem>> -> memref<1x128xf32, #tpu.memory_space<vmem>>
    %dma_wait3A_781 = tpu.memref_squeeze %dma_wait3A_780 : memref<1x128xf32, #tpu.memory_space<vmem>> -> memref<128xf32, #tpu.memory_space<vmem>>
    %dma_wait3A_782 = arith.constant 128 : i32
    %dma_wait3A_783 = tpu.memref_slice %arg7[%dma_wait3A_777, %dma_wait3A_782] : memref<13x512xi32, #tpu.memory_space<vmem>> -> memref<1x128xi32, #tpu.memory_space<vmem>>
    %dma_wait3A_784 = tpu.memref_squeeze %dma_wait3A_783 : memref<1x128xi32, #tpu.memory_space<vmem>> -> memref<128xi32, #tpu.memory_space<vmem>>
    %dma_wait3A_785 = arith.constant 0 : i32
    %dma_wait3A_786 = tpu.memref_slice %arg2[%dma_wait3A_785] : memref<1304576xf32, #tpu.memory_space<hbm>> -> memref<1304576xf32, #tpu.memory_space<hbm>>
    tpu.wait_indirect_dma semaphore(%arg11 : memref<!tpu.dma_semaphore, #tpu.memory_space<semaphore_mem>>) src(%dma_wait3A_786 : memref<1304576xf32, #tpu.memory_space<hbm>>) dst(%dma_wait3A_781 : memref<128xf32, #tpu.memory_space<vmem>>)
    %dma_wait3A_787 = arith.constant 6 : i32
    %dma_wait3A_788 = arith.constant 6 : i32
    %dma_wait3A_789 = arith.constant 256 : i32
    %dma_wait3A_790 = tpu.memref_slice %arg8[%dma_wait3A_788, %dma_wait3A_789] : memref<13x512xf32, #tpu.memory_space<vmem>> -> memref<1x128xf32, #tpu.memory_space<vmem>>
    %dma_wait3A_791 = tpu.memref_squeeze %dma_wait3A_790 : memref<1x128xf32, #tpu.memory_space<vmem>> -> memref<128xf32, #tpu.memory_space<vmem>>
    %dma_wait3A_792 = arith.constant 256 : i32
    %dma_wait3A_793 = tpu.memref_slice %arg7[%dma_wait3A_787, %dma_wait3A_792] : memref<13x512xi32, #tpu.memory_space<vmem>> -> memref<1x128xi32, #tpu.memory_space<vmem>>
    %dma_wait3A_794 = tpu.memref_squeeze %dma_wait3A_793 : memref<1x128xi32, #tpu.memory_space<vmem>> -> memref<128xi32, #tpu.memory_space<vmem>>
    %dma_wait3A_795 = arith.constant 0 : i32
    %dma_wait3A_796 = tpu.memref_slice %arg2[%dma_wait3A_795] : memref<1304576xf32, #tpu.memory_space<hbm>> -> memref<1304576xf32, #tpu.memory_space<hbm>>
    tpu.wait_indirect_dma semaphore(%arg11 : memref<!tpu.dma_semaphore, #tpu.memory_space<semaphore_mem>>) src(%dma_wait3A_796 : memref<1304576xf32, #tpu.memory_space<hbm>>) dst(%dma_wait3A_791 : memref<128xf32, #tpu.memory_space<vmem>>)
    %dma_wait3A_797 = arith.constant 6 : i32
    %dma_wait3A_798 = arith.constant 6 : i32
    %dma_wait3A_799 = arith.constant 384 : i32
    %dma_wait3A_800 = tpu.memref_slice %arg8[%dma_wait3A_798, %dma_wait3A_799] : memref<13x512xf32, #tpu.memory_space<vmem>> -> memref<1x128xf32, #tpu.memory_space<vmem>>
    %dma_wait3A_801 = tpu.memref_squeeze %dma_wait3A_800 : memref<1x128xf32, #tpu.memory_space<vmem>> -> memref<128xf32, #tpu.memory_space<vmem>>
    %dma_wait3A_802 = arith.constant 384 : i32
    %dma_wait3A_803 = tpu.memref_slice %arg7[%dma_wait3A_797, %dma_wait3A_802] : memref<13x512xi32, #tpu.memory_space<vmem>> -> memref<1x128xi32, #tpu.memory_space<vmem>>
    %dma_wait3A_804 = tpu.memref_squeeze %dma_wait3A_803 : memref<1x128xi32, #tpu.memory_space<vmem>> -> memref<128xi32, #tpu.memory_space<vmem>>
    %dma_wait3A_805 = arith.constant 0 : i32
    %dma_wait3A_806 = tpu.memref_slice %arg2[%dma_wait3A_805] : memref<1304576xf32, #tpu.memory_space<hbm>> -> memref<1304576xf32, #tpu.memory_space<hbm>>
    tpu.wait_indirect_dma semaphore(%arg11 : memref<!tpu.dma_semaphore, #tpu.memory_space<semaphore_mem>>) src(%dma_wait3A_806 : memref<1304576xf32, #tpu.memory_space<hbm>>) dst(%dma_wait3A_801 : memref<128xf32, #tpu.memory_space<vmem>>)
    %dma_wait3A_807 = arith.constant 7 : i32
    %dma_wait3A_808 = arith.constant 7 : i32
    %dma_wait3A_809 = arith.constant 0 : i32
    %dma_wait3A_810 = tpu.memref_slice %arg8[%dma_wait3A_808, %dma_wait3A_809] : memref<13x512xf32, #tpu.memory_space<vmem>> -> memref<1x128xf32, #tpu.memory_space<vmem>>
    %dma_wait3A_811 = tpu.memref_squeeze %dma_wait3A_810 : memref<1x128xf32, #tpu.memory_space<vmem>> -> memref<128xf32, #tpu.memory_space<vmem>>
    %dma_wait3A_812 = arith.constant 0 : i32
    %dma_wait3A_813 = tpu.memref_slice %arg7[%dma_wait3A_807, %dma_wait3A_812] : memref<13x512xi32, #tpu.memory_space<vmem>> -> memref<1x128xi32, #tpu.memory_space<vmem>>
    %dma_wait3A_814 = tpu.memref_squeeze %dma_wait3A_813 : memref<1x128xi32, #tpu.memory_space<vmem>> -> memref<128xi32, #tpu.memory_space<vmem>>
    %dma_wait3A_815 = arith.constant 0 : i32
    %dma_wait3A_816 = tpu.memref_slice %arg2[%dma_wait3A_815] : memref<1304576xf32, #tpu.memory_space<hbm>> -> memref<1304576xf32, #tpu.memory_space<hbm>>
    tpu.wait_indirect_dma semaphore(%arg11 : memref<!tpu.dma_semaphore, #tpu.memory_space<semaphore_mem>>) src(%dma_wait3A_816 : memref<1304576xf32, #tpu.memory_space<hbm>>) dst(%dma_wait3A_811 : memref<128xf32, #tpu.memory_space<vmem>>)
    %dma_wait3A_817 = arith.constant 7 : i32
    %dma_wait3A_818 = arith.constant 7 : i32
    %dma_wait3A_819 = arith.constant 128 : i32
    %dma_wait3A_820 = tpu.memref_slice %arg8[%dma_wait3A_818, %dma_wait3A_819] : memref<13x512xf32, #tpu.memory_space<vmem>> -> memref<1x128xf32, #tpu.memory_space<vmem>>
    %dma_wait3A_821 = tpu.memref_squeeze %dma_wait3A_820 : memref<1x128xf32, #tpu.memory_space<vmem>> -> memref<128xf32, #tpu.memory_space<vmem>>
    %dma_wait3A_822 = arith.constant 128 : i32
    %dma_wait3A_823 = tpu.memref_slice %arg7[%dma_wait3A_817, %dma_wait3A_822] : memref<13x512xi32, #tpu.memory_space<vmem>> -> memref<1x128xi32, #tpu.memory_space<vmem>>
    %dma_wait3A_824 = tpu.memref_squeeze %dma_wait3A_823 : memref<1x128xi32, #tpu.memory_space<vmem>> -> memref<128xi32, #tpu.memory_space<vmem>>
    %dma_wait3A_825 = arith.constant 0 : i32
    %dma_wait3A_826 = tpu.memref_slice %arg2[%dma_wait3A_825] : memref<1304576xf32, #tpu.memory_space<hbm>> -> memref<1304576xf32, #tpu.memory_space<hbm>>
    tpu.wait_indirect_dma semaphore(%arg11 : memref<!tpu.dma_semaphore, #tpu.memory_space<semaphore_mem>>) src(%dma_wait3A_826 : memref<1304576xf32, #tpu.memory_space<hbm>>) dst(%dma_wait3A_821 : memref<128xf32, #tpu.memory_space<vmem>>)
    %dma_wait3A_827 = arith.constant 7 : i32
    %dma_wait3A_828 = arith.constant 7 : i32
    %dma_wait3A_829 = arith.constant 256 : i32
    %dma_wait3A_830 = tpu.memref_slice %arg8[%dma_wait3A_828, %dma_wait3A_829] : memref<13x512xf32, #tpu.memory_space<vmem>> -> memref<1x128xf32, #tpu.memory_space<vmem>>
    %dma_wait3A_831 = tpu.memref_squeeze %dma_wait3A_830 : memref<1x128xf32, #tpu.memory_space<vmem>> -> memref<128xf32, #tpu.memory_space<vmem>>
    %dma_wait3A_832 = arith.constant 256 : i32
    %dma_wait3A_833 = tpu.memref_slice %arg7[%dma_wait3A_827, %dma_wait3A_832] : memref<13x512xi32, #tpu.memory_space<vmem>> -> memref<1x128xi32, #tpu.memory_space<vmem>>
    %dma_wait3A_834 = tpu.memref_squeeze %dma_wait3A_833 : memref<1x128xi32, #tpu.memory_space<vmem>> -> memref<128xi32, #tpu.memory_space<vmem>>
    %dma_wait3A_835 = arith.constant 0 : i32
    %dma_wait3A_836 = tpu.memref_slice %arg2[%dma_wait3A_835] : memref<1304576xf32, #tpu.memory_space<hbm>> -> memref<1304576xf32, #tpu.memory_space<hbm>>
    tpu.wait_indirect_dma semaphore(%arg11 : memref<!tpu.dma_semaphore, #tpu.memory_space<semaphore_mem>>) src(%dma_wait3A_836 : memref<1304576xf32, #tpu.memory_space<hbm>>) dst(%dma_wait3A_831 : memref<128xf32, #tpu.memory_space<vmem>>)
    %dma_wait3A_837 = arith.constant 7 : i32
    %dma_wait3A_838 = arith.constant 7 : i32
    %dma_wait3A_839 = arith.constant 384 : i32
    %dma_wait3A_840 = tpu.memref_slice %arg8[%dma_wait3A_838, %dma_wait3A_839] : memref<13x512xf32, #tpu.memory_space<vmem>> -> memref<1x128xf32, #tpu.memory_space<vmem>>
    %dma_wait3A_841 = tpu.memref_squeeze %dma_wait3A_840 : memref<1x128xf32, #tpu.memory_space<vmem>> -> memref<128xf32, #tpu.memory_space<vmem>>
    %dma_wait3A_842 = arith.constant 384 : i32
    %dma_wait3A_843 = tpu.memref_slice %arg7[%dma_wait3A_837, %dma_wait3A_842] : memref<13x512xi32, #tpu.memory_space<vmem>> -> memref<1x128xi32, #tpu.memory_space<vmem>>
    %dma_wait3A_844 = tpu.memref_squeeze %dma_wait3A_843 : memref<1x128xi32, #tpu.memory_space<vmem>> -> memref<128xi32, #tpu.memory_space<vmem>>
    %dma_wait3A_845 = arith.constant 0 : i32
    %dma_wait3A_846 = tpu.memref_slice %arg2[%dma_wait3A_845] : memref<1304576xf32, #tpu.memory_space<hbm>> -> memref<1304576xf32, #tpu.memory_space<hbm>>
    tpu.wait_indirect_dma semaphore(%arg11 : memref<!tpu.dma_semaphore, #tpu.memory_space<semaphore_mem>>) src(%dma_wait3A_846 : memref<1304576xf32, #tpu.memory_space<hbm>>) dst(%dma_wait3A_841 : memref<128xf32, #tpu.memory_space<vmem>>)
    %dma_wait3A_847 = arith.constant 8 : i32
    %dma_wait3A_848 = arith.constant 8 : i32
    %dma_wait3A_849 = arith.constant 0 : i32
    %dma_wait3A_850 = tpu.memref_slice %arg8[%dma_wait3A_848, %dma_wait3A_849] : memref<13x512xf32, #tpu.memory_space<vmem>> -> memref<1x128xf32, #tpu.memory_space<vmem>>
    %dma_wait3A_851 = tpu.memref_squeeze %dma_wait3A_850 : memref<1x128xf32, #tpu.memory_space<vmem>> -> memref<128xf32, #tpu.memory_space<vmem>>
    %dma_wait3A_852 = arith.constant 0 : i32
    %dma_wait3A_853 = tpu.memref_slice %arg7[%dma_wait3A_847, %dma_wait3A_852] : memref<13x512xi32, #tpu.memory_space<vmem>> -> memref<1x128xi32, #tpu.memory_space<vmem>>
    %dma_wait3A_854 = tpu.memref_squeeze %dma_wait3A_853 : memref<1x128xi32, #tpu.memory_space<vmem>> -> memref<128xi32, #tpu.memory_space<vmem>>
    %dma_wait3A_855 = arith.constant 0 : i32
    %dma_wait3A_856 = tpu.memref_slice %arg2[%dma_wait3A_855] : memref<1304576xf32, #tpu.memory_space<hbm>> -> memref<1304576xf32, #tpu.memory_space<hbm>>
    tpu.wait_indirect_dma semaphore(%arg11 : memref<!tpu.dma_semaphore, #tpu.memory_space<semaphore_mem>>) src(%dma_wait3A_856 : memref<1304576xf32, #tpu.memory_space<hbm>>) dst(%dma_wait3A_851 : memref<128xf32, #tpu.memory_space<vmem>>)
    %dma_wait3A_857 = arith.constant 8 : i32
    %dma_wait3A_858 = arith.constant 8 : i32
    %dma_wait3A_859 = arith.constant 128 : i32
    %dma_wait3A_860 = tpu.memref_slice %arg8[%dma_wait3A_858, %dma_wait3A_859] : memref<13x512xf32, #tpu.memory_space<vmem>> -> memref<1x128xf32, #tpu.memory_space<vmem>>
    %dma_wait3A_861 = tpu.memref_squeeze %dma_wait3A_860 : memref<1x128xf32, #tpu.memory_space<vmem>> -> memref<128xf32, #tpu.memory_space<vmem>>
    %dma_wait3A_862 = arith.constant 128 : i32
    %dma_wait3A_863 = tpu.memref_slice %arg7[%dma_wait3A_857, %dma_wait3A_862] : memref<13x512xi32, #tpu.memory_space<vmem>> -> memref<1x128xi32, #tpu.memory_space<vmem>>
    %dma_wait3A_864 = tpu.memref_squeeze %dma_wait3A_863 : memref<1x128xi32, #tpu.memory_space<vmem>> -> memref<128xi32, #tpu.memory_space<vmem>>
    %dma_wait3A_865 = arith.constant 0 : i32
    %dma_wait3A_866 = tpu.memref_slice %arg2[%dma_wait3A_865] : memref<1304576xf32, #tpu.memory_space<hbm>> -> memref<1304576xf32, #tpu.memory_space<hbm>>
    tpu.wait_indirect_dma semaphore(%arg11 : memref<!tpu.dma_semaphore, #tpu.memory_space<semaphore_mem>>) src(%dma_wait3A_866 : memref<1304576xf32, #tpu.memory_space<hbm>>) dst(%dma_wait3A_861 : memref<128xf32, #tpu.memory_space<vmem>>)
    %dma_wait3A_867 = arith.constant 8 : i32
    %dma_wait3A_868 = arith.constant 8 : i32
    %dma_wait3A_869 = arith.constant 256 : i32
    %dma_wait3A_870 = tpu.memref_slice %arg8[%dma_wait3A_868, %dma_wait3A_869] : memref<13x512xf32, #tpu.memory_space<vmem>> -> memref<1x128xf32, #tpu.memory_space<vmem>>
    %dma_wait3A_871 = tpu.memref_squeeze %dma_wait3A_870 : memref<1x128xf32, #tpu.memory_space<vmem>> -> memref<128xf32, #tpu.memory_space<vmem>>
    %dma_wait3A_872 = arith.constant 256 : i32
    %dma_wait3A_873 = tpu.memref_slice %arg7[%dma_wait3A_867, %dma_wait3A_872] : memref<13x512xi32, #tpu.memory_space<vmem>> -> memref<1x128xi32, #tpu.memory_space<vmem>>
    %dma_wait3A_874 = tpu.memref_squeeze %dma_wait3A_873 : memref<1x128xi32, #tpu.memory_space<vmem>> -> memref<128xi32, #tpu.memory_space<vmem>>
    %dma_wait3A_875 = arith.constant 0 : i32
    %dma_wait3A_876 = tpu.memref_slice %arg2[%dma_wait3A_875] : memref<1304576xf32, #tpu.memory_space<hbm>> -> memref<1304576xf32, #tpu.memory_space<hbm>>
    tpu.wait_indirect_dma semaphore(%arg11 : memref<!tpu.dma_semaphore, #tpu.memory_space<semaphore_mem>>) src(%dma_wait3A_876 : memref<1304576xf32, #tpu.memory_space<hbm>>) dst(%dma_wait3A_871 : memref<128xf32, #tpu.memory_space<vmem>>)
    %dma_wait3A_877 = arith.constant 8 : i32
    %dma_wait3A_878 = arith.constant 8 : i32
    %dma_wait3A_879 = arith.constant 384 : i32
    %dma_wait3A_880 = tpu.memref_slice %arg8[%dma_wait3A_878, %dma_wait3A_879] : memref<13x512xf32, #tpu.memory_space<vmem>> -> memref<1x128xf32, #tpu.memory_space<vmem>>
    %dma_wait3A_881 = tpu.memref_squeeze %dma_wait3A_880 : memref<1x128xf32, #tpu.memory_space<vmem>> -> memref<128xf32, #tpu.memory_space<vmem>>
    %dma_wait3A_882 = arith.constant 384 : i32
    %dma_wait3A_883 = tpu.memref_slice %arg7[%dma_wait3A_877, %dma_wait3A_882] : memref<13x512xi32, #tpu.memory_space<vmem>> -> memref<1x128xi32, #tpu.memory_space<vmem>>
    %dma_wait3A_884 = tpu.memref_squeeze %dma_wait3A_883 : memref<1x128xi32, #tpu.memory_space<vmem>> -> memref<128xi32, #tpu.memory_space<vmem>>
    %dma_wait3A_885 = arith.constant 0 : i32
    %dma_wait3A_886 = tpu.memref_slice %arg2[%dma_wait3A_885] : memref<1304576xf32, #tpu.memory_space<hbm>> -> memref<1304576xf32, #tpu.memory_space<hbm>>
    tpu.wait_indirect_dma semaphore(%arg11 : memref<!tpu.dma_semaphore, #tpu.memory_space<semaphore_mem>>) src(%dma_wait3A_886 : memref<1304576xf32, #tpu.memory_space<hbm>>) dst(%dma_wait3A_881 : memref<128xf32, #tpu.memory_space<vmem>>)
    %dma_wait3A_887 = arith.constant 9 : i32
    %dma_wait3A_888 = arith.constant 9 : i32
    %dma_wait3A_889 = arith.constant 0 : i32
    %dma_wait3A_890 = tpu.memref_slice %arg8[%dma_wait3A_888, %dma_wait3A_889] : memref<13x512xf32, #tpu.memory_space<vmem>> -> memref<1x128xf32, #tpu.memory_space<vmem>>
    %dma_wait3A_891 = tpu.memref_squeeze %dma_wait3A_890 : memref<1x128xf32, #tpu.memory_space<vmem>> -> memref<128xf32, #tpu.memory_space<vmem>>
    %dma_wait3A_892 = arith.constant 0 : i32
    %dma_wait3A_893 = tpu.memref_slice %arg7[%dma_wait3A_887, %dma_wait3A_892] : memref<13x512xi32, #tpu.memory_space<vmem>> -> memref<1x128xi32, #tpu.memory_space<vmem>>
    %dma_wait3A_894 = tpu.memref_squeeze %dma_wait3A_893 : memref<1x128xi32, #tpu.memory_space<vmem>> -> memref<128xi32, #tpu.memory_space<vmem>>
    %dma_wait3A_895 = arith.constant 0 : i32
    %dma_wait3A_896 = tpu.memref_slice %arg2[%dma_wait3A_895] : memref<1304576xf32, #tpu.memory_space<hbm>> -> memref<1304576xf32, #tpu.memory_space<hbm>>
    tpu.wait_indirect_dma semaphore(%arg11 : memref<!tpu.dma_semaphore, #tpu.memory_space<semaphore_mem>>) src(%dma_wait3A_896 : memref<1304576xf32, #tpu.memory_space<hbm>>) dst(%dma_wait3A_891 : memref<128xf32, #tpu.memory_space<vmem>>)
    %dma_wait3A_897 = arith.constant 9 : i32
    %dma_wait3A_898 = arith.constant 9 : i32
    %dma_wait3A_899 = arith.constant 128 : i32
    %dma_wait3A_900 = tpu.memref_slice %arg8[%dma_wait3A_898, %dma_wait3A_899] : memref<13x512xf32, #tpu.memory_space<vmem>> -> memref<1x128xf32, #tpu.memory_space<vmem>>
    %dma_wait3A_901 = tpu.memref_squeeze %dma_wait3A_900 : memref<1x128xf32, #tpu.memory_space<vmem>> -> memref<128xf32, #tpu.memory_space<vmem>>
    %dma_wait3A_902 = arith.constant 128 : i32
    %dma_wait3A_903 = tpu.memref_slice %arg7[%dma_wait3A_897, %dma_wait3A_902] : memref<13x512xi32, #tpu.memory_space<vmem>> -> memref<1x128xi32, #tpu.memory_space<vmem>>
    %dma_wait3A_904 = tpu.memref_squeeze %dma_wait3A_903 : memref<1x128xi32, #tpu.memory_space<vmem>> -> memref<128xi32, #tpu.memory_space<vmem>>
    %dma_wait3A_905 = arith.constant 0 : i32
    %dma_wait3A_906 = tpu.memref_slice %arg2[%dma_wait3A_905] : memref<1304576xf32, #tpu.memory_space<hbm>> -> memref<1304576xf32, #tpu.memory_space<hbm>>
    tpu.wait_indirect_dma semaphore(%arg11 : memref<!tpu.dma_semaphore, #tpu.memory_space<semaphore_mem>>) src(%dma_wait3A_906 : memref<1304576xf32, #tpu.memory_space<hbm>>) dst(%dma_wait3A_901 : memref<128xf32, #tpu.memory_space<vmem>>)
    %dma_wait3A_907 = arith.constant 9 : i32
    %dma_wait3A_908 = arith.constant 9 : i32
    %dma_wait3A_909 = arith.constant 256 : i32
    %dma_wait3A_910 = tpu.memref_slice %arg8[%dma_wait3A_908, %dma_wait3A_909] : memref<13x512xf32, #tpu.memory_space<vmem>> -> memref<1x128xf32, #tpu.memory_space<vmem>>
    %dma_wait3A_911 = tpu.memref_squeeze %dma_wait3A_910 : memref<1x128xf32, #tpu.memory_space<vmem>> -> memref<128xf32, #tpu.memory_space<vmem>>
    %dma_wait3A_912 = arith.constant 256 : i32
    %dma_wait3A_913 = tpu.memref_slice %arg7[%dma_wait3A_907, %dma_wait3A_912] : memref<13x512xi32, #tpu.memory_space<vmem>> -> memref<1x128xi32, #tpu.memory_space<vmem>>
    %dma_wait3A_914 = tpu.memref_squeeze %dma_wait3A_913 : memref<1x128xi32, #tpu.memory_space<vmem>> -> memref<128xi32, #tpu.memory_space<vmem>>
    %dma_wait3A_915 = arith.constant 0 : i32
    %dma_wait3A_916 = tpu.memref_slice %arg2[%dma_wait3A_915] : memref<1304576xf32, #tpu.memory_space<hbm>> -> memref<1304576xf32, #tpu.memory_space<hbm>>
    tpu.wait_indirect_dma semaphore(%arg11 : memref<!tpu.dma_semaphore, #tpu.memory_space<semaphore_mem>>) src(%dma_wait3A_916 : memref<1304576xf32, #tpu.memory_space<hbm>>) dst(%dma_wait3A_911 : memref<128xf32, #tpu.memory_space<vmem>>)
    %dma_wait3A_917 = arith.constant 9 : i32
    %dma_wait3A_918 = arith.constant 9 : i32
    %dma_wait3A_919 = arith.constant 384 : i32
    %dma_wait3A_920 = tpu.memref_slice %arg8[%dma_wait3A_918, %dma_wait3A_919] : memref<13x512xf32, #tpu.memory_space<vmem>> -> memref<1x128xf32, #tpu.memory_space<vmem>>
    %dma_wait3A_921 = tpu.memref_squeeze %dma_wait3A_920 : memref<1x128xf32, #tpu.memory_space<vmem>> -> memref<128xf32, #tpu.memory_space<vmem>>
    %dma_wait3A_922 = arith.constant 384 : i32
    %dma_wait3A_923 = tpu.memref_slice %arg7[%dma_wait3A_917, %dma_wait3A_922] : memref<13x512xi32, #tpu.memory_space<vmem>> -> memref<1x128xi32, #tpu.memory_space<vmem>>
    %dma_wait3A_924 = tpu.memref_squeeze %dma_wait3A_923 : memref<1x128xi32, #tpu.memory_space<vmem>> -> memref<128xi32, #tpu.memory_space<vmem>>
    %dma_wait3A_925 = arith.constant 0 : i32
    %dma_wait3A_926 = tpu.memref_slice %arg2[%dma_wait3A_925] : memref<1304576xf32, #tpu.memory_space<hbm>> -> memref<1304576xf32, #tpu.memory_space<hbm>>
    tpu.wait_indirect_dma semaphore(%arg11 : memref<!tpu.dma_semaphore, #tpu.memory_space<semaphore_mem>>) src(%dma_wait3A_926 : memref<1304576xf32, #tpu.memory_space<hbm>>) dst(%dma_wait3A_921 : memref<128xf32, #tpu.memory_space<vmem>>)
    %dma_wait3A_927 = arith.constant 10 : i32
    %dma_wait3A_928 = arith.constant 10 : i32
    %dma_wait3A_929 = arith.constant 0 : i32
    %dma_wait3A_930 = tpu.memref_slice %arg8[%dma_wait3A_928, %dma_wait3A_929] : memref<13x512xf32, #tpu.memory_space<vmem>> -> memref<1x128xf32, #tpu.memory_space<vmem>>
    %dma_wait3A_931 = tpu.memref_squeeze %dma_wait3A_930 : memref<1x128xf32, #tpu.memory_space<vmem>> -> memref<128xf32, #tpu.memory_space<vmem>>
    %dma_wait3A_932 = arith.constant 0 : i32
    %dma_wait3A_933 = tpu.memref_slice %arg7[%dma_wait3A_927, %dma_wait3A_932] : memref<13x512xi32, #tpu.memory_space<vmem>> -> memref<1x128xi32, #tpu.memory_space<vmem>>
    %dma_wait3A_934 = tpu.memref_squeeze %dma_wait3A_933 : memref<1x128xi32, #tpu.memory_space<vmem>> -> memref<128xi32, #tpu.memory_space<vmem>>
    %dma_wait3A_935 = arith.constant 0 : i32
    %dma_wait3A_936 = tpu.memref_slice %arg2[%dma_wait3A_935] : memref<1304576xf32, #tpu.memory_space<hbm>> -> memref<1304576xf32, #tpu.memory_space<hbm>>
    tpu.wait_indirect_dma semaphore(%arg11 : memref<!tpu.dma_semaphore, #tpu.memory_space<semaphore_mem>>) src(%dma_wait3A_936 : memref<1304576xf32, #tpu.memory_space<hbm>>) dst(%dma_wait3A_931 : memref<128xf32, #tpu.memory_space<vmem>>)
    %dma_wait3A_937 = arith.constant 10 : i32
    %dma_wait3A_938 = arith.constant 10 : i32
    %dma_wait3A_939 = arith.constant 128 : i32
    %dma_wait3A_940 = tpu.memref_slice %arg8[%dma_wait3A_938, %dma_wait3A_939] : memref<13x512xf32, #tpu.memory_space<vmem>> -> memref<1x128xf32, #tpu.memory_space<vmem>>
    %dma_wait3A_941 = tpu.memref_squeeze %dma_wait3A_940 : memref<1x128xf32, #tpu.memory_space<vmem>> -> memref<128xf32, #tpu.memory_space<vmem>>
    %dma_wait3A_942 = arith.constant 128 : i32
    %dma_wait3A_943 = tpu.memref_slice %arg7[%dma_wait3A_937, %dma_wait3A_942] : memref<13x512xi32, #tpu.memory_space<vmem>> -> memref<1x128xi32, #tpu.memory_space<vmem>>
    %dma_wait3A_944 = tpu.memref_squeeze %dma_wait3A_943 : memref<1x128xi32, #tpu.memory_space<vmem>> -> memref<128xi32, #tpu.memory_space<vmem>>
    %dma_wait3A_945 = arith.constant 0 : i32
    %dma_wait3A_946 = tpu.memref_slice %arg2[%dma_wait3A_945] : memref<1304576xf32, #tpu.memory_space<hbm>> -> memref<1304576xf32, #tpu.memory_space<hbm>>
    tpu.wait_indirect_dma semaphore(%arg11 : memref<!tpu.dma_semaphore, #tpu.memory_space<semaphore_mem>>) src(%dma_wait3A_946 : memref<1304576xf32, #tpu.memory_space<hbm>>) dst(%dma_wait3A_941 : memref<128xf32, #tpu.memory_space<vmem>>)
    %dma_wait3A_947 = arith.constant 10 : i32
    %dma_wait3A_948 = arith.constant 10 : i32
    %dma_wait3A_949 = arith.constant 256 : i32
    %dma_wait3A_950 = tpu.memref_slice %arg8[%dma_wait3A_948, %dma_wait3A_949] : memref<13x512xf32, #tpu.memory_space<vmem>> -> memref<1x128xf32, #tpu.memory_space<vmem>>
    %dma_wait3A_951 = tpu.memref_squeeze %dma_wait3A_950 : memref<1x128xf32, #tpu.memory_space<vmem>> -> memref<128xf32, #tpu.memory_space<vmem>>
    %dma_wait3A_952 = arith.constant 256 : i32
    %dma_wait3A_953 = tpu.memref_slice %arg7[%dma_wait3A_947, %dma_wait3A_952] : memref<13x512xi32, #tpu.memory_space<vmem>> -> memref<1x128xi32, #tpu.memory_space<vmem>>
    %dma_wait3A_954 = tpu.memref_squeeze %dma_wait3A_953 : memref<1x128xi32, #tpu.memory_space<vmem>> -> memref<128xi32, #tpu.memory_space<vmem>>
    %dma_wait3A_955 = arith.constant 0 : i32
    %dma_wait3A_956 = tpu.memref_slice %arg2[%dma_wait3A_955] : memref<1304576xf32, #tpu.memory_space<hbm>> -> memref<1304576xf32, #tpu.memory_space<hbm>>
    tpu.wait_indirect_dma semaphore(%arg11 : memref<!tpu.dma_semaphore, #tpu.memory_space<semaphore_mem>>) src(%dma_wait3A_956 : memref<1304576xf32, #tpu.memory_space<hbm>>) dst(%dma_wait3A_951 : memref<128xf32, #tpu.memory_space<vmem>>)
    %dma_wait3A_957 = arith.constant 10 : i32
    %dma_wait3A_958 = arith.constant 10 : i32
    %dma_wait3A_959 = arith.constant 384 : i32
    %dma_wait3A_960 = tpu.memref_slice %arg8[%dma_wait3A_958, %dma_wait3A_959] : memref<13x512xf32, #tpu.memory_space<vmem>> -> memref<1x128xf32, #tpu.memory_space<vmem>>
    %dma_wait3A_961 = tpu.memref_squeeze %dma_wait3A_960 : memref<1x128xf32, #tpu.memory_space<vmem>> -> memref<128xf32, #tpu.memory_space<vmem>>
    %dma_wait3A_962 = arith.constant 384 : i32
    %dma_wait3A_963 = tpu.memref_slice %arg7[%dma_wait3A_957, %dma_wait3A_962] : memref<13x512xi32, #tpu.memory_space<vmem>> -> memref<1x128xi32, #tpu.memory_space<vmem>>
    %dma_wait3A_964 = tpu.memref_squeeze %dma_wait3A_963 : memref<1x128xi32, #tpu.memory_space<vmem>> -> memref<128xi32, #tpu.memory_space<vmem>>
    %dma_wait3A_965 = arith.constant 0 : i32
    %dma_wait3A_966 = tpu.memref_slice %arg2[%dma_wait3A_965] : memref<1304576xf32, #tpu.memory_space<hbm>> -> memref<1304576xf32, #tpu.memory_space<hbm>>
    tpu.wait_indirect_dma semaphore(%arg11 : memref<!tpu.dma_semaphore, #tpu.memory_space<semaphore_mem>>) src(%dma_wait3A_966 : memref<1304576xf32, #tpu.memory_space<hbm>>) dst(%dma_wait3A_961 : memref<128xf32, #tpu.memory_space<vmem>>)
    %dma_wait3A_967 = arith.constant 11 : i32
    %dma_wait3A_968 = arith.constant 11 : i32
    %dma_wait3A_969 = arith.constant 0 : i32
    %dma_wait3A_970 = tpu.memref_slice %arg8[%dma_wait3A_968, %dma_wait3A_969] : memref<13x512xf32, #tpu.memory_space<vmem>> -> memref<1x128xf32, #tpu.memory_space<vmem>>
    %dma_wait3A_971 = tpu.memref_squeeze %dma_wait3A_970 : memref<1x128xf32, #tpu.memory_space<vmem>> -> memref<128xf32, #tpu.memory_space<vmem>>
    %dma_wait3A_972 = arith.constant 0 : i32
    %dma_wait3A_973 = tpu.memref_slice %arg7[%dma_wait3A_967, %dma_wait3A_972] : memref<13x512xi32, #tpu.memory_space<vmem>> -> memref<1x128xi32, #tpu.memory_space<vmem>>
    %dma_wait3A_974 = tpu.memref_squeeze %dma_wait3A_973 : memref<1x128xi32, #tpu.memory_space<vmem>> -> memref<128xi32, #tpu.memory_space<vmem>>
    %dma_wait3A_975 = arith.constant 0 : i32
    %dma_wait3A_976 = tpu.memref_slice %arg2[%dma_wait3A_975] : memref<1304576xf32, #tpu.memory_space<hbm>> -> memref<1304576xf32, #tpu.memory_space<hbm>>
    tpu.wait_indirect_dma semaphore(%arg11 : memref<!tpu.dma_semaphore, #tpu.memory_space<semaphore_mem>>) src(%dma_wait3A_976 : memref<1304576xf32, #tpu.memory_space<hbm>>) dst(%dma_wait3A_971 : memref<128xf32, #tpu.memory_space<vmem>>)
    %dma_wait3A_977 = arith.constant 11 : i32
    %dma_wait3A_978 = arith.constant 11 : i32
    %dma_wait3A_979 = arith.constant 128 : i32
    %dma_wait3A_980 = tpu.memref_slice %arg8[%dma_wait3A_978, %dma_wait3A_979] : memref<13x512xf32, #tpu.memory_space<vmem>> -> memref<1x128xf32, #tpu.memory_space<vmem>>
    %dma_wait3A_981 = tpu.memref_squeeze %dma_wait3A_980 : memref<1x128xf32, #tpu.memory_space<vmem>> -> memref<128xf32, #tpu.memory_space<vmem>>
    %dma_wait3A_982 = arith.constant 128 : i32
    %dma_wait3A_983 = tpu.memref_slice %arg7[%dma_wait3A_977, %dma_wait3A_982] : memref<13x512xi32, #tpu.memory_space<vmem>> -> memref<1x128xi32, #tpu.memory_space<vmem>>
    %dma_wait3A_984 = tpu.memref_squeeze %dma_wait3A_983 : memref<1x128xi32, #tpu.memory_space<vmem>> -> memref<128xi32, #tpu.memory_space<vmem>>
    %dma_wait3A_985 = arith.constant 0 : i32
    %dma_wait3A_986 = tpu.memref_slice %arg2[%dma_wait3A_985] : memref<1304576xf32, #tpu.memory_space<hbm>> -> memref<1304576xf32, #tpu.memory_space<hbm>>
    tpu.wait_indirect_dma semaphore(%arg11 : memref<!tpu.dma_semaphore, #tpu.memory_space<semaphore_mem>>) src(%dma_wait3A_986 : memref<1304576xf32, #tpu.memory_space<hbm>>) dst(%dma_wait3A_981 : memref<128xf32, #tpu.memory_space<vmem>>)
    %dma_wait3A_987 = arith.constant 11 : i32
    %dma_wait3A_988 = arith.constant 11 : i32
    %dma_wait3A_989 = arith.constant 256 : i32
    %dma_wait3A_990 = tpu.memref_slice %arg8[%dma_wait3A_988, %dma_wait3A_989] : memref<13x512xf32, #tpu.memory_space<vmem>> -> memref<1x128xf32, #tpu.memory_space<vmem>>
    %dma_wait3A_991 = tpu.memref_squeeze %dma_wait3A_990 : memref<1x128xf32, #tpu.memory_space<vmem>> -> memref<128xf32, #tpu.memory_space<vmem>>
    %dma_wait3A_992 = arith.constant 256 : i32
    %dma_wait3A_993 = tpu.memref_slice %arg7[%dma_wait3A_987, %dma_wait3A_992] : memref<13x512xi32, #tpu.memory_space<vmem>> -> memref<1x128xi32, #tpu.memory_space<vmem>>
    %dma_wait3A_994 = tpu.memref_squeeze %dma_wait3A_993 : memref<1x128xi32, #tpu.memory_space<vmem>> -> memref<128xi32, #tpu.memory_space<vmem>>
    %dma_wait3A_995 = arith.constant 0 : i32
    %dma_wait3A_996 = tpu.memref_slice %arg2[%dma_wait3A_995] : memref<1304576xf32, #tpu.memory_space<hbm>> -> memref<1304576xf32, #tpu.memory_space<hbm>>
    tpu.wait_indirect_dma semaphore(%arg11 : memref<!tpu.dma_semaphore, #tpu.memory_space<semaphore_mem>>) src(%dma_wait3A_996 : memref<1304576xf32, #tpu.memory_space<hbm>>) dst(%dma_wait3A_991 : memref<128xf32, #tpu.memory_space<vmem>>)
    %dma_wait3A_997 = arith.constant 11 : i32
    %dma_wait3A_998 = arith.constant 11 : i32
    %dma_wait3A_999 = arith.constant 384 : i32
    %dma_wait3A_1000 = tpu.memref_slice %arg8[%dma_wait3A_998, %dma_wait3A_999] : memref<13x512xf32, #tpu.memory_space<vmem>> -> memref<1x128xf32, #tpu.memory_space<vmem>>
    %dma_wait3A_1001 = tpu.memref_squeeze %dma_wait3A_1000 : memref<1x128xf32, #tpu.memory_space<vmem>> -> memref<128xf32, #tpu.memory_space<vmem>>
    %dma_wait3A_1002 = arith.constant 384 : i32
    %dma_wait3A_1003 = tpu.memref_slice %arg7[%dma_wait3A_997, %dma_wait3A_1002] : memref<13x512xi32, #tpu.memory_space<vmem>> -> memref<1x128xi32, #tpu.memory_space<vmem>>
    %dma_wait3A_1004 = tpu.memref_squeeze %dma_wait3A_1003 : memref<1x128xi32, #tpu.memory_space<vmem>> -> memref<128xi32, #tpu.memory_space<vmem>>
    %dma_wait3A_1005 = arith.constant 0 : i32
    %dma_wait3A_1006 = tpu.memref_slice %arg2[%dma_wait3A_1005] : memref<1304576xf32, #tpu.memory_space<hbm>> -> memref<1304576xf32, #tpu.memory_space<hbm>>
    tpu.wait_indirect_dma semaphore(%arg11 : memref<!tpu.dma_semaphore, #tpu.memory_space<semaphore_mem>>) src(%dma_wait3A_1006 : memref<1304576xf32, #tpu.memory_space<hbm>>) dst(%dma_wait3A_1001 : memref<128xf32, #tpu.memory_space<vmem>>)
    %dma_wait3A_1007 = arith.constant 12 : i32
    %dma_wait3A_1008 = arith.constant 12 : i32
    %dma_wait3A_1009 = arith.constant 0 : i32
    %dma_wait3A_1010 = tpu.memref_slice %arg8[%dma_wait3A_1008, %dma_wait3A_1009] : memref<13x512xf32, #tpu.memory_space<vmem>> -> memref<1x128xf32, #tpu.memory_space<vmem>>
    %dma_wait3A_1011 = tpu.memref_squeeze %dma_wait3A_1010 : memref<1x128xf32, #tpu.memory_space<vmem>> -> memref<128xf32, #tpu.memory_space<vmem>>
    %dma_wait3A_1012 = arith.constant 0 : i32
    %dma_wait3A_1013 = tpu.memref_slice %arg7[%dma_wait3A_1007, %dma_wait3A_1012] : memref<13x512xi32, #tpu.memory_space<vmem>> -> memref<1x128xi32, #tpu.memory_space<vmem>>
    %dma_wait3A_1014 = tpu.memref_squeeze %dma_wait3A_1013 : memref<1x128xi32, #tpu.memory_space<vmem>> -> memref<128xi32, #tpu.memory_space<vmem>>
    %dma_wait3A_1015 = arith.constant 0 : i32
    %dma_wait3A_1016 = tpu.memref_slice %arg2[%dma_wait3A_1015] : memref<1304576xf32, #tpu.memory_space<hbm>> -> memref<1304576xf32, #tpu.memory_space<hbm>>
    tpu.wait_indirect_dma semaphore(%arg11 : memref<!tpu.dma_semaphore, #tpu.memory_space<semaphore_mem>>) src(%dma_wait3A_1016 : memref<1304576xf32, #tpu.memory_space<hbm>>) dst(%dma_wait3A_1011 : memref<128xf32, #tpu.memory_space<vmem>>)
    %dma_wait3A_1017 = arith.constant 12 : i32
    %dma_wait3A_1018 = arith.constant 12 : i32
    %dma_wait3A_1019 = arith.constant 128 : i32
    %dma_wait3A_1020 = tpu.memref_slice %arg8[%dma_wait3A_1018, %dma_wait3A_1019] : memref<13x512xf32, #tpu.memory_space<vmem>> -> memref<1x128xf32, #tpu.memory_space<vmem>>
    %dma_wait3A_1021 = tpu.memref_squeeze %dma_wait3A_1020 : memref<1x128xf32, #tpu.memory_space<vmem>> -> memref<128xf32, #tpu.memory_space<vmem>>
    %dma_wait3A_1022 = arith.constant 128 : i32
    %dma_wait3A_1023 = tpu.memref_slice %arg7[%dma_wait3A_1017, %dma_wait3A_1022] : memref<13x512xi32, #tpu.memory_space<vmem>> -> memref<1x128xi32, #tpu.memory_space<vmem>>
    %dma_wait3A_1024 = tpu.memref_squeeze %dma_wait3A_1023 : memref<1x128xi32, #tpu.memory_space<vmem>> -> memref<128xi32, #tpu.memory_space<vmem>>
    %dma_wait3A_1025 = arith.constant 0 : i32
    %dma_wait3A_1026 = tpu.memref_slice %arg2[%dma_wait3A_1025] : memref<1304576xf32, #tpu.memory_space<hbm>> -> memref<1304576xf32, #tpu.memory_space<hbm>>
    tpu.wait_indirect_dma semaphore(%arg11 : memref<!tpu.dma_semaphore, #tpu.memory_space<semaphore_mem>>) src(%dma_wait3A_1026 : memref<1304576xf32, #tpu.memory_space<hbm>>) dst(%dma_wait3A_1021 : memref<128xf32, #tpu.memory_space<vmem>>)
    %dma_wait3A_1027 = arith.constant 12 : i32
    %dma_wait3A_1028 = arith.constant 12 : i32
    %dma_wait3A_1029 = arith.constant 256 : i32
    %dma_wait3A_1030 = tpu.memref_slice %arg8[%dma_wait3A_1028, %dma_wait3A_1029] : memref<13x512xf32, #tpu.memory_space<vmem>> -> memref<1x128xf32, #tpu.memory_space<vmem>>
    %dma_wait3A_1031 = tpu.memref_squeeze %dma_wait3A_1030 : memref<1x128xf32, #tpu.memory_space<vmem>> -> memref<128xf32, #tpu.memory_space<vmem>>
    %dma_wait3A_1032 = arith.constant 256 : i32
    %dma_wait3A_1033 = tpu.memref_slice %arg7[%dma_wait3A_1027, %dma_wait3A_1032] : memref<13x512xi32, #tpu.memory_space<vmem>> -> memref<1x128xi32, #tpu.memory_space<vmem>>
    %dma_wait3A_1034 = tpu.memref_squeeze %dma_wait3A_1033 : memref<1x128xi32, #tpu.memory_space<vmem>> -> memref<128xi32, #tpu.memory_space<vmem>>
    %dma_wait3A_1035 = arith.constant 0 : i32
    %dma_wait3A_1036 = tpu.memref_slice %arg2[%dma_wait3A_1035] : memref<1304576xf32, #tpu.memory_space<hbm>> -> memref<1304576xf32, #tpu.memory_space<hbm>>
    tpu.wait_indirect_dma semaphore(%arg11 : memref<!tpu.dma_semaphore, #tpu.memory_space<semaphore_mem>>) src(%dma_wait3A_1036 : memref<1304576xf32, #tpu.memory_space<hbm>>) dst(%dma_wait3A_1031 : memref<128xf32, #tpu.memory_space<vmem>>)
    %dma_wait3A_1037 = arith.constant 12 : i32
    %dma_wait3A_1038 = arith.constant 12 : i32
    %dma_wait3A_1039 = arith.constant 384 : i32
    %dma_wait3A_1040 = tpu.memref_slice %arg8[%dma_wait3A_1038, %dma_wait3A_1039] : memref<13x512xf32, #tpu.memory_space<vmem>> -> memref<1x128xf32, #tpu.memory_space<vmem>>
    %dma_wait3A_1041 = tpu.memref_squeeze %dma_wait3A_1040 : memref<1x128xf32, #tpu.memory_space<vmem>> -> memref<128xf32, #tpu.memory_space<vmem>>
    %dma_wait3A_1042 = arith.constant 384 : i32
    %dma_wait3A_1043 = tpu.memref_slice %arg7[%dma_wait3A_1037, %dma_wait3A_1042] : memref<13x512xi32, #tpu.memory_space<vmem>> -> memref<1x128xi32, #tpu.memory_space<vmem>>
    %dma_wait3A_1044 = tpu.memref_squeeze %dma_wait3A_1043 : memref<1x128xi32, #tpu.memory_space<vmem>> -> memref<128xi32, #tpu.memory_space<vmem>>
    %dma_wait3A_1045 = arith.constant 0 : i32
    %dma_wait3A_1046 = tpu.memref_slice %arg2[%dma_wait3A_1045] : memref<1304576xf32, #tpu.memory_space<hbm>> -> memref<1304576xf32, #tpu.memory_space<hbm>>
    tpu.wait_indirect_dma semaphore(%arg11 : memref<!tpu.dma_semaphore, #tpu.memory_space<semaphore_mem>>) src(%dma_wait3A_1046 : memref<1304576xf32, #tpu.memory_space<hbm>>) dst(%dma_wait3A_1041 : memref<128xf32, #tpu.memory_space<vmem>>)
    %scan3A_1047 = arith.constant 0 : i32
    %scan3A_1048 = arith.constant 0 : i32
    %scan3A_1049 = arith.constant 32 : i32
    %scan3A_1050 = arith.addi %scan3A_1048, %scan3A_1049 : i32
    %scan3A_1051 = arith.constant 1 : i32
    %scan3A_1052 = scf.for %scan3A_1054 = %scan3A_1048 to %scan3A_1050 step %scan3A_1051 iter_args(%scan3A_1055 = %scan3A_1047) -> (i32)  : i32 {
      %mul3A_1056 = arith.constant 16 : i32
      %mul3A_1057 = arith.muli %scan3A_1054, %mul3A_1056 : i32
      %get3A = arith.constant 0 : i32
      %get3A_1058 = arith.index_cast %get3A : i32 to index
      %get3A_1059 = arith.index_cast %mul3A_1057 : i32 to index
      %get3A_1060 = tpu.vector_load %arg8[%get3A_1058, %get3A_1059] {strides = array<i32>} : memref<13x512xf32, #tpu.memory_space<vmem>>, vector<1x16xf32>,
      %get3A_1061 = vector.shape_cast %get3A_1060 : vector<1x16xf32> to vector<16xf32>
      %get3A_1062 = arith.constant 1 : i32
      %get3A_1063 = arith.index_cast %get3A_1062 : i32 to index
      %get3A_1064 = arith.index_cast %mul3A_1057 : i32 to index
      %get3A_1065 = tpu.vector_load %arg8[%get3A_1063, %get3A_1064] {strides = array<i32>} : memref<13x512xf32, #tpu.memory_space<vmem>>, vector<1x16xf32>,
      %get3A_1066 = vector.shape_cast %get3A_1065 : vector<1x16xf32> to vector<16xf32>
      %get3A_1067 = arith.constant 2 : i32
      %get3A_1068 = arith.index_cast %get3A_1067 : i32 to index
      %get3A_1069 = arith.index_cast %mul3A_1057 : i32 to index
      %get3A_1070 = tpu.vector_load %arg8[%get3A_1068, %get3A_1069] {strides = array<i32>} : memref<13x512xf32, #tpu.memory_space<vmem>>, vector<1x16xf32>,
      %get3A_1071 = vector.shape_cast %get3A_1070 : vector<1x16xf32> to vector<16xf32>
      %get3A_1072 = arith.constant 3 : i32
      %get3A_1073 = arith.index_cast %get3A_1072 : i32 to index
      %get3A_1074 = arith.index_cast %mul3A_1057 : i32 to index
      %get3A_1075 = tpu.vector_load %arg8[%get3A_1073, %get3A_1074] {strides = array<i32>} : memref<13x512xf32, #tpu.memory_space<vmem>>, vector<1x16xf32>,
      %get3A_1076 = vector.shape_cast %get3A_1075 : vector<1x16xf32> to vector<16xf32>
      %get3A_1077 = arith.constant 4 : i32
      %get3A_1078 = arith.index_cast %get3A_1077 : i32 to index
      %get3A_1079 = arith.index_cast %mul3A_1057 : i32 to index
      %get3A_1080 = tpu.vector_load %arg8[%get3A_1078, %get3A_1079] {strides = array<i32>} : memref<13x512xf32, #tpu.memory_space<vmem>>, vector<1x16xf32>,
      %get3A_1081 = vector.shape_cast %get3A_1080 : vector<1x16xf32> to vector<16xf32>
      %get3A_1082 = arith.constant 5 : i32
      %get3A_1083 = arith.index_cast %get3A_1082 : i32 to index
      %get3A_1084 = arith.index_cast %mul3A_1057 : i32 to index
      %get3A_1085 = tpu.vector_load %arg8[%get3A_1083, %get3A_1084] {strides = array<i32>} : memref<13x512xf32, #tpu.memory_space<vmem>>, vector<1x16xf32>,
      %get3A_1086 = vector.shape_cast %get3A_1085 : vector<1x16xf32> to vector<16xf32>
      %get3A_1087 = arith.constant 6 : i32
      %get3A_1088 = arith.index_cast %get3A_1087 : i32 to index
      %get3A_1089 = arith.index_cast %mul3A_1057 : i32 to index
      %get3A_1090 = tpu.vector_load %arg8[%get3A_1088, %get3A_1089] {strides = array<i32>} : memref<13x512xf32, #tpu.memory_space<vmem>>, vector<1x16xf32>,
      %get3A_1091 = vector.shape_cast %get3A_1090 : vector<1x16xf32> to vector<16xf32>
      %get3A_1092 = arith.constant 7 : i32
      %get3A_1093 = arith.index_cast %get3A_1092 : i32 to index
      %get3A_1094 = arith.index_cast %mul3A_1057 : i32 to index
      %get3A_1095 = tpu.vector_load %arg8[%get3A_1093, %get3A_1094] {strides = array<i32>} : memref<13x512xf32, #tpu.memory_space<vmem>>, vector<1x16xf32>,
      %get3A_1096 = vector.shape_cast %get3A_1095 : vector<1x16xf32> to vector<16xf32>
      %get3A_1097 = arith.constant 8 : i32
      %get3A_1098 = arith.index_cast %get3A_1097 : i32 to index
      %get3A_1099 = arith.index_cast %mul3A_1057 : i32 to index
      %get3A_1100 = tpu.vector_load %arg8[%get3A_1098, %get3A_1099] {strides = array<i32>} : memref<13x512xf32, #tpu.memory_space<vmem>>, vector<1x16xf32>,
      %get3A_1101 = vector.shape_cast %get3A_1100 : vector<1x16xf32> to vector<16xf32>
      %get3A_1102 = arith.constant 9 : i32
      %get3A_1103 = arith.index_cast %get3A_1102 : i32 to index
      %get3A_1104 = arith.index_cast %mul3A_1057 : i32 to index
      %get3A_1105 = tpu.vector_load %arg8[%get3A_1103, %get3A_1104] {strides = array<i32>} : memref<13x512xf32, #tpu.memory_space<vmem>>, vector<1x16xf32>,
      %get3A_1106 = vector.shape_cast %get3A_1105 : vector<1x16xf32> to vector<16xf32>
      %get3A_1107 = arith.constant 10 : i32
      %get3A_1108 = arith.index_cast %get3A_1107 : i32 to index
      %get3A_1109 = arith.index_cast %mul3A_1057 : i32 to index
      %get3A_1110 = tpu.vector_load %arg8[%get3A_1108, %get3A_1109] {strides = array<i32>} : memref<13x512xf32, #tpu.memory_space<vmem>>, vector<1x16xf32>,
      %get3A_1111 = vector.shape_cast %get3A_1110 : vector<1x16xf32> to vector<16xf32>
      %get3A_1112 = arith.constant 11 : i32
      %get3A_1113 = arith.index_cast %get3A_1112 : i32 to index
      %get3A_1114 = arith.index_cast %mul3A_1057 : i32 to index
      %get3A_1115 = tpu.vector_load %arg8[%get3A_1113, %get3A_1114] {strides = array<i32>} : memref<13x512xf32, #tpu.memory_space<vmem>>, vector<1x16xf32>,
      %get3A_1116 = vector.shape_cast %get3A_1115 : vector<1x16xf32> to vector<16xf32>
      %get3A_1117 = arith.constant 12 : i32
      %get3A_1118 = arith.index_cast %get3A_1117 : i32 to index
      %get3A_1119 = arith.index_cast %mul3A_1057 : i32 to index
      %get3A_1120 = tpu.vector_load %arg8[%get3A_1118, %get3A_1119] {strides = array<i32>} : memref<13x512xf32, #tpu.memory_space<vmem>>, vector<1x16xf32>,
      %get3A_1121 = vector.shape_cast %get3A_1120 : vector<1x16xf32> to vector<16xf32>
      %add3A_1122 = arith.addf %get3A_1061, %get3A_1066 : vector<16xf32>
      %add3A_1123 = arith.addf %get3A_1071, %get3A_1076 : vector<16xf32>
      %add3A_1124 = arith.addf %get3A_1081, %get3A_1086 : vector<16xf32>
      %add3A_1125 = arith.addf %get3A_1091, %get3A_1096 : vector<16xf32>
      %add3A_1126 = arith.addf %get3A_1101, %get3A_1106 : vector<16xf32>
      %add3A_1127 = arith.addf %get3A_1111, %get3A_1116 : vector<16xf32>
      %add3A_1128 = arith.addf %add3A_1122, %add3A_1123 : vector<16xf32>
      %add3A_1129 = arith.addf %add3A_1124, %add3A_1125 : vector<16xf32>
      %add3A_1130 = arith.addf %add3A_1126, %add3A_1127 : vector<16xf32>
      %add3A_1131 = arith.addf %add3A_1128, %add3A_1129 : vector<16xf32>
      %add3A_1132 = arith.addf %add3A_1130, %get3A_1121 : vector<16xf32>
      %add3A_1133 = arith.addf %add3A_1131, %add3A_1132 : vector<16xf32>
      %get3A_1134 = arith.index_cast %mul3A_1057 : i32 to index
      %get3A_1135 = tpu.vector_load %arg9[%get3A_1134] {strides = array<i32>} : memref<512xf32, #tpu.memory_space<vmem>>, vector<16xf32>,
      %get3A_1136 = vector.shape_cast %get3A_1135 : vector<16xf32> to vector<16xf32>
      %add3A_1137 = arith.addf %add3A_1133, %get3A_1136 : vector<16xf32>
      %swap3A = arith.index_cast %mul3A_1057 : i32 to index
      %swap3A_1138 = tpu.vector_load %arg10[%swap3A] {strides = array<i32>} : memref<512xf32, #tpu.memory_space<vmem>>, vector<16xf32>,
      %swap3A_1139 = vector.shape_cast %swap3A_1138 : vector<16xf32> to vector<16xf32>
      %swap3A_1140 = vector.shape_cast %add3A_1137 : vector<16xf32> to vector<16xf32>
      tpu.vector_store %arg10[%swap3A], %swap3A_1140 {strides = array<i32>} : memref<512xf32, #tpu.memory_space<vmem>>, vector<16xf32>,
      %scan3A_1141 = arith.constant 0 : i32
      scf.yield %scan3A_1141 : i32
    }
    %scan3A_1053 = arith.constant 32 : i32
    "tpu.region"() ({
      %run_scoped3A = tpu.sem_alloc : memref<!tpu.dma_semaphore, #tpu.memory_space<semaphore_mem>>
      %dma_start3A_1054 = tpu.memref_slice %arg5[%mul3A_2] : memref<16384xf32, #tpu.memory_space<hbm>> -> memref<512xf32, #tpu.memory_space<hbm>>
      %dma_start3A_1055 = tpu.memref_slice %arg5[%mul3A_2] : memref<16384xf32, #tpu.memory_space<hbm>> -> memref<512xf32, #tpu.memory_space<hbm>>
      tpu.enqueue_dma source(%arg10 : memref<512xf32, #tpu.memory_space<vmem>>) target(%dma_start3A_1055 : memref<512xf32, #tpu.memory_space<hbm>>) target_semaphore(%run_scoped3A : memref<!tpu.dma_semaphore, #tpu.memory_space<semaphore_mem>>)
      %dma_wait3A_1056 = tpu.memref_slice %arg5[%mul3A_2] : memref<16384xf32, #tpu.memory_space<hbm>> -> memref<512xf32, #tpu.memory_space<hbm>>
      %dma_wait3A_1057 = tpu.memref_slice %arg5[%mul3A_2] : memref<16384xf32, #tpu.memory_space<hbm>> -> memref<512xf32, #tpu.memory_space<hbm>>
      tpu.wait_dma2 semaphore(%run_scoped3A : memref<!tpu.dma_semaphore, #tpu.memory_space<semaphore_mem>>) src(%arg10 : memref<512xf32, #tpu.memory_space<vmem>>) dst(%dma_wait3A_1057 : memref<512xf32, #tpu.memory_space<hbm>>)
      tpu.yield
    }) : () -> ()
    return
  }
}

module attributes {stable_mosaic.version = 14 : i64} {
  func.func @_tc_prep_body(%arg0: memref<13x16384xf32, #tpu.memory_space<vmem>>, %arg1: memref<429x16xf32, #tpu.memory_space<vmem>>, %arg2: memref<1x16xf32, #tpu.memory_space<vmem>>, %arg3: memref<16x1xf32, #tpu.memory_space<vmem>>, %arg4: memref<1x1xf32, #tpu.memory_space<vmem>>, %arg5: memref<16384xf32, #tpu.memory_space<vmem>>, %arg6: memref<26x16xf32, #tpu.memory_space<vmem>>) attributes {dimension_semantics = [], scalar_prefetch = 0 : i64, scratch_operands = 0 : i64, tpu.core_type = #tpu.core_type<tc>} {
    %get3A = arith.constant 0 : index
    %get3A_0 = arith.constant 0 : index
    %get3A_1 = vector.load %arg1[%get3A, %get3A_0] : memref<429x16xf32, #tpu.memory_space<vmem>>, vector<429x16xf32>
    %get3A_2 = arith.constant 0 : index
    %get3A_3 = arith.constant 0 : index
    %get3A_4 = vector.load %arg3[%get3A_2, %get3A_3] : memref<16x1xf32, #tpu.memory_space<vmem>>, vector<16x1xf32>
    %dot_general3A = arith.constant dense<0.000000e+00> : vector<429x1xf32>
    %dot_general3A_5 = tpu.matmul %get3A_1, %get3A_4, %dot_general3A {dimension_numbers = #tpu.dot_dimension_numbers<[1], [0], [0], [1], [0, 0, 1, 1], [], []>, transpose_lhs_hint = false} : vector<429x16xf32>, vector<16x1xf32>, vector<429x1xf32> -> vector<429x1xf32>
    %get3A_6 = arith.constant 0 : index
    %get3A_7 = arith.constant 0 : index
    %get3A_8 = vector.load %arg2[%get3A_6, %get3A_7] : memref<1x16xf32, #tpu.memory_space<vmem>>, vector<1x16xf32>
    %get3A_9 = arith.constant 0 : index
    %get3A_10 = arith.constant 0 : index
    %get3A_11 = vector.load %arg3[%get3A_9, %get3A_10] : memref<16x1xf32, #tpu.memory_space<vmem>>, vector<16x1xf32>
    %dot_general3A_12 = arith.constant dense<0.000000e+00> : vector<1x1xf32>
    %dot_general3A_13 = tpu.matmul %get3A_8, %get3A_11, %dot_general3A_12 {dimension_numbers = #tpu.dot_dimension_numbers<[1], [0], [0], [1], [0, 0, 1, 1], [], []>, transpose_lhs_hint = false} : vector<1x16xf32>, vector<16x1xf32>, vector<1x1xf32> -> vector<1x1xf32>
    %get3A_14 = arith.constant 0 : index
    %get3A_15 = arith.constant 0 : index
    %get3A_16 = vector.load %arg4[%get3A_14, %get3A_15] : memref<1x1xf32, #tpu.memory_space<vmem>>, vector<1x1xf32>
    %add3A = arith.addf %dot_general3A_13, %get3A_16 : vector<1x1xf32>
    %slice3A = vector.extract_strided_slice %dot_general3A_5 {offsets = [0, 0], sizes = [13, 1], strides = [1, 1]} : vector<429x1xf32> to vector<13x1xf32>
    %squeeze3A = vector.shape_cast %slice3A : vector<13x1xf32> to vector<13xf32>
    %reshape3A = vector.shape_cast %squeeze3A : vector<13xf32> to vector<1x13xf32>
    %get3A_17 = arith.constant 0 : index
    %get3A_18 = arith.constant 0 : index
    %get3A_19 = vector.load %arg0[%get3A_17, %get3A_18] : memref<13x16384xf32, #tpu.memory_space<vmem>>, vector<13x16384xf32>
    %dot_general3A_20 = arith.constant dense<0.000000e+00> : vector<1x16384xf32>
    %dot_general3A_21 = tpu.matmul %reshape3A, %get3A_19, %dot_general3A_20 {dimension_numbers = #tpu.dot_dimension_numbers<[1], [0], [0], [1], [0, 0, 1, 1], [], []>, transpose_lhs_hint = false} : vector<1x13xf32>, vector<13x16384xf32>, vector<1x16384xf32> -> vector<1x16384xf32>
    %add3A_22 = vector.broadcast %add3A : vector<1x1xf32> to vector<1x16384xf32>
    %add3A_23 = arith.addf %dot_general3A_21, %add3A_22 : vector<1x16384xf32>
    %squeeze3A_24 = vector.shape_cast %add3A_23 : vector<1x16384xf32> to vector<16384xf32>
    %swap3A = arith.constant 0 : index
    %swap3A_25 = vector.load %arg5[%swap3A] : memref<16384xf32, #tpu.memory_space<vmem>>, vector<16384xf32>
    tpu.vector_store %arg5[%swap3A], %squeeze3A_24 {strides = array<i32>} : memref<16384xf32, #tpu.memory_space<vmem>>, vector<16384xf32>,
    %slice3A_26 = vector.extract_strided_slice %dot_general3A_5 {offsets = [13, 0], sizes = [416, 1], strides = [1, 1]} : vector<429x1xf32> to vector<416x1xf32>
    %squeeze3A_27 = vector.shape_cast %slice3A_26 : vector<416x1xf32> to vector<416xf32>
    %reshape3A_28 = vector.shape_cast %squeeze3A_27 : vector<416xf32> to vector<26x16xf32>
    %swap3A_29 = arith.constant 0 : index
    %swap3A_30 = arith.constant 0 : index
    %swap3A_31 = vector.load %arg6[%swap3A_29, %swap3A_30] : memref<26x16xf32, #tpu.memory_space<vmem>>, vector<26x16xf32>
    tpu.vector_store %arg6[%swap3A_29, %swap3A_30], %reshape3A_28 {strides = array<i32>} : memref<26x16xf32, #tpu.memory_space<vmem>>, vector<26x16xf32>,
    return
  }
}

module attributes {stable_mosaic.version = 14 : i64} {
  func.func @body(%arg0: i32, %arg1: memref<1x16x100000xf32, #tpu.memory_space<vmem>>, %arg2: memref<26x16xf32, #tpu.memory_space<vmem>>, %arg3: memref<100352xf32, #tpu.memory_space<vmem>>) attributes {dimension_semantics = [#tpu.dimension_semantics<arbitrary>], iteration_bounds = array<i64: 13>, scalar_prefetch = 0 : i64, scratch_operands = 0 : i64, tpu.core_type = #tpu.core_type<tc>, window_params = [{transform_indices = @transform_0, window_bounds = array<i64: 1, 16, 100000>}, {pipeline_mode = #tpu.pipeline_mode<synchronous>, transform_indices = @transform_1, window_bounds = array<i64: 26, 16>}, {transform_indices = @transform_2, window_bounds = array<i64: 100352>}]} {
    %add3A = arith.constant 0 : i32
    %add3A_0 = arith.addi %arg0, %add3A : i32
    %get3A = arith.constant 0 : index
    %get3A_1 = arith.constant 0 : index
    %get3A_2 = arith.constant 0 : index
    %get3A_3 = vector.load %arg1[%get3A, %get3A_1, %get3A_2] : memref<1x16x100000xf32, #tpu.memory_space<vmem>>, vector<1x16x100000xf32>
    %reshape3A = vector.shape_cast %get3A_3 : vector<1x16x100000xf32> to vector<16x100000xf32>
    %get3A_4 = arith.index_cast %add3A_0 : i32 to index
    %get3A_5 = arith.constant 0 : index
    %get3A_6 = vector.load %arg2[%get3A_4, %get3A_5] : memref<26x16xf32, #tpu.memory_space<vmem>>, vector<1x16xf32>
    %dot_general3A = arith.constant dense<0.000000e+00> : vector<1x100000xf32>
    %dot_general3A_7 = tpu.matmul %get3A_6, %reshape3A, %dot_general3A {dimension_numbers = #tpu.dot_dimension_numbers<[1], [0], [0], [1], [0, 0, 1, 1], [], []>, transpose_lhs_hint = false} : vector<1x16xf32>, vector<16x100000xf32>, vector<1x100000xf32> -> vector<1x100000xf32>
    %broadcast_in_dim3A = arith.constant 0.000000e+00 : f32
    %broadcast_in_dim3A_8 = vector.broadcast %broadcast_in_dim3A : f32 to vector<1x352xf32>
    %concatenate3A = tpu.concatenate %dot_general3A_7, %broadcast_in_dim3A_8 in 1 : vector<1x100000xf32>, vector<1x352xf32> -> vector<1x100352xf32>
    %reshape3A_9 = vector.shape_cast %concatenate3A : vector<1x100352xf32> to vector<100352xf32>
    %swap3A = arith.constant 0 : index
    %swap3A_10 = vector.load %arg3[%swap3A] : memref<100352xf32, #tpu.memory_space<vmem>>, vector<100352xf32>
    tpu.vector_store %arg3[%swap3A], %reshape3A_9 {strides = array<i32>} : memref<100352xf32, #tpu.memory_space<vmem>>, vector<100352xf32>,
    return
  }
  func.func @transform_0(%arg0: i32) -> (i32, i32, i32) {
    %add3A = arith.constant 0 : i32
    %add3A_0 = arith.addi %arg0, %add3A : i32
    %c0_i32 = arith.constant 0 : i32
    %c0_i32_1 = arith.constant 0 : i32
    %c0_i32_2 = arith.constant 0 : i32
    return %add3A_0, %c0_i32, %c0_i32_1 : i32, i32, i32
  }
  func.func @transform_1(%arg0: i32) -> (i32, i32) {
    %c0_i32 = arith.constant 0 : i32
    %c0_i32_0 = arith.constant 0 : i32
    %c0_i32_1 = arith.constant 0 : i32
    return %c0_i32, %c0_i32_0 : i32, i32
  }
  func.func @transform_2(%arg0: i32) -> i32 {
    %c0_i32 = arith.constant 0 : i32
    return %arg0 : i32
  }
}

module attributes {stable_mosaic.version = 14 : i64} {
  func.func @body(%arg0: i32, %arg1: memref<1x16x100000xf32, #tpu.memory_space<vmem>>, %arg2: memref<26x16xf32, #tpu.memory_space<vmem>>, %arg3: memref<100352xf32, #tpu.memory_space<vmem>>) attributes {dimension_semantics = [#tpu.dimension_semantics<arbitrary>], iteration_bounds = array<i64: 13>, scalar_prefetch = 0 : i64, scratch_operands = 0 : i64, tpu.core_type = #tpu.core_type<tc>, window_params = [{transform_indices = @transform_0, window_bounds = array<i64: 1, 16, 100000>}, {pipeline_mode = #tpu.pipeline_mode<synchronous>, transform_indices = @transform_1, window_bounds = array<i64: 26, 16>}, {transform_indices = @transform_2, window_bounds = array<i64: 100352>}]} {
    %add3A = arith.constant 13 : i32
    %add3A_0 = arith.addi %arg0, %add3A : i32
    %get3A = arith.constant 0 : index
    %get3A_1 = arith.constant 0 : index
    %get3A_2 = arith.constant 0 : index
    %get3A_3 = vector.load %arg1[%get3A, %get3A_1, %get3A_2] : memref<1x16x100000xf32, #tpu.memory_space<vmem>>, vector<1x16x100000xf32>
    %reshape3A = vector.shape_cast %get3A_3 : vector<1x16x100000xf32> to vector<16x100000xf32>
    %get3A_4 = arith.index_cast %add3A_0 : i32 to index
    %get3A_5 = arith.constant 0 : index
    %get3A_6 = vector.load %arg2[%get3A_4, %get3A_5] : memref<26x16xf32, #tpu.memory_space<vmem>>, vector<1x16xf32>
    %dot_general3A = arith.constant dense<0.000000e+00> : vector<1x100000xf32>
    %dot_general3A_7 = tpu.matmul %get3A_6, %reshape3A, %dot_general3A {dimension_numbers = #tpu.dot_dimension_numbers<[1], [0], [0], [1], [0, 0, 1, 1], [], []>, transpose_lhs_hint = false} : vector<1x16xf32>, vector<16x100000xf32>, vector<1x100000xf32> -> vector<1x100000xf32>
    %broadcast_in_dim3A = arith.constant 0.000000e+00 : f32
    %broadcast_in_dim3A_8 = vector.broadcast %broadcast_in_dim3A : f32 to vector<1x352xf32>
    %concatenate3A = tpu.concatenate %dot_general3A_7, %broadcast_in_dim3A_8 in 1 : vector<1x100000xf32>, vector<1x352xf32> -> vector<1x100352xf32>
    %reshape3A_9 = vector.shape_cast %concatenate3A : vector<1x100352xf32> to vector<100352xf32>
    %swap3A = arith.constant 0 : index
    %swap3A_10 = vector.load %arg3[%swap3A] : memref<100352xf32, #tpu.memory_space<vmem>>, vector<100352xf32>
    tpu.vector_store %arg3[%swap3A], %reshape3A_9 {strides = array<i32>} : memref<100352xf32, #tpu.memory_space<vmem>>, vector<100352xf32>,
    return
  }
  func.func @transform_0(%arg0: i32) -> (i32, i32, i32) {
    %add3A = arith.constant 13 : i32
    %add3A_0 = arith.addi %arg0, %add3A : i32
    %c0_i32 = arith.constant 0 : i32
    %c0_i32_1 = arith.constant 0 : i32
    %c0_i32_2 = arith.constant 0 : i32
    return %add3A_0, %c0_i32, %c0_i32_1 : i32, i32, i32
  }
  func.func @transform_1(%arg0: i32) -> (i32, i32) {
    %c0_i32 = arith.constant 0 : i32
    %c0_i32_0 = arith.constant 0 : i32
    %c0_i32_1 = arith.constant 0 : i32
    return %c0_i32, %c0_i32_0 : i32, i32
  }
  func.func @transform_2(%arg0: i32) -> i32 {
    %c0_i32 = arith.constant 0 : i32
    return %arg0 : i32
  }
}

</mosaic_0001>

<sc_bundles>
// kernel: kernel.10.cloned.1.call-start
scs
__scs_entry_jumppad:
0x0: {  	(pc) =	sbr.rel $0x88, $3  }
0x1: {  	(tag) =	ssettag $0x0;
	lr =	simm.s32 $0x1  }
0x2: {  	[smem:$0x3F9A] =	sst lr;
	_ =	strace $0xD0000000  }
0x3: {  	_ = 	snop  }
0x4: {  	_ = 	snop  }
0x5: {  	_ = 	snop  }
0x6: {  	_ = 	snop  }
0x7: {  	_ = 	snop  }
__scs_overlays_trampoline_lowered:
0x8: {  	[smem:$0x3FA9] =	sst s0  }
0x9: {  	[smem:$0x3FAA] =	sst s1  }
0xa: {  	[smem:$0x3FAB] =	sst s2  }
0xb: {  	[smem:$0x3FAC] =	sst s3  }
0xc: {  	[smem:$0x3FAD] =	sst s4  }
0xd: {  	[smem:$0x3FAE] =	sst s5  }
0xe: {  	[smem:$0x3FAF] =	sst s6  }
0xf: {  	[smem:$0x3FB0] =	sst s7  }
0x10: {  	[smem:$0x3FB1] =	sst s8  }
0x11: {  	[smem:$0x3FB2] =	sst s9;
	s0 =	simm.s32 @!p0 $0x0  }
0x12: {  	s1 =	sld [smem:$0x3F98];
	s0 =	simm.s32 @p0 $0x1  }
0x13: {  	[smem:$0x3FB3] =	sst s0;
	s0 =	simm.s32 @!p1 $0x0  }
0x14: {  	s2 =	sld [smem:$0x3F97];
	s0 =	simm.s32 @p1 $0x1  }
0x15: {  	[smem:$0x3FB4] =	sst s0;
	s0 =	simm.s32 @!p2 $0x0  }
0x16: {  	s3 =	sld [smem:$0x3FDB];
	s0 =	simm.s32 @p2 $0x1  }
0x17: {  	s4 =	simm.s32 $0x1BF5;
	[smem:$0x3FB6] =	sst s0  }
0x18: {  	s0 =	sld [smem:$0x3F99];
	_ =	swait.ge [sflag:s4], $0x0  }
0x19: {  	s7 =	sld [smem:$0x3F9A]  }
0x1a: {  	s8 =	sadd.s32 $0xFFFFE003, lr  }
0x1b: {  	s9 =	sadd.s32 $0xFFFFFEF7, lr;
	s5 =	simm.s32 $0xFFFFFFFF;
	p2 =	slt.u32 s8, $0xFFFFF086  }
0x1c: {  	p1 =	slt.u32 s9, $0xF7A;
	s5 =	simm.s32 @!p2 $0x0  }
0x1d: {  	s5 =	simm.s32 @p1 $0x1;
	p0 =	seq.s32 s7, s2  }
0x1e: {  	s7 =	smul.u32 @!p0 $0xF7A, s2;
	p2 =	seq.s32 @!p0 s5, $0x0  }
0x1f: {  	s9 =	smul.u32 $0xF7A, s1;
	s8 =	simm.s32 @!p0 $0x1BF5;
	p2 =	por !p2, p0  }
0x20: {  	[sflag:s8] =	ssyncset.s32 @!p0 $0xFFFFF086;
	s6 =	sadd.s32 @!p0 s3, s7;
	s7 =	simm.s32 @!p0 $0x108  }
0x21: {  	s3 =	sadd.s32 s3, s9;
	s6 =	sadd.s32 @!p0 $0x88, s6;
	s7 =	simm.s32 @p2 $0x1082  }
0x22: {  	[simem:s7], [sflag:s8] =	dma.local @!p0 [hbm:s6], $0xF7A  }
0x23: {  	s9 =	sor.u32 $0xD0000000, s2;
	s6 =	simm.s32 $0x108;
	_ =	swait.ge @!p0 [sflag:s8], $0x0  }
0x24: {  	s3 =	sadd.s32 $0x88, s3;
	s6 =	simm.s32 @!p1 $0x1082;
	[sflag:s4] =	ssyncset.s32 $0xFFFFF086  }
0x25: {  	[simem:s6], [sflag:s4] =	dma.local [hbm:s3], $0xF7A  }
0x26: {  	[smem:$0x3F9A] =	sst s1;
	(tag) =	ssettag s2;
	_ =	strace s9  }
0x27: {  	s1 =	sld [smem:$0x3FAA]  }
0x28: {  	s2 =	sld [smem:$0x3FAB]  }
0x29: {  	s4 =	sld [smem:$0x3FAD]  }
0x2a: {  	p0 =	seq.s32 s5, $0x0;
	s5 =	sld [smem:$0x3FAE]  }
0x2b: {  	s6 =	sld [smem:$0x3FAF]  }
0x2c: {  	s7 =	sld [smem:$0x3FB0]  }
0x2d: {  	s3 =	simm.s32 $0x108;
	s8 =	sld [smem:$0x3FB1]  }
0x2e: {  	s3 =	simm.s32 @!p0 $0x1082;
	s9 =	sld [smem:$0x3FB2]  }
0x2f: {  	lr =	sadd.s32 s0, s3;
	s0 =	sld [smem:$0x3FA9]  }
0x30: {  	s3 =	sld [smem:$0x3FAC]  }
0x31: {  	[smem:$0x3FB5] =	sst s10  }
0x32: {  	s10 =	sld [smem:$0x3FB3];
	_ =	sdelay $0x3  }
0x33: {  	p0 =	seq.s32 s10, $0x1;
	s10 =	sld [smem:$0x3FB5];
	_ =	sdelay $0x3  }
0x34: {  	[smem:$0x3FB5] =	sst s10  }
0x35: {  	s10 =	sld [smem:$0x3FB4];
	_ =	sdelay $0x3  }
0x36: {  	p1 =	seq.s32 s10, $0x1;
	s10 =	sld [smem:$0x3FB5];
	_ =	sdelay $0x3  }
0x37: {  	[smem:$0x3FB5] =	sst s10  }
0x38: {  	s10 =	sld [smem:$0x3FB6]  }
0x39: {  	_ = 	snop;
	(pc) =	sbr.ind lr, $3  }
0x3a: {  	_ = 	snop  }
0x3b: {  	_ = 	snop  }
0x3c: {  	p2 =	seq.s32 s10, $0x1;
	s10 =	sld [smem:$0x3FB5]  }
0x3d: {  	_ =	shalt  }
0x3e: {  	_ =	shalt  }
0x3f: {  	_ =	shalt  }
0x40: {  	_ =	shalt  }
0x41: {  	_ =	shalt  }
0x42: {  	_ =	shalt  }
0x43: {  	_ =	shalt  }
0x44: {  	_ =	shalt  }
0x45: {  	_ =	shalt  }
0x46: {  	_ =	shalt  }
0x47: {  	_ =	shalt  }
0x48: {  	_ =	shalt  }
0x49: {  	_ =	shalt  }
0x4a: {  	_ =	shalt  }
0x4b: {  	_ =	shalt  }
0x4c: {  	_ =	shalt  }
0x4d: {  	_ =	shalt  }
0x4e: {  	_ =	shalt  }
0x4f: {  	_ =	shalt  }
0x50: {  	_ =	shalt  }
0x51: {  	_ =	shalt  }
0x52: {  	_ =	shalt  }
0x53: {  	_ =	shalt  }
0x54: {  	_ =	shalt  }
0x55: {  	_ =	shalt  }
0x56: {  	_ =	shalt  }
0x57: {  	_ =	shalt  }
0x58: {  	_ =	shalt  }
0x59: {  	_ =	shalt  }
0x5a: {  	_ =	shalt  }
0x5b: {  	_ =	shalt  }
0x5c: {  	_ =	shalt  }
0x5d: {  	_ =	shalt  }
0x5e: {  	_ =	shalt  }
0x5f: {  	_ =	shalt  }
0x60: {  	_ =	shalt  }
0x61: {  	_ =	shalt  }
0x62: {  	_ =	shalt  }
0x63: {  	_ =	shalt  }
0x64: {  	_ =	shalt  }
0x65: {  	_ =	shalt  }
0x66: {  	_ =	shalt  }
0x67: {  	_ =	shalt  }
0x68: {  	_ =	shalt  }
0x69: {  	_ =	shalt  }
0x6a: {  	_ =	shalt  }
0x6b: {  	_ =	shalt  }
0x6c: {  	_ =	shalt  }
0x6d: {  	_ =	shalt  }
0x6e: {  	_ =	shalt  }
0x6f: {  	_ =	shalt  }
0x70: {  	_ =	shalt  }
0x71: {  	_ =	shalt  }
0x72: {  	_ =	shalt  }
0x73: {  	_ =	shalt  }
0x74: {  	_ =	shalt  }
0x75: {  	_ =	shalt  }
0x76: {  	_ =	shalt  }
0x77: {  	_ =	shalt  }
0x78: {  	_ =	shalt  }
0x79: {  	_ =	shalt  }
0x7a: {  	_ =	shalt  }
0x7b: {  	_ =	shalt  }
0x7c: {  	_ =	shalt  }
0x7d: {  	_ =	shalt  }
0x7e: {  	_ =	shalt  }
0x7f: {  	_ =	shalt  }
0x80: {  	_ =	shalt  }
0x81: {  	_ =	shalt  }
0x82: {  	_ =	shalt  }
0x83: {  	_ =	shalt  }
0x84: {  	_ =	shalt  }
0x85: {  	_ =	shalt  }
0x86: {  	_ =	shalt  }
0x87: {  	_ =	shalt  }
.Lfunc_end0:
.L_simem_size_0:
called_computation.1_lowered:
.L_overlay_start_0:
0x88: {  	s2 =	sld [smem:$0x3FD9]  }
0x89: {  	s3 =	sld [smem:$0x3FFE];
	_ =	sdelay $0x1  }
0x8a: {  	s1 =	srdreg.scid  }
0x8b: {  	s0 =	sand.u32 $0x1, s1  }
0x8c: {  	s17 =	sshll.u32 s0, $0xA;
	s2 =	sadd.s32 s3, s2  }
0x8d: {  	s2 =	sadd.s32 s2, s17  }
0x8e: {  	[smem:$0x3FC1] =	sst s2  }
0x8f: {  	_ = 	snop  }
0x90: {  	s2 =	sld [smem:$0x3FD0];
	(tm) =	ssettm $0x1  }
0x91: {  	s18 =	sld [smem:$0x3FFB];
	_ =	sdelay $0x3  }
0x92: {  	_ =	strace s18  }
0x93: {  	s3 =	sld [smem:$0x3FFC];
	_ =	sdelay $0x3  }
0x94: {  	_ =	strace s3  }
0x95: {  	s3 =	sld [smem:$0x3FFD];
	_ =	sdelay $0x3  }
0x96: {  	_ =	strace s3  }
0x97: {  	_ =	strace $0x8FFFFFFF  }
0x98: {  	s19 =	sld [smem:$0x3FDB];
	_ =	sdelay $0x1  }
0x99: {  	s4 =	simm.s32 $_scs_section_size  }
0x9a: {  	s5 =	simm.s32 $_size__tile_overlayer_lowered;
	s6 =	simm.s32 $_tile_overlayer_lowered  }
0x9b: {  	s22 =	simm.s32 $0x1BFF;
	s21 =	sshll.u32 s6, $0x1;
	s3 =	sadd.s32 s4, s19  }
0x9c: {  	s7 =	simm.s32 $0x0;
	s20 =	sshll.u32 s5, $0x1;
	s5 =	sadd.s32 s21, s3  }
0x9d: {  	[timem:s7], [sflag:s22] =	dma.local [hbm:s5], s20  }
0x9e: {  	_ =	swait.ge [sflag:s22], s20  }
0x9f: {  	s4 =	ssub.s32 $0x0, s20;
	[sflag:s22] =	ssyncset.done $0x0  }
0xa0: {  	[sflag:s22] =	ssyncadd.s32 s4;
	_ =	sdelay $0x1  }
0xa1: {  	s23 =	simm.s32 $0x1B8B  }
0xa2: {  	_ =	swait.ge [sflag:s23], $0x1  }
0xa3: {  	[sflag:s23] =	ssyncset.done $0x0  }
0xa4: {  	s25 =	simm.s32 $0x1B8E;
	s24 =	sld [smem:$0x3FFE];
	[sflag:s23] =	ssyncadd.s32 $0xFFFFFFFF  }
0xa5: {  	s26 =	simm.s32 $execute0_lowered;
	[smem:$0x3FD2] =	sst s25  }
0xa6: {  	s5 =	sshll.u32 s26, $0x1;
	_ =	strace $0x80000049;
	[dreg:$0x1] =	wrdreg $0xFFFFFFFF  }
0xa7: {  	s28 =	simm.s32 $_size_execute0_lowered;
	s3 =	sadd.s32 s3, s5;
	[dreg:$0x0] =	wrdreg $0x0  }
0xa8: {  	s5 =	sshll.u32 s28, $0x1;
	[dreg:$0x2] =	wrdreg s3  }
0xa9: {  	[dreg:$0x3] =	wrdreg s5  }
0xaa: {  	[dreg:$0x4] =	wrdreg $0xC0  }
0xab: {  	_ =	task [dreg:s7], $0x5FFFF  }
0xac: {  	[dreg:$0x1] =	wrdreg $0xFFFFFFFF  }
0xad: {  	[dreg:$0x0] =	wrdreg $0x60  }
0xae: {  	[dreg:$0x2] =	wrdreg s24  }
0xaf: {  	[dreg:$0x3] =	wrdreg s2  }
0xb0: {  	[dreg:$0x4] =	wrdreg $0x9  }
0xb1: {  	_ =	task.clear_ibuf [dreg:s7], $0x5FFFF;
	_ =	strace $0x90000049  }
0xb2: {  	s29 =	simm.s32 $0x9;
	_ =	strace $0x8000004B  }
0xb3: {  	_ =	swait.ge [sflag:s29], $0x1  }
0xb4: {  	[sflag:s29] =	ssyncadd.s32 $0xFFFFFFFF  }
0xb5: {  	_ =	strace $0x9000004B  }
0xb6: {  	_ =	sfence  }
0xb7: {  	s30 =	sld [smem:$0x0];
	_ =	sdelay $0x2  }
0xb8: {  	s31 =	sshll.u32 s1, $0xD;
	s1 =	sshrl.u32 s1, $0x2  }
0xb9: {  	s3 =	sand.u32 $0x4000, s31;
	s1 =	sadd.s32 s1, s30  }
0xba: {  	s0 =	sor.u32 s3, s0;
	s1 =	sshll.u32 s1, $0x11  }
0xbb: {  	s0 =	sor.u32 s1, s0  }
0xbc: {  	s0 =	sadd.s32 $0x8F2B, s0  }
0xbd: {  	[sflag:s0] =	ssyncadd.remote.s32 $0x1  }
0xbe: {  	_ =	sfence.sel $0xFFFF  }
0xbf: {  	[dreg:$0x0] =	wrdreg $0xFFFFFFFF;
	(pc) =	sbr.abs _section_cstart, $3  }
0xc0: {  	[dreg:$0x1] =	wrdreg $0xFFFFFFFF  }
0xc1: {  	_ =	task.clear_ibuf [dreg:s7], $0x2FFFF;
	_ =	strace $0x9FFFFFFF  }
0xc2: {  	(tm) =	ssettm $0x7FFFFFFF  }
0xc3: {  	_ =	shalt  }
tec
execute0_lowered:
.L_overlay_start_1:
0x0: {  	(tag) =	ssettag $0x1  }
0x1: {  	s0 =	rddreg [dreg:$0x0]  }
0x2: {  	s1 =	rddreg [dreg:$0x1];
	s2 =	srdreg.scid  }
0x3: {  	s4 =	stileid.u32;
	s9 =	simm.s32 $0x4000;
	s10 =	simm.s32 $0x2  }
0x4: {  	s12 =	simm.s32 $0x80;
	s11 =	simm.s32 $0x4A00;
	s13 =	simm.s32 $0x6400  }
0x5: {  	s14 =	simm.s32 $0x4A80;
	s15 =	simm.s32 $0x6480;
	s16 =	simm.s32 $0x4B00  }
0x6: {  	s17 =	simm.s32 $0x6500;
	s18 =	simm.s32 $0x4B80;
	s19 =	simm.s32 $0x6580  }
0x7: {  	s20 =	simm.s32 $0x4C00;
	s21 =	simm.s32 $0x6600;
	s22 =	simm.s32 $0x4C80  }
0x8: {  	s23 =	simm.s32 $0x6680;
	s24 =	simm.s32 $0x4D00;
	s28 =	simm.s32 $0x6780  }
0x9: {  	s29 =	simm.s32 $0x1;
	s30 =	simm.s32 $0x6A00;
	s31 =	simm.s32 $0x0  }
0xa: {  	s3 =	sand.u32 $0x1, s2;
	s2 =	simm.s32 $0x0;
	s4 =	sshll.u32 s4, $0x7  }
0xb: {  	s5 =	sshll.u32 s3, $0x6;
	[smem:$0x7FF] =	sst s2;
	s25 =	ssub.s32 $0x2, s3  }
0xc: {  	s3 =	sadd.s32 $0x36A00, s0;
	s6 =	sor.u32 s5, s4;
	s7 =	sshrl.u32 s25, $0x1  }
0xd: {  	_ =	strace $0x8000004A;
	s5 =	sadd.s32 s6, s0;
	s26 =	ssub.s32 s25, s7  }
0xe: {  	s6 =	sadd.s32 s1, s6;
	s25 =	simm.s32 $0x6700;
	s4 =	sadd.s32 $0x1400, s5  }
0xf: {  	s5 =	sadd.s32 $0x36200, s5;
	s7 =	smax.u32 s26, $0x1;
	s26 =	simm.s32 $0x4D80  }
.LBB2_1:
0x10: {  	s0 =	simm.s32 $0x200  }
0x11: {  	[tilespmem:s2], [sflag:$0x2] =	stream.strided.gather [hbm4b:s4+s0], $0x3400, s9, s0, $0x38;
	[tilespmem:$0x6C00] =	vst v63  }
0x12: {  	_ =	swait.ge [sflag:s10], $0x3400  }
0x13: {  	[sflag:s10] =	ssyncset.done $0x0  }
0x14: {  	s8 =	simm.s32 $0x6800;
	[sflag:s10] =	ssyncadd.s32 $0xFFFFCC00  }
0x15: {  	[tilespmem:s8], [sflag:$0x2] =	stream.linear.gather [hbm4b:s5+s2], $0x200, $0x38;
	[tilespmem:$0x6C00] =	vst v63  }
0x16: {  	_ =	swait.ge [sflag:s10], $0x200  }
0x17: {  	[sflag:s10] =	ssyncset.done $0x0  }
0x18: {  	s0 =	simm.s32 $0xFFFFFE00;
	[sflag:s10] =	ssyncadd.s32 $0xFFFFFE00  }
0x19: {  	v0 =	vld [tilespmem:s0+$0x3400]  }
0x1a: {  	v1 =	vld [tilespmem:s0+$0x1E00]  }
0x1b: {  	v2 =	vld [tilespmem:s0+$0x2000]  }
0x1c: {  	v3 =	vld [tilespmem:s0+$0x2200]  }
0x1d: {  	v4 =	vld [tilespmem:s0+$0x2400]  }
0x1e: {  	v5 =	vld [tilespmem:s0+$0x2600];
	v0 =	vadd.s32 $0x126000, v0  }
0x1f: {  	v6 =	vld [tilespmem:s0+$0x2800];
	v1 =	vadd.s32 $0x18800, v1;
	[tilespmem:s0+$0x4E00] =	vst v0  }
0x20: {  	v7 =	vld [tilespmem:s0+$0x2A00];
	[tilespmem:s0+$0x3800] =	vst v1;
	v0 =	vadd.s32 $0x31000, v2  }
0x21: {  	v2 =	vld [tilespmem:s0+$0x2C00];
	[tilespmem:s0+$0x3A00] =	vst v0;
	v0 =	vadd.s32 $0x49800, v3  }
0x22: {  	v3 =	vld [tilespmem:s0+$0x2E00];
	[tilespmem:s0+$0x3C00] =	vst v0;
	v0 =	vadd.s32 $0x62000, v4  }
0x23: {  	v4 =	vld [tilespmem:s0+$0x3000];
	[tilespmem:s0+$0x3E00] =	vst v0;
	v0 =	vadd.s32 $0x7A800, v5  }
0x24: {  	v1 =	vld [tilespmem:s0+$0x3200];
	v5 =	vadd.s32 $0x93000, v6;
	[tilespmem:s0+$0x4000] =	vst v0  }
0x25: {  	s1 =	simm.s32 $0xFFFFFE10;
	s8 =	simm.s32 $0xFFFFF880;
	v0 =	vld [tilespmem:s0+$0x1C00];
	[tilespmem:s0+$0x4200] =	vst v5;
	v5 =	vadd.s32 $0xAB800, v7  }
.LBB2_2:
0x26: {  	p0 =	sne.s32 s8, $0xFFFFFFC0;
	v6 =	vld [tilespmem:s1+$0x3400];
	[tilespmem:s0+$0x4400] =	vst v5;
	v2 =	vadd.s32 $0xC4000, v2  }
0x27: {  	v5 =	vld [tilespmem:s1+$0x1E00];
	[tilespmem:s0+$0x4600] =	vst v2;
	v2 =	vadd.s32 $0xDC800, v3  }
0x28: {  	v3 =	vld [tilespmem:s1+$0x2000];
	[tilespmem:s0+$0x4800] =	vst v2;
	v2 =	vadd.s32 $0xF5000, v4  }
0x29: {  	v4 =	vld [tilespmem:s1+$0x2200];
	[tilespmem:s0+$0x4A00] =	vst v2;
	v1 =	vadd.s32 $0x10D800, v1  }
0x2a: {  	v7 =	vld [tilespmem:s1+$0x2400];
	[tilespmem:s0+$0x4C00] =	vst v1  }
0x2b: {  	v1 =	vld [tilespmem:s1+$0x2600];
	v2 =	vadd.s32 $0x126000, v6;
	[tilespmem:s0+$0x3600] =	vst v0;
	s0 =	smov.u32 s1  }
0x2c: {  	v0 =	vadd.s32 $0x18800, v5;
	v5 =	vld [tilespmem:s0+$0x2800];
	[tilespmem:s0+$0x4E00] =	vst v2  }
0x2d: {  	[tilespmem:s0+$0x3800] =	vst v0;
	v0 =	vadd.s32 $0x31000, v3;
	v6 =	vld [tilespmem:s0+$0x2A00]  }
.Ltmp0:
0x2e: {  	[tilespmem:s0+$0x3A00] =	vst v0;
	v0 =	vadd.s32 $0x49800, v4;
	v2 =	vld [tilespmem:s0+$0x2C00];
	(pc) =	sbr.rel @p0 .LBB2_2-.Ltmp0, $4  }
0x2f: {  	[tilespmem:s0+$0x3C00] =	vst v0;
	v0 =	vadd.s32 $0x62000, v7;
	v3 =	vld [tilespmem:s0+$0x2E00]  }
0x30: {  	[tilespmem:s0+$0x3E00] =	vst v0;
	v0 =	vadd.s32 $0x7A800, v1;
	v4 =	vld [tilespmem:s0+$0x3000]  }
0x31: {  	[tilespmem:s0+$0x4000] =	vst v0;
	v5 =	vadd.s32 $0x93000, v5;
	v1 =	vld [tilespmem:s0+$0x3200]  }
0x32: {  	s1 =	sshra.s32 s8, $0x2;
	s8 =	sadd.s32 $0x40, s8;
	v0 =	vld [tilespmem:s0+$0x1C00];
	[tilespmem:s0+$0x4200] =	vst v5;
	v5 =	vadd.s32 $0xAB800, v6  }
0x33: {  	v6 =	vld [tilespmem:s1+$0x3400];
	[tilespmem:s0+$0x4400] =	vst v5;
	v2 =	vadd.s32 $0xC4000, v2  }
0x34: {  	v5 =	vld [tilespmem:s1+$0x1E00];
	[tilespmem:s0+$0x4600] =	vst v2;
	v2 =	vadd.s32 $0xDC800, v3  }
0x35: {  	v3 =	vld [tilespmem:s1+$0x2000];
	[tilespmem:s0+$0x4800] =	vst v2;
	v2 =	vadd.s32 $0xF5000, v4  }
0x36: {  	v4 =	vld [tilespmem:s1+$0x2200];
	[tilespmem:s0+$0x4A00] =	vst v2;
	v1 =	vadd.s32 $0x10D800, v1  }
0x37: {  	v2 =	vld [tilespmem:s1+$0x2400];
	[tilespmem:s0+$0x4C00] =	vst v1  }
0x38: {  	v1 =	vld [tilespmem:s1+$0x2600];
	[tilespmem:s0+$0x3600] =	vst v0;
	v0 =	vadd.s32 $0x126000, v6  }
0x39: {  	v6 =	vld [tilespmem:s1+$0x2800];
	v5 =	vadd.s32 $0x18800, v5;
	[tilespmem:s1+$0x4E00] =	vst v0  }
0x3a: {  	[tilespmem:s1+$0x3800] =	vst v5;
	v0 =	vadd.s32 $0x31000, v3;
	v3 =	vld [tilespmem:s1+$0x2A00]  }
0x3b: {  	[tilespmem:s1+$0x3A00] =	vst v0;
	v0 =	vadd.s32 $0x49800, v4;
	v4 =	vld [tilespmem:s1+$0x2C00]  }
0x3c: {  	[tilespmem:s1+$0x3C00] =	vst v0;
	v0 =	vadd.s32 $0x62000, v2;
	v2 =	vld [tilespmem:s1+$0x2E00]  }
0x3d: {  	[tilespmem:s1+$0x3E00] =	vst v0;
	v0 =	vadd.s32 $0x7A800, v1;
	v1 =	vld [tilespmem:s1+$0x3000]  }
0x3e: {  	[tilespmem:s1+$0x4000] =	vst v0;
	v0 =	vld [tilespmem:s1+$0x3200];
	v5 =	vadd.s32 $0x93000, v6  }
0x3f: {  	v6 =	vld [tilespmem:s1+$0x1C00];
	[tilespmem:s1+$0x4200] =	vst v5;
	v3 =	vadd.s32 $0xAB800, v3  }
0x40: {  	[tilespmem:s1+$0x4400] =	vst v3;
	v3 =	vadd.s32 $0xC4000, v4  }
0x41: {  	[tilespmem:s1+$0x4600] =	vst v3;
	v2 =	vadd.s32 $0xDC800, v2  }
0x42: {  	[tilespmem:s1+$0x4800] =	vst v2;
	v1 =	vadd.s32 $0xF5000, v1  }
0x43: {  	[tilespmem:s1+$0x4A00] =	vst v1  }
0x44: {  	v0 =	vadd.s32 $0x10D800, v0;
	[tilespmem:s1+$0x3600] =	vst v6  }
0x45: {  	s8 =	simm.s32 $0x4E00;
	[tilespmem:s1+$0x4C00] =	vst v0;
	s1 =	simm.s32 $0x3400  }
0x46: {  	[tilespmem:s8], [sflag:$0x1] =	stream.indirect.gather [hbm4b:s3+s12], $0x1, s1, s12, $0xb8;
	[tilespmem:$0x6C00] =	vst v63  }
0x47: {  	s1 =	simm.s32 $0x3480;
	s8 =	simm.s32 $0x4E80  }
0x48: {  	[tilespmem:s8], [sflag:$0x1] =	stream.indirect.gather [hbm4b:s3+s12], $0x1, s1, s12, $0xb8;
	[tilespmem:$0x6C00] =	vst v63  }
0x49: {  	s1 =	simm.s32 $0x3500;
	s8 =	simm.s32 $0x4F00  }
0x4a: {  	[tilespmem:s8], [sflag:$0x1] =	stream.indirect.gather [hbm4b:s3+s12], $0x1, s1, s12, $0xb8;
	[tilespmem:$0x6C00] =	vst v63  }
0x4b: {  	s1 =	simm.s32 $0x3580;
	s8 =	simm.s32 $0x4F80  }
0x4c: {  	[tilespmem:s8], [sflag:$0x1] =	stream.indirect.gather [hbm4b:s3+s12], $0x1, s1, s12, $0xb8;
	[tilespmem:$0x6C00] =	vst v63  }
0x4d: {  	s1 =	simm.s32 $0x3600;
	s8 =	simm.s32 $0x5000  }
0x4e: {  	[tilespmem:s8], [sflag:$0x1] =	stream.indirect.gather [hbm4b:s3+s12], $0x1, s1, s12, $0xb8;
	[tilespmem:$0x6C00] =	vst v63  }
0x4f: {  	s1 =	simm.s32 $0x3680;
	s8 =	simm.s32 $0x5080  }
0x50: {  	[tilespmem:s8], [sflag:$0x1] =	stream.indirect.gather [hbm4b:s3+s12], $0x1, s1, s12, $0xb8;
	[tilespmem:$0x6C00] =	vst v63  }
0x51: {  	s1 =	simm.s32 $0x3700;
	s8 =	simm.s32 $0x5100  }
0x52: {  	[tilespmem:s8], [sflag:$0x1] =	stream.indirect.gather [hbm4b:s3+s12], $0x1, s1, s12, $0xb8;
	[tilespmem:$0x6C00] =	vst v63  }
0x53: {  	s1 =	simm.s32 $0x3780;
	s8 =	simm.s32 $0x5180  }
0x54: {  	[tilespmem:s8], [sflag:$0x1] =	stream.indirect.gather [hbm4b:s3+s12], $0x1, s1, s12, $0xb8;
	[tilespmem:$0x6C00] =	vst v63  }
0x55: {  	s1 =	simm.s32 $0x3800;
	s8 =	simm.s32 $0x5200  }
0x56: {  	[tilespmem:s8], [sflag:$0x1] =	stream.indirect.gather [hbm4b:s3+s12], $0x1, s1, s12, $0xb8;
	[tilespmem:$0x6C00] =	vst v63  }
0x57: {  	s1 =	simm.s32 $0x3880;
	s8 =	simm.s32 $0x5280  }
0x58: {  	[tilespmem:s8], [sflag:$0x1] =	stream.indirect.gather [hbm4b:s3+s12], $0x1, s1, s12, $0xb8;
	[tilespmem:$0x6C00] =	vst v63  }
0x59: {  	s1 =	simm.s32 $0x3900;
	s8 =	simm.s32 $0x5300  }
0x5a: {  	[tilespmem:s8], [sflag:$0x1] =	stream.indirect.gather [hbm4b:s3+s12], $0x1, s1, s12, $0xb8;
	[tilespmem:$0x6C00] =	vst v63  }
0x5b: {  	s1 =	simm.s32 $0x3980;
	s8 =	simm.s32 $0x5380  }
0x5c: {  	[tilespmem:s8], [sflag:$0x1] =	stream.indirect.gather [hbm4b:s3+s12], $0x1, s1, s12, $0xb8;
	[tilespmem:$0x6C00] =	vst v63  }
0x5d: {  	s1 =	simm.s32 $0x3A00;
	s8 =	simm.s32 $0x5400  }
0x5e: {  	[tilespmem:s8], [sflag:$0x1] =	stream.indirect.gather [hbm4b:s3+s12], $0x1, s1, s12, $0xb8;
	[tilespmem:$0x6C00] =	vst v63  }
0x5f: {  	s1 =	simm.s32 $0x3A80;
	s8 =	simm.s32 $0x5480  }
0x60: {  	[tilespmem:s8], [sflag:$0x1] =	stream.indirect.gather [hbm4b:s3+s12], $0x1, s1, s12, $0xb8;
	[tilespmem:$0x6C00] =	vst v63  }
0x61: {  	s1 =	simm.s32 $0x3B00;
	s8 =	simm.s32 $0x5500  }
0x62: {  	[tilespmem:s8], [sflag:$0x1] =	stream.indirect.gather [hbm4b:s3+s12], $0x1, s1, s12, $0xb8;
	[tilespmem:$0x6C00] =	vst v63  }
0x63: {  	s1 =	simm.s32 $0x3B80;
	s8 =	simm.s32 $0x5580  }
0x64: {  	[tilespmem:s8], [sflag:$0x1] =	stream.indirect.gather [hbm4b:s3+s12], $0x1, s1, s12, $0xb8;
	[tilespmem:$0x6C00] =	vst v63  }
0x65: {  	s1 =	simm.s32 $0x3C00;
	s8 =	simm.s32 $0x5600  }
0x66: {  	[tilespmem:s8], [sflag:$0x1] =	stream.indirect.gather [hbm4b:s3+s12], $0x1, s1, s12, $0xb8;
	[tilespmem:$0x6C00] =	vst v63  }
0x67: {  	s1 =	simm.s32 $0x3C80;
	s8 =	simm.s32 $0x5680  }
0x68: {  	[tilespmem:s8], [sflag:$0x1] =	stream.indirect.gather [hbm4b:s3+s12], $0x1, s1, s12, $0xb8;
	[tilespmem:$0x6C00] =	vst v63  }
0x69: {  	s1 =	simm.s32 $0x3D00;
	s8 =	simm.s32 $0x5700  }
0x6a: {  	[tilespmem:s8], [sflag:$0x1] =	stream.indirect.gather [hbm4b:s3+s12], $0x1, s1, s12, $0xb8;
	[tilespmem:$0x6C00] =	vst v63  }
0x6b: {  	s1 =	simm.s32 $0x3D80;
	s8 =	simm.s32 $0x5780  }
0x6c: {  	[tilespmem:s8], [sflag:$0x1] =	stream.indirect.gather [hbm4b:s3+s12], $0x1, s1, s12, $0xb8;
	[tilespmem:$0x6C00] =	vst v63  }
0x6d: {  	s1 =	simm.s32 $0x3E00;
	s8 =	simm.s32 $0x5800  }
0x6e: {  	[tilespmem:s8], [sflag:$0x1] =	stream.indirect.gather [hbm4b:s3+s12], $0x1, s1, s12, $0xb8;
	[tilespmem:$0x6C00] =	vst v63  }
0x6f: {  	s1 =	simm.s32 $0x3E80;
	s8 =	simm.s32 $0x5880  }
0x70: {  	[tilespmem:s8], [sflag:$0x1] =	stream.indirect.gather [hbm4b:s3+s12], $0x1, s1, s12, $0xb8;
	[tilespmem:$0x6C00] =	vst v63  }
0x71: {  	s1 =	simm.s32 $0x3F00;
	s8 =	simm.s32 $0x5900  }
0x72: {  	[tilespmem:s8], [sflag:$0x1] =	stream.indirect.gather [hbm4b:s3+s12], $0x1, s1, s12, $0xb8;
	[tilespmem:$0x6C00] =	vst v63  }
0x73: {  	s1 =	simm.s32 $0x3F80;
	s8 =	simm.s32 $0x5980  }
0x74: {  	[tilespmem:s8], [sflag:$0x1] =	stream.indirect.gather [hbm4b:s3+s12], $0x1, s1, s12, $0xb8;
	[tilespmem:$0x6C00] =	vst v63  }
0x75: {  	s8 =	simm.s32 $0x5A00  }
0x76: {  	[tilespmem:s8], [sflag:$0x1] =	stream.indirect.gather [hbm4b:s3+s12], $0x1, s9, s12, $0xb8;
	[tilespmem:$0x6C00] =	vst v63  }
0x77: {  	s1 =	simm.s32 $0x4080;
	s8 =	simm.s32 $0x5A80  }
0x78: {  	[tilespmem:s8], [sflag:$0x1] =	stream.indirect.gather [hbm4b:s3+s12], $0x1, s1, s12, $0xb8;
	[tilespmem:$0x6C00] =	vst v63  }
0x79: {  	s1 =	simm.s32 $0x4100;
	s8 =	simm.s32 $0x5B00  }
0x7a: {  	[tilespmem:s8], [sflag:$0x1] =	stream.indirect.gather [hbm4b:s3+s12], $0x1, s1, s12, $0xb8;
	[tilespmem:$0x6C00] =	vst v63  }
0x7b: {  	s1 =	simm.s32 $0x4180;
	s8 =	simm.s32 $0x5B80  }
0x7c: {  	[tilespmem:s8], [sflag:$0x1] =	stream.indirect.gather [hbm4b:s3+s12], $0x1, s1, s12, $0xb8;
	[tilespmem:$0x6C00] =	vst v63  }
0x7d: {  	s1 =	simm.s32 $0x4200;
	s8 =	simm.s32 $0x5C00  }
0x7e: {  	[tilespmem:s8], [sflag:$0x1] =	stream.indirect.gather [hbm4b:s3+s12], $0x1, s1, s12, $0xb8;
	[tilespmem:$0x6C00] =	vst v63  }
0x7f: {  	s1 =	simm.s32 $0x4280;
	s8 =	simm.s32 $0x5C80  }
0x80: {  	[tilespmem:s8], [sflag:$0x1] =	stream.indirect.gather [hbm4b:s3+s12], $0x1, s1, s12, $0xb8;
	[tilespmem:$0x6C00] =	vst v63  }
0x81: {  	s1 =	simm.s32 $0x4300;
	s8 =	simm.s32 $0x5D00  }
0x82: {  	[tilespmem:s8], [sflag:$0x1] =	stream.indirect.gather [hbm4b:s3+s12], $0x1, s1, s12, $0xb8;
	[tilespmem:$0x6C00] =	vst v63  }
0x83: {  	s1 =	simm.s32 $0x4380;
	s8 =	simm.s32 $0x5D80  }
0x84: {  	[tilespmem:s8], [sflag:$0x1] =	stream.indirect.gather [hbm4b:s3+s12], $0x1, s1, s12, $0xb8;
	[tilespmem:$0x6C00] =	vst v63  }
0x85: {  	s1 =	simm.s32 $0x4400;
	s8 =	simm.s32 $0x5E00  }
0x86: {  	[tilespmem:s8], [sflag:$0x1] =	stream.indirect.gather [hbm4b:s3+s12], $0x1, s1, s12, $0xb8;
	[tilespmem:$0x6C00] =	vst v63  }
0x87: {  	s1 =	simm.s32 $0x4480;
	s8 =	simm.s32 $0x5E80  }
0x88: {  	[tilespmem:s8], [sflag:$0x1] =	stream.indirect.gather [hbm4b:s3+s12], $0x1, s1, s12, $0xb8;
	[tilespmem:$0x6C00] =	vst v63  }
0x89: {  	s1 =	simm.s32 $0x4500;
	s8 =	simm.s32 $0x5F00  }
0x8a: {  	[tilespmem:s8], [sflag:$0x1] =	stream.indirect.gather [hbm4b:s3+s12], $0x1, s1, s12, $0xb8;
	[tilespmem:$0x6C00] =	vst v63  }
0x8b: {  	s1 =	simm.s32 $0x4580;
	s8 =	simm.s32 $0x5F80  }
0x8c: {  	[tilespmem:s8], [sflag:$0x1] =	stream.indirect.gather [hbm4b:s3+s12], $0x1, s1, s12, $0xb8;
	[tilespmem:$0x6C00] =	vst v63  }
0x8d: {  	s1 =	simm.s32 $0x4600;
	s8 =	simm.s32 $0x6000  }
0x8e: {  	[tilespmem:s8], [sflag:$0x1] =	stream.indirect.gather [hbm4b:s3+s12], $0x1, s1, s12, $0xb8;
	[tilespmem:$0x6C00] =	vst v63  }
0x8f: {  	s1 =	simm.s32 $0x4680;
	s8 =	simm.s32 $0x6080  }
0x90: {  	[tilespmem:s8], [sflag:$0x1] =	stream.indirect.gather [hbm4b:s3+s12], $0x1, s1, s12, $0xb8;
	[tilespmem:$0x6C00] =	vst v63  }
0x91: {  	s1 =	simm.s32 $0x4700;
	s8 =	simm.s32 $0x6100  }
0x92: {  	[tilespmem:s8], [sflag:$0x1] =	stream.indirect.gather [hbm4b:s3+s12], $0x1, s1, s12, $0xb8;
	[tilespmem:$0x6C00] =	vst v63  }
0x93: {  	s1 =	simm.s32 $0x4780;
	s8 =	simm.s32 $0x6180  }
0x94: {  	[tilespmem:s8], [sflag:$0x1] =	stream.indirect.gather [hbm4b:s3+s12], $0x1, s1, s12, $0xb8;
	[tilespmem:$0x6C00] =	vst v63  }
0x95: {  	s1 =	simm.s32 $0x4800;
	s8 =	simm.s32 $0x6200  }
0x96: {  	[tilespmem:s8], [sflag:$0x1] =	stream.indirect.gather [hbm4b:s3+s12], $0x1, s1, s12, $0xb8;
	[tilespmem:$0x6C00] =	vst v63  }
0x97: {  	s1 =	simm.s32 $0x4880;
	s8 =	simm.s32 $0x6280  }
0x98: {  	[tilespmem:s8], [sflag:$0x1] =	stream.indirect.gather [hbm4b:s3+s12], $0x1, s1, s12, $0xb8;
	[tilespmem:$0x6C00] =	vst v63  }
0x99: {  	s1 =	simm.s32 $0x4900;
	s8 =	simm.s32 $0x6300  }
0x9a: {  	[tilespmem:s8], [sflag:$0x1] =	stream.indirect.gather [hbm4b:s3+s12], $0x1, s1, s12, $0xb8;
	[tilespmem:$0x6C00] =	vst v63  }
0x9b: {  	s1 =	simm.s32 $0x4980;
	s8 =	simm.s32 $0x6380  }
0x9c: {  	[tilespmem:s8], [sflag:$0x1] =	stream.indirect.gather [hbm4b:s3+s12], $0x1, s1, s12, $0xb8;
	[tilespmem:$0x6C00] =	vst v63  }
0x9d: {  	_ = 	snop  }
0x9e: {  	[tilespmem:s13], [sflag:$0x1] =	stream.indirect.gather [hbm4b:s3+s12], $0x1, s11, s12, $0xb8;
	[tilespmem:$0x6C00] =	vst v63  }
0x9f: {  	_ = 	snop  }
0xa0: {  	[tilespmem:s15], [sflag:$0x1] =	stream.indirect.gather [hbm4b:s3+s12], $0x1, s14, s12, $0xb8;
	[tilespmem:$0x6C00] =	vst v63  }
0xa1: {  	_ = 	snop  }
0xa2: {  	[tilespmem:s17], [sflag:$0x1] =	stream.indirect.gather [hbm4b:s3+s12], $0x1, s16, s12, $0xb8;
	[tilespmem:$0x6C00] =	vst v63  }
0xa3: {  	_ = 	snop  }
0xa4: {  	[tilespmem:s19], [sflag:$0x1] =	stream.indirect.gather [hbm4b:s3+s12], $0x1, s18, s12, $0xb8;
	[tilespmem:$0x6C00] =	vst v63  }
0xa5: {  	_ = 	snop  }
0xa6: {  	[tilespmem:s21], [sflag:$0x1] =	stream.indirect.gather [hbm4b:s3+s12], $0x1, s20, s12, $0xb8;
	[tilespmem:$0x6C00] =	vst v63  }
0xa7: {  	_ = 	snop  }
0xa8: {  	[tilespmem:s23], [sflag:$0x1] =	stream.indirect.gather [hbm4b:s3+s12], $0x1, s22, s12, $0xb8;
	[tilespmem:$0x6C00] =	vst v63  }
0xa9: {  	_ = 	snop  }
0xaa: {  	[tilespmem:s25], [sflag:$0x1] =	stream.indirect.gather [hbm4b:s3+s12], $0x1, s24, s12, $0xb8;
	[tilespmem:$0x6C00] =	vst v63  }
0xab: {  	_ = 	snop  }
0xac: {  	[tilespmem:s28], [sflag:$0x1] =	stream.indirect.gather [hbm4b:s3+s12], $0x1, s26, s12, $0xb8;
	[tilespmem:$0x6C00] =	vst v63  }
0xad: {  	_ =	swait.ge [sflag:s29], $0x80  }
0xae: {  	[sflag:s29] =	ssyncset.done $0x0  }
0xaf: {  	[sflag:s29] =	ssyncadd.s32 $0xFFFFFF80  }
0xb0: {  	_ =	swait.ge [sflag:s29], $0x80  }
0xb1: {  	[sflag:s29] =	ssyncset.done $0x0  }
0xb2: {  	[sflag:s29] =	ssyncadd.s32 $0xFFFFFF80  }
0xb3: {  	_ =	swait.ge [sflag:s29], $0x80  }
0xb4: {  	[sflag:s29] =	ssyncset.done $0x0  }
0xb5: {  	[sflag:s29] =	ssyncadd.s32 $0xFFFFFF80  }
0xb6: {  	_ =	swait.ge [sflag:s29], $0x80  }
0xb7: {  	[sflag:s29] =	ssyncset.done $0x0  }
0xb8: {  	[sflag:s29] =	ssyncadd.s32 $0xFFFFFF80  }
0xb9: {  	_ =	swait.ge [sflag:s29], $0x80  }
0xba: {  	[sflag:s29] =	ssyncset.done $0x0  }
0xbb: {  	[sflag:s29] =	ssyncadd.s32 $0xFFFFFF80  }
0xbc: {  	_ =	swait.ge [sflag:s29], $0x80  }
0xbd: {  	[sflag:s29] =	ssyncset.done $0x0  }
0xbe: {  	[sflag:s29] =	ssyncadd.s32 $0xFFFFFF80  }
0xbf: {  	_ =	swait.ge [sflag:s29], $0x80  }
0xc0: {  	[sflag:s29] =	ssyncset.done $0x0  }
0xc1: {  	[sflag:s29] =	ssyncadd.s32 $0xFFFFFF80  }
0xc2: {  	_ =	swait.ge [sflag:s29], $0x80  }
0xc3: {  	[sflag:s29] =	ssyncset.done $0x0  }
0xc4: {  	[sflag:s29] =	ssyncadd.s32 $0xFFFFFF80  }
0xc5: {  	_ =	swait.ge [sflag:s29], $0x80  }
0xc6: {  	[sflag:s29] =	ssyncset.done $0x0  }
0xc7: {  	[sflag:s29] =	ssyncadd.s32 $0xFFFFFF80  }
0xc8: {  	_ =	swait.ge [sflag:s29], $0x80  }
0xc9: {  	[sflag:s29] =	ssyncset.done $0x0  }
0xca: {  	[sflag:s29] =	ssyncadd.s32 $0xFFFFFF80  }
0xcb: {  	_ =	swait.ge [sflag:s29], $0x80  }
0xcc: {  	[sflag:s29] =	ssyncset.done $0x0  }
0xcd: {  	[sflag:s29] =	ssyncadd.s32 $0xFFFFFF80  }
0xce: {  	_ =	swait.ge [sflag:s29], $0x80  }
0xcf: {  	[sflag:s29] =	ssyncset.done $0x0  }
0xd0: {  	[sflag:s29] =	ssyncadd.s32 $0xFFFFFF80  }
0xd1: {  	_ =	swait.ge [sflag:s29], $0x80  }
0xd2: {  	[sflag:s29] =	ssyncset.done $0x0  }
0xd3: {  	[sflag:s29] =	ssyncadd.s32 $0xFFFFFF80  }
0xd4: {  	_ =	swait.ge [sflag:s29], $0x80  }
0xd5: {  	[sflag:s29] =	ssyncset.done $0x0  }
0xd6: {  	[sflag:s29] =	ssyncadd.s32 $0xFFFFFF80  }
0xd7: {  	_ =	swait.ge [sflag:s29], $0x80  }
0xd8: {  	[sflag:s29] =	ssyncset.done $0x0  }
0xd9: {  	[sflag:s29] =	ssyncadd.s32 $0xFFFFFF80  }
0xda: {  	_ =	swait.ge [sflag:s29], $0x80  }
0xdb: {  	[sflag:s29] =	ssyncset.done $0x0  }
0xdc: {  	[sflag:s29] =	ssyncadd.s32 $0xFFFFFF80  }
0xdd: {  	_ =	swait.ge [sflag:s29], $0x80  }
0xde: {  	[sflag:s29] =	ssyncset.done $0x0  }
0xdf: {  	[sflag:s29] =	ssyncadd.s32 $0xFFFFFF80  }
0xe0: {  	_ =	swait.ge [sflag:s29], $0x80  }
0xe1: {  	[sflag:s29] =	ssyncset.done $0x0  }
0xe2: {  	[sflag:s29] =	ssyncadd.s32 $0xFFFFFF80  }
0xe3: {  	_ =	swait.ge [sflag:s29], $0x80  }
0xe4: {  	[sflag:s29] =	ssyncset.done $0x0  }
0xe5: {  	[sflag:s29] =	ssyncadd.s32 $0xFFFFFF80  }
0xe6: {  	_ =	swait.ge [sflag:s29], $0x80  }
0xe7: {  	[sflag:s29] =	ssyncset.done $0x0  }
0xe8: {  	[sflag:s29] =	ssyncadd.s32 $0xFFFFFF80  }
0xe9: {  	_ =	swait.ge [sflag:s29], $0x80  }
0xea: {  	[sflag:s29] =	ssyncset.done $0x0  }
0xeb: {  	[sflag:s29] =	ssyncadd.s32 $0xFFFFFF80  }
0xec: {  	_ =	swait.ge [sflag:s29], $0x80  }
0xed: {  	[sflag:s29] =	ssyncset.done $0x0  }
0xee: {  	[sflag:s29] =	ssyncadd.s32 $0xFFFFFF80  }
0xef: {  	_ =	swait.ge [sflag:s29], $0x80  }
0xf0: {  	[sflag:s29] =	ssyncset.done $0x0  }
0xf1: {  	[sflag:s29] =	ssyncadd.s32 $0xFFFFFF80  }
0xf2: {  	_ =	swait.ge [sflag:s29], $0x80  }
0xf3: {  	[sflag:s29] =	ssyncset.done $0x0  }
0xf4: {  	[sflag:s29] =	ssyncadd.s32 $0xFFFFFF80  }
0xf5: {  	_ =	swait.ge [sflag:s29], $0x80  }
0xf6: {  	[sflag:s29] =	ssyncset.done $0x0  }
0xf7: {  	[sflag:s29] =	ssyncadd.s32 $0xFFFFFF80  }
0xf8: {  	_ =	swait.ge [sflag:s29], $0x80  }
0xf9: {  	[sflag:s29] =	ssyncset.done $0x0  }
0xfa: {  	[sflag:s29] =	ssyncadd.s32 $0xFFFFFF80  }
0xfb: {  	_ =	swait.ge [sflag:s29], $0x80  }
0xfc: {  	[sflag:s29] =	ssyncset.done $0x0  }
0xfd: {  	[sflag:s29] =	ssyncadd.s32 $0xFFFFFF80  }
0xfe: {  	_ =	swait.ge [sflag:s29], $0x80  }
0xff: {  	[sflag:s29] =	ssyncset.done $0x0  }
0x100: {  	[sflag:s29] =	ssyncadd.s32 $0xFFFFFF80  }
0x101: {  	_ =	swait.ge [sflag:s29], $0x80  }
0x102: {  	[sflag:s29] =	ssyncset.done $0x0  }
0x103: {  	[sflag:s29] =	ssyncadd.s32 $0xFFFFFF80  }
0x104: {  	_ =	swait.ge [sflag:s29], $0x80  }
0x105: {  	[sflag:s29] =	ssyncset.done $0x0  }
0x106: {  	[sflag:s29] =	ssyncadd.s32 $0xFFFFFF80  }
0x107: {  	_ =	swait.ge [sflag:s29], $0x80  }
0x108: {  	[sflag:s29] =	ssyncset.done $0x0  }
0x109: {  	[sflag:s29] =	ssyncadd.s32 $0xFFFFFF80  }
0x10a: {  	_ =	swait.ge [sflag:s29], $0x80  }
0x10b: {  	[sflag:s29] =	ssyncset.done $0x0  }
0x10c: {  	[sflag:s29] =	ssyncadd.s32 $0xFFFFFF80  }
0x10d: {  	_ =	swait.ge [sflag:s29], $0x80  }
0x10e: {  	[sflag:s29] =	ssyncset.done $0x0  }
0x10f: {  	[sflag:s29] =	ssyncadd.s32 $0xFFFFFF80  }
0x110: {  	_ =	swait.ge [sflag:s29], $0x80  }
0x111: {  	[sflag:s29] =	ssyncset.done $0x0  }
0x112: {  	[sflag:s29] =	ssyncadd.s32 $0xFFFFFF80  }
0x113: {  	_ =	swait.ge [sflag:s29], $0x80  }
0x114: {  	[sflag:s29] =	ssyncset.done $0x0  }
0x115: {  	[sflag:s29] =	ssyncadd.s32 $0xFFFFFF80  }
0x116: {  	_ =	swait.ge [sflag:s29], $0x80  }
0x117: {  	[sflag:s29] =	ssyncset.done $0x0  }
0x118: {  	[sflag:s29] =	ssyncadd.s32 $0xFFFFFF80  }
0x119: {  	_ =	swait.ge [sflag:s29], $0x80  }
0x11a: {  	[sflag:s29] =	ssyncset.done $0x0  }
0x11b: {  	[sflag:s29] =	ssyncadd.s32 $0xFFFFFF80  }
0x11c: {  	_ =	swait.ge [sflag:s29], $0x80  }
0x11d: {  	[sflag:s29] =	ssyncset.done $0x0  }
0x11e: {  	[sflag:s29] =	ssyncadd.s32 $0xFFFFFF80  }
0x11f: {  	_ =	swait.ge [sflag:s29], $0x80  }
0x120: {  	[sflag:s29] =	ssyncset.done $0x0  }
0x121: {  	[sflag:s29] =	ssyncadd.s32 $0xFFFFFF80  }
0x122: {  	_ =	swait.ge [sflag:s29], $0x80  }
0x123: {  	[sflag:s29] =	ssyncset.done $0x0  }
0x124: {  	[sflag:s29] =	ssyncadd.s32 $0xFFFFFF80  }
0x125: {  	_ =	swait.ge [sflag:s29], $0x80  }
0x126: {  	[sflag:s29] =	ssyncset.done $0x0  }
0x127: {  	[sflag:s29] =	ssyncadd.s32 $0xFFFFFF80  }
0x128: {  	_ =	swait.ge [sflag:s29], $0x80  }
0x129: {  	[sflag:s29] =	ssyncset.done $0x0  }
0x12a: {  	[sflag:s29] =	ssyncadd.s32 $0xFFFFFF80  }
0x12b: {  	_ =	swait.ge [sflag:s29], $0x80  }
0x12c: {  	[sflag:s29] =	ssyncset.done $0x0  }
0x12d: {  	[sflag:s29] =	ssyncadd.s32 $0xFFFFFF80  }
0x12e: {  	_ =	swait.ge [sflag:s29], $0x80  }
0x12f: {  	[sflag:s29] =	ssyncset.done $0x0  }
0x130: {  	[sflag:s29] =	ssyncadd.s32 $0xFFFFFF80  }
0x131: {  	_ =	swait.ge [sflag:s29], $0x80  }
0x132: {  	[sflag:s29] =	ssyncset.done $0x0  }
0x133: {  	[sflag:s29] =	ssyncadd.s32 $0xFFFFFF80  }
0x134: {  	_ =	swait.ge [sflag:s29], $0x80  }
0x135: {  	[sflag:s29] =	ssyncset.done $0x0  }
0x136: {  	[sflag:s29] =	ssyncadd.s32 $0xFFFFFF80  }
0x137: {  	_ =	swait.ge [sflag:s29], $0x80  }
0x138: {  	[sflag:s29] =	ssyncset.done $0x0  }
0x139: {  	[sflag:s29] =	ssyncadd.s32 $0xFFFFFF80  }
0x13a: {  	_ =	swait.ge [sflag:s29], $0x80  }
0x13b: {  	[sflag:s29] =	ssyncset.done $0x0  }
0x13c: {  	[sflag:s29] =	ssyncadd.s32 $0xFFFFFF80  }
0x13d: {  	_ =	swait.ge [sflag:s29], $0x80  }
0x13e: {  	[sflag:s29] =	ssyncset.done $0x0  }
0x13f: {  	[sflag:s29] =	ssyncadd.s32 $0xFFFFFF80  }
0x140: {  	_ =	swait.ge [sflag:s29], $0x80  }
0x141: {  	[sflag:s29] =	ssyncset.done $0x0  }
0x142: {  	[sflag:s29] =	ssyncadd.s32 $0xFFFFFF80  }
0x143: {  	_ =	swait.ge [sflag:s29], $0x80  }
0x144: {  	[sflag:s29] =	ssyncset.done $0x0  }
0x145: {  	[sflag:s29] =	ssyncadd.s32 $0xFFFFFF80  }
0x146: {  	_ =	swait.ge [sflag:s29], $0x80  }
0x147: {  	[sflag:s29] =	ssyncset.done $0x0  }
0x148: {  	s0 =	simm.s32 $0x0;
	[sflag:s29] =	ssyncadd.s32 $0xFFFFFF80  }
0x149: {  	v1 =	vld [tilespmem:s0+$0x4E00]  }
0x14a: {  	v2 =	vld [tilespmem:s0+$0x5000]  }
0x14b: {  	v3 =	vld [tilespmem:s0+$0x5200]  }
0x14c: {  	v4 =	vld [tilespmem:s0+$0x5400]  }
0x14d: {  	v5 =	vld [tilespmem:s0+$0x5600]  }
0x14e: {  	v6 =	vld [tilespmem:s0+$0x5800]  }
0x14f: {  	v7 =	vld [tilespmem:s0+$0x5A00]  }
0x150: {  	v8 =	vld [tilespmem:s0+$0x5C00]  }
0x151: {  	v9 =	vld [tilespmem:s0+$0x5E00]  }
0x152: {  	v10 =	vld [tilespmem:s0+$0x6000]  }
0x153: {  	v11 =	vld [tilespmem:s0+$0x6200]  }
0x154: {  	v12 =	vld [tilespmem:s0+$0x6400]  }
0x155: {  	v13 =	vld [tilespmem:s0+$0x6800]  }
0x156: {  	s1 =	simm.s32 $0x10;
	v14 =	vld [tilespmem:s0+$0x6600]  }
0x157: {  	v0 =	vld [tilespmem:s1+$0x4E00];
	v15 =	vadd.f32 v2, v1;
	v4 =	vadd.f32 v4, v3  }
0x158: {  	v1 =	vld [tilespmem:s1+$0x5000];
	v5 =	vadd.f32 v6, v5;
	v6 =	vadd.f32 v8, v7  }
0x159: {  	v2 =	vld [tilespmem:s1+$0x5200];
	v7 =	vadd.f32 v10, v9;
	v8 =	vadd.f32 v12, v11  }
0x15a: {  	v3 =	vld [tilespmem:s1+$0x5400];
	v9 =	vadd.f32 v4, v15  }
0x15b: {  	v4 =	vld [tilespmem:s1+$0x5600];
	v10 =	vadd.f32 v6, v5;
	v7 =	vadd.f32 v8, v7  }
0x15c: {  	v5 =	vld [tilespmem:s1+$0x5800]  }
0x15d: {  	v6 =	vld [tilespmem:s1+$0x5A00];
	v9 =	vadd.f32 v10, v9;
	v10 =	vadd.f32 v7, v14  }
0x15e: {  	v8 =	vld [tilespmem:s1+$0x5C00]  }
0x15f: {  	v7 =	vld [tilespmem:s1+$0x5E00];
	v11 =	vadd.f32 v10, v9  }
0x160: {  	v9 =	vld [tilespmem:s1+$0x6000]  }
0x161: {  	s8 =	simm.s32 $0x80;
	v10 =	vld [tilespmem:s1+$0x6200];
	v11 =	vadd.f32 v11, v13  }
.LBB2_4:
0x162: {  	p0 =	sne.s32 s8, $0x7C0;
	v12 =	vld [tilespmem:s1+$0x6400]  }
0x163: {  	v13 =	vld [tilespmem:s1+$0x6800];
	[tilespmem:s0+$0x6A00] =	vst v11;
	s0 =	smov.u32 s1  }
0x164: {  	s1 =	sshra.s32 s8, $0x2;
	v11 =	vld [tilespmem:s0+$0x6600]  }
0x165: {  	v14 =	vadd.f32 v1, v0;
	v15 =	vadd.f32 v3, v2;
	v0 =	vld [tilespmem:s1+$0x4E00]  }
0x166: {  	v5 =	vadd.f32 v5, v4;
	v6 =	vadd.f32 v8, v6;
	v1 =	vld [tilespmem:s1+$0x5000]  }
0x167: {  	v7 =	vadd.f32 v9, v7;
	v2 =	vld [tilespmem:s1+$0x5200];
	v8 =	vadd.f32 v12, v10  }
0x168: {  	v9 =	vadd.f32 v15, v14;
	v3 =	vld [tilespmem:s1+$0x5400]  }
0x169: {  	v10 =	vadd.f32 v6, v5;
	v4 =	vld [tilespmem:s1+$0x5600];
	v7 =	vadd.f32 v8, v7  }
0x16a: {  	v5 =	vld [tilespmem:s1+$0x5800]  }
.Ltmp1:
0x16b: {  	v9 =	vadd.f32 v10, v9;
	v6 =	vld [tilespmem:s1+$0x5A00];
	v10 =	vadd.f32 v7, v11;
	(pc) =	sbr.rel @p0 .LBB2_4-.Ltmp1, $4  }
0x16c: {  	v8 =	vld [tilespmem:s1+$0x5C00]  }
0x16d: {  	v7 =	vld [tilespmem:s1+$0x5E00];
	v11 =	vadd.f32 v10, v9  }
0x16e: {  	v9 =	vld [tilespmem:s1+$0x6000]  }
0x16f: {  	s8 =	sadd.s32 $0x40, s8;
	v10 =	vld [tilespmem:s1+$0x6200];
	v11 =	vadd.f32 v11, v13  }
0x170: {  	v12 =	vld [tilespmem:s1+$0x6400];
	_ =	sdelay $0x2  }
0x171: {  	v13 =	vld [tilespmem:s1+$0x6800];
	v0 =	vadd.f32 v1, v0;
	v55 =	vadd.f32 v3, v2;
	[tilespmem:s0+$0x6A00] =	vst v11  }
0x172: {  	v57 =	vadd.f32 v5, v4;
	v58 =	vadd.f32 v8, v6;
	v56 =	vld [tilespmem:s1+$0x6600]  }
0x173: {  	v59 =	vadd.f32 v9, v7;
	v60 =	vadd.f32 v12, v10  }
0x174: {  	v0 =	vadd.f32 v55, v0  }
0x175: {  	v61 =	vadd.f32 v58, v57;
	v62 =	vadd.f32 v60, v59;
	_ =	sdelay $0x1  }
0x176: {  	v0 =	vadd.f32 v61, v0;
	v63 =	vadd.f32 v62, v56;
	_ =	sdelay $0x1  }
0x177: {  	v0 =	vadd.f32 v63, v0;
	_ =	sdelay $0x1  }
0x178: {  	s31 =	sadd.s32 $0x1, s31;
	v0 =	vadd.f32 v0, v13  }
0x179: {  	p0 =	sne.s32 s31, s7  }
.Ltmp2:
0x17a: {  	[tilespmem:s1+$0x6A00] =	vst v0;
	(pc) =	sbr.rel @p0 .LBB2_1-.Ltmp2, $4  }
0x17b: {  	[hbm4b:s6+s2] =	stream.linear.scatter [tilespmem:s30], [sflag:$0x2], $0x200, $0x38;
	[tilespmem:$0x6C00] =	vst v63  }
0x17c: {  	_ =	swait.ge [sflag:s10], $0x200  }
0x17d: {  	[sflag:s10] =	ssyncset.done $0x0  }
0x17e: {  	[sflag:s10] =	ssyncadd.s32 $0xFFFFFE00  }
0x17f: {  	_ =	sfence.sel $0x180000  }
0x180: {  	[bflag:$0x0] =	sbarrier.arrive $0xFFFF  }
0x181: {  	_ =	strace $0x9000004A  }
0x182: {  	s0 =	stileid.u32;
	[bflag:$0x2] =	sbarrier.arrive $0xFFFF  }
0x183: {  	p0 =	sne.s32 s0, $0x0;
	s0 =	rddreg [dreg:$0x2]  }
0x184: {  	s0 =	sadd.s32 @!p0 $0x100000, s0  }
0x185: {  	[sflag:s0] =	ssyncadd.tile.s32 @!p0 $0x1;
	_ =	shalt  }
.Lfunc_end2:
_tile_overlayer_lowered:
.L_overlay_start_2:
0x186: {  	(tag) =	ssettag $0x2  }
0x187: {  	s0 =	rddreg [dreg:$0x0];
	s2 =	stileid.u32  }
0x188: {  	s1 =	rddreg [dreg:$0x1];
	p0 =	sne.s32 s2, $0x0  }
0x189: {  	s3 =	rddreg [dreg:$0x2];
	[bflag:$0x3] =	sbarrier.arrive $0xFFFF;
	s2 =	simm.s32 @!p0 $0x1C02  }
0x18a: {  	[timem:s3], [sflag:s2] =	dma.local @!p0 [hbm:s0], s1  }
0x18b: {  	s0 =	simm.s32 @!p0 $0x2  }
0x18c: {  	_ =	swait.ge @!p0 [sflag:s0], s1  }
0x18d: {  	s1 =	ssub.s32 @!p0 $0x0, s1;
	[sflag:s0] =	ssyncset.done @!p0 $0x0  }
0x18e: {  	[sflag:s0] =	ssyncadd.s32 @!p0 s1  }
0x18f: {  	[bflag:$0x3] =	sbarrier.arrive $0xFFFF  }
0x190: {  	_ =	shalt  }

// kernel: kernel.7.cloned.1.call-start
scs
__scs_entry_jumppad:
0x0: {  	(pc) =	sbr.rel $0x88, $3  }
0x1: {  	(tag) =	ssettag $0x0;
	lr =	simm.s32 $0x1  }
0x2: {  	[smem:$0x3F9A] =	sst lr;
	_ =	strace $0xD0000000  }
0x3: {  	_ = 	snop  }
0x4: {  	_ = 	snop  }
0x5: {  	_ = 	snop  }
0x6: {  	_ = 	snop  }
0x7: {  	_ = 	snop  }
__scs_overlays_trampoline_lowered:
0x8: {  	[smem:$0x3FA9] =	sst s0  }
0x9: {  	[smem:$0x3FAA] =	sst s1  }
0xa: {  	[smem:$0x3FAB] =	sst s2  }
0xb: {  	[smem:$0x3FAC] =	sst s3  }
0xc: {  	[smem:$0x3FAD] =	sst s4  }
0xd: {  	[smem:$0x3FAE] =	sst s5  }
0xe: {  	[smem:$0x3FAF] =	sst s6  }
0xf: {  	[smem:$0x3FB0] =	sst s7  }
0x10: {  	[smem:$0x3FB1] =	sst s8  }
0x11: {  	[smem:$0x3FB2] =	sst s9;
	s0 =	simm.s32 @!p0 $0x0  }
0x12: {  	s1 =	sld [smem:$0x3F98];
	s0 =	simm.s32 @p0 $0x1  }
0x13: {  	[smem:$0x3FB3] =	sst s0;
	s0 =	simm.s32 @!p1 $0x0  }
0x14: {  	s2 =	sld [smem:$0x3F97];
	s0 =	simm.s32 @p1 $0x1  }
0x15: {  	[smem:$0x3FB4] =	sst s0;
	s0 =	simm.s32 @!p2 $0x0  }
0x16: {  	s3 =	sld [smem:$0x3FDB];
	s0 =	simm.s32 @p2 $0x1  }
0x17: {  	s4 =	simm.s32 $0x1BF5;
	[smem:$0x3FB6] =	sst s0  }
0x18: {  	s0 =	sld [smem:$0x3F99];
	_ =	swait.ge [sflag:s4], $0x0  }
0x19: {  	s7 =	sld [smem:$0x3F9A]  }
0x1a: {  	s8 =	sadd.s32 $0xFFFFE003, lr  }
0x1b: {  	s9 =	sadd.s32 $0xFFFFFEF7, lr;
	s5 =	simm.s32 $0xFFFFFFFF;
	p2 =	slt.u32 s8, $0xFFFFF086  }
0x1c: {  	p1 =	slt.u32 s9, $0xF7A;
	s5 =	simm.s32 @!p2 $0x0  }
0x1d: {  	s5 =	simm.s32 @p1 $0x1;
	p0 =	seq.s32 s7, s2  }
0x1e: {  	s7 =	smul.u32 @!p0 $0xF7A, s2;
	p2 =	seq.s32 @!p0 s5, $0x0  }
0x1f: {  	s9 =	smul.u32 $0xF7A, s1;
	s8 =	simm.s32 @!p0 $0x1BF5;
	p2 =	por !p2, p0  }
0x20: {  	[sflag:s8] =	ssyncset.s32 @!p0 $0xFFFFF086;
	s6 =	sadd.s32 @!p0 s3, s7;
	s7 =	simm.s32 @!p0 $0x108  }
0x21: {  	s3 =	sadd.s32 s3, s9;
	s6 =	sadd.s32 @!p0 $0x88, s6;
	s7 =	simm.s32 @p2 $0x1082  }
0x22: {  	[simem:s7], [sflag:s8] =	dma.local @!p0 [hbm:s6], $0xF7A  }
0x23: {  	s9 =	sor.u32 $0xD0000000, s2;
	s6 =	simm.s32 $0x108;
	_ =	swait.ge @!p0 [sflag:s8], $0x0  }
0x24: {  	s3 =	sadd.s32 $0x88, s3;
	s6 =	simm.s32 @!p1 $0x1082;
	[sflag:s4] =	ssyncset.s32 $0xFFFFF086  }
0x25: {  	[simem:s6], [sflag:s4] =	dma.local [hbm:s3], $0xF7A  }
0x26: {  	[smem:$0x3F9A] =	sst s1;
	(tag) =	ssettag s2;
	_ =	strace s9  }
0x27: {  	s1 =	sld [smem:$0x3FAA]  }
0x28: {  	s2 =	sld [smem:$0x3FAB]  }
0x29: {  	s4 =	sld [smem:$0x3FAD]  }
0x2a: {  	p0 =	seq.s32 s5, $0x0;
	s5 =	sld [smem:$0x3FAE]  }
0x2b: {  	s6 =	sld [smem:$0x3FAF]  }
0x2c: {  	s7 =	sld [smem:$0x3FB0]  }
0x2d: {  	s3 =	simm.s32 $0x108;
	s8 =	sld [smem:$0x3FB1]  }
0x2e: {  	s3 =	simm.s32 @!p0 $0x1082;
	s9 =	sld [smem:$0x3FB2]  }
0x2f: {  	lr =	sadd.s32 s0, s3;
	s0 =	sld [smem:$0x3FA9]  }
0x30: {  	s3 =	sld [smem:$0x3FAC]  }
0x31: {  	[smem:$0x3FB5] =	sst s10  }
0x32: {  	s10 =	sld [smem:$0x3FB3];
	_ =	sdelay $0x3  }
0x33: {  	p0 =	seq.s32 s10, $0x1;
	s10 =	sld [smem:$0x3FB5];
	_ =	sdelay $0x3  }
0x34: {  	[smem:$0x3FB5] =	sst s10  }
0x35: {  	s10 =	sld [smem:$0x3FB4];
	_ =	sdelay $0x3  }
0x36: {  	p1 =	seq.s32 s10, $0x1;
	s10 =	sld [smem:$0x3FB5];
	_ =	sdelay $0x3  }
0x37: {  	[smem:$0x3FB5] =	sst s10  }
0x38: {  	s10 =	sld [smem:$0x3FB6]  }
0x39: {  	_ = 	snop;
	(pc) =	sbr.ind lr, $3  }
0x3a: {  	_ = 	snop  }
0x3b: {  	_ = 	snop  }
0x3c: {  	p2 =	seq.s32 s10, $0x1;
	s10 =	sld [smem:$0x3FB5]  }
0x3d: {  	_ =	shalt  }
0x3e: {  	_ =	shalt  }
0x3f: {  	_ =	shalt  }
0x40: {  	_ =	shalt  }
0x41: {  	_ =	shalt  }
0x42: {  	_ =	shalt  }
0x43: {  	_ =	shalt  }
0x44: {  	_ =	shalt  }
0x45: {  	_ =	shalt  }
0x46: {  	_ =	shalt  }
0x47: {  	_ =	shalt  }
0x48: {  	_ =	shalt  }
0x49: {  	_ =	shalt  }
0x4a: {  	_ =	shalt  }
0x4b: {  	_ =	shalt  }
0x4c: {  	_ =	shalt  }
0x4d: {  	_ =	shalt  }
0x4e: {  	_ =	shalt  }
0x4f: {  	_ =	shalt  }
0x50: {  	_ =	shalt  }
0x51: {  	_ =	shalt  }
0x52: {  	_ =	shalt  }
0x53: {  	_ =	shalt  }
0x54: {  	_ =	shalt  }
0x55: {  	_ =	shalt  }
0x56: {  	_ =	shalt  }
0x57: {  	_ =	shalt  }
0x58: {  	_ =	shalt  }
0x59: {  	_ =	shalt  }
0x5a: {  	_ =	shalt  }
0x5b: {  	_ =	shalt  }
0x5c: {  	_ =	shalt  }
0x5d: {  	_ =	shalt  }
0x5e: {  	_ =	shalt  }
0x5f: {  	_ =	shalt  }
0x60: {  	_ =	shalt  }
0x61: {  	_ =	shalt  }
0x62: {  	_ =	shalt  }
0x63: {  	_ =	shalt  }
0x64: {  	_ =	shalt  }
0x65: {  	_ =	shalt  }
0x66: {  	_ =	shalt  }
0x67: {  	_ =	shalt  }
0x68: {  	_ =	shalt  }
0x69: {  	_ =	shalt  }
0x6a: {  	_ =	shalt  }
0x6b: {  	_ =	shalt  }
0x6c: {  	_ =	shalt  }
0x6d: {  	_ =	shalt  }
0x6e: {  	_ =	shalt  }
0x6f: {  	_ =	shalt  }
0x70: {  	_ =	shalt  }
0x71: {  	_ =	shalt  }
0x72: {  	_ =	shalt  }
0x73: {  	_ =	shalt  }
0x74: {  	_ =	shalt  }
0x75: {  	_ =	shalt  }
0x76: {  	_ =	shalt  }
0x77: {  	_ =	shalt  }
0x78: {  	_ =	shalt  }
0x79: {  	_ =	shalt  }
0x7a: {  	_ =	shalt  }
0x7b: {  	_ =	shalt  }
0x7c: {  	_ =	shalt  }
0x7d: {  	_ =	shalt  }
0x7e: {  	_ =	shalt  }
0x7f: {  	_ =	shalt  }
0x80: {  	_ =	shalt  }
0x81: {  	_ =	shalt  }
0x82: {  	_ =	shalt  }
0x83: {  	_ =	shalt  }
0x84: {  	_ =	shalt  }
0x85: {  	_ =	shalt  }
0x86: {  	_ =	shalt  }
0x87: {  	_ =	shalt  }
.Lfunc_end0:
.L_simem_size_0:
called_computation_lowered:
.L_overlay_start_0:
0x88: {  	s2 =	sld [smem:$0x3FD9]  }
0x89: {  	s3 =	sld [smem:$0x3FFE];
	_ =	sdelay $0x1  }
0x8a: {  	s1 =	srdreg.scid  }
0x8b: {  	s0 =	sand.u32 $0x1, s1  }
0x8c: {  	s17 =	sshll.u32 s0, $0xA;
	s2 =	sadd.s32 s3, s2  }
0x8d: {  	s2 =	sadd.s32 s2, s17  }
0x8e: {  	[smem:$0x3FC1] =	sst s2  }
0x8f: {  	_ = 	snop  }
0x90: {  	s2 =	sld [smem:$0x3FD0];
	(tm) =	ssettm $0x1  }
0x91: {  	s18 =	sld [smem:$0x3FFB];
	_ =	sdelay $0x3  }
0x92: {  	_ =	strace s18  }
0x93: {  	s3 =	sld [smem:$0x3FFC];
	_ =	sdelay $0x3  }
0x94: {  	_ =	strace s3  }
0x95: {  	s3 =	sld [smem:$0x3FFD];
	_ =	sdelay $0x3  }
0x96: {  	_ =	strace s3  }
0x97: {  	_ =	strace $0x8FFFFFFF  }
0x98: {  	s19 =	sld [smem:$0x3FDB];
	_ =	sdelay $0x1  }
0x99: {  	s4 =	simm.s32 $_scs_section_size  }
0x9a: {  	s5 =	simm.s32 $_size__tile_overlayer_lowered;
	s6 =	simm.s32 $_tile_overlayer_lowered  }
0x9b: {  	s22 =	simm.s32 $0x1BFF;
	s21 =	sshll.u32 s6, $0x1;
	s3 =	sadd.s32 s4, s19  }
0x9c: {  	s7 =	simm.s32 $0x0;
	s20 =	sshll.u32 s5, $0x1;
	s5 =	sadd.s32 s21, s3  }
0x9d: {  	[timem:s7], [sflag:s22] =	dma.local [hbm:s5], s20  }
0x9e: {  	_ =	swait.ge [sflag:s22], s20  }
0x9f: {  	s4 =	ssub.s32 $0x0, s20;
	[sflag:s22] =	ssyncset.done $0x0  }
0xa0: {  	[sflag:s22] =	ssyncadd.s32 s4;
	_ =	sdelay $0x1  }
0xa1: {  	s23 =	simm.s32 $0x1B8B  }
0xa2: {  	_ =	swait.ge [sflag:s23], $0x1  }
0xa3: {  	[sflag:s23] =	ssyncset.done $0x0  }
0xa4: {  	s25 =	simm.s32 $0x1B8E;
	s24 =	sld [smem:$0x3FFE];
	[sflag:s23] =	ssyncadd.s32 $0xFFFFFFFF  }
0xa5: {  	s26 =	simm.s32 $execute0_lowered;
	[smem:$0x3FD2] =	sst s25  }
0xa6: {  	s5 =	sshll.u32 s26, $0x1;
	_ =	strace $0x80000046;
	[dreg:$0x1] =	wrdreg $0xFFFFFFFF  }
0xa7: {  	s28 =	simm.s32 $_size_execute0_lowered;
	s3 =	sadd.s32 s3, s5;
	[dreg:$0x0] =	wrdreg $0x0  }
0xa8: {  	s5 =	sshll.u32 s28, $0x1;
	[dreg:$0x2] =	wrdreg s3  }
0xa9: {  	[dreg:$0x3] =	wrdreg s5  }
0xaa: {  	[dreg:$0x4] =	wrdreg $0xC0  }
0xab: {  	_ =	task [dreg:s7], $0x5FFFF  }
0xac: {  	[dreg:$0x1] =	wrdreg $0xFFFFFFFF  }
0xad: {  	[dreg:$0x0] =	wrdreg $0x60  }
0xae: {  	[dreg:$0x2] =	wrdreg s24  }
0xaf: {  	[dreg:$0x3] =	wrdreg s2  }
0xb0: {  	[dreg:$0x4] =	wrdreg $0x9  }
0xb1: {  	_ =	task.clear_ibuf [dreg:s7], $0x5FFFF;
	_ =	strace $0x90000046  }
0xb2: {  	s29 =	simm.s32 $0x9;
	_ =	strace $0x80000048  }
0xb3: {  	_ =	swait.ge [sflag:s29], $0x1  }
0xb4: {  	[sflag:s29] =	ssyncadd.s32 $0xFFFFFFFF  }
0xb5: {  	_ =	strace $0x90000048  }
0xb6: {  	_ =	sfence  }
0xb7: {  	s30 =	sld [smem:$0x0];
	_ =	sdelay $0x2  }
0xb8: {  	s31 =	sshll.u32 s1, $0xD;
	s1 =	sshrl.u32 s1, $0x2  }
0xb9: {  	s3 =	sand.u32 $0x4000, s31;
	s1 =	sadd.s32 s1, s30  }
0xba: {  	s0 =	sor.u32 s3, s0;
	s1 =	sshll.u32 s1, $0x11  }
0xbb: {  	s0 =	sor.u32 s1, s0  }
0xbc: {  	s0 =	sadd.s32 $0x8F2B, s0  }
0xbd: {  	[sflag:s0] =	ssyncadd.remote.s32 $0x1  }
0xbe: {  	_ =	sfence.sel $0xFFFF  }
0xbf: {  	[dreg:$0x0] =	wrdreg $0xFFFFFFFF;
	(pc) =	sbr.abs _section_cstart, $3  }
0xc0: {  	[dreg:$0x1] =	wrdreg $0xFFFFFFFF  }
0xc1: {  	_ =	task.clear_ibuf [dreg:s7], $0x2FFFF;
	_ =	strace $0x9FFFFFFF  }
0xc2: {  	(tm) =	ssettm $0x7FFFFFFF  }
0xc3: {  	_ =	shalt  }
tec
execute0_lowered:
.L_overlay_start_1:
0x0: {  	(tag) =	ssettag $0x1  }
0x1: {  	s0 =	rddreg [dreg:$0x0]  }
0x2: {  	s1 =	rddreg [dreg:$0x1];
	s2 =	srdreg.scid  }
0x3: {  	s4 =	stileid.u32;
	s9 =	simm.s32 $0x4000;
	s10 =	simm.s32 $0x2  }
0x4: {  	s12 =	simm.s32 $0x80;
	s11 =	simm.s32 $0x4A00;
	s13 =	simm.s32 $0x6400  }
0x5: {  	s14 =	simm.s32 $0x4A80;
	s15 =	simm.s32 $0x6480;
	s16 =	simm.s32 $0x4B00  }
0x6: {  	s17 =	simm.s32 $0x6500;
	s18 =	simm.s32 $0x4B80;
	s19 =	simm.s32 $0x6580  }
0x7: {  	s20 =	simm.s32 $0x4C00;
	s21 =	simm.s32 $0x6600;
	s22 =	simm.s32 $0x4C80  }
0x8: {  	s23 =	simm.s32 $0x6680;
	s24 =	simm.s32 $0x4D00;
	s28 =	simm.s32 $0x6780  }
0x9: {  	s29 =	simm.s32 $0x1;
	s30 =	simm.s32 $0x6A00;
	s31 =	simm.s32 $0x0  }
0xa: {  	s3 =	sand.u32 $0x1, s2;
	s2 =	simm.s32 $0x0;
	s4 =	sshll.u32 s4, $0x7  }
0xb: {  	s5 =	sshll.u32 s3, $0x6;
	[smem:$0x7FF] =	sst s2;
	s25 =	ssub.s32 $0x2, s3  }
0xc: {  	s3 =	sadd.s32 $0xE400, s0;
	s5 =	sor.u32 s5, s4;
	s7 =	sshrl.u32 s25, $0x1  }
0xd: {  	_ =	strace $0x80000047;
	s6 =	sadd.s32 s5, s0;
	s26 =	ssub.s32 s25, s7  }
0xe: {  	s5 =	sadd.s32 s1, s5;
	s25 =	simm.s32 $0x6700;
	s4 =	sadd.s32 $0x1400, s6  }
0xf: {  	s6 =	sadd.s32 $0x36200, s6;
	s7 =	smax.u32 s26, $0x1;
	s26 =	simm.s32 $0x4D80  }
.LBB2_1:
0x10: {  	s0 =	simm.s32 $0x200  }
0x11: {  	[tilespmem:s2], [sflag:$0x2] =	stream.strided.gather [hbm4b:s4+s0], $0x3400, s9, s0, $0x38;
	[tilespmem:$0x6C00] =	vst v63  }
0x12: {  	_ =	swait.ge [sflag:s10], $0x3400  }
0x13: {  	[sflag:s10] =	ssyncset.done $0x0  }
0x14: {  	s8 =	simm.s32 $0x6800;
	[sflag:s10] =	ssyncadd.s32 $0xFFFFCC00  }
0x15: {  	[tilespmem:s8], [sflag:$0x2] =	stream.linear.gather [hbm4b:s5+s2], $0x200, $0x38;
	[tilespmem:$0x6C00] =	vst v63  }
0x16: {  	_ =	swait.ge [sflag:s10], $0x200  }
0x17: {  	[sflag:s10] =	ssyncset.done $0x0  }
0x18: {  	s0 =	simm.s32 $0xFFFFFE00;
	[sflag:s10] =	ssyncadd.s32 $0xFFFFFE00  }
0x19: {  	v0 =	vld [tilespmem:s0+$0x1A00]  }
0x1a: {  	v1 =	vld [tilespmem:s0+$0x400]  }
0x1b: {  	v2 =	vld [tilespmem:s0+$0x600]  }
0x1c: {  	v3 =	vld [tilespmem:s0+$0x800]  }
0x1d: {  	v4 =	vld [tilespmem:s0+$0xA00]  }
0x1e: {  	v5 =	vld [tilespmem:s0+$0xC00];
	v0 =	vadd.s32 $0x126000, v0  }
0x1f: {  	v6 =	vld [tilespmem:s0+$0xE00];
	v1 =	vadd.s32 $0x18800, v1;
	[tilespmem:s0+$0x4E00] =	vst v0  }
0x20: {  	v7 =	vld [tilespmem:s0+$0x1000];
	[tilespmem:s0+$0x3800] =	vst v1;
	v0 =	vadd.s32 $0x31000, v2  }
0x21: {  	v2 =	vld [tilespmem:s0+$0x1200];
	[tilespmem:s0+$0x3A00] =	vst v0;
	v0 =	vadd.s32 $0x49800, v3  }
0x22: {  	v3 =	vld [tilespmem:s0+$0x1400];
	[tilespmem:s0+$0x3C00] =	vst v0;
	v0 =	vadd.s32 $0x62000, v4  }
0x23: {  	v4 =	vld [tilespmem:s0+$0x1600];
	[tilespmem:s0+$0x3E00] =	vst v0;
	v0 =	vadd.s32 $0x7A800, v5  }
0x24: {  	v1 =	vld [tilespmem:s0+$0x1800];
	v5 =	vadd.s32 $0x93000, v6;
	[tilespmem:s0+$0x4000] =	vst v0  }
0x25: {  	s1 =	simm.s32 $0xFFFFFE10;
	s8 =	simm.s32 $0xFFFFF880;
	v0 =	vld [tilespmem:s0+$0x200];
	[tilespmem:s0+$0x4200] =	vst v5;
	v5 =	vadd.s32 $0xAB800, v7  }
.LBB2_2:
0x26: {  	p0 =	sne.s32 s8, $0xFFFFFFC0;
	v6 =	vld [tilespmem:s1+$0x1A00];
	[tilespmem:s0+$0x4400] =	vst v5;
	v2 =	vadd.s32 $0xC4000, v2  }
0x27: {  	v5 =	vld [tilespmem:s1+$0x400];
	[tilespmem:s0+$0x4600] =	vst v2;
	v2 =	vadd.s32 $0xDC800, v3  }
0x28: {  	v3 =	vld [tilespmem:s1+$0x600];
	[tilespmem:s0+$0x4800] =	vst v2;
	v2 =	vadd.s32 $0xF5000, v4  }
0x29: {  	v4 =	vld [tilespmem:s1+$0x800];
	[tilespmem:s0+$0x4A00] =	vst v2;
	v1 =	vadd.s32 $0x10D800, v1  }
0x2a: {  	v7 =	vld [tilespmem:s1+$0xA00];
	[tilespmem:s0+$0x4C00] =	vst v1  }
0x2b: {  	v1 =	vld [tilespmem:s1+$0xC00];
	v2 =	vadd.s32 $0x126000, v6;
	[tilespmem:s0+$0x3600] =	vst v0;
	s0 =	smov.u32 s1  }
0x2c: {  	v0 =	vadd.s32 $0x18800, v5;
	v5 =	vld [tilespmem:s0+$0xE00];
	[tilespmem:s0+$0x4E00] =	vst v2  }
0x2d: {  	[tilespmem:s0+$0x3800] =	vst v0;
	v0 =	vadd.s32 $0x31000, v3;
	v6 =	vld [tilespmem:s0+$0x1000]  }
.Ltmp0:
0x2e: {  	[tilespmem:s0+$0x3A00] =	vst v0;
	v0 =	vadd.s32 $0x49800, v4;
	v2 =	vld [tilespmem:s0+$0x1200];
	(pc) =	sbr.rel @p0 .LBB2_2-.Ltmp0, $4  }
0x2f: {  	[tilespmem:s0+$0x3C00] =	vst v0;
	v0 =	vadd.s32 $0x62000, v7;
	v3 =	vld [tilespmem:s0+$0x1400]  }
0x30: {  	[tilespmem:s0+$0x3E00] =	vst v0;
	v0 =	vadd.s32 $0x7A800, v1;
	v4 =	vld [tilespmem:s0+$0x1600]  }
0x31: {  	[tilespmem:s0+$0x4000] =	vst v0;
	v5 =	vadd.s32 $0x93000, v5;
	v1 =	vld [tilespmem:s0+$0x1800]  }
0x32: {  	s1 =	sshra.s32 s8, $0x2;
	s8 =	sadd.s32 $0x40, s8;
	v0 =	vld [tilespmem:s0+$0x200];
	[tilespmem:s0+$0x4200] =	vst v5;
	v5 =	vadd.s32 $0xAB800, v6  }
0x33: {  	v6 =	vld [tilespmem:s1+$0x1A00];
	[tilespmem:s0+$0x4400] =	vst v5;
	v2 =	vadd.s32 $0xC4000, v2  }
0x34: {  	v5 =	vld [tilespmem:s1+$0x400];
	[tilespmem:s0+$0x4600] =	vst v2;
	v2 =	vadd.s32 $0xDC800, v3  }
0x35: {  	v3 =	vld [tilespmem:s1+$0x600];
	[tilespmem:s0+$0x4800] =	vst v2;
	v2 =	vadd.s32 $0xF5000, v4  }
0x36: {  	v4 =	vld [tilespmem:s1+$0x800];
	[tilespmem:s0+$0x4A00] =	vst v2;
	v1 =	vadd.s32 $0x10D800, v1  }
0x37: {  	v2 =	vld [tilespmem:s1+$0xA00];
	[tilespmem:s0+$0x4C00] =	vst v1  }
0x38: {  	v1 =	vld [tilespmem:s1+$0xC00];
	[tilespmem:s0+$0x3600] =	vst v0;
	v0 =	vadd.s32 $0x126000, v6  }
0x39: {  	v6 =	vld [tilespmem:s1+$0xE00];
	v5 =	vadd.s32 $0x18800, v5;
	[tilespmem:s1+$0x4E00] =	vst v0  }
0x3a: {  	[tilespmem:s1+$0x3800] =	vst v5;
	v0 =	vadd.s32 $0x31000, v3;
	v3 =	vld [tilespmem:s1+$0x1000]  }
0x3b: {  	[tilespmem:s1+$0x3A00] =	vst v0;
	v0 =	vadd.s32 $0x49800, v4;
	v4 =	vld [tilespmem:s1+$0x1200]  }
0x3c: {  	[tilespmem:s1+$0x3C00] =	vst v0;
	v0 =	vadd.s32 $0x62000, v2;
	v2 =	vld [tilespmem:s1+$0x1400]  }
0x3d: {  	[tilespmem:s1+$0x3E00] =	vst v0;
	v0 =	vadd.s32 $0x7A800, v1;
	v1 =	vld [tilespmem:s1+$0x1600]  }
0x3e: {  	[tilespmem:s1+$0x4000] =	vst v0;
	v0 =	vld [tilespmem:s1+$0x1800];
	v5 =	vadd.s32 $0x93000, v6  }
0x3f: {  	v6 =	vld [tilespmem:s1+$0x200];
	[tilespmem:s1+$0x4200] =	vst v5;
	v3 =	vadd.s32 $0xAB800, v3  }
0x40: {  	[tilespmem:s1+$0x4400] =	vst v3;
	v3 =	vadd.s32 $0xC4000, v4  }
0x41: {  	[tilespmem:s1+$0x4600] =	vst v3;
	v2 =	vadd.s32 $0xDC800, v2  }
0x42: {  	[tilespmem:s1+$0x4800] =	vst v2;
	v1 =	vadd.s32 $0xF5000, v1  }
0x43: {  	[tilespmem:s1+$0x4A00] =	vst v1  }
0x44: {  	v0 =	vadd.s32 $0x10D800, v0;
	[tilespmem:s1+$0x3600] =	vst v6  }
0x45: {  	s8 =	simm.s32 $0x4E00;
	[tilespmem:s1+$0x4C00] =	vst v0;
	s1 =	simm.s32 $0x3400  }
0x46: {  	[tilespmem:s8], [sflag:$0x1] =	stream.indirect.gather [hbm4b:s3+s12], $0x1, s1, s12, $0xb8;
	[tilespmem:$0x6C00] =	vst v63  }
0x47: {  	s1 =	simm.s32 $0x3480;
	s8 =	simm.s32 $0x4E80  }
0x48: {  	[tilespmem:s8], [sflag:$0x1] =	stream.indirect.gather [hbm4b:s3+s12], $0x1, s1, s12, $0xb8;
	[tilespmem:$0x6C00] =	vst v63  }
0x49: {  	s1 =	simm.s32 $0x3500;
	s8 =	simm.s32 $0x4F00  }
0x4a: {  	[tilespmem:s8], [sflag:$0x1] =	stream.indirect.gather [hbm4b:s3+s12], $0x1, s1, s12, $0xb8;
	[tilespmem:$0x6C00] =	vst v63  }
0x4b: {  	s1 =	simm.s32 $0x3580;
	s8 =	simm.s32 $0x4F80  }
0x4c: {  	[tilespmem:s8], [sflag:$0x1] =	stream.indirect.gather [hbm4b:s3+s12], $0x1, s1, s12, $0xb8;
	[tilespmem:$0x6C00] =	vst v63  }
0x4d: {  	s1 =	simm.s32 $0x3600;
	s8 =	simm.s32 $0x5000  }
0x4e: {  	[tilespmem:s8], [sflag:$0x1] =	stream.indirect.gather [hbm4b:s3+s12], $0x1, s1, s12, $0xb8;
	[tilespmem:$0x6C00] =	vst v63  }
0x4f: {  	s1 =	simm.s32 $0x3680;
	s8 =	simm.s32 $0x5080  }
0x50: {  	[tilespmem:s8], [sflag:$0x1] =	stream.indirect.gather [hbm4b:s3+s12], $0x1, s1, s12, $0xb8;
	[tilespmem:$0x6C00] =	vst v63  }
0x51: {  	s1 =	simm.s32 $0x3700;
	s8 =	simm.s32 $0x5100  }
0x52: {  	[tilespmem:s8], [sflag:$0x1] =	stream.indirect.gather [hbm4b:s3+s12], $0x1, s1, s12, $0xb8;
	[tilespmem:$0x6C00] =	vst v63  }
0x53: {  	s1 =	simm.s32 $0x3780;
	s8 =	simm.s32 $0x5180  }
0x54: {  	[tilespmem:s8], [sflag:$0x1] =	stream.indirect.gather [hbm4b:s3+s12], $0x1, s1, s12, $0xb8;
	[tilespmem:$0x6C00] =	vst v63  }
0x55: {  	s1 =	simm.s32 $0x3800;
	s8 =	simm.s32 $0x5200  }
0x56: {  	[tilespmem:s8], [sflag:$0x1] =	stream.indirect.gather [hbm4b:s3+s12], $0x1, s1, s12, $0xb8;
	[tilespmem:$0x6C00] =	vst v63  }
0x57: {  	s1 =	simm.s32 $0x3880;
	s8 =	simm.s32 $0x5280  }
0x58: {  	[tilespmem:s8], [sflag:$0x1] =	stream.indirect.gather [hbm4b:s3+s12], $0x1, s1, s12, $0xb8;
	[tilespmem:$0x6C00] =	vst v63  }
0x59: {  	s1 =	simm.s32 $0x3900;
	s8 =	simm.s32 $0x5300  }
0x5a: {  	[tilespmem:s8], [sflag:$0x1] =	stream.indirect.gather [hbm4b:s3+s12], $0x1, s1, s12, $0xb8;
	[tilespmem:$0x6C00] =	vst v63  }
0x5b: {  	s1 =	simm.s32 $0x3980;
	s8 =	simm.s32 $0x5380  }
0x5c: {  	[tilespmem:s8], [sflag:$0x1] =	stream.indirect.gather [hbm4b:s3+s12], $0x1, s1, s12, $0xb8;
	[tilespmem:$0x6C00] =	vst v63  }
0x5d: {  	s1 =	simm.s32 $0x3A00;
	s8 =	simm.s32 $0x5400  }
0x5e: {  	[tilespmem:s8], [sflag:$0x1] =	stream.indirect.gather [hbm4b:s3+s12], $0x1, s1, s12, $0xb8;
	[tilespmem:$0x6C00] =	vst v63  }
0x5f: {  	s1 =	simm.s32 $0x3A80;
	s8 =	simm.s32 $0x5480  }
0x60: {  	[tilespmem:s8], [sflag:$0x1] =	stream.indirect.gather [hbm4b:s3+s12], $0x1, s1, s12, $0xb8;
	[tilespmem:$0x6C00] =	vst v63  }
0x61: {  	s1 =	simm.s32 $0x3B00;
	s8 =	simm.s32 $0x5500  }
0x62: {  	[tilespmem:s8], [sflag:$0x1] =	stream.indirect.gather [hbm4b:s3+s12], $0x1, s1, s12, $0xb8;
	[tilespmem:$0x6C00] =	vst v63  }
0x63: {  	s1 =	simm.s32 $0x3B80;
	s8 =	simm.s32 $0x5580  }
0x64: {  	[tilespmem:s8], [sflag:$0x1] =	stream.indirect.gather [hbm4b:s3+s12], $0x1, s1, s12, $0xb8;
	[tilespmem:$0x6C00] =	vst v63  }
0x65: {  	s1 =	simm.s32 $0x3C00;
	s8 =	simm.s32 $0x5600  }
0x66: {  	[tilespmem:s8], [sflag:$0x1] =	stream.indirect.gather [hbm4b:s3+s12], $0x1, s1, s12, $0xb8;
	[tilespmem:$0x6C00] =	vst v63  }
0x67: {  	s1 =	simm.s32 $0x3C80;
	s8 =	simm.s32 $0x5680  }
0x68: {  	[tilespmem:s8], [sflag:$0x1] =	stream.indirect.gather [hbm4b:s3+s12], $0x1, s1, s12, $0xb8;
	[tilespmem:$0x6C00] =	vst v63  }
0x69: {  	s1 =	simm.s32 $0x3D00;
	s8 =	simm.s32 $0x5700  }
0x6a: {  	[tilespmem:s8], [sflag:$0x1] =	stream.indirect.gather [hbm4b:s3+s12], $0x1, s1, s12, $0xb8;
	[tilespmem:$0x6C00] =	vst v63  }
0x6b: {  	s1 =	simm.s32 $0x3D80;
	s8 =	simm.s32 $0x5780  }
0x6c: {  	[tilespmem:s8], [sflag:$0x1] =	stream.indirect.gather [hbm4b:s3+s12], $0x1, s1, s12, $0xb8;
	[tilespmem:$0x6C00] =	vst v63  }
0x6d: {  	s1 =	simm.s32 $0x3E00;
	s8 =	simm.s32 $0x5800  }
0x6e: {  	[tilespmem:s8], [sflag:$0x1] =	stream.indirect.gather [hbm4b:s3+s12], $0x1, s1, s12, $0xb8;
	[tilespmem:$0x6C00] =	vst v63  }
0x6f: {  	s1 =	simm.s32 $0x3E80;
	s8 =	simm.s32 $0x5880  }
0x70: {  	[tilespmem:s8], [sflag:$0x1] =	stream.indirect.gather [hbm4b:s3+s12], $0x1, s1, s12, $0xb8;
	[tilespmem:$0x6C00] =	vst v63  }
0x71: {  	s1 =	simm.s32 $0x3F00;
	s8 =	simm.s32 $0x5900  }
0x72: {  	[tilespmem:s8], [sflag:$0x1] =	stream.indirect.gather [hbm4b:s3+s12], $0x1, s1, s12, $0xb8;
	[tilespmem:$0x6C00] =	vst v63  }
0x73: {  	s1 =	simm.s32 $0x3F80;
	s8 =	simm.s32 $0x5980  }
0x74: {  	[tilespmem:s8], [sflag:$0x1] =	stream.indirect.gather [hbm4b:s3+s12], $0x1, s1, s12, $0xb8;
	[tilespmem:$0x6C00] =	vst v63  }
0x75: {  	s8 =	simm.s32 $0x5A00  }
0x76: {  	[tilespmem:s8], [sflag:$0x1] =	stream.indirect.gather [hbm4b:s3+s12], $0x1, s9, s12, $0xb8;
	[tilespmem:$0x6C00] =	vst v63  }
0x77: {  	s1 =	simm.s32 $0x4080;
	s8 =	simm.s32 $0x5A80  }
0x78: {  	[tilespmem:s8], [sflag:$0x1] =	stream.indirect.gather [hbm4b:s3+s12], $0x1, s1, s12, $0xb8;
	[tilespmem:$0x6C00] =	vst v63  }
0x79: {  	s1 =	simm.s32 $0x4100;
	s8 =	simm.s32 $0x5B00  }
0x7a: {  	[tilespmem:s8], [sflag:$0x1] =	stream.indirect.gather [hbm4b:s3+s12], $0x1, s1, s12, $0xb8;
	[tilespmem:$0x6C00] =	vst v63  }
0x7b: {  	s1 =	simm.s32 $0x4180;
	s8 =	simm.s32 $0x5B80  }
0x7c: {  	[tilespmem:s8], [sflag:$0x1] =	stream.indirect.gather [hbm4b:s3+s12], $0x1, s1, s12, $0xb8;
	[tilespmem:$0x6C00] =	vst v63  }
0x7d: {  	s1 =	simm.s32 $0x4200;
	s8 =	simm.s32 $0x5C00  }
0x7e: {  	[tilespmem:s8], [sflag:$0x1] =	stream.indirect.gather [hbm4b:s3+s12], $0x1, s1, s12, $0xb8;
	[tilespmem:$0x6C00] =	vst v63  }
0x7f: {  	s1 =	simm.s32 $0x4280;
	s8 =	simm.s32 $0x5C80  }
0x80: {  	[tilespmem:s8], [sflag:$0x1] =	stream.indirect.gather [hbm4b:s3+s12], $0x1, s1, s12, $0xb8;
	[tilespmem:$0x6C00] =	vst v63  }
0x81: {  	s1 =	simm.s32 $0x4300;
	s8 =	simm.s32 $0x5D00  }
0x82: {  	[tilespmem:s8], [sflag:$0x1] =	stream.indirect.gather [hbm4b:s3+s12], $0x1, s1, s12, $0xb8;
	[tilespmem:$0x6C00] =	vst v63  }
0x83: {  	s1 =	simm.s32 $0x4380;
	s8 =	simm.s32 $0x5D80  }
0x84: {  	[tilespmem:s8], [sflag:$0x1] =	stream.indirect.gather [hbm4b:s3+s12], $0x1, s1, s12, $0xb8;
	[tilespmem:$0x6C00] =	vst v63  }
0x85: {  	s1 =	simm.s32 $0x4400;
	s8 =	simm.s32 $0x5E00  }
0x86: {  	[tilespmem:s8], [sflag:$0x1] =	stream.indirect.gather [hbm4b:s3+s12], $0x1, s1, s12, $0xb8;
	[tilespmem:$0x6C00] =	vst v63  }
0x87: {  	s1 =	simm.s32 $0x4480;
	s8 =	simm.s32 $0x5E80  }
0x88: {  	[tilespmem:s8], [sflag:$0x1] =	stream.indirect.gather [hbm4b:s3+s12], $0x1, s1, s12, $0xb8;
	[tilespmem:$0x6C00] =	vst v63  }
0x89: {  	s1 =	simm.s32 $0x4500;
	s8 =	simm.s32 $0x5F00  }
0x8a: {  	[tilespmem:s8], [sflag:$0x1] =	stream.indirect.gather [hbm4b:s3+s12], $0x1, s1, s12, $0xb8;
	[tilespmem:$0x6C00] =	vst v63  }
0x8b: {  	s1 =	simm.s32 $0x4580;
	s8 =	simm.s32 $0x5F80  }
0x8c: {  	[tilespmem:s8], [sflag:$0x1] =	stream.indirect.gather [hbm4b:s3+s12], $0x1, s1, s12, $0xb8;
	[tilespmem:$0x6C00] =	vst v63  }
0x8d: {  	s1 =	simm.s32 $0x4600;
	s8 =	simm.s32 $0x6000  }
0x8e: {  	[tilespmem:s8], [sflag:$0x1] =	stream.indirect.gather [hbm4b:s3+s12], $0x1, s1, s12, $0xb8;
	[tilespmem:$0x6C00] =	vst v63  }
0x8f: {  	s1 =	simm.s32 $0x4680;
	s8 =	simm.s32 $0x6080  }
0x90: {  	[tilespmem:s8], [sflag:$0x1] =	stream.indirect.gather [hbm4b:s3+s12], $0x1, s1, s12, $0xb8;
	[tilespmem:$0x6C00] =	vst v63  }
0x91: {  	s1 =	simm.s32 $0x4700;
	s8 =	simm.s32 $0x6100  }
0x92: {  	[tilespmem:s8], [sflag:$0x1] =	stream.indirect.gather [hbm4b:s3+s12], $0x1, s1, s12, $0xb8;
	[tilespmem:$0x6C00] =	vst v63  }
0x93: {  	s1 =	simm.s32 $0x4780;
	s8 =	simm.s32 $0x6180  }
0x94: {  	[tilespmem:s8], [sflag:$0x1] =	stream.indirect.gather [hbm4b:s3+s12], $0x1, s1, s12, $0xb8;
	[tilespmem:$0x6C00] =	vst v63  }
0x95: {  	s1 =	simm.s32 $0x4800;
	s8 =	simm.s32 $0x6200  }
0x96: {  	[tilespmem:s8], [sflag:$0x1] =	stream.indirect.gather [hbm4b:s3+s12], $0x1, s1, s12, $0xb8;
	[tilespmem:$0x6C00] =	vst v63  }
0x97: {  	s1 =	simm.s32 $0x4880;
	s8 =	simm.s32 $0x6280  }
0x98: {  	[tilespmem:s8], [sflag:$0x1] =	stream.indirect.gather [hbm4b:s3+s12], $0x1, s1, s12, $0xb8;
	[tilespmem:$0x6C00] =	vst v63  }
0x99: {  	s1 =	simm.s32 $0x4900;
	s8 =	simm.s32 $0x6300  }
0x9a: {  	[tilespmem:s8], [sflag:$0x1] =	stream.indirect.gather [hbm4b:s3+s12], $0x1, s1, s12, $0xb8;
	[tilespmem:$0x6C00] =	vst v63  }
0x9b: {  	s1 =	simm.s32 $0x4980;
	s8 =	simm.s32 $0x6380  }
0x9c: {  	[tilespmem:s8], [sflag:$0x1] =	stream.indirect.gather [hbm4b:s3+s12], $0x1, s1, s12, $0xb8;
	[tilespmem:$0x6C00] =	vst v63  }
0x9d: {  	_ = 	snop  }
0x9e: {  	[tilespmem:s13], [sflag:$0x1] =	stream.indirect.gather [hbm4b:s3+s12], $0x1, s11, s12, $0xb8;
	[tilespmem:$0x6C00] =	vst v63  }
0x9f: {  	_ = 	snop  }
0xa0: {  	[tilespmem:s15], [sflag:$0x1] =	stream.indirect.gather [hbm4b:s3+s12], $0x1, s14, s12, $0xb8;
	[tilespmem:$0x6C00] =	vst v63  }
0xa1: {  	_ = 	snop  }
0xa2: {  	[tilespmem:s17], [sflag:$0x1] =	stream.indirect.gather [hbm4b:s3+s12], $0x1, s16, s12, $0xb8;
	[tilespmem:$0x6C00] =	vst v63  }
0xa3: {  	_ = 	snop  }
0xa4: {  	[tilespmem:s19], [sflag:$0x1] =	stream.indirect.gather [hbm4b:s3+s12], $0x1, s18, s12, $0xb8;
	[tilespmem:$0x6C00] =	vst v63  }
0xa5: {  	_ = 	snop  }
0xa6: {  	[tilespmem:s21], [sflag:$0x1] =	stream.indirect.gather [hbm4b:s3+s12], $0x1, s20, s12, $0xb8;
	[tilespmem:$0x6C00] =	vst v63  }
0xa7: {  	_ = 	snop  }
0xa8: {  	[tilespmem:s23], [sflag:$0x1] =	stream.indirect.gather [hbm4b:s3+s12], $0x1, s22, s12, $0xb8;
	[tilespmem:$0x6C00] =	vst v63  }
0xa9: {  	_ = 	snop  }
0xaa: {  	[tilespmem:s25], [sflag:$0x1] =	stream.indirect.gather [hbm4b:s3+s12], $0x1, s24, s12, $0xb8;
	[tilespmem:$0x6C00] =	vst v63  }
0xab: {  	_ = 	snop  }
0xac: {  	[tilespmem:s28], [sflag:$0x1] =	stream.indirect.gather [hbm4b:s3+s12], $0x1, s26, s12, $0xb8;
	[tilespmem:$0x6C00] =	vst v63  }
0xad: {  	_ =	swait.ge [sflag:s29], $0x80  }
0xae: {  	[sflag:s29] =	ssyncset.done $0x0  }
0xaf: {  	[sflag:s29] =	ssyncadd.s32 $0xFFFFFF80  }
0xb0: {  	_ =	swait.ge [sflag:s29], $0x80  }
0xb1: {  	[sflag:s29] =	ssyncset.done $0x0  }
0xb2: {  	[sflag:s29] =	ssyncadd.s32 $0xFFFFFF80  }
0xb3: {  	_ =	swait.ge [sflag:s29], $0x80  }
0xb4: {  	[sflag:s29] =	ssyncset.done $0x0  }
0xb5: {  	[sflag:s29] =	ssyncadd.s32 $0xFFFFFF80  }
0xb6: {  	_ =	swait.ge [sflag:s29], $0x80  }
0xb7: {  	[sflag:s29] =	ssyncset.done $0x0  }
0xb8: {  	[sflag:s29] =	ssyncadd.s32 $0xFFFFFF80  }
0xb9: {  	_ =	swait.ge [sflag:s29], $0x80  }
0xba: {  	[sflag:s29] =	ssyncset.done $0x0  }
0xbb: {  	[sflag:s29] =	ssyncadd.s32 $0xFFFFFF80  }
0xbc: {  	_ =	swait.ge [sflag:s29], $0x80  }
0xbd: {  	[sflag:s29] =	ssyncset.done $0x0  }
0xbe: {  	[sflag:s29] =	ssyncadd.s32 $0xFFFFFF80  }
0xbf: {  	_ =	swait.ge [sflag:s29], $0x80  }
0xc0: {  	[sflag:s29] =	ssyncset.done $0x0  }
0xc1: {  	[sflag:s29] =	ssyncadd.s32 $0xFFFFFF80  }
0xc2: {  	_ =	swait.ge [sflag:s29], $0x80  }
0xc3: {  	[sflag:s29] =	ssyncset.done $0x0  }
0xc4: {  	[sflag:s29] =	ssyncadd.s32 $0xFFFFFF80  }
0xc5: {  	_ =	swait.ge [sflag:s29], $0x80  }
0xc6: {  	[sflag:s29] =	ssyncset.done $0x0  }
0xc7: {  	[sflag:s29] =	ssyncadd.s32 $0xFFFFFF80  }
0xc8: {  	_ =	swait.ge [sflag:s29], $0x80  }
0xc9: {  	[sflag:s29] =	ssyncset.done $0x0  }
0xca: {  	[sflag:s29] =	ssyncadd.s32 $0xFFFFFF80  }
0xcb: {  	_ =	swait.ge [sflag:s29], $0x80  }
0xcc: {  	[sflag:s29] =	ssyncset.done $0x0  }
0xcd: {  	[sflag:s29] =	ssyncadd.s32 $0xFFFFFF80  }
0xce: {  	_ =	swait.ge [sflag:s29], $0x80  }
0xcf: {  	[sflag:s29] =	ssyncset.done $0x0  }
0xd0: {  	[sflag:s29] =	ssyncadd.s32 $0xFFFFFF80  }
0xd1: {  	_ =	swait.ge [sflag:s29], $0x80  }
0xd2: {  	[sflag:s29] =	ssyncset.done $0x0  }
0xd3: {  	[sflag:s29] =	ssyncadd.s32 $0xFFFFFF80  }
0xd4: {  	_ =	swait.ge [sflag:s29], $0x80  }
0xd5: {  	[sflag:s29] =	ssyncset.done $0x0  }
0xd6: {  	[sflag:s29] =	ssyncadd.s32 $0xFFFFFF80  }
0xd7: {  	_ =	swait.ge [sflag:s29], $0x80  }
0xd8: {  	[sflag:s29] =	ssyncset.done $0x0  }
0xd9: {  	[sflag:s29] =	ssyncadd.s32 $0xFFFFFF80  }
0xda: {  	_ =	swait.ge [sflag:s29], $0x80  }
0xdb: {  	[sflag:s29] =	ssyncset.done $0x0  }
0xdc: {  	[sflag:s29] =	ssyncadd.s32 $0xFFFFFF80  }
0xdd: {  	_ =	swait.ge [sflag:s29], $0x80  }
0xde: {  	[sflag:s29] =	ssyncset.done $0x0  }
0xdf: {  	[sflag:s29] =	ssyncadd.s32 $0xFFFFFF80  }
0xe0: {  	_ =	swait.ge [sflag:s29], $0x80  }
0xe1: {  	[sflag:s29] =	ssyncset.done $0x0  }
0xe2: {  	[sflag:s29] =	ssyncadd.s32 $0xFFFFFF80  }
0xe3: {  	_ =	swait.ge [sflag:s29], $0x80  }
0xe4: {  	[sflag:s29] =	ssyncset.done $0x0  }
0xe5: {  	[sflag:s29] =	ssyncadd.s32 $0xFFFFFF80  }
0xe6: {  	_ =	swait.ge [sflag:s29], $0x80  }
0xe7: {  	[sflag:s29] =	ssyncset.done $0x0  }
0xe8: {  	[sflag:s29] =	ssyncadd.s32 $0xFFFFFF80  }
0xe9: {  	_ =	swait.ge [sflag:s29], $0x80  }
0xea: {  	[sflag:s29] =	ssyncset.done $0x0  }
0xeb: {  	[sflag:s29] =	ssyncadd.s32 $0xFFFFFF80  }
0xec: {  	_ =	swait.ge [sflag:s29], $0x80  }
0xed: {  	[sflag:s29] =	ssyncset.done $0x0  }
0xee: {  	[sflag:s29] =	ssyncadd.s32 $0xFFFFFF80  }
0xef: {  	_ =	swait.ge [sflag:s29], $0x80  }
0xf0: {  	[sflag:s29] =	ssyncset.done $0x0  }
0xf1: {  	[sflag:s29] =	ssyncadd.s32 $0xFFFFFF80  }
0xf2: {  	_ =	swait.ge [sflag:s29], $0x80  }
0xf3: {  	[sflag:s29] =	ssyncset.done $0x0  }
0xf4: {  	[sflag:s29] =	ssyncadd.s32 $0xFFFFFF80  }
0xf5: {  	_ =	swait.ge [sflag:s29], $0x80  }
0xf6: {  	[sflag:s29] =	ssyncset.done $0x0  }
0xf7: {  	[sflag:s29] =	ssyncadd.s32 $0xFFFFFF80  }
0xf8: {  	_ =	swait.ge [sflag:s29], $0x80  }
0xf9: {  	[sflag:s29] =	ssyncset.done $0x0  }
0xfa: {  	[sflag:s29] =	ssyncadd.s32 $0xFFFFFF80  }
0xfb: {  	_ =	swait.ge [sflag:s29], $0x80  }
0xfc: {  	[sflag:s29] =	ssyncset.done $0x0  }
0xfd: {  	[sflag:s29] =	ssyncadd.s32 $0xFFFFFF80  }
0xfe: {  	_ =	swait.ge [sflag:s29], $0x80  }
0xff: {  	[sflag:s29] =	ssyncset.done $0x0  }
0x100: {  	[sflag:s29] =	ssyncadd.s32 $0xFFFFFF80  }
0x101: {  	_ =	swait.ge [sflag:s29], $0x80  }
0x102: {  	[sflag:s29] =	ssyncset.done $0x0  }
0x103: {  	[sflag:s29] =	ssyncadd.s32 $0xFFFFFF80  }
0x104: {  	_ =	swait.ge [sflag:s29], $0x80  }
0x105: {  	[sflag:s29] =	ssyncset.done $0x0  }
0x106: {  	[sflag:s29] =	ssyncadd.s32 $0xFFFFFF80  }
0x107: {  	_ =	swait.ge [sflag:s29], $0x80  }
0x108: {  	[sflag:s29] =	ssyncset.done $0x0  }
0x109: {  	[sflag:s29] =	ssyncadd.s32 $0xFFFFFF80  }
0x10a: {  	_ =	swait.ge [sflag:s29], $0x80  }
0x10b: {  	[sflag:s29] =	ssyncset.done $0x0  }
0x10c: {  	[sflag:s29] =	ssyncadd.s32 $0xFFFFFF80  }
0x10d: {  	_ =	swait.ge [sflag:s29], $0x80  }
0x10e: {  	[sflag:s29] =	ssyncset.done $0x0  }
0x10f: {  	[sflag:s29] =	ssyncadd.s32 $0xFFFFFF80  }
0x110: {  	_ =	swait.ge [sflag:s29], $0x80  }
0x111: {  	[sflag:s29] =	ssyncset.done $0x0  }
0x112: {  	[sflag:s29] =	ssyncadd.s32 $0xFFFFFF80  }
0x113: {  	_ =	swait.ge [sflag:s29], $0x80  }
0x114: {  	[sflag:s29] =	ssyncset.done $0x0  }
0x115: {  	[sflag:s29] =	ssyncadd.s32 $0xFFFFFF80  }
0x116: {  	_ =	swait.ge [sflag:s29], $0x80  }
0x117: {  	[sflag:s29] =	ssyncset.done $0x0  }
0x118: {  	[sflag:s29] =	ssyncadd.s32 $0xFFFFFF80  }
0x119: {  	_ =	swait.ge [sflag:s29], $0x80  }
0x11a: {  	[sflag:s29] =	ssyncset.done $0x0  }
0x11b: {  	[sflag:s29] =	ssyncadd.s32 $0xFFFFFF80  }
0x11c: {  	_ =	swait.ge [sflag:s29], $0x80  }
0x11d: {  	[sflag:s29] =	ssyncset.done $0x0  }
0x11e: {  	[sflag:s29] =	ssyncadd.s32 $0xFFFFFF80  }
0x11f: {  	_ =	swait.ge [sflag:s29], $0x80  }
0x120: {  	[sflag:s29] =	ssyncset.done $0x0  }
0x121: {  	[sflag:s29] =	ssyncadd.s32 $0xFFFFFF80  }
0x122: {  	_ =	swait.ge [sflag:s29], $0x80  }
0x123: {  	[sflag:s29] =	ssyncset.done $0x0  }
0x124: {  	[sflag:s29] =	ssyncadd.s32 $0xFFFFFF80  }
0x125: {  	_ =	swait.ge [sflag:s29], $0x80  }
0x126: {  	[sflag:s29] =	ssyncset.done $0x0  }
0x127: {  	[sflag:s29] =	ssyncadd.s32 $0xFFFFFF80  }
0x128: {  	_ =	swait.ge [sflag:s29], $0x80  }
0x129: {  	[sflag:s29] =	ssyncset.done $0x0  }
0x12a: {  	[sflag:s29] =	ssyncadd.s32 $0xFFFFFF80  }
0x12b: {  	_ =	swait.ge [sflag:s29], $0x80  }
0x12c: {  	[sflag:s29] =	ssyncset.done $0x0  }
0x12d: {  	[sflag:s29] =	ssyncadd.s32 $0xFFFFFF80  }
0x12e: {  	_ =	swait.ge [sflag:s29], $0x80  }
0x12f: {  	[sflag:s29] =	ssyncset.done $0x0  }
0x130: {  	[sflag:s29] =	ssyncadd.s32 $0xFFFFFF80  }
0x131: {  	_ =	swait.ge [sflag:s29], $0x80  }
0x132: {  	[sflag:s29] =	ssyncset.done $0x0  }
0x133: {  	[sflag:s29] =	ssyncadd.s32 $0xFFFFFF80  }
0x134: {  	_ =	swait.ge [sflag:s29], $0x80  }
0x135: {  	[sflag:s29] =	ssyncset.done $0x0  }
0x136: {  	[sflag:s29] =	ssyncadd.s32 $0xFFFFFF80  }
0x137: {  	_ =	swait.ge [sflag:s29], $0x80  }
0x138: {  	[sflag:s29] =	ssyncset.done $0x0  }
0x139: {  	[sflag:s29] =	ssyncadd.s32 $0xFFFFFF80  }
0x13a: {  	_ =	swait.ge [sflag:s29], $0x80  }
0x13b: {  	[sflag:s29] =	ssyncset.done $0x0  }
0x13c: {  	[sflag:s29] =	ssyncadd.s32 $0xFFFFFF80  }
0x13d: {  	_ =	swait.ge [sflag:s29], $0x80  }
0x13e: {  	[sflag:s29] =	ssyncset.done $0x0  }
0x13f: {  	[sflag:s29] =	ssyncadd.s32 $0xFFFFFF80  }
0x140: {  	_ =	swait.ge [sflag:s29], $0x80  }
0x141: {  	[sflag:s29] =	ssyncset.done $0x0  }
0x142: {  	[sflag:s29] =	ssyncadd.s32 $0xFFFFFF80  }
0x143: {  	_ =	swait.ge [sflag:s29], $0x80  }
0x144: {  	[sflag:s29] =	ssyncset.done $0x0  }
0x145: {  	[sflag:s29] =	ssyncadd.s32 $0xFFFFFF80  }
0x146: {  	_ =	swait.ge [sflag:s29], $0x80  }
0x147: {  	[sflag:s29] =	ssyncset.done $0x0  }
0x148: {  	s0 =	simm.s32 $0x0;
	[sflag:s29] =	ssyncadd.s32 $0xFFFFFF80  }
0x149: {  	v1 =	vld [tilespmem:s0+$0x4E00]  }
0x14a: {  	v2 =	vld [tilespmem:s0+$0x5000]  }
0x14b: {  	v3 =	vld [tilespmem:s0+$0x5200]  }
0x14c: {  	v4 =	vld [tilespmem:s0+$0x5400]  }
0x14d: {  	v5 =	vld [tilespmem:s0+$0x5600]  }
0x14e: {  	v6 =	vld [tilespmem:s0+$0x5800]  }
0x14f: {  	v7 =	vld [tilespmem:s0+$0x5A00]  }
0x150: {  	v8 =	vld [tilespmem:s0+$0x5C00]  }
0x151: {  	v9 =	vld [tilespmem:s0+$0x5E00]  }
0x152: {  	v10 =	vld [tilespmem:s0+$0x6000]  }
0x153: {  	v11 =	vld [tilespmem:s0+$0x6200]  }
0x154: {  	v12 =	vld [tilespmem:s0+$0x6400]  }
0x155: {  	v13 =	vld [tilespmem:s0+$0x6800]  }
0x156: {  	s1 =	simm.s32 $0x10;
	v14 =	vld [tilespmem:s0+$0x6600]  }
0x157: {  	v0 =	vld [tilespmem:s1+$0x4E00];
	v15 =	vadd.f32 v2, v1;
	v4 =	vadd.f32 v4, v3  }
0x158: {  	v1 =	vld [tilespmem:s1+$0x5000];
	v5 =	vadd.f32 v6, v5;
	v6 =	vadd.f32 v8, v7  }
0x159: {  	v2 =	vld [tilespmem:s1+$0x5200];
	v7 =	vadd.f32 v10, v9;
	v8 =	vadd.f32 v12, v11  }
0x15a: {  	v3 =	vld [tilespmem:s1+$0x5400];
	v9 =	vadd.f32 v4, v15  }
0x15b: {  	v4 =	vld [tilespmem:s1+$0x5600];
	v10 =	vadd.f32 v6, v5;
	v7 =	vadd.f32 v8, v7  }
0x15c: {  	v5 =	vld [tilespmem:s1+$0x5800]  }
0x15d: {  	v6 =	vld [tilespmem:s1+$0x5A00];
	v9 =	vadd.f32 v10, v9;
	v10 =	vadd.f32 v7, v14  }
0x15e: {  	v8 =	vld [tilespmem:s1+$0x5C00]  }
0x15f: {  	v7 =	vld [tilespmem:s1+$0x5E00];
	v11 =	vadd.f32 v10, v9  }
0x160: {  	v9 =	vld [tilespmem:s1+$0x6000]  }
0x161: {  	s8 =	simm.s32 $0x80;
	v10 =	vld [tilespmem:s1+$0x6200];
	v11 =	vadd.f32 v11, v13  }
.LBB2_4:
0x162: {  	p0 =	sne.s32 s8, $0x7C0;
	v12 =	vld [tilespmem:s1+$0x6400]  }
0x163: {  	v13 =	vld [tilespmem:s1+$0x6800];
	[tilespmem:s0+$0x6A00] =	vst v11;
	s0 =	smov.u32 s1  }
0x164: {  	s1 =	sshra.s32 s8, $0x2;
	v11 =	vld [tilespmem:s0+$0x6600]  }
0x165: {  	v14 =	vadd.f32 v1, v0;
	v15 =	vadd.f32 v3, v2;
	v0 =	vld [tilespmem:s1+$0x4E00]  }
0x166: {  	v5 =	vadd.f32 v5, v4;
	v6 =	vadd.f32 v8, v6;
	v1 =	vld [tilespmem:s1+$0x5000]  }
0x167: {  	v7 =	vadd.f32 v9, v7;
	v2 =	vld [tilespmem:s1+$0x5200];
	v8 =	vadd.f32 v12, v10  }
0x168: {  	v9 =	vadd.f32 v15, v14;
	v3 =	vld [tilespmem:s1+$0x5400]  }
0x169: {  	v10 =	vadd.f32 v6, v5;
	v4 =	vld [tilespmem:s1+$0x5600];
	v7 =	vadd.f32 v8, v7  }
0x16a: {  	v5 =	vld [tilespmem:s1+$0x5800]  }
.Ltmp1:
0x16b: {  	v9 =	vadd.f32 v10, v9;
	v6 =	vld [tilespmem:s1+$0x5A00];
	v10 =	vadd.f32 v7, v11;
	(pc) =	sbr.rel @p0 .LBB2_4-.Ltmp1, $4  }
0x16c: {  	v8 =	vld [tilespmem:s1+$0x5C00]  }
0x16d: {  	v7 =	vld [tilespmem:s1+$0x5E00];
	v11 =	vadd.f32 v10, v9  }
0x16e: {  	v9 =	vld [tilespmem:s1+$0x6000]  }
0x16f: {  	s8 =	sadd.s32 $0x40, s8;
	v10 =	vld [tilespmem:s1+$0x6200];
	v11 =	vadd.f32 v11, v13  }
0x170: {  	v12 =	vld [tilespmem:s1+$0x6400];
	_ =	sdelay $0x2  }
0x171: {  	v13 =	vld [tilespmem:s1+$0x6800];
	v0 =	vadd.f32 v1, v0;
	v55 =	vadd.f32 v3, v2;
	[tilespmem:s0+$0x6A00] =	vst v11  }
0x172: {  	v57 =	vadd.f32 v5, v4;
	v58 =	vadd.f32 v8, v6;
	v56 =	vld [tilespmem:s1+$0x6600]  }
0x173: {  	v59 =	vadd.f32 v9, v7;
	v60 =	vadd.f32 v12, v10  }
0x174: {  	v0 =	vadd.f32 v55, v0  }
0x175: {  	v61 =	vadd.f32 v58, v57;
	v62 =	vadd.f32 v60, v59;
	_ =	sdelay $0x1  }
0x176: {  	v0 =	vadd.f32 v61, v0;
	v63 =	vadd.f32 v62, v56;
	_ =	sdelay $0x1  }
0x177: {  	v0 =	vadd.f32 v63, v0;
	_ =	sdelay $0x1  }
0x178: {  	s31 =	sadd.s32 $0x1, s31;
	v0 =	vadd.f32 v0, v13  }
0x179: {  	p0 =	sne.s32 s31, s7  }
.Ltmp2:
0x17a: {  	[tilespmem:s1+$0x6A00] =	vst v0;
	(pc) =	sbr.rel @p0 .LBB2_1-.Ltmp2, $4  }
0x17b: {  	[hbm4b:s6+s2] =	stream.linear.scatter [tilespmem:s30], [sflag:$0x2], $0x200, $0x38;
	[tilespmem:$0x6C00] =	vst v63  }
0x17c: {  	_ =	swait.ge [sflag:s10], $0x200  }
0x17d: {  	[sflag:s10] =	ssyncset.done $0x0  }
0x17e: {  	[sflag:s10] =	ssyncadd.s32 $0xFFFFFE00  }
0x17f: {  	_ =	sfence.sel $0x180000  }
0x180: {  	[bflag:$0x0] =	sbarrier.arrive $0xFFFF  }
0x181: {  	_ =	strace $0x90000047  }
0x182: {  	s0 =	stileid.u32;
	[bflag:$0x2] =	sbarrier.arrive $0xFFFF  }
0x183: {  	p0 =	sne.s32 s0, $0x0;
	s0 =	rddreg [dreg:$0x2]  }
0x184: {  	s0 =	sadd.s32 @!p0 $0x100000, s0  }
0x185: {  	[sflag:s0] =	ssyncadd.tile.s32 @!p0 $0x1;
	_ =	shalt  }
.Lfunc_end2:
_tile_overlayer_lowered:
.L_overlay_start_2:
0x186: {  	(tag) =	ssettag $0x2  }
0x187: {  	s0 =	rddreg [dreg:$0x0];
	s2 =	stileid.u32  }
0x188: {  	s1 =	rddreg [dreg:$0x1];
	p0 =	sne.s32 s2, $0x0  }
0x189: {  	s3 =	rddreg [dreg:$0x2];
	[bflag:$0x3] =	sbarrier.arrive $0xFFFF;
	s2 =	simm.s32 @!p0 $0x1C02  }
0x18a: {  	[timem:s3], [sflag:s2] =	dma.local @!p0 [hbm:s0], s1  }
0x18b: {  	s0 =	simm.s32 @!p0 $0x2  }
0x18c: {  	_ =	swait.ge @!p0 [sflag:s0], s1  }
0x18d: {  	s1 =	ssub.s32 @!p0 $0x0, s1;
	[sflag:s0] =	ssyncset.done @!p0 $0x0  }
0x18e: {  	[sflag:s0] =	ssyncadd.s32 @!p0 s1  }
0x18f: {  	[bflag:$0x3] =	sbarrier.arrive $0xFFFF  }
0x190: {  	_ =	shalt  }

</sc_bundles>
